<compile_context>
chip_gen: v7x
topology: tpu7x:2x2x1
jax: 0.10.2.dev20260603
libtpu: 0.0.44.dev20260713+nightly
codegen_flags: <defaults>
</compile_context>

<pallas_src>
import functools

import jax
import jax.numpy as jnp
from jax import lax
from jax.experimental import pallas as pl
from jax.experimental.pallas import tpu as pltpu
from jax.experimental.pallas import tpu_sc as plsc

E = 8
K = 2
D = 1024
FF = 512
T = 2048
N = T * K
M_TILE = 512
NT = N // M_TILE
G = NT + E - 1
TB = 256
NB = T // TB

NC = 2
NS = 16
NW = NC * NS
TPT = T // NW
DW = D // 2


def _pack_pairs(lo_f32, hi_f32):
    lob = lax.bitcast_convert_type(lo_f32, jnp.int32)
    hib = lax.bitcast_convert_type(hi_f32, jnp.int32)
    lo16 = lax.shift_right_logical(lob + 0x8000, 16)
    hi16 = (hib + 0x8000) & jnp.int32(-65536)
    return hi16 | lo16


def _router_body(x_ref, gw_ref, s0_ref, s1_ref, w0_ref, w1_ref, counts_ref,
                 xp_ref):
    x = x_ref[...]
    xp_ref[...] = _pack_pairs(x[:, :DW], x[:, DW:])
    gw = gw_ref[...]
    logits = lax.dot_general(x, gw, (((1,), (1,)), ((), ())),
                             preferred_element_type=jnp.float32)
    m = jnp.max(logits, axis=1, keepdims=True)
    ex = jnp.exp(logits - m)
    p = ex / jnp.sum(ex, axis=1, keepdims=True)
    lane = lax.broadcasted_iota(jnp.int32, p.shape, 1)
    m1 = jnp.max(p, axis=1, keepdims=True)
    a1 = jnp.min(jnp.where(p == m1, lane, E), axis=1, keepdims=True)
    p2 = jnp.where(lane == a1, -jnp.inf, p)
    m2 = jnp.max(p2, axis=1, keepdims=True)
    a2 = jnp.min(jnp.where(p2 == m2, lane, E), axis=1, keepdims=True)
    denom = m1 + m2 + 1e-20
    w1 = m1 / denom
    w2 = m2 / denom

    oh1 = jnp.where(lane == a1, 1.0, 0.0)
    oh2 = jnp.where(lane == a2, 1.0, 0.0)
    maskf = oh1 + oh2

    r_i = lax.broadcasted_iota(jnp.int32, (TB, TB), 0)
    c_i = lax.broadcasted_iota(jnp.int32, (TB, TB), 1)
    tril = jnp.where(c_i < r_i, 1.0, 0.0)
    pos_parts = []
    carry = jnp.zeros((1, E), jnp.float32)
    for bidx in range(NB):
        mb = maskf[bidx * TB:(bidx + 1) * TB]
        pb = lax.dot_general(tril, mb, (((1,), (0,)), ((), ())),
                             precision=lax.Precision.HIGHEST,
                             preferred_element_type=jnp.float32)
        pos_parts.append(pb + carry)
        carry = carry + jnp.sum(mb, axis=0, keepdims=True)
    pos = jnp.concatenate(pos_parts, axis=0)
    counts = carry
    ue_r = lax.broadcasted_iota(jnp.int32, (E, E), 0)
    ue_c = lax.broadcasted_iota(jnp.int32, (E, E), 1)
    triu = jnp.where(ue_r < ue_c, 1.0, 0.0)
    off = lax.dot_general(counts, triu, (((1,), (0,)), ((), ())),
                          precision=lax.Precision.HIGHEST,
                          preferred_element_type=jnp.float32)

    s0_ref[...] = jnp.sum((off + pos) * oh1, axis=1).astype(jnp.int32)
    s1_ref[...] = jnp.sum((off + pos) * oh2, axis=1).astype(jnp.int32)
    w0_ref[...] = jnp.broadcast_to(w1, (T, 16))
    w1_ref[...] = jnp.broadcast_to(w2, (T, 16))

    eye_r = jnp.where(ue_r == ue_c, 1.0, 0.0)
    counts_col = lax.dot_general(eye_r, counts, (((1,), (1,)), ((), ())),
                                 precision=lax.Precision.HIGHEST,
                                 preferred_element_type=jnp.float32)
    counts_ref[...] = counts_col


def _router_call(x, gate_weight):
    return pl.pallas_call(
        _router_body,
        grid=(1,),
        in_specs=[
            pl.BlockSpec((T, D), lambda i: (0, 0)),
            pl.BlockSpec((E, D), lambda i: (0, 0)),
        ],
        out_specs=[
            pl.BlockSpec((T,), lambda i: (0,)),
            pl.BlockSpec((T,), lambda i: (0,)),
            pl.BlockSpec((T, 16), lambda i: (0, 0)),
            pl.BlockSpec((T, 16), lambda i: (0, 0)),
            pl.BlockSpec((E, 1), lambda i: (0, 0)),
            pl.BlockSpec((T, DW), lambda i: (0, 0)),
        ],
        out_shape=[
            jax.ShapeDtypeStruct((T,), jnp.int32),
            jax.ShapeDtypeStruct((T,), jnp.int32),
            jax.ShapeDtypeStruct((T, 16), jnp.float32),
            jax.ShapeDtypeStruct((T, 16), jnp.float32),
            jax.ShapeDtypeStruct((E, 1), jnp.float32),
            jax.ShapeDtypeStruct((T, DW), jnp.int32),
        ],
    )(x, gate_weight)


def _dispatch_body(xp_hbm, s0_hbm, s1_hbm, xs_hbm,
                   idx0_v, idx1_v, rows_v, sem0, sem1):
    wid = lax.axis_index("s") * NC + lax.axis_index("c")
    base = wid * TPT
    l0 = pltpu.make_async_copy(s0_hbm.at[pl.ds(base, TPT)], idx0_v, sem0)
    l1 = pltpu.make_async_copy(s1_hbm.at[pl.ds(base, TPT)], idx1_v, sem1)
    l0.start(); l1.start()
    pltpu.sync_copy(xp_hbm.at[pl.ds(base, TPT)], rows_v)
    l0.wait(); l1.wait()
    c0 = pltpu.make_async_copy(rows_v, xs_hbm.at[idx0_v], sem0)
    c1 = pltpu.make_async_copy(rows_v, xs_hbm.at[idx1_v], sem1)
    c0.start(); c1.start(); c0.wait(); c1.wait()


def _dispatch_call(xp, slot0, slot1):
    f = functools.partial(
        pl.kernel,
        mesh=plsc.VectorSubcoreMesh(core_axis_name="c", subcore_axis_name="s"),
        out_type=jax.ShapeDtypeStruct((N, DW), jnp.int32),
        scratch_types=[
            pltpu.VMEM((TPT,), jnp.int32),
            pltpu.VMEM((TPT,), jnp.int32),
            pltpu.VMEM((TPT, DW), jnp.int32),
            pltpu.SemaphoreType.DMA,
            pltpu.SemaphoreType.DMA,
        ],
    )(_dispatch_body)
    return f(xp, slot0, slot1)


def _gmm_body(t_of, e_of, lo_a, hi_a, xs_ref, wg_ref, wu_ref, wd_ref,
              ys_ref):
    g = pl.program_id(0)
    lo = lo_a[g]
    hi = hi_a[g]
    w = xs_ref[...]
    xlo = lax.bitcast_convert_type(
        lax.shift_left(w, 16), jnp.float32).astype(jnp.bfloat16)
    xhi = lax.bitcast_convert_type(
        w & jnp.int32(-65536), jnp.float32).astype(jnp.bfloat16)
    wgb = wg_ref[0].astype(jnp.bfloat16)
    wub = wu_ref[0].astype(jnp.bfloat16)
    gg = (lax.dot_general(xlo, wgb[:, :DW], (((1,), (1,)), ((), ())),
                          preferred_element_type=jnp.float32)
          + lax.dot_general(xhi, wgb[:, DW:], (((1,), (1,)), ((), ())),
                            preferred_element_type=jnp.float32))
    uu = (lax.dot_general(xlo, wub[:, :DW], (((1,), (1,)), ((), ())),
                          preferred_element_type=jnp.float32)
          + lax.dot_general(xhi, wub[:, DW:], (((1,), (1,)), ((), ())),
                            preferred_element_type=jnp.float32))
    y = (gg / (1.0 + jnp.exp(-gg))) * uu
    dd = lax.dot_general(y.astype(jnp.bfloat16),
                         wd_ref[0].astype(jnp.bfloat16),
                         (((1,), (1,)), ((), ())),
                         preferred_element_type=jnp.float32)
    ddp = _pack_pairs(dd[:, :DW], dd[:, DW:])
    rows = lax.broadcasted_iota(jnp.int32, (M_TILE, DW), 0)
    mask = (rows >= lo) & (rows < hi)
    ys_ref[...] = jnp.where(mask, ddp, ys_ref[...])


def _gmm_call(t_of, e_of, lo, hi, xs, W_gate, W_up, W_down):
    grid_spec = pltpu.PrefetchScalarGridSpec(
        num_scalar_prefetch=4,
        grid=(G,),
        in_specs=[
            pl.BlockSpec((M_TILE, DW), lambda g, t, e, lo, hi: (t[g], 0)),
            pl.BlockSpec((1, FF, D), lambda g, t, e, lo, hi: (e[g], 0, 0)),
            pl.BlockSpec((1, FF, D), lambda g, t, e, lo, hi: (e[g], 0, 0)),
            pl.BlockSpec((1, D, FF), lambda g, t, e, lo, hi: (e[g], 0, 0)),
        ],
        out_specs=pl.BlockSpec((M_TILE, DW), lambda g, t, e, lo, hi: (t[g], 0)),
    )
    return pl.pallas_call(
        _gmm_body,
        grid_spec=grid_spec,
        out_shape=jax.ShapeDtypeStruct((N, DW), jnp.int32),
    )(t_of, e_of, lo, hi, xs, W_gate, W_up, W_down)


_CH = 32
_NW16 = DW // 16


def _combine_body(ys_hbm, s0_hbm, s1_hbm, w0_hbm, w1_hbm, out_hbm,
                  idx0_v, idx1_v, w0_v, w1_v,
                  r0a_v, r1a_v, r0b_v, r1b_v, o_v, sem0, sem1, semo):
    wid = lax.axis_index("s") * NC + lax.axis_index("c")
    tbase = wid * TPT
    lw0 = pltpu.make_async_copy(w0_hbm.at[pl.ds(tbase, TPT), :], w0_v, sem0)
    lw1 = pltpu.make_async_copy(w1_hbm.at[pl.ds(tbase, TPT), :], w1_v, sem1)
    li0 = pltpu.make_async_copy(s0_hbm.at[pl.ds(tbase, TPT)], idx0_v, sem0)
    li1 = pltpu.make_async_copy(s1_hbm.at[pl.ds(tbase, TPT)], idx1_v, sem1)
    lw0.start(); lw1.start(); li0.start(); li1.start()
    lw0.wait(); lw1.wait(); li0.wait(); li1.wait()
    bufs = ((r0a_v, r1a_v), (r0b_v, r1b_v))
    copies = []
    for ch in range(2):
        r0_v, r1_v = bufs[ch]
        g0 = pltpu.make_async_copy(
            ys_hbm.at[idx0_v.at[pl.ds(ch * _CH, _CH)]], r0_v, sem0)
        g1 = pltpu.make_async_copy(
            ys_hbm.at[idx1_v.at[pl.ds(ch * _CH, _CH)]], r1_v, sem1)
        g0.start(); g1.start()
        copies.append((g0, g1))
    for ch in range(2):
        r0_v, r1_v = bufs[ch]
        g0, g1 = copies[ch]
        g0.wait(); g1.wait()

        @plsc.parallel_loop(0, _CH, unroll=4)
        def _row(i):
            tok = ch * _CH + i
            wa = w0_v[tok, pl.ds(0, 16)]
            wb = w1_v[tok, pl.ds(0, 16)]
            for j in range(_NW16):
                sl = pl.ds(j * 16, 16)
                a = r0_v[i, sl]
                b = r1_v[i, sl]
                alo = lax.bitcast_convert_type(lax.shift_left(a, 16),
                                               jnp.float32)
                blo = lax.bitcast_convert_type(lax.shift_left(b, 16),
                                               jnp.float32)
                ahi = lax.bitcast_convert_type(a & jnp.int32(-65536),
                                               jnp.float32)
                bhi = lax.bitcast_convert_type(b & jnp.int32(-65536),
                                               jnp.float32)
                o_v[i, sl] = wa * alo + wb * blo
                o_v[i, pl.ds(DW + j * 16, 16)] = wa * ahi + wb * bhi

        pltpu.sync_copy(o_v, out_hbm.at[pl.ds(tbase + ch * _CH, _CH)])


def _combine_call(ys, slot0, slot1, w0, w1):
    f = functools.partial(
        pl.kernel,
        mesh=plsc.VectorSubcoreMesh(core_axis_name="c", subcore_axis_name="s"),
        out_type=jax.ShapeDtypeStruct((T, D), jnp.float32),
        scratch_types=[
            pltpu.VMEM((TPT,), jnp.int32),
            pltpu.VMEM((TPT,), jnp.int32),
            pltpu.VMEM((TPT, 16), jnp.float32),
            pltpu.VMEM((TPT, 16), jnp.float32),
            pltpu.VMEM((_CH, DW), jnp.int32),
            pltpu.VMEM((_CH, DW), jnp.int32),
            pltpu.VMEM((_CH, DW), jnp.int32),
            pltpu.VMEM((_CH, DW), jnp.int32),
            pltpu.VMEM((_CH, D), jnp.float32),
            pltpu.SemaphoreType.DMA,
            pltpu.SemaphoreType.DMA,
            pltpu.SemaphoreType.DMA,
        ],
    )(_combine_body)
    return f(ys, slot0, slot1, w0, w1)


def _schedule(counts_col):
    sizes = counts_col[:, 0].astype(jnp.int32)
    off = jnp.concatenate([jnp.zeros((1,), jnp.int32),
                           jnp.cumsum(sizes)[:-1].astype(jnp.int32)])
    ft = off // M_TILE
    lt = (off + sizes - 1) // M_TILE
    cnt = jnp.where(sizes > 0, lt - ft + 1, 1).astype(jnp.int32)
    start = jnp.concatenate([jnp.zeros((1,), jnp.int32),
                             jnp.cumsum(cnt)[:-1].astype(jnp.int32)])
    total = start[-1] + cnt[-1]
    g_ar = jnp.arange(G, dtype=jnp.int32)
    e_of = (jnp.sum(start[None, :] <= g_ar[:, None], axis=1) - 1
            ).astype(jnp.int32)
    t_raw = ft[e_of] + (g_ar - start[e_of])
    valid = g_ar < total
    t_of = jnp.clip(t_raw, 0, NT - 1).astype(jnp.int32)
    glo = jnp.maximum(off[e_of], t_of * M_TILE)
    ghi = jnp.minimum(off[e_of] + sizes[e_of], (t_of + 1) * M_TILE)
    lo = jnp.where(valid, glo - t_of * M_TILE, 0).astype(jnp.int32)
    hi = jnp.where(valid, ghi - t_of * M_TILE, 0).astype(jnp.int32)
    lo = jnp.clip(lo, 0, M_TILE)
    hi = jnp.clip(hi, 0, M_TILE)
    return t_of, e_of, lo, hi


def kernel(hidden_states, gate_weight, W_gate, W_up, W_down):
    b, s, d = hidden_states.shape
    x = hidden_states.reshape(-1, d)

    slot0, slot1, w0, w1, counts_col, xp = _router_call(x, gate_weight)
    t_of, e_of, lo, hi = _schedule(counts_col)

    xs = _dispatch_call(xp, slot0, slot1)
    ys = _gmm_call(t_of, e_of, lo, hi, xs, W_gate, W_up, W_down)
    out = _combine_call(ys, slot0, slot1, w0, w1)
    return out.reshape(b, s, d)

# --- scband reference (transcript-rebuilt; emitter-appended) ---
"""Pipeline reference for scband-relaxed-curmo-e-34643206210096 (READ-ONLY COPY).

The authoritative reference and input builder live on the scoring server;
editing this copy changes nothing except your own understanding.
"""

import jax, jax.numpy as jnp
import numpy as np

E = 8          # n_experts
K = 2          # num_experts_per_tok
D = 1024       # hidden_size
FF = 512       # moe_intermediate_size
B = 1
S = 2048


def setup_inputs(seed: int = 0) -> dict:
    key = jax.random.key(seed)
    k0, k1, k2, k3, k4 = jax.random.split(key, 5)
    hidden_states = jax.random.normal(k0, (B, S, D), dtype=jnp.float32)
    gate_weight = jax.random.normal(k1, (E, D), dtype=jnp.float32) * 0.02
    W_gate = jax.random.normal(k2, (E, FF, D), dtype=jnp.float32) * 0.02
    W_up = jax.random.normal(k3, (E, FF, D), dtype=jnp.float32) * 0.02
    W_down = jax.random.normal(k4, (E, D, FF), dtype=jnp.float32) * 0.02
    return {
        "hidden_states": hidden_states,
        "gate_weight": gate_weight,
        "W_gate": W_gate,
        "W_up": W_up,
        "W_down": W_down,
    }


def reference(hidden_states, gate_weight, W_gate, W_up, W_down):
    b, s, d = hidden_states.shape
    x = hidden_states.reshape(-1, d)                      # [T, D]
    T = x.shape[0]
    # router: F.linear(x, gate_weight) == x @ gate_weight.T
    router_logits = x @ gate_weight.T                     # [T, E]
    routing_weights = jax.nn.softmax(router_logits, axis=-1)
    topk_w, topk_idx = jax.lax.top_k(routing_weights, K)  # [T, K]
    topk_w = topk_w / (jnp.sum(topk_w, axis=-1, keepdims=True) + 1e-20)
    # dense combine weights per (token, expert): scatter-add of top-k weights
    combine = jnp.zeros((T, E), dtype=x.dtype).at[
        jnp.arange(T)[:, None], topk_idx
    ].add(topk_w)                                         # [T, E]
    final_hidden = jnp.zeros_like(x)
    for e in range(E):
        g = x @ W_gate[e].T                               # [T, FF]
        u = x @ W_up[e].T                                 # [T, FF]
        y = (jax.nn.silu(g) * u) @ W_down[e].T            # [T, D]
        # tokens not routed to expert e have combine[:, e] == 0, matching the
        # masked scatter-add in the torch module
        final_hidden = final_hidden + y * combine[:, e][:, None]
    return final_hidden.reshape(b, s, d)

if __name__ == "__main__":
    import jax
    _d = setup_inputs()
    print(jax.jit(kernel)(*tuple(_d.values())))

</pallas_src>

<mosaic_0001>
#map = affine_map<(d0, d1) -> (0, 0)>
#map1 = affine_map<(d0, d1) -> (0)>
module attributes {stable_mosaic.version = 14 : i64} {
  func.func @_combine_body(%arg0: i32, %arg1: i32, %arg2: memref<4096x512xi32, #tpu.memory_space<hbm>>, %arg3: memref<2048xi32, #tpu.memory_space<hbm>>, %arg4: memref<2048xi32, #tpu.memory_space<hbm>>, %arg5: memref<2048x16xf32, #tpu.memory_space<hbm>>, %arg6: memref<2048x16xf32, #tpu.memory_space<hbm>>, %arg7: memref<2048x1024xf32, #tpu.memory_space<hbm>>, %arg8: memref<64xi32, #tpu.memory_space<vmem>>, %arg9: memref<64xi32, #tpu.memory_space<vmem>>, %arg10: memref<64x16xf32, #tpu.memory_space<vmem>>, %arg11: memref<64x16xf32, #tpu.memory_space<vmem>>, %arg12: memref<32x512xi32, #tpu.memory_space<vmem>>, %arg13: memref<32x512xi32, #tpu.memory_space<vmem>>, %arg14: memref<32x512xi32, #tpu.memory_space<vmem>>, %arg15: memref<32x512xi32, #tpu.memory_space<vmem>>, %arg16: memref<32x1024xf32, #tpu.memory_space<vmem>>, %arg17: memref<!tpu.dma_semaphore, #tpu.memory_space<semaphore_mem>>, %arg18: memref<!tpu.dma_semaphore, #tpu.memory_space<semaphore_mem>>, %arg19: memref<!tpu.dma_semaphore, #tpu.memory_space<semaphore_mem>>) attributes {dimension_semantics = [#tpu.dimension_semantics<core_parallel>, #tpu.dimension_semantics<subcore_parallel>], iteration_bounds = array<i64: 2, 16>, scalar_prefetch = 0 : i64, scratch_operands = 12 : i64, tpu.core_type = #tpu.core_type<sc_vector_subcore>, window_params = [{transform_indices = #map}, {transform_indices = #map1}, {transform_indices = #map1}, {transform_indices = #map}, {transform_indices = #map}, {transform_indices = #map}]} {
    %mul3A = arith.constant 2 : i32
    %mul3A_0 = arith.muli %arg1, %mul3A : i32
    %add3A = arith.addi %mul3A_0, %arg0 : i32
    %mul3A_1 = arith.constant 64 : i32
    %mul3A_2 = arith.muli %add3A, %mul3A_1 : i32
    %dma_start3A = arith.constant 0 : i32
    %dma_start3A_3 = tpu.memref_slice %arg5[%mul3A_2, %dma_start3A] : memref<2048x16xf32, #tpu.memory_space<hbm>> -> memref<64x16xf32, #tpu.memory_space<hbm>>
    %dma_start3A_4 = arith.constant 0 : i32
    %dma_start3A_5 = tpu.memref_slice %arg5[%mul3A_2, %dma_start3A_4] : memref<2048x16xf32, #tpu.memory_space<hbm>> -> memref<64x16xf32, #tpu.memory_space<hbm>>
    tpu.enqueue_dma source(%dma_start3A_5 : memref<64x16xf32, #tpu.memory_space<hbm>>) target(%arg10 : memref<64x16xf32, #tpu.memory_space<vmem>>) target_semaphore(%arg17 : memref<!tpu.dma_semaphore, #tpu.memory_space<semaphore_mem>>)
    %dma_start3A_6 = arith.constant 0 : i32
    %dma_start3A_7 = tpu.memref_slice %arg6[%mul3A_2, %dma_start3A_6] : memref<2048x16xf32, #tpu.memory_space<hbm>> -> memref<64x16xf32, #tpu.memory_space<hbm>>
    %dma_start3A_8 = arith.constant 0 : i32
    %dma_start3A_9 = tpu.memref_slice %arg6[%mul3A_2, %dma_start3A_8] : memref<2048x16xf32, #tpu.memory_space<hbm>> -> memref<64x16xf32, #tpu.memory_space<hbm>>
    tpu.enqueue_dma source(%dma_start3A_9 : memref<64x16xf32, #tpu.memory_space<hbm>>) target(%arg11 : memref<64x16xf32, #tpu.memory_space<vmem>>) target_semaphore(%arg18 : memref<!tpu.dma_semaphore, #tpu.memory_space<semaphore_mem>>)
    %dma_start3A_10 = tpu.memref_slice %arg3[%mul3A_2] : memref<2048xi32, #tpu.memory_space<hbm>> -> memref<64xi32, #tpu.memory_space<hbm>>
    %dma_start3A_11 = tpu.memref_slice %arg3[%mul3A_2] : memref<2048xi32, #tpu.memory_space<hbm>> -> memref<64xi32, #tpu.memory_space<hbm>>
    tpu.enqueue_dma source(%dma_start3A_11 : memref<64xi32, #tpu.memory_space<hbm>>) target(%arg8 : memref<64xi32, #tpu.memory_space<vmem>>) target_semaphore(%arg17 : memref<!tpu.dma_semaphore, #tpu.memory_space<semaphore_mem>>)
    %dma_start3A_12 = tpu.memref_slice %arg4[%mul3A_2] : memref<2048xi32, #tpu.memory_space<hbm>> -> memref<64xi32, #tpu.memory_space<hbm>>
    %dma_start3A_13 = tpu.memref_slice %arg4[%mul3A_2] : memref<2048xi32, #tpu.memory_space<hbm>> -> memref<64xi32, #tpu.memory_space<hbm>>
    tpu.enqueue_dma source(%dma_start3A_13 : memref<64xi32, #tpu.memory_space<hbm>>) target(%arg9 : memref<64xi32, #tpu.memory_space<vmem>>) target_semaphore(%arg18 : memref<!tpu.dma_semaphore, #tpu.memory_space<semaphore_mem>>)
    %dma_wait3A = arith.constant 0 : i32
    %dma_wait3A_14 = tpu.memref_slice %arg5[%mul3A_2, %dma_wait3A] : memref<2048x16xf32, #tpu.memory_space<hbm>> -> memref<64x16xf32, #tpu.memory_space<hbm>>
    %dma_wait3A_15 = arith.constant 0 : i32
    %dma_wait3A_16 = tpu.memref_slice %arg5[%mul3A_2, %dma_wait3A_15] : memref<2048x16xf32, #tpu.memory_space<hbm>> -> memref<64x16xf32, #tpu.memory_space<hbm>>
    tpu.wait_dma2 semaphore(%arg17 : memref<!tpu.dma_semaphore, #tpu.memory_space<semaphore_mem>>) src(%dma_wait3A_16 : memref<64x16xf32, #tpu.memory_space<hbm>>) dst(%arg10 : memref<64x16xf32, #tpu.memory_space<vmem>>)
    %dma_wait3A_17 = arith.constant 0 : i32
    %dma_wait3A_18 = tpu.memref_slice %arg6[%mul3A_2, %dma_wait3A_17] : memref<2048x16xf32, #tpu.memory_space<hbm>> -> memref<64x16xf32, #tpu.memory_space<hbm>>
    %dma_wait3A_19 = arith.constant 0 : i32
    %dma_wait3A_20 = tpu.memref_slice %arg6[%mul3A_2, %dma_wait3A_19] : memref<2048x16xf32, #tpu.memory_space<hbm>> -> memref<64x16xf32, #tpu.memory_space<hbm>>
    tpu.wait_dma2 semaphore(%arg18 : memref<!tpu.dma_semaphore, #tpu.memory_space<semaphore_mem>>) src(%dma_wait3A_20 : memref<64x16xf32, #tpu.memory_space<hbm>>) dst(%arg11 : memref<64x16xf32, #tpu.memory_space<vmem>>)
    %dma_wait3A_21 = tpu.memref_slice %arg3[%mul3A_2] : memref<2048xi32, #tpu.memory_space<hbm>> -> memref<64xi32, #tpu.memory_space<hbm>>
    %dma_wait3A_22 = tpu.memref_slice %arg3[%mul3A_2] : memref<2048xi32, #tpu.memory_space<hbm>> -> memref<64xi32, #tpu.memory_space<hbm>>
    tpu.wait_dma2 semaphore(%arg17 : memref<!tpu.dma_semaphore, #tpu.memory_space<semaphore_mem>>) src(%dma_wait3A_22 : memref<64xi32, #tpu.memory_space<hbm>>) dst(%arg8 : memref<64xi32, #tpu.memory_space<vmem>>)
    %dma_wait3A_23 = tpu.memref_slice %arg4[%mul3A_2] : memref<2048xi32, #tpu.memory_space<hbm>> -> memref<64xi32, #tpu.memory_space<hbm>>
    %dma_wait3A_24 = tpu.memref_slice %arg4[%mul3A_2] : memref<2048xi32, #tpu.memory_space<hbm>> -> memref<64xi32, #tpu.memory_space<hbm>>
    tpu.wait_dma2 semaphore(%arg18 : memref<!tpu.dma_semaphore, #tpu.memory_space<semaphore_mem>>) src(%dma_wait3A_24 : memref<64xi32, #tpu.memory_space<hbm>>) dst(%arg9 : memref<64xi32, #tpu.memory_space<vmem>>)
    %dma_start3A_25 = arith.constant 0 : i32
    %dma_start3A_26 = tpu.memref_slice %arg8[%dma_start3A_25] : memref<64xi32, #tpu.memory_space<vmem>> -> memref<32xi32, #tpu.memory_space<vmem>>
    %dma_start3A_27 = arith.constant 0 : i32
    %dma_start3A_28 = arith.constant 0 : i32
    %dma_start3A_29 = tpu.memref_slice %arg2[%dma_start3A_27, %dma_start3A_28] : memref<4096x512xi32, #tpu.memory_space<hbm>> -> memref<4096x512xi32, #tpu.memory_space<hbm>>
    tpu.enqueue_indirect_dma source(%dma_start3A_29 : memref<4096x512xi32, #tpu.memory_space<hbm>>) target(%arg12 : memref<32x512xi32, #tpu.memory_space<vmem>>) offsets(%dma_start3A_26 : memref<32xi32, #tpu.memory_space<vmem>>) semaphore(%arg17 : memref<!tpu.dma_semaphore, #tpu.memory_space<semaphore_mem>>)
    %dma_start3A_30 = arith.constant 0 : i32
    %dma_start3A_31 = tpu.memref_slice %arg9[%dma_start3A_30] : memref<64xi32, #tpu.memory_space<vmem>> -> memref<32xi32, #tpu.memory_space<vmem>>
    %dma_start3A_32 = arith.constant 0 : i32
    %dma_start3A_33 = arith.constant 0 : i32
    %dma_start3A_34 = tpu.memref_slice %arg2[%dma_start3A_32, %dma_start3A_33] : memref<4096x512xi32, #tpu.memory_space<hbm>> -> memref<4096x512xi32, #tpu.memory_space<hbm>>
    tpu.enqueue_indirect_dma source(%dma_start3A_34 : memref<4096x512xi32, #tpu.memory_space<hbm>>) target(%arg13 : memref<32x512xi32, #tpu.memory_space<vmem>>) offsets(%dma_start3A_31 : memref<32xi32, #tpu.memory_space<vmem>>) semaphore(%arg18 : memref<!tpu.dma_semaphore, #tpu.memory_space<semaphore_mem>>)
    %dma_start3A_35 = arith.constant 32 : i32
    %dma_start3A_36 = tpu.memref_slice %arg8[%dma_start3A_35] : memref<64xi32, #tpu.memory_space<vmem>> -> memref<32xi32, #tpu.memory_space<vmem>>
    %dma_start3A_37 = arith.constant 0 : i32
    %dma_start3A_38 = arith.constant 0 : i32
    %dma_start3A_39 = tpu.memref_slice %arg2[%dma_start3A_37, %dma_start3A_38] : memref<4096x512xi32, #tpu.memory_space<hbm>> -> memref<4096x512xi32, #tpu.memory_space<hbm>>
    tpu.enqueue_indirect_dma source(%dma_start3A_39 : memref<4096x512xi32, #tpu.memory_space<hbm>>) target(%arg14 : memref<32x512xi32, #tpu.memory_space<vmem>>) offsets(%dma_start3A_36 : memref<32xi32, #tpu.memory_space<vmem>>) semaphore(%arg17 : memref<!tpu.dma_semaphore, #tpu.memory_space<semaphore_mem>>)
    %dma_start3A_40 = arith.constant 32 : i32
    %dma_start3A_41 = tpu.memref_slice %arg9[%dma_start3A_40] : memref<64xi32, #tpu.memory_space<vmem>> -> memref<32xi32, #tpu.memory_space<vmem>>
    %dma_start3A_42 = arith.constant 0 : i32
    %dma_start3A_43 = arith.constant 0 : i32
    %dma_start3A_44 = tpu.memref_slice %arg2[%dma_start3A_42, %dma_start3A_43] : memref<4096x512xi32, #tpu.memory_space<hbm>> -> memref<4096x512xi32, #tpu.memory_space<hbm>>
    tpu.enqueue_indirect_dma source(%dma_start3A_44 : memref<4096x512xi32, #tpu.memory_space<hbm>>) target(%arg15 : memref<32x512xi32, #tpu.memory_space<vmem>>) offsets(%dma_start3A_41 : memref<32xi32, #tpu.memory_space<vmem>>) semaphore(%arg18 : memref<!tpu.dma_semaphore, #tpu.memory_space<semaphore_mem>>)
    %dma_wait3A_45 = arith.constant 0 : i32
    %dma_wait3A_46 = tpu.memref_slice %arg8[%dma_wait3A_45] : memref<64xi32, #tpu.memory_space<vmem>> -> memref<32xi32, #tpu.memory_space<vmem>>
    %dma_wait3A_47 = arith.constant 0 : i32
    %dma_wait3A_48 = arith.constant 0 : i32
    %dma_wait3A_49 = tpu.memref_slice %arg2[%dma_wait3A_47, %dma_wait3A_48] : memref<4096x512xi32, #tpu.memory_space<hbm>> -> memref<4096x512xi32, #tpu.memory_space<hbm>>
    tpu.wait_indirect_dma semaphore(%arg17 : memref<!tpu.dma_semaphore, #tpu.memory_space<semaphore_mem>>) src(%dma_wait3A_49 : memref<4096x512xi32, #tpu.memory_space<hbm>>) dst(%arg12 : memref<32x512xi32, #tpu.memory_space<vmem>>)
    %dma_wait3A_50 = arith.constant 0 : i32
    %dma_wait3A_51 = tpu.memref_slice %arg9[%dma_wait3A_50] : memref<64xi32, #tpu.memory_space<vmem>> -> memref<32xi32, #tpu.memory_space<vmem>>
    %dma_wait3A_52 = arith.constant 0 : i32
    %dma_wait3A_53 = arith.constant 0 : i32
    %dma_wait3A_54 = tpu.memref_slice %arg2[%dma_wait3A_52, %dma_wait3A_53] : memref<4096x512xi32, #tpu.memory_space<hbm>> -> memref<4096x512xi32, #tpu.memory_space<hbm>>
    tpu.wait_indirect_dma semaphore(%arg18 : memref<!tpu.dma_semaphore, #tpu.memory_space<semaphore_mem>>) src(%dma_wait3A_54 : memref<4096x512xi32, #tpu.memory_space<hbm>>) dst(%arg13 : memref<32x512xi32, #tpu.memory_space<vmem>>)
    %parallel_loop3A = arith.constant 0 : i32
    %parallel_loop3A_55 = arith.constant 32 : i32
    %parallel_loop3A_56 = arith.constant 1 : i32
    scf.for %parallel_loop3A_74 = %parallel_loop3A to %parallel_loop3A_55 step %parallel_loop3A_56  : i32 {
      %parallel_loop3A_75 = arith.constant 0 : i32
      %parallel_loop3A_76 = arith.addi %parallel_loop3A_75, %parallel_loop3A_74 : i32
      %parallel_loop3A_77 = arith.index_cast %parallel_loop3A_76 : i32 to index
      %parallel_loop3A_78 = arith.constant 0 : index
      %parallel_loop3A_79 = tpu.vector_load %arg10[%parallel_loop3A_77, %parallel_loop3A_78] {strides = array<i32>} : memref<64x16xf32, #tpu.memory_space<vmem>>, vector<1x16xf32>,
      %parallel_loop3A_80 = vector.shape_cast %parallel_loop3A_79 : vector<1x16xf32> to vector<16xf32>
      %parallel_loop3A_81 = arith.index_cast %parallel_loop3A_76 : i32 to index
      %parallel_loop3A_82 = arith.constant 0 : index
      %parallel_loop3A_83 = tpu.vector_load %arg11[%parallel_loop3A_81, %parallel_loop3A_82] {strides = array<i32>} : memref<64x16xf32, #tpu.memory_space<vmem>>, vector<1x16xf32>,
      %parallel_loop3A_84 = vector.shape_cast %parallel_loop3A_83 : vector<1x16xf32> to vector<16xf32>
      %parallel_loop3A_85 = arith.index_cast %parallel_loop3A_74 : i32 to index
      %parallel_loop3A_86 = arith.constant 0 : index
      %parallel_loop3A_87 = tpu.vector_load %arg12[%parallel_loop3A_85, %parallel_loop3A_86] {strides = array<i32>} : memref<32x512xi32, #tpu.memory_space<vmem>>, vector<1x16xi32>,
      %parallel_loop3A_88 = vector.shape_cast %parallel_loop3A_87 : vector<1x16xi32> to vector<16xi32>
      %parallel_loop3A_89 = arith.index_cast %parallel_loop3A_74 : i32 to index
      %parallel_loop3A_90 = arith.constant 0 : index
      %parallel_loop3A_91 = tpu.vector_load %arg13[%parallel_loop3A_89, %parallel_loop3A_90] {strides = array<i32>} : memref<32x512xi32, #tpu.memory_space<vmem>>, vector<1x16xi32>,
      %parallel_loop3A_92 = vector.shape_cast %parallel_loop3A_91 : vector<1x16xi32> to vector<16xi32>
      %parallel_loop3A_93 = arith.constant 16 : i32
      %parallel_loop3A_94 = vector.broadcast %parallel_loop3A_93 : i32 to vector<16xi32>
      %parallel_loop3A_95 = arith.shli %parallel_loop3A_88, %parallel_loop3A_94 : vector<16xi32>
      %parallel_loop3A_96 = tpu.bitcast %parallel_loop3A_95 : vector<16xi32> -> vector<16xf32>
      %parallel_loop3A_97 = arith.constant 16 : i32
      %parallel_loop3A_98 = vector.broadcast %parallel_loop3A_97 : i32 to vector<16xi32>
      %parallel_loop3A_99 = arith.shli %parallel_loop3A_92, %parallel_loop3A_98 : vector<16xi32>
      %parallel_loop3A_100 = tpu.bitcast %parallel_loop3A_99 : vector<16xi32> -> vector<16xf32>
      %parallel_loop3A_101 = arith.constant -65536 : i32
      %parallel_loop3A_102 = vector.broadcast %parallel_loop3A_101 : i32 to vector<16xi32>
      %parallel_loop3A_103 = arith.andi %parallel_loop3A_88, %parallel_loop3A_102 : vector<16xi32>
      %parallel_loop3A_104 = tpu.bitcast %parallel_loop3A_103 : vector<16xi32> -> vector<16xf32>
      %parallel_loop3A_105 = arith.constant -65536 : i32
      %parallel_loop3A_106 = vector.broadcast %parallel_loop3A_105 : i32 to vector<16xi32>
      %parallel_loop3A_107 = arith.andi %parallel_loop3A_92, %parallel_loop3A_106 : vector<16xi32>
      %parallel_loop3A_108 = tpu.bitcast %parallel_loop3A_107 : vector<16xi32> -> vector<16xf32>
      %parallel_loop3A_109 = arith.mulf %parallel_loop3A_80, %parallel_loop3A_96 : vector<16xf32>
      %parallel_loop3A_110 = arith.mulf %parallel_loop3A_84, %parallel_loop3A_100 : vector<16xf32>
      %parallel_loop3A_111 = arith.addf %parallel_loop3A_109, %parallel_loop3A_110 : vector<16xf32>
      %parallel_loop3A_112 = arith.index_cast %parallel_loop3A_74 : i32 to index
      %parallel_loop3A_113 = arith.constant 0 : index
      %parallel_loop3A_114 = tpu.vector_load %arg16[%parallel_loop3A_112, %parallel_loop3A_113] {strides = array<i32>} : memref<32x1024xf32, #tpu.memory_space<vmem>>, vector<1x16xf32>,
      %parallel_loop3A_115 = vector.shape_cast %parallel_loop3A_114 : vector<1x16xf32> to vector<16xf32>
      %parallel_loop3A_116 = vector.shape_cast %parallel_loop3A_111 : vector<16xf32> to vector<1x16xf32>
      tpu.vector_store %arg16[%parallel_loop3A_112, %parallel_loop3A_113], %parallel_loop3A_116 {strides = array<i32>} : memref<32x1024xf32, #tpu.memory_space<vmem>>, vector<1x16xf32>,
      %parallel_loop3A_117 = arith.mulf %parallel_loop3A_80, %parallel_loop3A_104 : vector<16xf32>
      %parallel_loop3A_118 = arith.mulf %parallel_loop3A_84, %parallel_loop3A_108 : vector<16xf32>
      %parallel_loop3A_119 = arith.addf %parallel_loop3A_117, %parallel_loop3A_118 : vector<16xf32>
      %parallel_loop3A_120 = arith.index_cast %parallel_loop3A_74 : i32 to index
      %parallel_loop3A_121 = arith.constant 512 : index
      %parallel_loop3A_122 = tpu.vector_load %arg16[%parallel_loop3A_120, %parallel_loop3A_121] {strides = array<i32>} : memref<32x1024xf32, #tpu.memory_space<vmem>>, vector<1x16xf32>,
      %parallel_loop3A_123 = vector.shape_cast %parallel_loop3A_122 : vector<1x16xf32> to vector<16xf32>
      %parallel_loop3A_124 = vector.shape_cast %parallel_loop3A_119 : vector<16xf32> to vector<1x16xf32>
      tpu.vector_store %arg16[%parallel_loop3A_120, %parallel_loop3A_121], %parallel_loop3A_124 {strides = array<i32>} : memref<32x1024xf32, #tpu.memory_space<vmem>>, vector<1x16xf32>,
      %parallel_loop3A_125 = arith.index_cast %parallel_loop3A_74 : i32 to index
      %parallel_loop3A_126 = arith.constant 16 : index
      %parallel_loop3A_127 = tpu.vector_load %arg12[%parallel_loop3A_125, %parallel_loop3A_126] {strides = array<i32>} : memref<32x512xi32, #tpu.memory_space<vmem>>, vector<1x16xi32>,
      %parallel_loop3A_128 = vector.shape_cast %parallel_loop3A_127 : vector<1x16xi32> to vector<16xi32>
      %parallel_loop3A_129 = arith.index_cast %parallel_loop3A_74 : i32 to index
      %parallel_loop3A_130 = arith.constant 16 : index
      %parallel_loop3A_131 = tpu.vector_load %arg13[%parallel_loop3A_129, %parallel_loop3A_130] {strides = array<i32>} : memref<32x512xi32, #tpu.memory_space<vmem>>, vector<1x16xi32>,
      %parallel_loop3A_132 = vector.shape_cast %parallel_loop3A_131 : vector<1x16xi32> to vector<16xi32>
      %parallel_loop3A_133 = arith.constant 16 : i32
      %parallel_loop3A_134 = vector.broadcast %parallel_loop3A_133 : i32 to vector<16xi32>
      %parallel_loop3A_135 = arith.shli %parallel_loop3A_128, %parallel_loop3A_134 : vector<16xi32>
      %parallel_loop3A_136 = tpu.bitcast %parallel_loop3A_135 : vector<16xi32> -> vector<16xf32>
      %parallel_loop3A_137 = arith.constant 16 : i32
      %parallel_loop3A_138 = vector.broadcast %parallel_loop3A_137 : i32 to vector<16xi32>
      %parallel_loop3A_139 = arith.shli %parallel_loop3A_132, %parallel_loop3A_138 : vector<16xi32>
      %parallel_loop3A_140 = tpu.bitcast %parallel_loop3A_139 : vector<16xi32> -> vector<16xf32>
      %parallel_loop3A_141 = arith.constant -65536 : i32
      %parallel_loop3A_142 = vector.broadcast %parallel_loop3A_141 : i32 to vector<16xi32>
      %parallel_loop3A_143 = arith.andi %parallel_loop3A_128, %parallel_loop3A_142 : vector<16xi32>
      %parallel_loop3A_144 = tpu.bitcast %parallel_loop3A_143 : vector<16xi32> -> vector<16xf32>
      %parallel_loop3A_145 = arith.constant -65536 : i32
      %parallel_loop3A_146 = vector.broadcast %parallel_loop3A_145 : i32 to vector<16xi32>
      %parallel_loop3A_147 = arith.andi %parallel_loop3A_132, %parallel_loop3A_146 : vector<16xi32>
      %parallel_loop3A_148 = tpu.bitcast %parallel_loop3A_147 : vector<16xi32> -> vector<16xf32>
      %parallel_loop3A_149 = arith.mulf %parallel_loop3A_80, %parallel_loop3A_136 : vector<16xf32>
      %parallel_loop3A_150 = arith.mulf %parallel_loop3A_84, %parallel_loop3A_140 : vector<16xf32>
      %parallel_loop3A_151 = arith.addf %parallel_loop3A_149, %parallel_loop3A_150 : vector<16xf32>
      %parallel_loop3A_152 = arith.index_cast %parallel_loop3A_74 : i32 to index
      %parallel_loop3A_153 = arith.constant 16 : index
      %parallel_loop3A_154 = tpu.vector_load %arg16[%parallel_loop3A_152, %parallel_loop3A_153] {strides = array<i32>} : memref<32x1024xf32, #tpu.memory_space<vmem>>, vector<1x16xf32>,
      %parallel_loop3A_155 = vector.shape_cast %parallel_loop3A_154 : vector<1x16xf32> to vector<16xf32>
      %parallel_loop3A_156 = vector.shape_cast %parallel_loop3A_151 : vector<16xf32> to vector<1x16xf32>
      tpu.vector_store %arg16[%parallel_loop3A_152, %parallel_loop3A_153], %parallel_loop3A_156 {strides = array<i32>} : memref<32x1024xf32, #tpu.memory_space<vmem>>, vector<1x16xf32>,
      %parallel_loop3A_157 = arith.mulf %parallel_loop3A_80, %parallel_loop3A_144 : vector<16xf32>
      %parallel_loop3A_158 = arith.mulf %parallel_loop3A_84, %parallel_loop3A_148 : vector<16xf32>
      %parallel_loop3A_159 = arith.addf %parallel_loop3A_157, %parallel_loop3A_158 : vector<16xf32>
      %parallel_loop3A_160 = arith.index_cast %parallel_loop3A_74 : i32 to index
      %parallel_loop3A_161 = arith.constant 528 : index
      %parallel_loop3A_162 = tpu.vector_load %arg16[%parallel_loop3A_160, %parallel_loop3A_161] {strides = array<i32>} : memref<32x1024xf32, #tpu.memory_space<vmem>>, vector<1x16xf32>,
      %parallel_loop3A_163 = vector.shape_cast %parallel_loop3A_162 : vector<1x16xf32> to vector<16xf32>
      %parallel_loop3A_164 = vector.shape_cast %parallel_loop3A_159 : vector<16xf32> to vector<1x16xf32>
      tpu.vector_store %arg16[%parallel_loop3A_160, %parallel_loop3A_161], %parallel_loop3A_164 {strides = array<i32>} : memref<32x1024xf32, #tpu.memory_space<vmem>>, vector<1x16xf32>,
      %parallel_loop3A_165 = arith.index_cast %parallel_loop3A_74 : i32 to index
      %parallel_loop3A_166 = arith.constant 32 : index
      %parallel_loop3A_167 = tpu.vector_load %arg12[%parallel_loop3A_165, %parallel_loop3A_166] {strides = array<i32>} : memref<32x512xi32, #tpu.memory_space<vmem>>, vector<1x16xi32>,
      %parallel_loop3A_168 = vector.shape_cast %parallel_loop3A_167 : vector<1x16xi32> to vector<16xi32>
      %parallel_loop3A_169 = arith.index_cast %parallel_loop3A_74 : i32 to index
      %parallel_loop3A_170 = arith.constant 32 : index
      %parallel_loop3A_171 = tpu.vector_load %arg13[%parallel_loop3A_169, %parallel_loop3A_170] {strides = array<i32>} : memref<32x512xi32, #tpu.memory_space<vmem>>, vector<1x16xi32>,
      %parallel_loop3A_172 = vector.shape_cast %parallel_loop3A_171 : vector<1x16xi32> to vector<16xi32>
      %parallel_loop3A_173 = arith.constant 16 : i32
      %parallel_loop3A_174 = vector.broadcast %parallel_loop3A_173 : i32 to vector<16xi32>
      %parallel_loop3A_175 = arith.shli %parallel_loop3A_168, %parallel_loop3A_174 : vector<16xi32>
      %parallel_loop3A_176 = tpu.bitcast %parallel_loop3A_175 : vector<16xi32> -> vector<16xf32>
      %parallel_loop3A_177 = arith.constant 16 : i32
      %parallel_loop3A_178 = vector.broadcast %parallel_loop3A_177 : i32 to vector<16xi32>
      %parallel_loop3A_179 = arith.shli %parallel_loop3A_172, %parallel_loop3A_178 : vector<16xi32>
      %parallel_loop3A_180 = tpu.bitcast %parallel_loop3A_179 : vector<16xi32> -> vector<16xf32>
      %parallel_loop3A_181 = arith.constant -65536 : i32
      %parallel_loop3A_182 = vector.broadcast %parallel_loop3A_181 : i32 to vector<16xi32>
      %parallel_loop3A_183 = arith.andi %parallel_loop3A_168, %parallel_loop3A_182 : vector<16xi32>
      %parallel_loop3A_184 = tpu.bitcast %parallel_loop3A_183 : vector<16xi32> -> vector<16xf32>
      %parallel_loop3A_185 = arith.constant -65536 : i32
      %parallel_loop3A_186 = vector.broadcast %parallel_loop3A_185 : i32 to vector<16xi32>
      %parallel_loop3A_187 = arith.andi %parallel_loop3A_172, %parallel_loop3A_186 : vector<16xi32>
      %parallel_loop3A_188 = tpu.bitcast %parallel_loop3A_187 : vector<16xi32> -> vector<16xf32>
      %parallel_loop3A_189 = arith.mulf %parallel_loop3A_80, %parallel_loop3A_176 : vector<16xf32>
      %parallel_loop3A_190 = arith.mulf %parallel_loop3A_84, %parallel_loop3A_180 : vector<16xf32>
      %parallel_loop3A_191 = arith.addf %parallel_loop3A_189, %parallel_loop3A_190 : vector<16xf32>
      %parallel_loop3A_192 = arith.index_cast %parallel_loop3A_74 : i32 to index
      %parallel_loop3A_193 = arith.constant 32 : index
      %parallel_loop3A_194 = tpu.vector_load %arg16[%parallel_loop3A_192, %parallel_loop3A_193] {strides = array<i32>} : memref<32x1024xf32, #tpu.memory_space<vmem>>, vector<1x16xf32>,
      %parallel_loop3A_195 = vector.shape_cast %parallel_loop3A_194 : vector<1x16xf32> to vector<16xf32>
      %parallel_loop3A_196 = vector.shape_cast %parallel_loop3A_191 : vector<16xf32> to vector<1x16xf32>
      tpu.vector_store %arg16[%parallel_loop3A_192, %parallel_loop3A_193], %parallel_loop3A_196 {strides = array<i32>} : memref<32x1024xf32, #tpu.memory_space<vmem>>, vector<1x16xf32>,
      %parallel_loop3A_197 = arith.mulf %parallel_loop3A_80, %parallel_loop3A_184 : vector<16xf32>
      %parallel_loop3A_198 = arith.mulf %parallel_loop3A_84, %parallel_loop3A_188 : vector<16xf32>
      %parallel_loop3A_199 = arith.addf %parallel_loop3A_197, %parallel_loop3A_198 : vector<16xf32>
      %parallel_loop3A_200 = arith.index_cast %parallel_loop3A_74 : i32 to index
      %parallel_loop3A_201 = arith.constant 544 : index
      %parallel_loop3A_202 = tpu.vector_load %arg16[%parallel_loop3A_200, %parallel_loop3A_201] {strides = array<i32>} : memref<32x1024xf32, #tpu.memory_space<vmem>>, vector<1x16xf32>,
      %parallel_loop3A_203 = vector.shape_cast %parallel_loop3A_202 : vector<1x16xf32> to vector<16xf32>
      %parallel_loop3A_204 = vector.shape_cast %parallel_loop3A_199 : vector<16xf32> to vector<1x16xf32>
      tpu.vector_store %arg16[%parallel_loop3A_200, %parallel_loop3A_201], %parallel_loop3A_204 {strides = array<i32>} : memref<32x1024xf32, #tpu.memory_space<vmem>>, vector<1x16xf32>,
      %parallel_loop3A_205 = arith.index_cast %parallel_loop3A_74 : i32 to index
      %parallel_loop3A_206 = arith.constant 48 : index
      %parallel_loop3A_207 = tpu.vector_load %arg12[%parallel_loop3A_205, %parallel_loop3A_206] {strides = array<i32>} : memref<32x512xi32, #tpu.memory_space<vmem>>, vector<1x16xi32>,
      %parallel_loop3A_208 = vector.shape_cast %parallel_loop3A_207 : vector<1x16xi32> to vector<16xi32>
      %parallel_loop3A_209 = arith.index_cast %parallel_loop3A_74 : i32 to index
      %parallel_loop3A_210 = arith.constant 48 : index
      %parallel_loop3A_211 = tpu.vector_load %arg13[%parallel_loop3A_209, %parallel_loop3A_210] {strides = array<i32>} : memref<32x512xi32, #tpu.memory_space<vmem>>, vector<1x16xi32>,
      %parallel_loop3A_212 = vector.shape_cast %parallel_loop3A_211 : vector<1x16xi32> to vector<16xi32>
      %parallel_loop3A_213 = arith.constant 16 : i32
      %parallel_loop3A_214 = vector.broadcast %parallel_loop3A_213 : i32 to vector<16xi32>
      %parallel_loop3A_215 = arith.shli %parallel_loop3A_208, %parallel_loop3A_214 : vector<16xi32>
      %parallel_loop3A_216 = tpu.bitcast %parallel_loop3A_215 : vector<16xi32> -> vector<16xf32>
      %parallel_loop3A_217 = arith.constant 16 : i32
      %parallel_loop3A_218 = vector.broadcast %parallel_loop3A_217 : i32 to vector<16xi32>
      %parallel_loop3A_219 = arith.shli %parallel_loop3A_212, %parallel_loop3A_218 : vector<16xi32>
      %parallel_loop3A_220 = tpu.bitcast %parallel_loop3A_219 : vector<16xi32> -> vector<16xf32>
      %parallel_loop3A_221 = arith.constant -65536 : i32
      %parallel_loop3A_222 = vector.broadcast %parallel_loop3A_221 : i32 to vector<16xi32>
      %parallel_loop3A_223 = arith.andi %parallel_loop3A_208, %parallel_loop3A_222 : vector<16xi32>
      %parallel_loop3A_224 = tpu.bitcast %parallel_loop3A_223 : vector<16xi32> -> vector<16xf32>
      %parallel_loop3A_225 = arith.constant -65536 : i32
      %parallel_loop3A_226 = vector.broadcast %parallel_loop3A_225 : i32 to vector<16xi32>
      %parallel_loop3A_227 = arith.andi %parallel_loop3A_212, %parallel_loop3A_226 : vector<16xi32>
      %parallel_loop3A_228 = tpu.bitcast %parallel_loop3A_227 : vector<16xi32> -> vector<16xf32>
      %parallel_loop3A_229 = arith.mulf %parallel_loop3A_80, %parallel_loop3A_216 : vector<16xf32>
      %parallel_loop3A_230 = arith.mulf %parallel_loop3A_84, %parallel_loop3A_220 : vector<16xf32>
      %parallel_loop3A_231 = arith.addf %parallel_loop3A_229, %parallel_loop3A_230 : vector<16xf32>
      %parallel_loop3A_232 = arith.index_cast %parallel_loop3A_74 : i32 to index
      %parallel_loop3A_233 = arith.constant 48 : index
      %parallel_loop3A_234 = tpu.vector_load %arg16[%parallel_loop3A_232, %parallel_loop3A_233] {strides = array<i32>} : memref<32x1024xf32, #tpu.memory_space<vmem>>, vector<1x16xf32>,
      %parallel_loop3A_235 = vector.shape_cast %parallel_loop3A_234 : vector<1x16xf32> to vector<16xf32>
      %parallel_loop3A_236 = vector.shape_cast %parallel_loop3A_231 : vector<16xf32> to vector<1x16xf32>
      tpu.vector_store %arg16[%parallel_loop3A_232, %parallel_loop3A_233], %parallel_loop3A_236 {strides = array<i32>} : memref<32x1024xf32, #tpu.memory_space<vmem>>, vector<1x16xf32>,
      %parallel_loop3A_237 = arith.mulf %parallel_loop3A_80, %parallel_loop3A_224 : vector<16xf32>
      %parallel_loop3A_238 = arith.mulf %parallel_loop3A_84, %parallel_loop3A_228 : vector<16xf32>
      %parallel_loop3A_239 = arith.addf %parallel_loop3A_237, %parallel_loop3A_238 : vector<16xf32>
      %parallel_loop3A_240 = arith.index_cast %parallel_loop3A_74 : i32 to index
      %parallel_loop3A_241 = arith.constant 560 : index
      %parallel_loop3A_242 = tpu.vector_load %arg16[%parallel_loop3A_240, %parallel_loop3A_241] {strides = array<i32>} : memref<32x1024xf32, #tpu.memory_space<vmem>>, vector<1x16xf32>,
      %parallel_loop3A_243 = vector.shape_cast %parallel_loop3A_242 : vector<1x16xf32> to vector<16xf32>
      %parallel_loop3A_244 = vector.shape_cast %parallel_loop3A_239 : vector<16xf32> to vector<1x16xf32>
      tpu.vector_store %arg16[%parallel_loop3A_240, %parallel_loop3A_241], %parallel_loop3A_244 {strides = array<i32>} : memref<32x1024xf32, #tpu.memory_space<vmem>>, vector<1x16xf32>,
      %parallel_loop3A_245 = arith.index_cast %parallel_loop3A_74 : i32 to index
      %parallel_loop3A_246 = arith.constant 64 : index
      %parallel_loop3A_247 = tpu.vector_load %arg12[%parallel_loop3A_245, %parallel_loop3A_246] {strides = array<i32>} : memref<32x512xi32, #tpu.memory_space<vmem>>, vector<1x16xi32>,
      %parallel_loop3A_248 = vector.shape_cast %parallel_loop3A_247 : vector<1x16xi32> to vector<16xi32>
      %parallel_loop3A_249 = arith.index_cast %parallel_loop3A_74 : i32 to index
      %parallel_loop3A_250 = arith.constant 64 : index
      %parallel_loop3A_251 = tpu.vector_load %arg13[%parallel_loop3A_249, %parallel_loop3A_250] {strides = array<i32>} : memref<32x512xi32, #tpu.memory_space<vmem>>, vector<1x16xi32>,
      %parallel_loop3A_252 = vector.shape_cast %parallel_loop3A_251 : vector<1x16xi32> to vector<16xi32>
      %parallel_loop3A_253 = arith.constant 16 : i32
      %parallel_loop3A_254 = vector.broadcast %parallel_loop3A_253 : i32 to vector<16xi32>
      %parallel_loop3A_255 = arith.shli %parallel_loop3A_248, %parallel_loop3A_254 : vector<16xi32>
      %parallel_loop3A_256 = tpu.bitcast %parallel_loop3A_255 : vector<16xi32> -> vector<16xf32>
      %parallel_loop3A_257 = arith.constant 16 : i32
      %parallel_loop3A_258 = vector.broadcast %parallel_loop3A_257 : i32 to vector<16xi32>
      %parallel_loop3A_259 = arith.shli %parallel_loop3A_252, %parallel_loop3A_258 : vector<16xi32>
      %parallel_loop3A_260 = tpu.bitcast %parallel_loop3A_259 : vector<16xi32> -> vector<16xf32>
      %parallel_loop3A_261 = arith.constant -65536 : i32
      %parallel_loop3A_262 = vector.broadcast %parallel_loop3A_261 : i32 to vector<16xi32>
      %parallel_loop3A_263 = arith.andi %parallel_loop3A_248, %parallel_loop3A_262 : vector<16xi32>
      %parallel_loop3A_264 = tpu.bitcast %parallel_loop3A_263 : vector<16xi32> -> vector<16xf32>
      %parallel_loop3A_265 = arith.constant -65536 : i32
      %parallel_loop3A_266 = vector.broadcast %parallel_loop3A_265 : i32 to vector<16xi32>
      %parallel_loop3A_267 = arith.andi %parallel_loop3A_252, %parallel_loop3A_266 : vector<16xi32>
      %parallel_loop3A_268 = tpu.bitcast %parallel_loop3A_267 : vector<16xi32> -> vector<16xf32>
      %parallel_loop3A_269 = arith.mulf %parallel_loop3A_80, %parallel_loop3A_256 : vector<16xf32>
      %parallel_loop3A_270 = arith.mulf %parallel_loop3A_84, %parallel_loop3A_260 : vector<16xf32>
      %parallel_loop3A_271 = arith.addf %parallel_loop3A_269, %parallel_loop3A_270 : vector<16xf32>
      %parallel_loop3A_272 = arith.index_cast %parallel_loop3A_74 : i32 to index
      %parallel_loop3A_273 = arith.constant 64 : index
      %parallel_loop3A_274 = tpu.vector_load %arg16[%parallel_loop3A_272, %parallel_loop3A_273] {strides = array<i32>} : memref<32x1024xf32, #tpu.memory_space<vmem>>, vector<1x16xf32>,
      %parallel_loop3A_275 = vector.shape_cast %parallel_loop3A_274 : vector<1x16xf32> to vector<16xf32>
      %parallel_loop3A_276 = vector.shape_cast %parallel_loop3A_271 : vector<16xf32> to vector<1x16xf32>
      tpu.vector_store %arg16[%parallel_loop3A_272, %parallel_loop3A_273], %parallel_loop3A_276 {strides = array<i32>} : memref<32x1024xf32, #tpu.memory_space<vmem>>, vector<1x16xf32>,
      %parallel_loop3A_277 = arith.mulf %parallel_loop3A_80, %parallel_loop3A_264 : vector<16xf32>
      %parallel_loop3A_278 = arith.mulf %parallel_loop3A_84, %parallel_loop3A_268 : vector<16xf32>
      %parallel_loop3A_279 = arith.addf %parallel_loop3A_277, %parallel_loop3A_278 : vector<16xf32>
      %parallel_loop3A_280 = arith.index_cast %parallel_loop3A_74 : i32 to index
      %parallel_loop3A_281 = arith.constant 576 : index
      %parallel_loop3A_282 = tpu.vector_load %arg16[%parallel_loop3A_280, %parallel_loop3A_281] {strides = array<i32>} : memref<32x1024xf32, #tpu.memory_space<vmem>>, vector<1x16xf32>,
      %parallel_loop3A_283 = vector.shape_cast %parallel_loop3A_282 : vector<1x16xf32> to vector<16xf32>
      %parallel_loop3A_284 = vector.shape_cast %parallel_loop3A_279 : vector<16xf32> to vector<1x16xf32>
      tpu.vector_store %arg16[%parallel_loop3A_280, %parallel_loop3A_281], %parallel_loop3A_284 {strides = array<i32>} : memref<32x1024xf32, #tpu.memory_space<vmem>>, vector<1x16xf32>,
      %parallel_loop3A_285 = arith.index_cast %parallel_loop3A_74 : i32 to index
      %parallel_loop3A_286 = arith.constant 80 : index
      %parallel_loop3A_287 = tpu.vector_load %arg12[%parallel_loop3A_285, %parallel_loop3A_286] {strides = array<i32>} : memref<32x512xi32, #tpu.memory_space<vmem>>, vector<1x16xi32>,
      %parallel_loop3A_288 = vector.shape_cast %parallel_loop3A_287 : vector<1x16xi32> to vector<16xi32>
      %parallel_loop3A_289 = arith.index_cast %parallel_loop3A_74 : i32 to index
      %parallel_loop3A_290 = arith.constant 80 : index
      %parallel_loop3A_291 = tpu.vector_load %arg13[%parallel_loop3A_289, %parallel_loop3A_290] {strides = array<i32>} : memref<32x512xi32, #tpu.memory_space<vmem>>, vector<1x16xi32>,
      %parallel_loop3A_292 = vector.shape_cast %parallel_loop3A_291 : vector<1x16xi32> to vector<16xi32>
      %parallel_loop3A_293 = arith.constant 16 : i32
      %parallel_loop3A_294 = vector.broadcast %parallel_loop3A_293 : i32 to vector<16xi32>
      %parallel_loop3A_295 = arith.shli %parallel_loop3A_288, %parallel_loop3A_294 : vector<16xi32>
      %parallel_loop3A_296 = tpu.bitcast %parallel_loop3A_295 : vector<16xi32> -> vector<16xf32>
      %parallel_loop3A_297 = arith.constant 16 : i32
      %parallel_loop3A_298 = vector.broadcast %parallel_loop3A_297 : i32 to vector<16xi32>
      %parallel_loop3A_299 = arith.shli %parallel_loop3A_292, %parallel_loop3A_298 : vector<16xi32>
      %parallel_loop3A_300 = tpu.bitcast %parallel_loop3A_299 : vector<16xi32> -> vector<16xf32>
      %parallel_loop3A_301 = arith.constant -65536 : i32
      %parallel_loop3A_302 = vector.broadcast %parallel_loop3A_301 : i32 to vector<16xi32>
      %parallel_loop3A_303 = arith.andi %parallel_loop3A_288, %parallel_loop3A_302 : vector<16xi32>
      %parallel_loop3A_304 = tpu.bitcast %parallel_loop3A_303 : vector<16xi32> -> vector<16xf32>
      %parallel_loop3A_305 = arith.constant -65536 : i32
      %parallel_loop3A_306 = vector.broadcast %parallel_loop3A_305 : i32 to vector<16xi32>
      %parallel_loop3A_307 = arith.andi %parallel_loop3A_292, %parallel_loop3A_306 : vector<16xi32>
      %parallel_loop3A_308 = tpu.bitcast %parallel_loop3A_307 : vector<16xi32> -> vector<16xf32>
      %parallel_loop3A_309 = arith.mulf %parallel_loop3A_80, %parallel_loop3A_296 : vector<16xf32>
      %parallel_loop3A_310 = arith.mulf %parallel_loop3A_84, %parallel_loop3A_300 : vector<16xf32>
      %parallel_loop3A_311 = arith.addf %parallel_loop3A_309, %parallel_loop3A_310 : vector<16xf32>
      %parallel_loop3A_312 = arith.index_cast %parallel_loop3A_74 : i32 to index
      %parallel_loop3A_313 = arith.constant 80 : index
      %parallel_loop3A_314 = tpu.vector_load %arg16[%parallel_loop3A_312, %parallel_loop3A_313] {strides = array<i32>} : memref<32x1024xf32, #tpu.memory_space<vmem>>, vector<1x16xf32>,
      %parallel_loop3A_315 = vector.shape_cast %parallel_loop3A_314 : vector<1x16xf32> to vector<16xf32>
      %parallel_loop3A_316 = vector.shape_cast %parallel_loop3A_311 : vector<16xf32> to vector<1x16xf32>
      tpu.vector_store %arg16[%parallel_loop3A_312, %parallel_loop3A_313], %parallel_loop3A_316 {strides = array<i32>} : memref<32x1024xf32, #tpu.memory_space<vmem>>, vector<1x16xf32>,
      %parallel_loop3A_317 = arith.mulf %parallel_loop3A_80, %parallel_loop3A_304 : vector<16xf32>
      %parallel_loop3A_318 = arith.mulf %parallel_loop3A_84, %parallel_loop3A_308 : vector<16xf32>
      %parallel_loop3A_319 = arith.addf %parallel_loop3A_317, %parallel_loop3A_318 : vector<16xf32>
      %parallel_loop3A_320 = arith.index_cast %parallel_loop3A_74 : i32 to index
      %parallel_loop3A_321 = arith.constant 592 : index
      %parallel_loop3A_322 = tpu.vector_load %arg16[%parallel_loop3A_320, %parallel_loop3A_321] {strides = array<i32>} : memref<32x1024xf32, #tpu.memory_space<vmem>>, vector<1x16xf32>,
      %parallel_loop3A_323 = vector.shape_cast %parallel_loop3A_322 : vector<1x16xf32> to vector<16xf32>
      %parallel_loop3A_324 = vector.shape_cast %parallel_loop3A_319 : vector<16xf32> to vector<1x16xf32>
      tpu.vector_store %arg16[%parallel_loop3A_320, %parallel_loop3A_321], %parallel_loop3A_324 {strides = array<i32>} : memref<32x1024xf32, #tpu.memory_space<vmem>>, vector<1x16xf32>,
      %parallel_loop3A_325 = arith.index_cast %parallel_loop3A_74 : i32 to index
      %parallel_loop3A_326 = arith.constant 96 : index
      %parallel_loop3A_327 = tpu.vector_load %arg12[%parallel_loop3A_325, %parallel_loop3A_326] {strides = array<i32>} : memref<32x512xi32, #tpu.memory_space<vmem>>, vector<1x16xi32>,
      %parallel_loop3A_328 = vector.shape_cast %parallel_loop3A_327 : vector<1x16xi32> to vector<16xi32>
      %parallel_loop3A_329 = arith.index_cast %parallel_loop3A_74 : i32 to index
      %parallel_loop3A_330 = arith.constant 96 : index
      %parallel_loop3A_331 = tpu.vector_load %arg13[%parallel_loop3A_329, %parallel_loop3A_330] {strides = array<i32>} : memref<32x512xi32, #tpu.memory_space<vmem>>, vector<1x16xi32>,
      %parallel_loop3A_332 = vector.shape_cast %parallel_loop3A_331 : vector<1x16xi32> to vector<16xi32>
      %parallel_loop3A_333 = arith.constant 16 : i32
      %parallel_loop3A_334 = vector.broadcast %parallel_loop3A_333 : i32 to vector<16xi32>
      %parallel_loop3A_335 = arith.shli %parallel_loop3A_328, %parallel_loop3A_334 : vector<16xi32>
      %parallel_loop3A_336 = tpu.bitcast %parallel_loop3A_335 : vector<16xi32> -> vector<16xf32>
      %parallel_loop3A_337 = arith.constant 16 : i32
      %parallel_loop3A_338 = vector.broadcast %parallel_loop3A_337 : i32 to vector<16xi32>
      %parallel_loop3A_339 = arith.shli %parallel_loop3A_332, %parallel_loop3A_338 : vector<16xi32>
      %parallel_loop3A_340 = tpu.bitcast %parallel_loop3A_339 : vector<16xi32> -> vector<16xf32>
      %parallel_loop3A_341 = arith.constant -65536 : i32
      %parallel_loop3A_342 = vector.broadcast %parallel_loop3A_341 : i32 to vector<16xi32>
      %parallel_loop3A_343 = arith.andi %parallel_loop3A_328, %parallel_loop3A_342 : vector<16xi32>
      %parallel_loop3A_344 = tpu.bitcast %parallel_loop3A_343 : vector<16xi32> -> vector<16xf32>
      %parallel_loop3A_345 = arith.constant -65536 : i32
      %parallel_loop3A_346 = vector.broadcast %parallel_loop3A_345 : i32 to vector<16xi32>
      %parallel_loop3A_347 = arith.andi %parallel_loop3A_332, %parallel_loop3A_346 : vector<16xi32>
      %parallel_loop3A_348 = tpu.bitcast %parallel_loop3A_347 : vector<16xi32> -> vector<16xf32>
      %parallel_loop3A_349 = arith.mulf %parallel_loop3A_80, %parallel_loop3A_336 : vector<16xf32>
      %parallel_loop3A_350 = arith.mulf %parallel_loop3A_84, %parallel_loop3A_340 : vector<16xf32>
      %parallel_loop3A_351 = arith.addf %parallel_loop3A_349, %parallel_loop3A_350 : vector<16xf32>
      %parallel_loop3A_352 = arith.index_cast %parallel_loop3A_74 : i32 to index
      %parallel_loop3A_353 = arith.constant 96 : index
      %parallel_loop3A_354 = tpu.vector_load %arg16[%parallel_loop3A_352, %parallel_loop3A_353] {strides = array<i32>} : memref<32x1024xf32, #tpu.memory_space<vmem>>, vector<1x16xf32>,
      %parallel_loop3A_355 = vector.shape_cast %parallel_loop3A_354 : vector<1x16xf32> to vector<16xf32>
      %parallel_loop3A_356 = vector.shape_cast %parallel_loop3A_351 : vector<16xf32> to vector<1x16xf32>
      tpu.vector_store %arg16[%parallel_loop3A_352, %parallel_loop3A_353], %parallel_loop3A_356 {strides = array<i32>} : memref<32x1024xf32, #tpu.memory_space<vmem>>, vector<1x16xf32>,
      %parallel_loop3A_357 = arith.mulf %parallel_loop3A_80, %parallel_loop3A_344 : vector<16xf32>
      %parallel_loop3A_358 = arith.mulf %parallel_loop3A_84, %parallel_loop3A_348 : vector<16xf32>
      %parallel_loop3A_359 = arith.addf %parallel_loop3A_357, %parallel_loop3A_358 : vector<16xf32>
      %parallel_loop3A_360 = arith.index_cast %parallel_loop3A_74 : i32 to index
      %parallel_loop3A_361 = arith.constant 608 : index
      %parallel_loop3A_362 = tpu.vector_load %arg16[%parallel_loop3A_360, %parallel_loop3A_361] {strides = array<i32>} : memref<32x1024xf32, #tpu.memory_space<vmem>>, vector<1x16xf32>,
      %parallel_loop3A_363 = vector.shape_cast %parallel_loop3A_362 : vector<1x16xf32> to vector<16xf32>
      %parallel_loop3A_364 = vector.shape_cast %parallel_loop3A_359 : vector<16xf32> to vector<1x16xf32>
      tpu.vector_store %arg16[%parallel_loop3A_360, %parallel_loop3A_361], %parallel_loop3A_364 {strides = array<i32>} : memref<32x1024xf32, #tpu.memory_space<vmem>>, vector<1x16xf32>,
      %parallel_loop3A_365 = arith.index_cast %parallel_loop3A_74 : i32 to index
      %parallel_loop3A_366 = arith.constant 112 : index
      %parallel_loop3A_367 = tpu.vector_load %arg12[%parallel_loop3A_365, %parallel_loop3A_366] {strides = array<i32>} : memref<32x512xi32, #tpu.memory_space<vmem>>, vector<1x16xi32>,
      %parallel_loop3A_368 = vector.shape_cast %parallel_loop3A_367 : vector<1x16xi32> to vector<16xi32>
      %parallel_loop3A_369 = arith.index_cast %parallel_loop3A_74 : i32 to index
      %parallel_loop3A_370 = arith.constant 112 : index
      %parallel_loop3A_371 = tpu.vector_load %arg13[%parallel_loop3A_369, %parallel_loop3A_370] {strides = array<i32>} : memref<32x512xi32, #tpu.memory_space<vmem>>, vector<1x16xi32>,
      %parallel_loop3A_372 = vector.shape_cast %parallel_loop3A_371 : vector<1x16xi32> to vector<16xi32>
      %parallel_loop3A_373 = arith.constant 16 : i32
      %parallel_loop3A_374 = vector.broadcast %parallel_loop3A_373 : i32 to vector<16xi32>
      %parallel_loop3A_375 = arith.shli %parallel_loop3A_368, %parallel_loop3A_374 : vector<16xi32>
      %parallel_loop3A_376 = tpu.bitcast %parallel_loop3A_375 : vector<16xi32> -> vector<16xf32>
      %parallel_loop3A_377 = arith.constant 16 : i32
      %parallel_loop3A_378 = vector.broadcast %parallel_loop3A_377 : i32 to vector<16xi32>
      %parallel_loop3A_379 = arith.shli %parallel_loop3A_372, %parallel_loop3A_378 : vector<16xi32>
      %parallel_loop3A_380 = tpu.bitcast %parallel_loop3A_379 : vector<16xi32> -> vector<16xf32>
      %parallel_loop3A_381 = arith.constant -65536 : i32
      %parallel_loop3A_382 = vector.broadcast %parallel_loop3A_381 : i32 to vector<16xi32>
      %parallel_loop3A_383 = arith.andi %parallel_loop3A_368, %parallel_loop3A_382 : vector<16xi32>
      %parallel_loop3A_384 = tpu.bitcast %parallel_loop3A_383 : vector<16xi32> -> vector<16xf32>
      %parallel_loop3A_385 = arith.constant -65536 : i32
      %parallel_loop3A_386 = vector.broadcast %parallel_loop3A_385 : i32 to vector<16xi32>
      %parallel_loop3A_387 = arith.andi %parallel_loop3A_372, %parallel_loop3A_386 : vector<16xi32>
      %parallel_loop3A_388 = tpu.bitcast %parallel_loop3A_387 : vector<16xi32> -> vector<16xf32>
      %parallel_loop3A_389 = arith.mulf %parallel_loop3A_80, %parallel_loop3A_376 : vector<16xf32>
      %parallel_loop3A_390 = arith.mulf %parallel_loop3A_84, %parallel_loop3A_380 : vector<16xf32>
      %parallel_loop3A_391 = arith.addf %parallel_loop3A_389, %parallel_loop3A_390 : vector<16xf32>
      %parallel_loop3A_392 = arith.index_cast %parallel_loop3A_74 : i32 to index
      %parallel_loop3A_393 = arith.constant 112 : index
      %parallel_loop3A_394 = tpu.vector_load %arg16[%parallel_loop3A_392, %parallel_loop3A_393] {strides = array<i32>} : memref<32x1024xf32, #tpu.memory_space<vmem>>, vector<1x16xf32>,
      %parallel_loop3A_395 = vector.shape_cast %parallel_loop3A_394 : vector<1x16xf32> to vector<16xf32>
      %parallel_loop3A_396 = vector.shape_cast %parallel_loop3A_391 : vector<16xf32> to vector<1x16xf32>
      tpu.vector_store %arg16[%parallel_loop3A_392, %parallel_loop3A_393], %parallel_loop3A_396 {strides = array<i32>} : memref<32x1024xf32, #tpu.memory_space<vmem>>, vector<1x16xf32>,
      %parallel_loop3A_397 = arith.mulf %parallel_loop3A_80, %parallel_loop3A_384 : vector<16xf32>
      %parallel_loop3A_398 = arith.mulf %parallel_loop3A_84, %parallel_loop3A_388 : vector<16xf32>
      %parallel_loop3A_399 = arith.addf %parallel_loop3A_397, %parallel_loop3A_398 : vector<16xf32>
      %parallel_loop3A_400 = arith.index_cast %parallel_loop3A_74 : i32 to index
      %parallel_loop3A_401 = arith.constant 624 : index
      %parallel_loop3A_402 = tpu.vector_load %arg16[%parallel_loop3A_400, %parallel_loop3A_401] {strides = array<i32>} : memref<32x1024xf32, #tpu.memory_space<vmem>>, vector<1x16xf32>,
      %parallel_loop3A_403 = vector.shape_cast %parallel_loop3A_402 : vector<1x16xf32> to vector<16xf32>
      %parallel_loop3A_404 = vector.shape_cast %parallel_loop3A_399 : vector<16xf32> to vector<1x16xf32>
      tpu.vector_store %arg16[%parallel_loop3A_400, %parallel_loop3A_401], %parallel_loop3A_404 {strides = array<i32>} : memref<32x1024xf32, #tpu.memory_space<vmem>>, vector<1x16xf32>,
      %parallel_loop3A_405 = arith.index_cast %parallel_loop3A_74 : i32 to index
      %parallel_loop3A_406 = arith.constant 128 : index
      %parallel_loop3A_407 = tpu.vector_load %arg12[%parallel_loop3A_405, %parallel_loop3A_406] {strides = array<i32>} : memref<32x512xi32, #tpu.memory_space<vmem>>, vector<1x16xi32>,
      %parallel_loop3A_408 = vector.shape_cast %parallel_loop3A_407 : vector<1x16xi32> to vector<16xi32>
      %parallel_loop3A_409 = arith.index_cast %parallel_loop3A_74 : i32 to index
      %parallel_loop3A_410 = arith.constant 128 : index
      %parallel_loop3A_411 = tpu.vector_load %arg13[%parallel_loop3A_409, %parallel_loop3A_410] {strides = array<i32>} : memref<32x512xi32, #tpu.memory_space<vmem>>, vector<1x16xi32>,
      %parallel_loop3A_412 = vector.shape_cast %parallel_loop3A_411 : vector<1x16xi32> to vector<16xi32>
      %parallel_loop3A_413 = arith.constant 16 : i32
      %parallel_loop3A_414 = vector.broadcast %parallel_loop3A_413 : i32 to vector<16xi32>
      %parallel_loop3A_415 = arith.shli %parallel_loop3A_408, %parallel_loop3A_414 : vector<16xi32>
      %parallel_loop3A_416 = tpu.bitcast %parallel_loop3A_415 : vector<16xi32> -> vector<16xf32>
      %parallel_loop3A_417 = arith.constant 16 : i32
      %parallel_loop3A_418 = vector.broadcast %parallel_loop3A_417 : i32 to vector<16xi32>
      %parallel_loop3A_419 = arith.shli %parallel_loop3A_412, %parallel_loop3A_418 : vector<16xi32>
      %parallel_loop3A_420 = tpu.bitcast %parallel_loop3A_419 : vector<16xi32> -> vector<16xf32>
      %parallel_loop3A_421 = arith.constant -65536 : i32
      %parallel_loop3A_422 = vector.broadcast %parallel_loop3A_421 : i32 to vector<16xi32>
      %parallel_loop3A_423 = arith.andi %parallel_loop3A_408, %parallel_loop3A_422 : vector<16xi32>
      %parallel_loop3A_424 = tpu.bitcast %parallel_loop3A_423 : vector<16xi32> -> vector<16xf32>
      %parallel_loop3A_425 = arith.constant -65536 : i32
      %parallel_loop3A_426 = vector.broadcast %parallel_loop3A_425 : i32 to vector<16xi32>
      %parallel_loop3A_427 = arith.andi %parallel_loop3A_412, %parallel_loop3A_426 : vector<16xi32>
      %parallel_loop3A_428 = tpu.bitcast %parallel_loop3A_427 : vector<16xi32> -> vector<16xf32>
      %parallel_loop3A_429 = arith.mulf %parallel_loop3A_80, %parallel_loop3A_416 : vector<16xf32>
      %parallel_loop3A_430 = arith.mulf %parallel_loop3A_84, %parallel_loop3A_420 : vector<16xf32>
      %parallel_loop3A_431 = arith.addf %parallel_loop3A_429, %parallel_loop3A_430 : vector<16xf32>
      %parallel_loop3A_432 = arith.index_cast %parallel_loop3A_74 : i32 to index
      %parallel_loop3A_433 = arith.constant 128 : index
      %parallel_loop3A_434 = tpu.vector_load %arg16[%parallel_loop3A_432, %parallel_loop3A_433] {strides = array<i32>} : memref<32x1024xf32, #tpu.memory_space<vmem>>, vector<1x16xf32>,
      %parallel_loop3A_435 = vector.shape_cast %parallel_loop3A_434 : vector<1x16xf32> to vector<16xf32>
      %parallel_loop3A_436 = vector.shape_cast %parallel_loop3A_431 : vector<16xf32> to vector<1x16xf32>
      tpu.vector_store %arg16[%parallel_loop3A_432, %parallel_loop3A_433], %parallel_loop3A_436 {strides = array<i32>} : memref<32x1024xf32, #tpu.memory_space<vmem>>, vector<1x16xf32>,
      %parallel_loop3A_437 = arith.mulf %parallel_loop3A_80, %parallel_loop3A_424 : vector<16xf32>
      %parallel_loop3A_438 = arith.mulf %parallel_loop3A_84, %parallel_loop3A_428 : vector<16xf32>
      %parallel_loop3A_439 = arith.addf %parallel_loop3A_437, %parallel_loop3A_438 : vector<16xf32>
      %parallel_loop3A_440 = arith.index_cast %parallel_loop3A_74 : i32 to index
      %parallel_loop3A_441 = arith.constant 640 : index
      %parallel_loop3A_442 = tpu.vector_load %arg16[%parallel_loop3A_440, %parallel_loop3A_441] {strides = array<i32>} : memref<32x1024xf32, #tpu.memory_space<vmem>>, vector<1x16xf32>,
      %parallel_loop3A_443 = vector.shape_cast %parallel_loop3A_442 : vector<1x16xf32> to vector<16xf32>
      %parallel_loop3A_444 = vector.shape_cast %parallel_loop3A_439 : vector<16xf32> to vector<1x16xf32>
      tpu.vector_store %arg16[%parallel_loop3A_440, %parallel_loop3A_441], %parallel_loop3A_444 {strides = array<i32>} : memref<32x1024xf32, #tpu.memory_space<vmem>>, vector<1x16xf32>,
      %parallel_loop3A_445 = arith.index_cast %parallel_loop3A_74 : i32 to index
      %parallel_loop3A_446 = arith.constant 144 : index
      %parallel_loop3A_447 = tpu.vector_load %arg12[%parallel_loop3A_445, %parallel_loop3A_446] {strides = array<i32>} : memref<32x512xi32, #tpu.memory_space<vmem>>, vector<1x16xi32>,
      %parallel_loop3A_448 = vector.shape_cast %parallel_loop3A_447 : vector<1x16xi32> to vector<16xi32>
      %parallel_loop3A_449 = arith.index_cast %parallel_loop3A_74 : i32 to index
      %parallel_loop3A_450 = arith.constant 144 : index
      %parallel_loop3A_451 = tpu.vector_load %arg13[%parallel_loop3A_449, %parallel_loop3A_450] {strides = array<i32>} : memref<32x512xi32, #tpu.memory_space<vmem>>, vector<1x16xi32>,
      %parallel_loop3A_452 = vector.shape_cast %parallel_loop3A_451 : vector<1x16xi32> to vector<16xi32>
      %parallel_loop3A_453 = arith.constant 16 : i32
      %parallel_loop3A_454 = vector.broadcast %parallel_loop3A_453 : i32 to vector<16xi32>
      %parallel_loop3A_455 = arith.shli %parallel_loop3A_448, %parallel_loop3A_454 : vector<16xi32>
      %parallel_loop3A_456 = tpu.bitcast %parallel_loop3A_455 : vector<16xi32> -> vector<16xf32>
      %parallel_loop3A_457 = arith.constant 16 : i32
      %parallel_loop3A_458 = vector.broadcast %parallel_loop3A_457 : i32 to vector<16xi32>
      %parallel_loop3A_459 = arith.shli %parallel_loop3A_452, %parallel_loop3A_458 : vector<16xi32>
      %parallel_loop3A_460 = tpu.bitcast %parallel_loop3A_459 : vector<16xi32> -> vector<16xf32>
      %parallel_loop3A_461 = arith.constant -65536 : i32
      %parallel_loop3A_462 = vector.broadcast %parallel_loop3A_461 : i32 to vector<16xi32>
      %parallel_loop3A_463 = arith.andi %parallel_loop3A_448, %parallel_loop3A_462 : vector<16xi32>
      %parallel_loop3A_464 = tpu.bitcast %parallel_loop3A_463 : vector<16xi32> -> vector<16xf32>
      %parallel_loop3A_465 = arith.constant -65536 : i32
      %parallel_loop3A_466 = vector.broadcast %parallel_loop3A_465 : i32 to vector<16xi32>
      %parallel_loop3A_467 = arith.andi %parallel_loop3A_452, %parallel_loop3A_466 : vector<16xi32>
      %parallel_loop3A_468 = tpu.bitcast %parallel_loop3A_467 : vector<16xi32> -> vector<16xf32>
      %parallel_loop3A_469 = arith.mulf %parallel_loop3A_80, %parallel_loop3A_456 : vector<16xf32>
      %parallel_loop3A_470 = arith.mulf %parallel_loop3A_84, %parallel_loop3A_460 : vector<16xf32>
      %parallel_loop3A_471 = arith.addf %parallel_loop3A_469, %parallel_loop3A_470 : vector<16xf32>
      %parallel_loop3A_472 = arith.index_cast %parallel_loop3A_74 : i32 to index
      %parallel_loop3A_473 = arith.constant 144 : index
      %parallel_loop3A_474 = tpu.vector_load %arg16[%parallel_loop3A_472, %parallel_loop3A_473] {strides = array<i32>} : memref<32x1024xf32, #tpu.memory_space<vmem>>, vector<1x16xf32>,
      %parallel_loop3A_475 = vector.shape_cast %parallel_loop3A_474 : vector<1x16xf32> to vector<16xf32>
      %parallel_loop3A_476 = vector.shape_cast %parallel_loop3A_471 : vector<16xf32> to vector<1x16xf32>
      tpu.vector_store %arg16[%parallel_loop3A_472, %parallel_loop3A_473], %parallel_loop3A_476 {strides = array<i32>} : memref<32x1024xf32, #tpu.memory_space<vmem>>, vector<1x16xf32>,
      %parallel_loop3A_477 = arith.mulf %parallel_loop3A_80, %parallel_loop3A_464 : vector<16xf32>
      %parallel_loop3A_478 = arith.mulf %parallel_loop3A_84, %parallel_loop3A_468 : vector<16xf32>
      %parallel_loop3A_479 = arith.addf %parallel_loop3A_477, %parallel_loop3A_478 : vector<16xf32>
      %parallel_loop3A_480 = arith.index_cast %parallel_loop3A_74 : i32 to index
      %parallel_loop3A_481 = arith.constant 656 : index
      %parallel_loop3A_482 = tpu.vector_load %arg16[%parallel_loop3A_480, %parallel_loop3A_481] {strides = array<i32>} : memref<32x1024xf32, #tpu.memory_space<vmem>>, vector<1x16xf32>,
      %parallel_loop3A_483 = vector.shape_cast %parallel_loop3A_482 : vector<1x16xf32> to vector<16xf32>
      %parallel_loop3A_484 = vector.shape_cast %parallel_loop3A_479 : vector<16xf32> to vector<1x16xf32>
      tpu.vector_store %arg16[%parallel_loop3A_480, %parallel_loop3A_481], %parallel_loop3A_484 {strides = array<i32>} : memref<32x1024xf32, #tpu.memory_space<vmem>>, vector<1x16xf32>,
      %parallel_loop3A_485 = arith.index_cast %parallel_loop3A_74 : i32 to index
      %parallel_loop3A_486 = arith.constant 160 : index
      %parallel_loop3A_487 = tpu.vector_load %arg12[%parallel_loop3A_485, %parallel_loop3A_486] {strides = array<i32>} : memref<32x512xi32, #tpu.memory_space<vmem>>, vector<1x16xi32>,
      %parallel_loop3A_488 = vector.shape_cast %parallel_loop3A_487 : vector<1x16xi32> to vector<16xi32>
      %parallel_loop3A_489 = arith.index_cast %parallel_loop3A_74 : i32 to index
      %parallel_loop3A_490 = arith.constant 160 : index
      %parallel_loop3A_491 = tpu.vector_load %arg13[%parallel_loop3A_489, %parallel_loop3A_490] {strides = array<i32>} : memref<32x512xi32, #tpu.memory_space<vmem>>, vector<1x16xi32>,
      %parallel_loop3A_492 = vector.shape_cast %parallel_loop3A_491 : vector<1x16xi32> to vector<16xi32>
      %parallel_loop3A_493 = arith.constant 16 : i32
      %parallel_loop3A_494 = vector.broadcast %parallel_loop3A_493 : i32 to vector<16xi32>
      %parallel_loop3A_495 = arith.shli %parallel_loop3A_488, %parallel_loop3A_494 : vector<16xi32>
      %parallel_loop3A_496 = tpu.bitcast %parallel_loop3A_495 : vector<16xi32> -> vector<16xf32>
      %parallel_loop3A_497 = arith.constant 16 : i32
      %parallel_loop3A_498 = vector.broadcast %parallel_loop3A_497 : i32 to vector<16xi32>
      %parallel_loop3A_499 = arith.shli %parallel_loop3A_492, %parallel_loop3A_498 : vector<16xi32>
      %parallel_loop3A_500 = tpu.bitcast %parallel_loop3A_499 : vector<16xi32> -> vector<16xf32>
      %parallel_loop3A_501 = arith.constant -65536 : i32
      %parallel_loop3A_502 = vector.broadcast %parallel_loop3A_501 : i32 to vector<16xi32>
      %parallel_loop3A_503 = arith.andi %parallel_loop3A_488, %parallel_loop3A_502 : vector<16xi32>
      %parallel_loop3A_504 = tpu.bitcast %parallel_loop3A_503 : vector<16xi32> -> vector<16xf32>
      %parallel_loop3A_505 = arith.constant -65536 : i32
      %parallel_loop3A_506 = vector.broadcast %parallel_loop3A_505 : i32 to vector<16xi32>
      %parallel_loop3A_507 = arith.andi %parallel_loop3A_492, %parallel_loop3A_506 : vector<16xi32>
      %parallel_loop3A_508 = tpu.bitcast %parallel_loop3A_507 : vector<16xi32> -> vector<16xf32>
      %parallel_loop3A_509 = arith.mulf %parallel_loop3A_80, %parallel_loop3A_496 : vector<16xf32>
      %parallel_loop3A_510 = arith.mulf %parallel_loop3A_84, %parallel_loop3A_500 : vector<16xf32>
      %parallel_loop3A_511 = arith.addf %parallel_loop3A_509, %parallel_loop3A_510 : vector<16xf32>
      %parallel_loop3A_512 = arith.index_cast %parallel_loop3A_74 : i32 to index
      %parallel_loop3A_513 = arith.constant 160 : index
      %parallel_loop3A_514 = tpu.vector_load %arg16[%parallel_loop3A_512, %parallel_loop3A_513] {strides = array<i32>} : memref<32x1024xf32, #tpu.memory_space<vmem>>, vector<1x16xf32>,
      %parallel_loop3A_515 = vector.shape_cast %parallel_loop3A_514 : vector<1x16xf32> to vector<16xf32>
      %parallel_loop3A_516 = vector.shape_cast %parallel_loop3A_511 : vector<16xf32> to vector<1x16xf32>
      tpu.vector_store %arg16[%parallel_loop3A_512, %parallel_loop3A_513], %parallel_loop3A_516 {strides = array<i32>} : memref<32x1024xf32, #tpu.memory_space<vmem>>, vector<1x16xf32>,
      %parallel_loop3A_517 = arith.mulf %parallel_loop3A_80, %parallel_loop3A_504 : vector<16xf32>
      %parallel_loop3A_518 = arith.mulf %parallel_loop3A_84, %parallel_loop3A_508 : vector<16xf32>
      %parallel_loop3A_519 = arith.addf %parallel_loop3A_517, %parallel_loop3A_518 : vector<16xf32>
      %parallel_loop3A_520 = arith.index_cast %parallel_loop3A_74 : i32 to index
      %parallel_loop3A_521 = arith.constant 672 : index
      %parallel_loop3A_522 = tpu.vector_load %arg16[%parallel_loop3A_520, %parallel_loop3A_521] {strides = array<i32>} : memref<32x1024xf32, #tpu.memory_space<vmem>>, vector<1x16xf32>,
      %parallel_loop3A_523 = vector.shape_cast %parallel_loop3A_522 : vector<1x16xf32> to vector<16xf32>
      %parallel_loop3A_524 = vector.shape_cast %parallel_loop3A_519 : vector<16xf32> to vector<1x16xf32>
      tpu.vector_store %arg16[%parallel_loop3A_520, %parallel_loop3A_521], %parallel_loop3A_524 {strides = array<i32>} : memref<32x1024xf32, #tpu.memory_space<vmem>>, vector<1x16xf32>,
      %parallel_loop3A_525 = arith.index_cast %parallel_loop3A_74 : i32 to index
      %parallel_loop3A_526 = arith.constant 176 : index
      %parallel_loop3A_527 = tpu.vector_load %arg12[%parallel_loop3A_525, %parallel_loop3A_526] {strides = array<i32>} : memref<32x512xi32, #tpu.memory_space<vmem>>, vector<1x16xi32>,
      %parallel_loop3A_528 = vector.shape_cast %parallel_loop3A_527 : vector<1x16xi32> to vector<16xi32>
      %parallel_loop3A_529 = arith.index_cast %parallel_loop3A_74 : i32 to index
      %parallel_loop3A_530 = arith.constant 176 : index
      %parallel_loop3A_531 = tpu.vector_load %arg13[%parallel_loop3A_529, %parallel_loop3A_530] {strides = array<i32>} : memref<32x512xi32, #tpu.memory_space<vmem>>, vector<1x16xi32>,
      %parallel_loop3A_532 = vector.shape_cast %parallel_loop3A_531 : vector<1x16xi32> to vector<16xi32>
      %parallel_loop3A_533 = arith.constant 16 : i32
      %parallel_loop3A_534 = vector.broadcast %parallel_loop3A_533 : i32 to vector<16xi32>
      %parallel_loop3A_535 = arith.shli %parallel_loop3A_528, %parallel_loop3A_534 : vector<16xi32>
      %parallel_loop3A_536 = tpu.bitcast %parallel_loop3A_535 : vector<16xi32> -> vector<16xf32>
      %parallel_loop3A_537 = arith.constant 16 : i32
      %parallel_loop3A_538 = vector.broadcast %parallel_loop3A_537 : i32 to vector<16xi32>
      %parallel_loop3A_539 = arith.shli %parallel_loop3A_532, %parallel_loop3A_538 : vector<16xi32>
      %parallel_loop3A_540 = tpu.bitcast %parallel_loop3A_539 : vector<16xi32> -> vector<16xf32>
      %parallel_loop3A_541 = arith.constant -65536 : i32
      %parallel_loop3A_542 = vector.broadcast %parallel_loop3A_541 : i32 to vector<16xi32>
      %parallel_loop3A_543 = arith.andi %parallel_loop3A_528, %parallel_loop3A_542 : vector<16xi32>
      %parallel_loop3A_544 = tpu.bitcast %parallel_loop3A_543 : vector<16xi32> -> vector<16xf32>
      %parallel_loop3A_545 = arith.constant -65536 : i32
      %parallel_loop3A_546 = vector.broadcast %parallel_loop3A_545 : i32 to vector<16xi32>
      %parallel_loop3A_547 = arith.andi %parallel_loop3A_532, %parallel_loop3A_546 : vector<16xi32>
      %parallel_loop3A_548 = tpu.bitcast %parallel_loop3A_547 : vector<16xi32> -> vector<16xf32>
      %parallel_loop3A_549 = arith.mulf %parallel_loop3A_80, %parallel_loop3A_536 : vector<16xf32>
      %parallel_loop3A_550 = arith.mulf %parallel_loop3A_84, %parallel_loop3A_540 : vector<16xf32>
      %parallel_loop3A_551 = arith.addf %parallel_loop3A_549, %parallel_loop3A_550 : vector<16xf32>
      %parallel_loop3A_552 = arith.index_cast %parallel_loop3A_74 : i32 to index
      %parallel_loop3A_553 = arith.constant 176 : index
      %parallel_loop3A_554 = tpu.vector_load %arg16[%parallel_loop3A_552, %parallel_loop3A_553] {strides = array<i32>} : memref<32x1024xf32, #tpu.memory_space<vmem>>, vector<1x16xf32>,
      %parallel_loop3A_555 = vector.shape_cast %parallel_loop3A_554 : vector<1x16xf32> to vector<16xf32>
      %parallel_loop3A_556 = vector.shape_cast %parallel_loop3A_551 : vector<16xf32> to vector<1x16xf32>
      tpu.vector_store %arg16[%parallel_loop3A_552, %parallel_loop3A_553], %parallel_loop3A_556 {strides = array<i32>} : memref<32x1024xf32, #tpu.memory_space<vmem>>, vector<1x16xf32>,
      %parallel_loop3A_557 = arith.mulf %parallel_loop3A_80, %parallel_loop3A_544 : vector<16xf32>
      %parallel_loop3A_558 = arith.mulf %parallel_loop3A_84, %parallel_loop3A_548 : vector<16xf32>
      %parallel_loop3A_559 = arith.addf %parallel_loop3A_557, %parallel_loop3A_558 : vector<16xf32>
      %parallel_loop3A_560 = arith.index_cast %parallel_loop3A_74 : i32 to index
      %parallel_loop3A_561 = arith.constant 688 : index
      %parallel_loop3A_562 = tpu.vector_load %arg16[%parallel_loop3A_560, %parallel_loop3A_561] {strides = array<i32>} : memref<32x1024xf32, #tpu.memory_space<vmem>>, vector<1x16xf32>,
      %parallel_loop3A_563 = vector.shape_cast %parallel_loop3A_562 : vector<1x16xf32> to vector<16xf32>
      %parallel_loop3A_564 = vector.shape_cast %parallel_loop3A_559 : vector<16xf32> to vector<1x16xf32>
      tpu.vector_store %arg16[%parallel_loop3A_560, %parallel_loop3A_561], %parallel_loop3A_564 {strides = array<i32>} : memref<32x1024xf32, #tpu.memory_space<vmem>>, vector<1x16xf32>,
      %parallel_loop3A_565 = arith.index_cast %parallel_loop3A_74 : i32 to index
      %parallel_loop3A_566 = arith.constant 192 : index
      %parallel_loop3A_567 = tpu.vector_load %arg12[%parallel_loop3A_565, %parallel_loop3A_566] {strides = array<i32>} : memref<32x512xi32, #tpu.memory_space<vmem>>, vector<1x16xi32>,
      %parallel_loop3A_568 = vector.shape_cast %parallel_loop3A_567 : vector<1x16xi32> to vector<16xi32>
      %parallel_loop3A_569 = arith.index_cast %parallel_loop3A_74 : i32 to index
      %parallel_loop3A_570 = arith.constant 192 : index
      %parallel_loop3A_571 = tpu.vector_load %arg13[%parallel_loop3A_569, %parallel_loop3A_570] {strides = array<i32>} : memref<32x512xi32, #tpu.memory_space<vmem>>, vector<1x16xi32>,
      %parallel_loop3A_572 = vector.shape_cast %parallel_loop3A_571 : vector<1x16xi32> to vector<16xi32>
      %parallel_loop3A_573 = arith.constant 16 : i32
      %parallel_loop3A_574 = vector.broadcast %parallel_loop3A_573 : i32 to vector<16xi32>
      %parallel_loop3A_575 = arith.shli %parallel_loop3A_568, %parallel_loop3A_574 : vector<16xi32>
      %parallel_loop3A_576 = tpu.bitcast %parallel_loop3A_575 : vector<16xi32> -> vector<16xf32>
      %parallel_loop3A_577 = arith.constant 16 : i32
      %parallel_loop3A_578 = vector.broadcast %parallel_loop3A_577 : i32 to vector<16xi32>
      %parallel_loop3A_579 = arith.shli %parallel_loop3A_572, %parallel_loop3A_578 : vector<16xi32>
      %parallel_loop3A_580 = tpu.bitcast %parallel_loop3A_579 : vector<16xi32> -> vector<16xf32>
      %parallel_loop3A_581 = arith.constant -65536 : i32
      %parallel_loop3A_582 = vector.broadcast %parallel_loop3A_581 : i32 to vector<16xi32>
      %parallel_loop3A_583 = arith.andi %parallel_loop3A_568, %parallel_loop3A_582 : vector<16xi32>
      %parallel_loop3A_584 = tpu.bitcast %parallel_loop3A_583 : vector<16xi32> -> vector<16xf32>
      %parallel_loop3A_585 = arith.constant -65536 : i32
      %parallel_loop3A_586 = vector.broadcast %parallel_loop3A_585 : i32 to vector<16xi32>
      %parallel_loop3A_587 = arith.andi %parallel_loop3A_572, %parallel_loop3A_586 : vector<16xi32>
      %parallel_loop3A_588 = tpu.bitcast %parallel_loop3A_587 : vector<16xi32> -> vector<16xf32>
      %parallel_loop3A_589 = arith.mulf %parallel_loop3A_80, %parallel_loop3A_576 : vector<16xf32>
      %parallel_loop3A_590 = arith.mulf %parallel_loop3A_84, %parallel_loop3A_580 : vector<16xf32>
      %parallel_loop3A_591 = arith.addf %parallel_loop3A_589, %parallel_loop3A_590 : vector<16xf32>
      %parallel_loop3A_592 = arith.index_cast %parallel_loop3A_74 : i32 to index
      %parallel_loop3A_593 = arith.constant 192 : index
      %parallel_loop3A_594 = tpu.vector_load %arg16[%parallel_loop3A_592, %parallel_loop3A_593] {strides = array<i32>} : memref<32x1024xf32, #tpu.memory_space<vmem>>, vector<1x16xf32>,
      %parallel_loop3A_595 = vector.shape_cast %parallel_loop3A_594 : vector<1x16xf32> to vector<16xf32>
      %parallel_loop3A_596 = vector.shape_cast %parallel_loop3A_591 : vector<16xf32> to vector<1x16xf32>
      tpu.vector_store %arg16[%parallel_loop3A_592, %parallel_loop3A_593], %parallel_loop3A_596 {strides = array<i32>} : memref<32x1024xf32, #tpu.memory_space<vmem>>, vector<1x16xf32>,
      %parallel_loop3A_597 = arith.mulf %parallel_loop3A_80, %parallel_loop3A_584 : vector<16xf32>
      %parallel_loop3A_598 = arith.mulf %parallel_loop3A_84, %parallel_loop3A_588 : vector<16xf32>
      %parallel_loop3A_599 = arith.addf %parallel_loop3A_597, %parallel_loop3A_598 : vector<16xf32>
      %parallel_loop3A_600 = arith.index_cast %parallel_loop3A_74 : i32 to index
      %parallel_loop3A_601 = arith.constant 704 : index
      %parallel_loop3A_602 = tpu.vector_load %arg16[%parallel_loop3A_600, %parallel_loop3A_601] {strides = array<i32>} : memref<32x1024xf32, #tpu.memory_space<vmem>>, vector<1x16xf32>,
      %parallel_loop3A_603 = vector.shape_cast %parallel_loop3A_602 : vector<1x16xf32> to vector<16xf32>
      %parallel_loop3A_604 = vector.shape_cast %parallel_loop3A_599 : vector<16xf32> to vector<1x16xf32>
      tpu.vector_store %arg16[%parallel_loop3A_600, %parallel_loop3A_601], %parallel_loop3A_604 {strides = array<i32>} : memref<32x1024xf32, #tpu.memory_space<vmem>>, vector<1x16xf32>,
      %parallel_loop3A_605 = arith.index_cast %parallel_loop3A_74 : i32 to index
      %parallel_loop3A_606 = arith.constant 208 : index
      %parallel_loop3A_607 = tpu.vector_load %arg12[%parallel_loop3A_605, %parallel_loop3A_606] {strides = array<i32>} : memref<32x512xi32, #tpu.memory_space<vmem>>, vector<1x16xi32>,
      %parallel_loop3A_608 = vector.shape_cast %parallel_loop3A_607 : vector<1x16xi32> to vector<16xi32>
      %parallel_loop3A_609 = arith.index_cast %parallel_loop3A_74 : i32 to index
      %parallel_loop3A_610 = arith.constant 208 : index
      %parallel_loop3A_611 = tpu.vector_load %arg13[%parallel_loop3A_609, %parallel_loop3A_610] {strides = array<i32>} : memref<32x512xi32, #tpu.memory_space<vmem>>, vector<1x16xi32>,
      %parallel_loop3A_612 = vector.shape_cast %parallel_loop3A_611 : vector<1x16xi32> to vector<16xi32>
      %parallel_loop3A_613 = arith.constant 16 : i32
      %parallel_loop3A_614 = vector.broadcast %parallel_loop3A_613 : i32 to vector<16xi32>
      %parallel_loop3A_615 = arith.shli %parallel_loop3A_608, %parallel_loop3A_614 : vector<16xi32>
      %parallel_loop3A_616 = tpu.bitcast %parallel_loop3A_615 : vector<16xi32> -> vector<16xf32>
      %parallel_loop3A_617 = arith.constant 16 : i32
      %parallel_loop3A_618 = vector.broadcast %parallel_loop3A_617 : i32 to vector<16xi32>
      %parallel_loop3A_619 = arith.shli %parallel_loop3A_612, %parallel_loop3A_618 : vector<16xi32>
      %parallel_loop3A_620 = tpu.bitcast %parallel_loop3A_619 : vector<16xi32> -> vector<16xf32>
      %parallel_loop3A_621 = arith.constant -65536 : i32
      %parallel_loop3A_622 = vector.broadcast %parallel_loop3A_621 : i32 to vector<16xi32>
      %parallel_loop3A_623 = arith.andi %parallel_loop3A_608, %parallel_loop3A_622 : vector<16xi32>
      %parallel_loop3A_624 = tpu.bitcast %parallel_loop3A_623 : vector<16xi32> -> vector<16xf32>
      %parallel_loop3A_625 = arith.constant -65536 : i32
      %parallel_loop3A_626 = vector.broadcast %parallel_loop3A_625 : i32 to vector<16xi32>
      %parallel_loop3A_627 = arith.andi %parallel_loop3A_612, %parallel_loop3A_626 : vector<16xi32>
      %parallel_loop3A_628 = tpu.bitcast %parallel_loop3A_627 : vector<16xi32> -> vector<16xf32>
      %parallel_loop3A_629 = arith.mulf %parallel_loop3A_80, %parallel_loop3A_616 : vector<16xf32>
      %parallel_loop3A_630 = arith.mulf %parallel_loop3A_84, %parallel_loop3A_620 : vector<16xf32>
      %parallel_loop3A_631 = arith.addf %parallel_loop3A_629, %parallel_loop3A_630 : vector<16xf32>
      %parallel_loop3A_632 = arith.index_cast %parallel_loop3A_74 : i32 to index
      %parallel_loop3A_633 = arith.constant 208 : index
      %parallel_loop3A_634 = tpu.vector_load %arg16[%parallel_loop3A_632, %parallel_loop3A_633] {strides = array<i32>} : memref<32x1024xf32, #tpu.memory_space<vmem>>, vector<1x16xf32>,
      %parallel_loop3A_635 = vector.shape_cast %parallel_loop3A_634 : vector<1x16xf32> to vector<16xf32>
      %parallel_loop3A_636 = vector.shape_cast %parallel_loop3A_631 : vector<16xf32> to vector<1x16xf32>
      tpu.vector_store %arg16[%parallel_loop3A_632, %parallel_loop3A_633], %parallel_loop3A_636 {strides = array<i32>} : memref<32x1024xf32, #tpu.memory_space<vmem>>, vector<1x16xf32>,
      %parallel_loop3A_637 = arith.mulf %parallel_loop3A_80, %parallel_loop3A_624 : vector<16xf32>
      %parallel_loop3A_638 = arith.mulf %parallel_loop3A_84, %parallel_loop3A_628 : vector<16xf32>
      %parallel_loop3A_639 = arith.addf %parallel_loop3A_637, %parallel_loop3A_638 : vector<16xf32>
      %parallel_loop3A_640 = arith.index_cast %parallel_loop3A_74 : i32 to index
      %parallel_loop3A_641 = arith.constant 720 : index
      %parallel_loop3A_642 = tpu.vector_load %arg16[%parallel_loop3A_640, %parallel_loop3A_641] {strides = array<i32>} : memref<32x1024xf32, #tpu.memory_space<vmem>>, vector<1x16xf32>,
      %parallel_loop3A_643 = vector.shape_cast %parallel_loop3A_642 : vector<1x16xf32> to vector<16xf32>
      %parallel_loop3A_644 = vector.shape_cast %parallel_loop3A_639 : vector<16xf32> to vector<1x16xf32>
      tpu.vector_store %arg16[%parallel_loop3A_640, %parallel_loop3A_641], %parallel_loop3A_644 {strides = array<i32>} : memref<32x1024xf32, #tpu.memory_space<vmem>>, vector<1x16xf32>,
      %parallel_loop3A_645 = arith.index_cast %parallel_loop3A_74 : i32 to index
      %parallel_loop3A_646 = arith.constant 224 : index
      %parallel_loop3A_647 = tpu.vector_load %arg12[%parallel_loop3A_645, %parallel_loop3A_646] {strides = array<i32>} : memref<32x512xi32, #tpu.memory_space<vmem>>, vector<1x16xi32>,
      %parallel_loop3A_648 = vector.shape_cast %parallel_loop3A_647 : vector<1x16xi32> to vector<16xi32>
      %parallel_loop3A_649 = arith.index_cast %parallel_loop3A_74 : i32 to index
      %parallel_loop3A_650 = arith.constant 224 : index
      %parallel_loop3A_651 = tpu.vector_load %arg13[%parallel_loop3A_649, %parallel_loop3A_650] {strides = array<i32>} : memref<32x512xi32, #tpu.memory_space<vmem>>, vector<1x16xi32>,
      %parallel_loop3A_652 = vector.shape_cast %parallel_loop3A_651 : vector<1x16xi32> to vector<16xi32>
      %parallel_loop3A_653 = arith.constant 16 : i32
      %parallel_loop3A_654 = vector.broadcast %parallel_loop3A_653 : i32 to vector<16xi32>
      %parallel_loop3A_655 = arith.shli %parallel_loop3A_648, %parallel_loop3A_654 : vector<16xi32>
      %parallel_loop3A_656 = tpu.bitcast %parallel_loop3A_655 : vector<16xi32> -> vector<16xf32>
      %parallel_loop3A_657 = arith.constant 16 : i32
      %parallel_loop3A_658 = vector.broadcast %parallel_loop3A_657 : i32 to vector<16xi32>
      %parallel_loop3A_659 = arith.shli %parallel_loop3A_652, %parallel_loop3A_658 : vector<16xi32>
      %parallel_loop3A_660 = tpu.bitcast %parallel_loop3A_659 : vector<16xi32> -> vector<16xf32>
      %parallel_loop3A_661 = arith.constant -65536 : i32
      %parallel_loop3A_662 = vector.broadcast %parallel_loop3A_661 : i32 to vector<16xi32>
      %parallel_loop3A_663 = arith.andi %parallel_loop3A_648, %parallel_loop3A_662 : vector<16xi32>
      %parallel_loop3A_664 = tpu.bitcast %parallel_loop3A_663 : vector<16xi32> -> vector<16xf32>
      %parallel_loop3A_665 = arith.constant -65536 : i32
      %parallel_loop3A_666 = vector.broadcast %parallel_loop3A_665 : i32 to vector<16xi32>
      %parallel_loop3A_667 = arith.andi %parallel_loop3A_652, %parallel_loop3A_666 : vector<16xi32>
      %parallel_loop3A_668 = tpu.bitcast %parallel_loop3A_667 : vector<16xi32> -> vector<16xf32>
      %parallel_loop3A_669 = arith.mulf %parallel_loop3A_80, %parallel_loop3A_656 : vector<16xf32>
      %parallel_loop3A_670 = arith.mulf %parallel_loop3A_84, %parallel_loop3A_660 : vector<16xf32>
      %parallel_loop3A_671 = arith.addf %parallel_loop3A_669, %parallel_loop3A_670 : vector<16xf32>
      %parallel_loop3A_672 = arith.index_cast %parallel_loop3A_74 : i32 to index
      %parallel_loop3A_673 = arith.constant 224 : index
      %parallel_loop3A_674 = tpu.vector_load %arg16[%parallel_loop3A_672, %parallel_loop3A_673] {strides = array<i32>} : memref<32x1024xf32, #tpu.memory_space<vmem>>, vector<1x16xf32>,
      %parallel_loop3A_675 = vector.shape_cast %parallel_loop3A_674 : vector<1x16xf32> to vector<16xf32>
      %parallel_loop3A_676 = vector.shape_cast %parallel_loop3A_671 : vector<16xf32> to vector<1x16xf32>
      tpu.vector_store %arg16[%parallel_loop3A_672, %parallel_loop3A_673], %parallel_loop3A_676 {strides = array<i32>} : memref<32x1024xf32, #tpu.memory_space<vmem>>, vector<1x16xf32>,
      %parallel_loop3A_677 = arith.mulf %parallel_loop3A_80, %parallel_loop3A_664 : vector<16xf32>
      %parallel_loop3A_678 = arith.mulf %parallel_loop3A_84, %parallel_loop3A_668 : vector<16xf32>
      %parallel_loop3A_679 = arith.addf %parallel_loop3A_677, %parallel_loop3A_678 : vector<16xf32>
      %parallel_loop3A_680 = arith.index_cast %parallel_loop3A_74 : i32 to index
      %parallel_loop3A_681 = arith.constant 736 : index
      %parallel_loop3A_682 = tpu.vector_load %arg16[%parallel_loop3A_680, %parallel_loop3A_681] {strides = array<i32>} : memref<32x1024xf32, #tpu.memory_space<vmem>>, vector<1x16xf32>,
      %parallel_loop3A_683 = vector.shape_cast %parallel_loop3A_682 : vector<1x16xf32> to vector<16xf32>
      %parallel_loop3A_684 = vector.shape_cast %parallel_loop3A_679 : vector<16xf32> to vector<1x16xf32>
      tpu.vector_store %arg16[%parallel_loop3A_680, %parallel_loop3A_681], %parallel_loop3A_684 {strides = array<i32>} : memref<32x1024xf32, #tpu.memory_space<vmem>>, vector<1x16xf32>,
      %parallel_loop3A_685 = arith.index_cast %parallel_loop3A_74 : i32 to index
      %parallel_loop3A_686 = arith.constant 240 : index
      %parallel_loop3A_687 = tpu.vector_load %arg12[%parallel_loop3A_685, %parallel_loop3A_686] {strides = array<i32>} : memref<32x512xi32, #tpu.memory_space<vmem>>, vector<1x16xi32>,
      %parallel_loop3A_688 = vector.shape_cast %parallel_loop3A_687 : vector<1x16xi32> to vector<16xi32>
      %parallel_loop3A_689 = arith.index_cast %parallel_loop3A_74 : i32 to index
      %parallel_loop3A_690 = arith.constant 240 : index
      %parallel_loop3A_691 = tpu.vector_load %arg13[%parallel_loop3A_689, %parallel_loop3A_690] {strides = array<i32>} : memref<32x512xi32, #tpu.memory_space<vmem>>, vector<1x16xi32>,
      %parallel_loop3A_692 = vector.shape_cast %parallel_loop3A_691 : vector<1x16xi32> to vector<16xi32>
      %parallel_loop3A_693 = arith.constant 16 : i32
      %parallel_loop3A_694 = vector.broadcast %parallel_loop3A_693 : i32 to vector<16xi32>
      %parallel_loop3A_695 = arith.shli %parallel_loop3A_688, %parallel_loop3A_694 : vector<16xi32>
      %parallel_loop3A_696 = tpu.bitcast %parallel_loop3A_695 : vector<16xi32> -> vector<16xf32>
      %parallel_loop3A_697 = arith.constant 16 : i32
      %parallel_loop3A_698 = vector.broadcast %parallel_loop3A_697 : i32 to vector<16xi32>
      %parallel_loop3A_699 = arith.shli %parallel_loop3A_692, %parallel_loop3A_698 : vector<16xi32>
      %parallel_loop3A_700 = tpu.bitcast %parallel_loop3A_699 : vector<16xi32> -> vector<16xf32>
      %parallel_loop3A_701 = arith.constant -65536 : i32
      %parallel_loop3A_702 = vector.broadcast %parallel_loop3A_701 : i32 to vector<16xi32>
      %parallel_loop3A_703 = arith.andi %parallel_loop3A_688, %parallel_loop3A_702 : vector<16xi32>
      %parallel_loop3A_704 = tpu.bitcast %parallel_loop3A_703 : vector<16xi32> -> vector<16xf32>
      %parallel_loop3A_705 = arith.constant -65536 : i32
      %parallel_loop3A_706 = vector.broadcast %parallel_loop3A_705 : i32 to vector<16xi32>
      %parallel_loop3A_707 = arith.andi %parallel_loop3A_692, %parallel_loop3A_706 : vector<16xi32>
      %parallel_loop3A_708 = tpu.bitcast %parallel_loop3A_707 : vector<16xi32> -> vector<16xf32>
      %parallel_loop3A_709 = arith.mulf %parallel_loop3A_80, %parallel_loop3A_696 : vector<16xf32>
      %parallel_loop3A_710 = arith.mulf %parallel_loop3A_84, %parallel_loop3A_700 : vector<16xf32>
      %parallel_loop3A_711 = arith.addf %parallel_loop3A_709, %parallel_loop3A_710 : vector<16xf32>
      %parallel_loop3A_712 = arith.index_cast %parallel_loop3A_74 : i32 to index
      %parallel_loop3A_713 = arith.constant 240 : index
      %parallel_loop3A_714 = tpu.vector_load %arg16[%parallel_loop3A_712, %parallel_loop3A_713] {strides = array<i32>} : memref<32x1024xf32, #tpu.memory_space<vmem>>, vector<1x16xf32>,
      %parallel_loop3A_715 = vector.shape_cast %parallel_loop3A_714 : vector<1x16xf32> to vector<16xf32>
      %parallel_loop3A_716 = vector.shape_cast %parallel_loop3A_711 : vector<16xf32> to vector<1x16xf32>
      tpu.vector_store %arg16[%parallel_loop3A_712, %parallel_loop3A_713], %parallel_loop3A_716 {strides = array<i32>} : memref<32x1024xf32, #tpu.memory_space<vmem>>, vector<1x16xf32>,
      %parallel_loop3A_717 = arith.mulf %parallel_loop3A_80, %parallel_loop3A_704 : vector<16xf32>
      %parallel_loop3A_718 = arith.mulf %parallel_loop3A_84, %parallel_loop3A_708 : vector<16xf32>
      %parallel_loop3A_719 = arith.addf %parallel_loop3A_717, %parallel_loop3A_718 : vector<16xf32>
      %parallel_loop3A_720 = arith.index_cast %parallel_loop3A_74 : i32 to index
      %parallel_loop3A_721 = arith.constant 752 : index
      %parallel_loop3A_722 = tpu.vector_load %arg16[%parallel_loop3A_720, %parallel_loop3A_721] {strides = array<i32>} : memref<32x1024xf32, #tpu.memory_space<vmem>>, vector<1x16xf32>,
      %parallel_loop3A_723 = vector.shape_cast %parallel_loop3A_722 : vector<1x16xf32> to vector<16xf32>
      %parallel_loop3A_724 = vector.shape_cast %parallel_loop3A_719 : vector<16xf32> to vector<1x16xf32>
      tpu.vector_store %arg16[%parallel_loop3A_720, %parallel_loop3A_721], %parallel_loop3A_724 {strides = array<i32>} : memref<32x1024xf32, #tpu.memory_space<vmem>>, vector<1x16xf32>,
      %parallel_loop3A_725 = arith.index_cast %parallel_loop3A_74 : i32 to index
      %parallel_loop3A_726 = arith.constant 256 : index
      %parallel_loop3A_727 = tpu.vector_load %arg12[%parallel_loop3A_725, %parallel_loop3A_726] {strides = array<i32>} : memref<32x512xi32, #tpu.memory_space<vmem>>, vector<1x16xi32>,
      %parallel_loop3A_728 = vector.shape_cast %parallel_loop3A_727 : vector<1x16xi32> to vector<16xi32>
      %parallel_loop3A_729 = arith.index_cast %parallel_loop3A_74 : i32 to index
      %parallel_loop3A_730 = arith.constant 256 : index
      %parallel_loop3A_731 = tpu.vector_load %arg13[%parallel_loop3A_729, %parallel_loop3A_730] {strides = array<i32>} : memref<32x512xi32, #tpu.memory_space<vmem>>, vector<1x16xi32>,
      %parallel_loop3A_732 = vector.shape_cast %parallel_loop3A_731 : vector<1x16xi32> to vector<16xi32>
      %parallel_loop3A_733 = arith.constant 16 : i32
      %parallel_loop3A_734 = vector.broadcast %parallel_loop3A_733 : i32 to vector<16xi32>
      %parallel_loop3A_735 = arith.shli %parallel_loop3A_728, %parallel_loop3A_734 : vector<16xi32>
      %parallel_loop3A_736 = tpu.bitcast %parallel_loop3A_735 : vector<16xi32> -> vector<16xf32>
      %parallel_loop3A_737 = arith.constant 16 : i32
      %parallel_loop3A_738 = vector.broadcast %parallel_loop3A_737 : i32 to vector<16xi32>
      %parallel_loop3A_739 = arith.shli %parallel_loop3A_732, %parallel_loop3A_738 : vector<16xi32>
      %parallel_loop3A_740 = tpu.bitcast %parallel_loop3A_739 : vector<16xi32> -> vector<16xf32>
      %parallel_loop3A_741 = arith.constant -65536 : i32
      %parallel_loop3A_742 = vector.broadcast %parallel_loop3A_741 : i32 to vector<16xi32>
      %parallel_loop3A_743 = arith.andi %parallel_loop3A_728, %parallel_loop3A_742 : vector<16xi32>
      %parallel_loop3A_744 = tpu.bitcast %parallel_loop3A_743 : vector<16xi32> -> vector<16xf32>
      %parallel_loop3A_745 = arith.constant -65536 : i32
      %parallel_loop3A_746 = vector.broadcast %parallel_loop3A_745 : i32 to vector<16xi32>
      %parallel_loop3A_747 = arith.andi %parallel_loop3A_732, %parallel_loop3A_746 : vector<16xi32>
      %parallel_loop3A_748 = tpu.bitcast %parallel_loop3A_747 : vector<16xi32> -> vector<16xf32>
      %parallel_loop3A_749 = arith.mulf %parallel_loop3A_80, %parallel_loop3A_736 : vector<16xf32>
      %parallel_loop3A_750 = arith.mulf %parallel_loop3A_84, %parallel_loop3A_740 : vector<16xf32>
      %parallel_loop3A_751 = arith.addf %parallel_loop3A_749, %parallel_loop3A_750 : vector<16xf32>
      %parallel_loop3A_752 = arith.index_cast %parallel_loop3A_74 : i32 to index
      %parallel_loop3A_753 = arith.constant 256 : index
      %parallel_loop3A_754 = tpu.vector_load %arg16[%parallel_loop3A_752, %parallel_loop3A_753] {strides = array<i32>} : memref<32x1024xf32, #tpu.memory_space<vmem>>, vector<1x16xf32>,
      %parallel_loop3A_755 = vector.shape_cast %parallel_loop3A_754 : vector<1x16xf32> to vector<16xf32>
      %parallel_loop3A_756 = vector.shape_cast %parallel_loop3A_751 : vector<16xf32> to vector<1x16xf32>
      tpu.vector_store %arg16[%parallel_loop3A_752, %parallel_loop3A_753], %parallel_loop3A_756 {strides = array<i32>} : memref<32x1024xf32, #tpu.memory_space<vmem>>, vector<1x16xf32>,
      %parallel_loop3A_757 = arith.mulf %parallel_loop3A_80, %parallel_loop3A_744 : vector<16xf32>
      %parallel_loop3A_758 = arith.mulf %parallel_loop3A_84, %parallel_loop3A_748 : vector<16xf32>
      %parallel_loop3A_759 = arith.addf %parallel_loop3A_757, %parallel_loop3A_758 : vector<16xf32>
      %parallel_loop3A_760 = arith.index_cast %parallel_loop3A_74 : i32 to index
      %parallel_loop3A_761 = arith.constant 768 : index
      %parallel_loop3A_762 = tpu.vector_load %arg16[%parallel_loop3A_760, %parallel_loop3A_761] {strides = array<i32>} : memref<32x1024xf32, #tpu.memory_space<vmem>>, vector<1x16xf32>,
      %parallel_loop3A_763 = vector.shape_cast %parallel_loop3A_762 : vector<1x16xf32> to vector<16xf32>
      %parallel_loop3A_764 = vector.shape_cast %parallel_loop3A_759 : vector<16xf32> to vector<1x16xf32>
      tpu.vector_store %arg16[%parallel_loop3A_760, %parallel_loop3A_761], %parallel_loop3A_764 {strides = array<i32>} : memref<32x1024xf32, #tpu.memory_space<vmem>>, vector<1x16xf32>,
      %parallel_loop3A_765 = arith.index_cast %parallel_loop3A_74 : i32 to index
      %parallel_loop3A_766 = arith.constant 272 : index
      %parallel_loop3A_767 = tpu.vector_load %arg12[%parallel_loop3A_765, %parallel_loop3A_766] {strides = array<i32>} : memref<32x512xi32, #tpu.memory_space<vmem>>, vector<1x16xi32>,
      %parallel_loop3A_768 = vector.shape_cast %parallel_loop3A_767 : vector<1x16xi32> to vector<16xi32>
      %parallel_loop3A_769 = arith.index_cast %parallel_loop3A_74 : i32 to index
      %parallel_loop3A_770 = arith.constant 272 : index
      %parallel_loop3A_771 = tpu.vector_load %arg13[%parallel_loop3A_769, %parallel_loop3A_770] {strides = array<i32>} : memref<32x512xi32, #tpu.memory_space<vmem>>, vector<1x16xi32>,
      %parallel_loop3A_772 = vector.shape_cast %parallel_loop3A_771 : vector<1x16xi32> to vector<16xi32>
      %parallel_loop3A_773 = arith.constant 16 : i32
      %parallel_loop3A_774 = vector.broadcast %parallel_loop3A_773 : i32 to vector<16xi32>
      %parallel_loop3A_775 = arith.shli %parallel_loop3A_768, %parallel_loop3A_774 : vector<16xi32>
      %parallel_loop3A_776 = tpu.bitcast %parallel_loop3A_775 : vector<16xi32> -> vector<16xf32>
      %parallel_loop3A_777 = arith.constant 16 : i32
      %parallel_loop3A_778 = vector.broadcast %parallel_loop3A_777 : i32 to vector<16xi32>
      %parallel_loop3A_779 = arith.shli %parallel_loop3A_772, %parallel_loop3A_778 : vector<16xi32>
      %parallel_loop3A_780 = tpu.bitcast %parallel_loop3A_779 : vector<16xi32> -> vector<16xf32>
      %parallel_loop3A_781 = arith.constant -65536 : i32
      %parallel_loop3A_782 = vector.broadcast %parallel_loop3A_781 : i32 to vector<16xi32>
      %parallel_loop3A_783 = arith.andi %parallel_loop3A_768, %parallel_loop3A_782 : vector<16xi32>
      %parallel_loop3A_784 = tpu.bitcast %parallel_loop3A_783 : vector<16xi32> -> vector<16xf32>
      %parallel_loop3A_785 = arith.constant -65536 : i32
      %parallel_loop3A_786 = vector.broadcast %parallel_loop3A_785 : i32 to vector<16xi32>
      %parallel_loop3A_787 = arith.andi %parallel_loop3A_772, %parallel_loop3A_786 : vector<16xi32>
      %parallel_loop3A_788 = tpu.bitcast %parallel_loop3A_787 : vector<16xi32> -> vector<16xf32>
      %parallel_loop3A_789 = arith.mulf %parallel_loop3A_80, %parallel_loop3A_776 : vector<16xf32>
      %parallel_loop3A_790 = arith.mulf %parallel_loop3A_84, %parallel_loop3A_780 : vector<16xf32>
      %parallel_loop3A_791 = arith.addf %parallel_loop3A_789, %parallel_loop3A_790 : vector<16xf32>
      %parallel_loop3A_792 = arith.index_cast %parallel_loop3A_74 : i32 to index
      %parallel_loop3A_793 = arith.constant 272 : index
      %parallel_loop3A_794 = tpu.vector_load %arg16[%parallel_loop3A_792, %parallel_loop3A_793] {strides = array<i32>} : memref<32x1024xf32, #tpu.memory_space<vmem>>, vector<1x16xf32>,
      %parallel_loop3A_795 = vector.shape_cast %parallel_loop3A_794 : vector<1x16xf32> to vector<16xf32>
      %parallel_loop3A_796 = vector.shape_cast %parallel_loop3A_791 : vector<16xf32> to vector<1x16xf32>
      tpu.vector_store %arg16[%parallel_loop3A_792, %parallel_loop3A_793], %parallel_loop3A_796 {strides = array<i32>} : memref<32x1024xf32, #tpu.memory_space<vmem>>, vector<1x16xf32>,
      %parallel_loop3A_797 = arith.mulf %parallel_loop3A_80, %parallel_loop3A_784 : vector<16xf32>
      %parallel_loop3A_798 = arith.mulf %parallel_loop3A_84, %parallel_loop3A_788 : vector<16xf32>
      %parallel_loop3A_799 = arith.addf %parallel_loop3A_797, %parallel_loop3A_798 : vector<16xf32>
      %parallel_loop3A_800 = arith.index_cast %parallel_loop3A_74 : i32 to index
      %parallel_loop3A_801 = arith.constant 784 : index
      %parallel_loop3A_802 = tpu.vector_load %arg16[%parallel_loop3A_800, %parallel_loop3A_801] {strides = array<i32>} : memref<32x1024xf32, #tpu.memory_space<vmem>>, vector<1x16xf32>,
      %parallel_loop3A_803 = vector.shape_cast %parallel_loop3A_802 : vector<1x16xf32> to vector<16xf32>
      %parallel_loop3A_804 = vector.shape_cast %parallel_loop3A_799 : vector<16xf32> to vector<1x16xf32>
      tpu.vector_store %arg16[%parallel_loop3A_800, %parallel_loop3A_801], %parallel_loop3A_804 {strides = array<i32>} : memref<32x1024xf32, #tpu.memory_space<vmem>>, vector<1x16xf32>,
      %parallel_loop3A_805 = arith.index_cast %parallel_loop3A_74 : i32 to index
      %parallel_loop3A_806 = arith.constant 288 : index
      %parallel_loop3A_807 = tpu.vector_load %arg12[%parallel_loop3A_805, %parallel_loop3A_806] {strides = array<i32>} : memref<32x512xi32, #tpu.memory_space<vmem>>, vector<1x16xi32>,
      %parallel_loop3A_808 = vector.shape_cast %parallel_loop3A_807 : vector<1x16xi32> to vector<16xi32>
      %parallel_loop3A_809 = arith.index_cast %parallel_loop3A_74 : i32 to index
      %parallel_loop3A_810 = arith.constant 288 : index
      %parallel_loop3A_811 = tpu.vector_load %arg13[%parallel_loop3A_809, %parallel_loop3A_810] {strides = array<i32>} : memref<32x512xi32, #tpu.memory_space<vmem>>, vector<1x16xi32>,
      %parallel_loop3A_812 = vector.shape_cast %parallel_loop3A_811 : vector<1x16xi32> to vector<16xi32>
      %parallel_loop3A_813 = arith.constant 16 : i32
      %parallel_loop3A_814 = vector.broadcast %parallel_loop3A_813 : i32 to vector<16xi32>
      %parallel_loop3A_815 = arith.shli %parallel_loop3A_808, %parallel_loop3A_814 : vector<16xi32>
      %parallel_loop3A_816 = tpu.bitcast %parallel_loop3A_815 : vector<16xi32> -> vector<16xf32>
      %parallel_loop3A_817 = arith.constant 16 : i32
      %parallel_loop3A_818 = vector.broadcast %parallel_loop3A_817 : i32 to vector<16xi32>
      %parallel_loop3A_819 = arith.shli %parallel_loop3A_812, %parallel_loop3A_818 : vector<16xi32>
      %parallel_loop3A_820 = tpu.bitcast %parallel_loop3A_819 : vector<16xi32> -> vector<16xf32>
      %parallel_loop3A_821 = arith.constant -65536 : i32
      %parallel_loop3A_822 = vector.broadcast %parallel_loop3A_821 : i32 to vector<16xi32>
      %parallel_loop3A_823 = arith.andi %parallel_loop3A_808, %parallel_loop3A_822 : vector<16xi32>
      %parallel_loop3A_824 = tpu.bitcast %parallel_loop3A_823 : vector<16xi32> -> vector<16xf32>
      %parallel_loop3A_825 = arith.constant -65536 : i32
      %parallel_loop3A_826 = vector.broadcast %parallel_loop3A_825 : i32 to vector<16xi32>
      %parallel_loop3A_827 = arith.andi %parallel_loop3A_812, %parallel_loop3A_826 : vector<16xi32>
      %parallel_loop3A_828 = tpu.bitcast %parallel_loop3A_827 : vector<16xi32> -> vector<16xf32>
      %parallel_loop3A_829 = arith.mulf %parallel_loop3A_80, %parallel_loop3A_816 : vector<16xf32>
      %parallel_loop3A_830 = arith.mulf %parallel_loop3A_84, %parallel_loop3A_820 : vector<16xf32>
      %parallel_loop3A_831 = arith.addf %parallel_loop3A_829, %parallel_loop3A_830 : vector<16xf32>
      %parallel_loop3A_832 = arith.index_cast %parallel_loop3A_74 : i32 to index
      %parallel_loop3A_833 = arith.constant 288 : index
      %parallel_loop3A_834 = tpu.vector_load %arg16[%parallel_loop3A_832, %parallel_loop3A_833] {strides = array<i32>} : memref<32x1024xf32, #tpu.memory_space<vmem>>, vector<1x16xf32>,
      %parallel_loop3A_835 = vector.shape_cast %parallel_loop3A_834 : vector<1x16xf32> to vector<16xf32>
      %parallel_loop3A_836 = vector.shape_cast %parallel_loop3A_831 : vector<16xf32> to vector<1x16xf32>
      tpu.vector_store %arg16[%parallel_loop3A_832, %parallel_loop3A_833], %parallel_loop3A_836 {strides = array<i32>} : memref<32x1024xf32, #tpu.memory_space<vmem>>, vector<1x16xf32>,
      %parallel_loop3A_837 = arith.mulf %parallel_loop3A_80, %parallel_loop3A_824 : vector<16xf32>
      %parallel_loop3A_838 = arith.mulf %parallel_loop3A_84, %parallel_loop3A_828 : vector<16xf32>
      %parallel_loop3A_839 = arith.addf %parallel_loop3A_837, %parallel_loop3A_838 : vector<16xf32>
      %parallel_loop3A_840 = arith.index_cast %parallel_loop3A_74 : i32 to index
      %parallel_loop3A_841 = arith.constant 800 : index
      %parallel_loop3A_842 = tpu.vector_load %arg16[%parallel_loop3A_840, %parallel_loop3A_841] {strides = array<i32>} : memref<32x1024xf32, #tpu.memory_space<vmem>>, vector<1x16xf32>,
      %parallel_loop3A_843 = vector.shape_cast %parallel_loop3A_842 : vector<1x16xf32> to vector<16xf32>
      %parallel_loop3A_844 = vector.shape_cast %parallel_loop3A_839 : vector<16xf32> to vector<1x16xf32>
      tpu.vector_store %arg16[%parallel_loop3A_840, %parallel_loop3A_841], %parallel_loop3A_844 {strides = array<i32>} : memref<32x1024xf32, #tpu.memory_space<vmem>>, vector<1x16xf32>,
      %parallel_loop3A_845 = arith.index_cast %parallel_loop3A_74 : i32 to index
      %parallel_loop3A_846 = arith.constant 304 : index
      %parallel_loop3A_847 = tpu.vector_load %arg12[%parallel_loop3A_845, %parallel_loop3A_846] {strides = array<i32>} : memref<32x512xi32, #tpu.memory_space<vmem>>, vector<1x16xi32>,
      %parallel_loop3A_848 = vector.shape_cast %parallel_loop3A_847 : vector<1x16xi32> to vector<16xi32>
      %parallel_loop3A_849 = arith.index_cast %parallel_loop3A_74 : i32 to index
      %parallel_loop3A_850 = arith.constant 304 : index
      %parallel_loop3A_851 = tpu.vector_load %arg13[%parallel_loop3A_849, %parallel_loop3A_850] {strides = array<i32>} : memref<32x512xi32, #tpu.memory_space<vmem>>, vector<1x16xi32>,
      %parallel_loop3A_852 = vector.shape_cast %parallel_loop3A_851 : vector<1x16xi32> to vector<16xi32>
      %parallel_loop3A_853 = arith.constant 16 : i32
      %parallel_loop3A_854 = vector.broadcast %parallel_loop3A_853 : i32 to vector<16xi32>
      %parallel_loop3A_855 = arith.shli %parallel_loop3A_848, %parallel_loop3A_854 : vector<16xi32>
      %parallel_loop3A_856 = tpu.bitcast %parallel_loop3A_855 : vector<16xi32> -> vector<16xf32>
      %parallel_loop3A_857 = arith.constant 16 : i32
      %parallel_loop3A_858 = vector.broadcast %parallel_loop3A_857 : i32 to vector<16xi32>
      %parallel_loop3A_859 = arith.shli %parallel_loop3A_852, %parallel_loop3A_858 : vector<16xi32>
      %parallel_loop3A_860 = tpu.bitcast %parallel_loop3A_859 : vector<16xi32> -> vector<16xf32>
      %parallel_loop3A_861 = arith.constant -65536 : i32
      %parallel_loop3A_862 = vector.broadcast %parallel_loop3A_861 : i32 to vector<16xi32>
      %parallel_loop3A_863 = arith.andi %parallel_loop3A_848, %parallel_loop3A_862 : vector<16xi32>
      %parallel_loop3A_864 = tpu.bitcast %parallel_loop3A_863 : vector<16xi32> -> vector<16xf32>
      %parallel_loop3A_865 = arith.constant -65536 : i32
      %parallel_loop3A_866 = vector.broadcast %parallel_loop3A_865 : i32 to vector<16xi32>
      %parallel_loop3A_867 = arith.andi %parallel_loop3A_852, %parallel_loop3A_866 : vector<16xi32>
      %parallel_loop3A_868 = tpu.bitcast %parallel_loop3A_867 : vector<16xi32> -> vector<16xf32>
      %parallel_loop3A_869 = arith.mulf %parallel_loop3A_80, %parallel_loop3A_856 : vector<16xf32>
      %parallel_loop3A_870 = arith.mulf %parallel_loop3A_84, %parallel_loop3A_860 : vector<16xf32>
      %parallel_loop3A_871 = arith.addf %parallel_loop3A_869, %parallel_loop3A_870 : vector<16xf32>
      %parallel_loop3A_872 = arith.index_cast %parallel_loop3A_74 : i32 to index
      %parallel_loop3A_873 = arith.constant 304 : index
      %parallel_loop3A_874 = tpu.vector_load %arg16[%parallel_loop3A_872, %parallel_loop3A_873] {strides = array<i32>} : memref<32x1024xf32, #tpu.memory_space<vmem>>, vector<1x16xf32>,
      %parallel_loop3A_875 = vector.shape_cast %parallel_loop3A_874 : vector<1x16xf32> to vector<16xf32>
      %parallel_loop3A_876 = vector.shape_cast %parallel_loop3A_871 : vector<16xf32> to vector<1x16xf32>
      tpu.vector_store %arg16[%parallel_loop3A_872, %parallel_loop3A_873], %parallel_loop3A_876 {strides = array<i32>} : memref<32x1024xf32, #tpu.memory_space<vmem>>, vector<1x16xf32>,
      %parallel_loop3A_877 = arith.mulf %parallel_loop3A_80, %parallel_loop3A_864 : vector<16xf32>
      %parallel_loop3A_878 = arith.mulf %parallel_loop3A_84, %parallel_loop3A_868 : vector<16xf32>
      %parallel_loop3A_879 = arith.addf %parallel_loop3A_877, %parallel_loop3A_878 : vector<16xf32>
      %parallel_loop3A_880 = arith.index_cast %parallel_loop3A_74 : i32 to index
      %parallel_loop3A_881 = arith.constant 816 : index
      %parallel_loop3A_882 = tpu.vector_load %arg16[%parallel_loop3A_880, %parallel_loop3A_881] {strides = array<i32>} : memref<32x1024xf32, #tpu.memory_space<vmem>>, vector<1x16xf32>,
      %parallel_loop3A_883 = vector.shape_cast %parallel_loop3A_882 : vector<1x16xf32> to vector<16xf32>
      %parallel_loop3A_884 = vector.shape_cast %parallel_loop3A_879 : vector<16xf32> to vector<1x16xf32>
      tpu.vector_store %arg16[%parallel_loop3A_880, %parallel_loop3A_881], %parallel_loop3A_884 {strides = array<i32>} : memref<32x1024xf32, #tpu.memory_space<vmem>>, vector<1x16xf32>,
      %parallel_loop3A_885 = arith.index_cast %parallel_loop3A_74 : i32 to index
      %parallel_loop3A_886 = arith.constant 320 : index
      %parallel_loop3A_887 = tpu.vector_load %arg12[%parallel_loop3A_885, %parallel_loop3A_886] {strides = array<i32>} : memref<32x512xi32, #tpu.memory_space<vmem>>, vector<1x16xi32>,
      %parallel_loop3A_888 = vector.shape_cast %parallel_loop3A_887 : vector<1x16xi32> to vector<16xi32>
      %parallel_loop3A_889 = arith.index_cast %parallel_loop3A_74 : i32 to index
      %parallel_loop3A_890 = arith.constant 320 : index
      %parallel_loop3A_891 = tpu.vector_load %arg13[%parallel_loop3A_889, %parallel_loop3A_890] {strides = array<i32>} : memref<32x512xi32, #tpu.memory_space<vmem>>, vector<1x16xi32>,
      %parallel_loop3A_892 = vector.shape_cast %parallel_loop3A_891 : vector<1x16xi32> to vector<16xi32>
      %parallel_loop3A_893 = arith.constant 16 : i32
      %parallel_loop3A_894 = vector.broadcast %parallel_loop3A_893 : i32 to vector<16xi32>
      %parallel_loop3A_895 = arith.shli %parallel_loop3A_888, %parallel_loop3A_894 : vector<16xi32>
      %parallel_loop3A_896 = tpu.bitcast %parallel_loop3A_895 : vector<16xi32> -> vector<16xf32>
      %parallel_loop3A_897 = arith.constant 16 : i32
      %parallel_loop3A_898 = vector.broadcast %parallel_loop3A_897 : i32 to vector<16xi32>
      %parallel_loop3A_899 = arith.shli %parallel_loop3A_892, %parallel_loop3A_898 : vector<16xi32>
      %parallel_loop3A_900 = tpu.bitcast %parallel_loop3A_899 : vector<16xi32> -> vector<16xf32>
      %parallel_loop3A_901 = arith.constant -65536 : i32
      %parallel_loop3A_902 = vector.broadcast %parallel_loop3A_901 : i32 to vector<16xi32>
      %parallel_loop3A_903 = arith.andi %parallel_loop3A_888, %parallel_loop3A_902 : vector<16xi32>
      %parallel_loop3A_904 = tpu.bitcast %parallel_loop3A_903 : vector<16xi32> -> vector<16xf32>
      %parallel_loop3A_905 = arith.constant -65536 : i32
      %parallel_loop3A_906 = vector.broadcast %parallel_loop3A_905 : i32 to vector<16xi32>
      %parallel_loop3A_907 = arith.andi %parallel_loop3A_892, %parallel_loop3A_906 : vector<16xi32>
      %parallel_loop3A_908 = tpu.bitcast %parallel_loop3A_907 : vector<16xi32> -> vector<16xf32>
      %parallel_loop3A_909 = arith.mulf %parallel_loop3A_80, %parallel_loop3A_896 : vector<16xf32>
      %parallel_loop3A_910 = arith.mulf %parallel_loop3A_84, %parallel_loop3A_900 : vector<16xf32>
      %parallel_loop3A_911 = arith.addf %parallel_loop3A_909, %parallel_loop3A_910 : vector<16xf32>
      %parallel_loop3A_912 = arith.index_cast %parallel_loop3A_74 : i32 to index
      %parallel_loop3A_913 = arith.constant 320 : index
      %parallel_loop3A_914 = tpu.vector_load %arg16[%parallel_loop3A_912, %parallel_loop3A_913] {strides = array<i32>} : memref<32x1024xf32, #tpu.memory_space<vmem>>, vector<1x16xf32>,
      %parallel_loop3A_915 = vector.shape_cast %parallel_loop3A_914 : vector<1x16xf32> to vector<16xf32>
      %parallel_loop3A_916 = vector.shape_cast %parallel_loop3A_911 : vector<16xf32> to vector<1x16xf32>
      tpu.vector_store %arg16[%parallel_loop3A_912, %parallel_loop3A_913], %parallel_loop3A_916 {strides = array<i32>} : memref<32x1024xf32, #tpu.memory_space<vmem>>, vector<1x16xf32>,
      %parallel_loop3A_917 = arith.mulf %parallel_loop3A_80, %parallel_loop3A_904 : vector<16xf32>
      %parallel_loop3A_918 = arith.mulf %parallel_loop3A_84, %parallel_loop3A_908 : vector<16xf32>
      %parallel_loop3A_919 = arith.addf %parallel_loop3A_917, %parallel_loop3A_918 : vector<16xf32>
      %parallel_loop3A_920 = arith.index_cast %parallel_loop3A_74 : i32 to index
      %parallel_loop3A_921 = arith.constant 832 : index
      %parallel_loop3A_922 = tpu.vector_load %arg16[%parallel_loop3A_920, %parallel_loop3A_921] {strides = array<i32>} : memref<32x1024xf32, #tpu.memory_space<vmem>>, vector<1x16xf32>,
      %parallel_loop3A_923 = vector.shape_cast %parallel_loop3A_922 : vector<1x16xf32> to vector<16xf32>
      %parallel_loop3A_924 = vector.shape_cast %parallel_loop3A_919 : vector<16xf32> to vector<1x16xf32>
      tpu.vector_store %arg16[%parallel_loop3A_920, %parallel_loop3A_921], %parallel_loop3A_924 {strides = array<i32>} : memref<32x1024xf32, #tpu.memory_space<vmem>>, vector<1x16xf32>,
      %parallel_loop3A_925 = arith.index_cast %parallel_loop3A_74 : i32 to index
      %parallel_loop3A_926 = arith.constant 336 : index
      %parallel_loop3A_927 = tpu.vector_load %arg12[%parallel_loop3A_925, %parallel_loop3A_926] {strides = array<i32>} : memref<32x512xi32, #tpu.memory_space<vmem>>, vector<1x16xi32>,
      %parallel_loop3A_928 = vector.shape_cast %parallel_loop3A_927 : vector<1x16xi32> to vector<16xi32>
      %parallel_loop3A_929 = arith.index_cast %parallel_loop3A_74 : i32 to index
      %parallel_loop3A_930 = arith.constant 336 : index
      %parallel_loop3A_931 = tpu.vector_load %arg13[%parallel_loop3A_929, %parallel_loop3A_930] {strides = array<i32>} : memref<32x512xi32, #tpu.memory_space<vmem>>, vector<1x16xi32>,
      %parallel_loop3A_932 = vector.shape_cast %parallel_loop3A_931 : vector<1x16xi32> to vector<16xi32>
      %parallel_loop3A_933 = arith.constant 16 : i32
      %parallel_loop3A_934 = vector.broadcast %parallel_loop3A_933 : i32 to vector<16xi32>
      %parallel_loop3A_935 = arith.shli %parallel_loop3A_928, %parallel_loop3A_934 : vector<16xi32>
      %parallel_loop3A_936 = tpu.bitcast %parallel_loop3A_935 : vector<16xi32> -> vector<16xf32>
      %parallel_loop3A_937 = arith.constant 16 : i32
      %parallel_loop3A_938 = vector.broadcast %parallel_loop3A_937 : i32 to vector<16xi32>
      %parallel_loop3A_939 = arith.shli %parallel_loop3A_932, %parallel_loop3A_938 : vector<16xi32>
      %parallel_loop3A_940 = tpu.bitcast %parallel_loop3A_939 : vector<16xi32> -> vector<16xf32>
      %parallel_loop3A_941 = arith.constant -65536 : i32
      %parallel_loop3A_942 = vector.broadcast %parallel_loop3A_941 : i32 to vector<16xi32>
      %parallel_loop3A_943 = arith.andi %parallel_loop3A_928, %parallel_loop3A_942 : vector<16xi32>
      %parallel_loop3A_944 = tpu.bitcast %parallel_loop3A_943 : vector<16xi32> -> vector<16xf32>
      %parallel_loop3A_945 = arith.constant -65536 : i32
      %parallel_loop3A_946 = vector.broadcast %parallel_loop3A_945 : i32 to vector<16xi32>
      %parallel_loop3A_947 = arith.andi %parallel_loop3A_932, %parallel_loop3A_946 : vector<16xi32>
      %parallel_loop3A_948 = tpu.bitcast %parallel_loop3A_947 : vector<16xi32> -> vector<16xf32>
      %parallel_loop3A_949 = arith.mulf %parallel_loop3A_80, %parallel_loop3A_936 : vector<16xf32>
      %parallel_loop3A_950 = arith.mulf %parallel_loop3A_84, %parallel_loop3A_940 : vector<16xf32>
      %parallel_loop3A_951 = arith.addf %parallel_loop3A_949, %parallel_loop3A_950 : vector<16xf32>
      %parallel_loop3A_952 = arith.index_cast %parallel_loop3A_74 : i32 to index
      %parallel_loop3A_953 = arith.constant 336 : index
      %parallel_loop3A_954 = tpu.vector_load %arg16[%parallel_loop3A_952, %parallel_loop3A_953] {strides = array<i32>} : memref<32x1024xf32, #tpu.memory_space<vmem>>, vector<1x16xf32>,
      %parallel_loop3A_955 = vector.shape_cast %parallel_loop3A_954 : vector<1x16xf32> to vector<16xf32>
      %parallel_loop3A_956 = vector.shape_cast %parallel_loop3A_951 : vector<16xf32> to vector<1x16xf32>
      tpu.vector_store %arg16[%parallel_loop3A_952, %parallel_loop3A_953], %parallel_loop3A_956 {strides = array<i32>} : memref<32x1024xf32, #tpu.memory_space<vmem>>, vector<1x16xf32>,
      %parallel_loop3A_957 = arith.mulf %parallel_loop3A_80, %parallel_loop3A_944 : vector<16xf32>
      %parallel_loop3A_958 = arith.mulf %parallel_loop3A_84, %parallel_loop3A_948 : vector<16xf32>
      %parallel_loop3A_959 = arith.addf %parallel_loop3A_957, %parallel_loop3A_958 : vector<16xf32>
      %parallel_loop3A_960 = arith.index_cast %parallel_loop3A_74 : i32 to index
      %parallel_loop3A_961 = arith.constant 848 : index
      %parallel_loop3A_962 = tpu.vector_load %arg16[%parallel_loop3A_960, %parallel_loop3A_961] {strides = array<i32>} : memref<32x1024xf32, #tpu.memory_space<vmem>>, vector<1x16xf32>,
      %parallel_loop3A_963 = vector.shape_cast %parallel_loop3A_962 : vector<1x16xf32> to vector<16xf32>
      %parallel_loop3A_964 = vector.shape_cast %parallel_loop3A_959 : vector<16xf32> to vector<1x16xf32>
      tpu.vector_store %arg16[%parallel_loop3A_960, %parallel_loop3A_961], %parallel_loop3A_964 {strides = array<i32>} : memref<32x1024xf32, #tpu.memory_space<vmem>>, vector<1x16xf32>,
      %parallel_loop3A_965 = arith.index_cast %parallel_loop3A_74 : i32 to index
      %parallel_loop3A_966 = arith.constant 352 : index
      %parallel_loop3A_967 = tpu.vector_load %arg12[%parallel_loop3A_965, %parallel_loop3A_966] {strides = array<i32>} : memref<32x512xi32, #tpu.memory_space<vmem>>, vector<1x16xi32>,
      %parallel_loop3A_968 = vector.shape_cast %parallel_loop3A_967 : vector<1x16xi32> to vector<16xi32>
      %parallel_loop3A_969 = arith.index_cast %parallel_loop3A_74 : i32 to index
      %parallel_loop3A_970 = arith.constant 352 : index
      %parallel_loop3A_971 = tpu.vector_load %arg13[%parallel_loop3A_969, %parallel_loop3A_970] {strides = array<i32>} : memref<32x512xi32, #tpu.memory_space<vmem>>, vector<1x16xi32>,
      %parallel_loop3A_972 = vector.shape_cast %parallel_loop3A_971 : vector<1x16xi32> to vector<16xi32>
      %parallel_loop3A_973 = arith.constant 16 : i32
      %parallel_loop3A_974 = vector.broadcast %parallel_loop3A_973 : i32 to vector<16xi32>
      %parallel_loop3A_975 = arith.shli %parallel_loop3A_968, %parallel_loop3A_974 : vector<16xi32>
      %parallel_loop3A_976 = tpu.bitcast %parallel_loop3A_975 : vector<16xi32> -> vector<16xf32>
      %parallel_loop3A_977 = arith.constant 16 : i32
      %parallel_loop3A_978 = vector.broadcast %parallel_loop3A_977 : i32 to vector<16xi32>
      %parallel_loop3A_979 = arith.shli %parallel_loop3A_972, %parallel_loop3A_978 : vector<16xi32>
      %parallel_loop3A_980 = tpu.bitcast %parallel_loop3A_979 : vector<16xi32> -> vector<16xf32>
      %parallel_loop3A_981 = arith.constant -65536 : i32
      %parallel_loop3A_982 = vector.broadcast %parallel_loop3A_981 : i32 to vector<16xi32>
      %parallel_loop3A_983 = arith.andi %parallel_loop3A_968, %parallel_loop3A_982 : vector<16xi32>
      %parallel_loop3A_984 = tpu.bitcast %parallel_loop3A_983 : vector<16xi32> -> vector<16xf32>
      %parallel_loop3A_985 = arith.constant -65536 : i32
      %parallel_loop3A_986 = vector.broadcast %parallel_loop3A_985 : i32 to vector<16xi32>
      %parallel_loop3A_987 = arith.andi %parallel_loop3A_972, %parallel_loop3A_986 : vector<16xi32>
      %parallel_loop3A_988 = tpu.bitcast %parallel_loop3A_987 : vector<16xi32> -> vector<16xf32>
      %parallel_loop3A_989 = arith.mulf %parallel_loop3A_80, %parallel_loop3A_976 : vector<16xf32>
      %parallel_loop3A_990 = arith.mulf %parallel_loop3A_84, %parallel_loop3A_980 : vector<16xf32>
      %parallel_loop3A_991 = arith.addf %parallel_loop3A_989, %parallel_loop3A_990 : vector<16xf32>
      %parallel_loop3A_992 = arith.index_cast %parallel_loop3A_74 : i32 to index
      %parallel_loop3A_993 = arith.constant 352 : index
      %parallel_loop3A_994 = tpu.vector_load %arg16[%parallel_loop3A_992, %parallel_loop3A_993] {strides = array<i32>} : memref<32x1024xf32, #tpu.memory_space<vmem>>, vector<1x16xf32>,
      %parallel_loop3A_995 = vector.shape_cast %parallel_loop3A_994 : vector<1x16xf32> to vector<16xf32>
      %parallel_loop3A_996 = vector.shape_cast %parallel_loop3A_991 : vector<16xf32> to vector<1x16xf32>
      tpu.vector_store %arg16[%parallel_loop3A_992, %parallel_loop3A_993], %parallel_loop3A_996 {strides = array<i32>} : memref<32x1024xf32, #tpu.memory_space<vmem>>, vector<1x16xf32>,
      %parallel_loop3A_997 = arith.mulf %parallel_loop3A_80, %parallel_loop3A_984 : vector<16xf32>
      %parallel_loop3A_998 = arith.mulf %parallel_loop3A_84, %parallel_loop3A_988 : vector<16xf32>
      %parallel_loop3A_999 = arith.addf %parallel_loop3A_997, %parallel_loop3A_998 : vector<16xf32>
      %parallel_loop3A_1000 = arith.index_cast %parallel_loop3A_74 : i32 to index
      %parallel_loop3A_1001 = arith.constant 864 : index
      %parallel_loop3A_1002 = tpu.vector_load %arg16[%parallel_loop3A_1000, %parallel_loop3A_1001] {strides = array<i32>} : memref<32x1024xf32, #tpu.memory_space<vmem>>, vector<1x16xf32>,
      %parallel_loop3A_1003 = vector.shape_cast %parallel_loop3A_1002 : vector<1x16xf32> to vector<16xf32>
      %parallel_loop3A_1004 = vector.shape_cast %parallel_loop3A_999 : vector<16xf32> to vector<1x16xf32>
      tpu.vector_store %arg16[%parallel_loop3A_1000, %parallel_loop3A_1001], %parallel_loop3A_1004 {strides = array<i32>} : memref<32x1024xf32, #tpu.memory_space<vmem>>, vector<1x16xf32>,
      %parallel_loop3A_1005 = arith.index_cast %parallel_loop3A_74 : i32 to index
      %parallel_loop3A_1006 = arith.constant 368 : index
      %parallel_loop3A_1007 = tpu.vector_load %arg12[%parallel_loop3A_1005, %parallel_loop3A_1006] {strides = array<i32>} : memref<32x512xi32, #tpu.memory_space<vmem>>, vector<1x16xi32>,
      %parallel_loop3A_1008 = vector.shape_cast %parallel_loop3A_1007 : vector<1x16xi32> to vector<16xi32>
      %parallel_loop3A_1009 = arith.index_cast %parallel_loop3A_74 : i32 to index
      %parallel_loop3A_1010 = arith.constant 368 : index
      %parallel_loop3A_1011 = tpu.vector_load %arg13[%parallel_loop3A_1009, %parallel_loop3A_1010] {strides = array<i32>} : memref<32x512xi32, #tpu.memory_space<vmem>>, vector<1x16xi32>,
      %parallel_loop3A_1012 = vector.shape_cast %parallel_loop3A_1011 : vector<1x16xi32> to vector<16xi32>
      %parallel_loop3A_1013 = arith.constant 16 : i32
      %parallel_loop3A_1014 = vector.broadcast %parallel_loop3A_1013 : i32 to vector<16xi32>
      %parallel_loop3A_1015 = arith.shli %parallel_loop3A_1008, %parallel_loop3A_1014 : vector<16xi32>
      %parallel_loop3A_1016 = tpu.bitcast %parallel_loop3A_1015 : vector<16xi32> -> vector<16xf32>
      %parallel_loop3A_1017 = arith.constant 16 : i32
      %parallel_loop3A_1018 = vector.broadcast %parallel_loop3A_1017 : i32 to vector<16xi32>
      %parallel_loop3A_1019 = arith.shli %parallel_loop3A_1012, %parallel_loop3A_1018 : vector<16xi32>
      %parallel_loop3A_1020 = tpu.bitcast %parallel_loop3A_1019 : vector<16xi32> -> vector<16xf32>
      %parallel_loop3A_1021 = arith.constant -65536 : i32
      %parallel_loop3A_1022 = vector.broadcast %parallel_loop3A_1021 : i32 to vector<16xi32>
      %parallel_loop3A_1023 = arith.andi %parallel_loop3A_1008, %parallel_loop3A_1022 : vector<16xi32>
      %parallel_loop3A_1024 = tpu.bitcast %parallel_loop3A_1023 : vector<16xi32> -> vector<16xf32>
      %parallel_loop3A_1025 = arith.constant -65536 : i32
      %parallel_loop3A_1026 = vector.broadcast %parallel_loop3A_1025 : i32 to vector<16xi32>
      %parallel_loop3A_1027 = arith.andi %parallel_loop3A_1012, %parallel_loop3A_1026 : vector<16xi32>
      %parallel_loop3A_1028 = tpu.bitcast %parallel_loop3A_1027 : vector<16xi32> -> vector<16xf32>
      %parallel_loop3A_1029 = arith.mulf %parallel_loop3A_80, %parallel_loop3A_1016 : vector<16xf32>
      %parallel_loop3A_1030 = arith.mulf %parallel_loop3A_84, %parallel_loop3A_1020 : vector<16xf32>
      %parallel_loop3A_1031 = arith.addf %parallel_loop3A_1029, %parallel_loop3A_1030 : vector<16xf32>
      %parallel_loop3A_1032 = arith.index_cast %parallel_loop3A_74 : i32 to index
      %parallel_loop3A_1033 = arith.constant 368 : index
      %parallel_loop3A_1034 = tpu.vector_load %arg16[%parallel_loop3A_1032, %parallel_loop3A_1033] {strides = array<i32>} : memref<32x1024xf32, #tpu.memory_space<vmem>>, vector<1x16xf32>,
      %parallel_loop3A_1035 = vector.shape_cast %parallel_loop3A_1034 : vector<1x16xf32> to vector<16xf32>
      %parallel_loop3A_1036 = vector.shape_cast %parallel_loop3A_1031 : vector<16xf32> to vector<1x16xf32>
      tpu.vector_store %arg16[%parallel_loop3A_1032, %parallel_loop3A_1033], %parallel_loop3A_1036 {strides = array<i32>} : memref<32x1024xf32, #tpu.memory_space<vmem>>, vector<1x16xf32>,
      %parallel_loop3A_1037 = arith.mulf %parallel_loop3A_80, %parallel_loop3A_1024 : vector<16xf32>
      %parallel_loop3A_1038 = arith.mulf %parallel_loop3A_84, %parallel_loop3A_1028 : vector<16xf32>
      %parallel_loop3A_1039 = arith.addf %parallel_loop3A_1037, %parallel_loop3A_1038 : vector<16xf32>
      %parallel_loop3A_1040 = arith.index_cast %parallel_loop3A_74 : i32 to index
      %parallel_loop3A_1041 = arith.constant 880 : index
      %parallel_loop3A_1042 = tpu.vector_load %arg16[%parallel_loop3A_1040, %parallel_loop3A_1041] {strides = array<i32>} : memref<32x1024xf32, #tpu.memory_space<vmem>>, vector<1x16xf32>,
      %parallel_loop3A_1043 = vector.shape_cast %parallel_loop3A_1042 : vector<1x16xf32> to vector<16xf32>
      %parallel_loop3A_1044 = vector.shape_cast %parallel_loop3A_1039 : vector<16xf32> to vector<1x16xf32>
      tpu.vector_store %arg16[%parallel_loop3A_1040, %parallel_loop3A_1041], %parallel_loop3A_1044 {strides = array<i32>} : memref<32x1024xf32, #tpu.memory_space<vmem>>, vector<1x16xf32>,
      %parallel_loop3A_1045 = arith.index_cast %parallel_loop3A_74 : i32 to index
      %parallel_loop3A_1046 = arith.constant 384 : index
      %parallel_loop3A_1047 = tpu.vector_load %arg12[%parallel_loop3A_1045, %parallel_loop3A_1046] {strides = array<i32>} : memref<32x512xi32, #tpu.memory_space<vmem>>, vector<1x16xi32>,
      %parallel_loop3A_1048 = vector.shape_cast %parallel_loop3A_1047 : vector<1x16xi32> to vector<16xi32>
      %parallel_loop3A_1049 = arith.index_cast %parallel_loop3A_74 : i32 to index
      %parallel_loop3A_1050 = arith.constant 384 : index
      %parallel_loop3A_1051 = tpu.vector_load %arg13[%parallel_loop3A_1049, %parallel_loop3A_1050] {strides = array<i32>} : memref<32x512xi32, #tpu.memory_space<vmem>>, vector<1x16xi32>,
      %parallel_loop3A_1052 = vector.shape_cast %parallel_loop3A_1051 : vector<1x16xi32> to vector<16xi32>
      %parallel_loop3A_1053 = arith.constant 16 : i32
      %parallel_loop3A_1054 = vector.broadcast %parallel_loop3A_1053 : i32 to vector<16xi32>
      %parallel_loop3A_1055 = arith.shli %parallel_loop3A_1048, %parallel_loop3A_1054 : vector<16xi32>
      %parallel_loop3A_1056 = tpu.bitcast %parallel_loop3A_1055 : vector<16xi32> -> vector<16xf32>
      %parallel_loop3A_1057 = arith.constant 16 : i32
      %parallel_loop3A_1058 = vector.broadcast %parallel_loop3A_1057 : i32 to vector<16xi32>
      %parallel_loop3A_1059 = arith.shli %parallel_loop3A_1052, %parallel_loop3A_1058 : vector<16xi32>
      %parallel_loop3A_1060 = tpu.bitcast %parallel_loop3A_1059 : vector<16xi32> -> vector<16xf32>
      %parallel_loop3A_1061 = arith.constant -65536 : i32
      %parallel_loop3A_1062 = vector.broadcast %parallel_loop3A_1061 : i32 to vector<16xi32>
      %parallel_loop3A_1063 = arith.andi %parallel_loop3A_1048, %parallel_loop3A_1062 : vector<16xi32>
      %parallel_loop3A_1064 = tpu.bitcast %parallel_loop3A_1063 : vector<16xi32> -> vector<16xf32>
      %parallel_loop3A_1065 = arith.constant -65536 : i32
      %parallel_loop3A_1066 = vector.broadcast %parallel_loop3A_1065 : i32 to vector<16xi32>
      %parallel_loop3A_1067 = arith.andi %parallel_loop3A_1052, %parallel_loop3A_1066 : vector<16xi32>
      %parallel_loop3A_1068 = tpu.bitcast %parallel_loop3A_1067 : vector<16xi32> -> vector<16xf32>
      %parallel_loop3A_1069 = arith.mulf %parallel_loop3A_80, %parallel_loop3A_1056 : vector<16xf32>
      %parallel_loop3A_1070 = arith.mulf %parallel_loop3A_84, %parallel_loop3A_1060 : vector<16xf32>
      %parallel_loop3A_1071 = arith.addf %parallel_loop3A_1069, %parallel_loop3A_1070 : vector<16xf32>
      %parallel_loop3A_1072 = arith.index_cast %parallel_loop3A_74 : i32 to index
      %parallel_loop3A_1073 = arith.constant 384 : index
      %parallel_loop3A_1074 = tpu.vector_load %arg16[%parallel_loop3A_1072, %parallel_loop3A_1073] {strides = array<i32>} : memref<32x1024xf32, #tpu.memory_space<vmem>>, vector<1x16xf32>,
      %parallel_loop3A_1075 = vector.shape_cast %parallel_loop3A_1074 : vector<1x16xf32> to vector<16xf32>
      %parallel_loop3A_1076 = vector.shape_cast %parallel_loop3A_1071 : vector<16xf32> to vector<1x16xf32>
      tpu.vector_store %arg16[%parallel_loop3A_1072, %parallel_loop3A_1073], %parallel_loop3A_1076 {strides = array<i32>} : memref<32x1024xf32, #tpu.memory_space<vmem>>, vector<1x16xf32>,
      %parallel_loop3A_1077 = arith.mulf %parallel_loop3A_80, %parallel_loop3A_1064 : vector<16xf32>
      %parallel_loop3A_1078 = arith.mulf %parallel_loop3A_84, %parallel_loop3A_1068 : vector<16xf32>
      %parallel_loop3A_1079 = arith.addf %parallel_loop3A_1077, %parallel_loop3A_1078 : vector<16xf32>
      %parallel_loop3A_1080 = arith.index_cast %parallel_loop3A_74 : i32 to index
      %parallel_loop3A_1081 = arith.constant 896 : index
      %parallel_loop3A_1082 = tpu.vector_load %arg16[%parallel_loop3A_1080, %parallel_loop3A_1081] {strides = array<i32>} : memref<32x1024xf32, #tpu.memory_space<vmem>>, vector<1x16xf32>,
      %parallel_loop3A_1083 = vector.shape_cast %parallel_loop3A_1082 : vector<1x16xf32> to vector<16xf32>
      %parallel_loop3A_1084 = vector.shape_cast %parallel_loop3A_1079 : vector<16xf32> to vector<1x16xf32>
      tpu.vector_store %arg16[%parallel_loop3A_1080, %parallel_loop3A_1081], %parallel_loop3A_1084 {strides = array<i32>} : memref<32x1024xf32, #tpu.memory_space<vmem>>, vector<1x16xf32>,
      %parallel_loop3A_1085 = arith.index_cast %parallel_loop3A_74 : i32 to index
      %parallel_loop3A_1086 = arith.constant 400 : index
      %parallel_loop3A_1087 = tpu.vector_load %arg12[%parallel_loop3A_1085, %parallel_loop3A_1086] {strides = array<i32>} : memref<32x512xi32, #tpu.memory_space<vmem>>, vector<1x16xi32>,
      %parallel_loop3A_1088 = vector.shape_cast %parallel_loop3A_1087 : vector<1x16xi32> to vector<16xi32>
      %parallel_loop3A_1089 = arith.index_cast %parallel_loop3A_74 : i32 to index
      %parallel_loop3A_1090 = arith.constant 400 : index
      %parallel_loop3A_1091 = tpu.vector_load %arg13[%parallel_loop3A_1089, %parallel_loop3A_1090] {strides = array<i32>} : memref<32x512xi32, #tpu.memory_space<vmem>>, vector<1x16xi32>,
      %parallel_loop3A_1092 = vector.shape_cast %parallel_loop3A_1091 : vector<1x16xi32> to vector<16xi32>
      %parallel_loop3A_1093 = arith.constant 16 : i32
      %parallel_loop3A_1094 = vector.broadcast %parallel_loop3A_1093 : i32 to vector<16xi32>
      %parallel_loop3A_1095 = arith.shli %parallel_loop3A_1088, %parallel_loop3A_1094 : vector<16xi32>
      %parallel_loop3A_1096 = tpu.bitcast %parallel_loop3A_1095 : vector<16xi32> -> vector<16xf32>
      %parallel_loop3A_1097 = arith.constant 16 : i32
      %parallel_loop3A_1098 = vector.broadcast %parallel_loop3A_1097 : i32 to vector<16xi32>
      %parallel_loop3A_1099 = arith.shli %parallel_loop3A_1092, %parallel_loop3A_1098 : vector<16xi32>
      %parallel_loop3A_1100 = tpu.bitcast %parallel_loop3A_1099 : vector<16xi32> -> vector<16xf32>
      %parallel_loop3A_1101 = arith.constant -65536 : i32
      %parallel_loop3A_1102 = vector.broadcast %parallel_loop3A_1101 : i32 to vector<16xi32>
      %parallel_loop3A_1103 = arith.andi %parallel_loop3A_1088, %parallel_loop3A_1102 : vector<16xi32>
      %parallel_loop3A_1104 = tpu.bitcast %parallel_loop3A_1103 : vector<16xi32> -> vector<16xf32>
      %parallel_loop3A_1105 = arith.constant -65536 : i32
      %parallel_loop3A_1106 = vector.broadcast %parallel_loop3A_1105 : i32 to vector<16xi32>
      %parallel_loop3A_1107 = arith.andi %parallel_loop3A_1092, %parallel_loop3A_1106 : vector<16xi32>
      %parallel_loop3A_1108 = tpu.bitcast %parallel_loop3A_1107 : vector<16xi32> -> vector<16xf32>
      %parallel_loop3A_1109 = arith.mulf %parallel_loop3A_80, %parallel_loop3A_1096 : vector<16xf32>
      %parallel_loop3A_1110 = arith.mulf %parallel_loop3A_84, %parallel_loop3A_1100 : vector<16xf32>
      %parallel_loop3A_1111 = arith.addf %parallel_loop3A_1109, %parallel_loop3A_1110 : vector<16xf32>
      %parallel_loop3A_1112 = arith.index_cast %parallel_loop3A_74 : i32 to index
      %parallel_loop3A_1113 = arith.constant 400 : index
      %parallel_loop3A_1114 = tpu.vector_load %arg16[%parallel_loop3A_1112, %parallel_loop3A_1113] {strides = array<i32>} : memref<32x1024xf32, #tpu.memory_space<vmem>>, vector<1x16xf32>,
      %parallel_loop3A_1115 = vector.shape_cast %parallel_loop3A_1114 : vector<1x16xf32> to vector<16xf32>
      %parallel_loop3A_1116 = vector.shape_cast %parallel_loop3A_1111 : vector<16xf32> to vector<1x16xf32>
      tpu.vector_store %arg16[%parallel_loop3A_1112, %parallel_loop3A_1113], %parallel_loop3A_1116 {strides = array<i32>} : memref<32x1024xf32, #tpu.memory_space<vmem>>, vector<1x16xf32>,
      %parallel_loop3A_1117 = arith.mulf %parallel_loop3A_80, %parallel_loop3A_1104 : vector<16xf32>
      %parallel_loop3A_1118 = arith.mulf %parallel_loop3A_84, %parallel_loop3A_1108 : vector<16xf32>
      %parallel_loop3A_1119 = arith.addf %parallel_loop3A_1117, %parallel_loop3A_1118 : vector<16xf32>
      %parallel_loop3A_1120 = arith.index_cast %parallel_loop3A_74 : i32 to index
      %parallel_loop3A_1121 = arith.constant 912 : index
      %parallel_loop3A_1122 = tpu.vector_load %arg16[%parallel_loop3A_1120, %parallel_loop3A_1121] {strides = array<i32>} : memref<32x1024xf32, #tpu.memory_space<vmem>>, vector<1x16xf32>,
      %parallel_loop3A_1123 = vector.shape_cast %parallel_loop3A_1122 : vector<1x16xf32> to vector<16xf32>
      %parallel_loop3A_1124 = vector.shape_cast %parallel_loop3A_1119 : vector<16xf32> to vector<1x16xf32>
      tpu.vector_store %arg16[%parallel_loop3A_1120, %parallel_loop3A_1121], %parallel_loop3A_1124 {strides = array<i32>} : memref<32x1024xf32, #tpu.memory_space<vmem>>, vector<1x16xf32>,
      %parallel_loop3A_1125 = arith.index_cast %parallel_loop3A_74 : i32 to index
      %parallel_loop3A_1126 = arith.constant 416 : index
      %parallel_loop3A_1127 = tpu.vector_load %arg12[%parallel_loop3A_1125, %parallel_loop3A_1126] {strides = array<i32>} : memref<32x512xi32, #tpu.memory_space<vmem>>, vector<1x16xi32>,
      %parallel_loop3A_1128 = vector.shape_cast %parallel_loop3A_1127 : vector<1x16xi32> to vector<16xi32>
      %parallel_loop3A_1129 = arith.index_cast %parallel_loop3A_74 : i32 to index
      %parallel_loop3A_1130 = arith.constant 416 : index
      %parallel_loop3A_1131 = tpu.vector_load %arg13[%parallel_loop3A_1129, %parallel_loop3A_1130] {strides = array<i32>} : memref<32x512xi32, #tpu.memory_space<vmem>>, vector<1x16xi32>,
      %parallel_loop3A_1132 = vector.shape_cast %parallel_loop3A_1131 : vector<1x16xi32> to vector<16xi32>
      %parallel_loop3A_1133 = arith.constant 16 : i32
      %parallel_loop3A_1134 = vector.broadcast %parallel_loop3A_1133 : i32 to vector<16xi32>
      %parallel_loop3A_1135 = arith.shli %parallel_loop3A_1128, %parallel_loop3A_1134 : vector<16xi32>
      %parallel_loop3A_1136 = tpu.bitcast %parallel_loop3A_1135 : vector<16xi32> -> vector<16xf32>
      %parallel_loop3A_1137 = arith.constant 16 : i32
      %parallel_loop3A_1138 = vector.broadcast %parallel_loop3A_1137 : i32 to vector<16xi32>
      %parallel_loop3A_1139 = arith.shli %parallel_loop3A_1132, %parallel_loop3A_1138 : vector<16xi32>
      %parallel_loop3A_1140 = tpu.bitcast %parallel_loop3A_1139 : vector<16xi32> -> vector<16xf32>
      %parallel_loop3A_1141 = arith.constant -65536 : i32
      %parallel_loop3A_1142 = vector.broadcast %parallel_loop3A_1141 : i32 to vector<16xi32>
      %parallel_loop3A_1143 = arith.andi %parallel_loop3A_1128, %parallel_loop3A_1142 : vector<16xi32>
      %parallel_loop3A_1144 = tpu.bitcast %parallel_loop3A_1143 : vector<16xi32> -> vector<16xf32>
      %parallel_loop3A_1145 = arith.constant -65536 : i32
      %parallel_loop3A_1146 = vector.broadcast %parallel_loop3A_1145 : i32 to vector<16xi32>
      %parallel_loop3A_1147 = arith.andi %parallel_loop3A_1132, %parallel_loop3A_1146 : vector<16xi32>
      %parallel_loop3A_1148 = tpu.bitcast %parallel_loop3A_1147 : vector<16xi32> -> vector<16xf32>
      %parallel_loop3A_1149 = arith.mulf %parallel_loop3A_80, %parallel_loop3A_1136 : vector<16xf32>
      %parallel_loop3A_1150 = arith.mulf %parallel_loop3A_84, %parallel_loop3A_1140 : vector<16xf32>
      %parallel_loop3A_1151 = arith.addf %parallel_loop3A_1149, %parallel_loop3A_1150 : vector<16xf32>
      %parallel_loop3A_1152 = arith.index_cast %parallel_loop3A_74 : i32 to index
      %parallel_loop3A_1153 = arith.constant 416 : index
      %parallel_loop3A_1154 = tpu.vector_load %arg16[%parallel_loop3A_1152, %parallel_loop3A_1153] {strides = array<i32>} : memref<32x1024xf32, #tpu.memory_space<vmem>>, vector<1x16xf32>,
      %parallel_loop3A_1155 = vector.shape_cast %parallel_loop3A_1154 : vector<1x16xf32> to vector<16xf32>
      %parallel_loop3A_1156 = vector.shape_cast %parallel_loop3A_1151 : vector<16xf32> to vector<1x16xf32>
      tpu.vector_store %arg16[%parallel_loop3A_1152, %parallel_loop3A_1153], %parallel_loop3A_1156 {strides = array<i32>} : memref<32x1024xf32, #tpu.memory_space<vmem>>, vector<1x16xf32>,
      %parallel_loop3A_1157 = arith.mulf %parallel_loop3A_80, %parallel_loop3A_1144 : vector<16xf32>
      %parallel_loop3A_1158 = arith.mulf %parallel_loop3A_84, %parallel_loop3A_1148 : vector<16xf32>
      %parallel_loop3A_1159 = arith.addf %parallel_loop3A_1157, %parallel_loop3A_1158 : vector<16xf32>
      %parallel_loop3A_1160 = arith.index_cast %parallel_loop3A_74 : i32 to index
      %parallel_loop3A_1161 = arith.constant 928 : index
      %parallel_loop3A_1162 = tpu.vector_load %arg16[%parallel_loop3A_1160, %parallel_loop3A_1161] {strides = array<i32>} : memref<32x1024xf32, #tpu.memory_space<vmem>>, vector<1x16xf32>,
      %parallel_loop3A_1163 = vector.shape_cast %parallel_loop3A_1162 : vector<1x16xf32> to vector<16xf32>
      %parallel_loop3A_1164 = vector.shape_cast %parallel_loop3A_1159 : vector<16xf32> to vector<1x16xf32>
      tpu.vector_store %arg16[%parallel_loop3A_1160, %parallel_loop3A_1161], %parallel_loop3A_1164 {strides = array<i32>} : memref<32x1024xf32, #tpu.memory_space<vmem>>, vector<1x16xf32>,
      %parallel_loop3A_1165 = arith.index_cast %parallel_loop3A_74 : i32 to index
      %parallel_loop3A_1166 = arith.constant 432 : index
      %parallel_loop3A_1167 = tpu.vector_load %arg12[%parallel_loop3A_1165, %parallel_loop3A_1166] {strides = array<i32>} : memref<32x512xi32, #tpu.memory_space<vmem>>, vector<1x16xi32>,
      %parallel_loop3A_1168 = vector.shape_cast %parallel_loop3A_1167 : vector<1x16xi32> to vector<16xi32>
      %parallel_loop3A_1169 = arith.index_cast %parallel_loop3A_74 : i32 to index
      %parallel_loop3A_1170 = arith.constant 432 : index
      %parallel_loop3A_1171 = tpu.vector_load %arg13[%parallel_loop3A_1169, %parallel_loop3A_1170] {strides = array<i32>} : memref<32x512xi32, #tpu.memory_space<vmem>>, vector<1x16xi32>,
      %parallel_loop3A_1172 = vector.shape_cast %parallel_loop3A_1171 : vector<1x16xi32> to vector<16xi32>
      %parallel_loop3A_1173 = arith.constant 16 : i32
      %parallel_loop3A_1174 = vector.broadcast %parallel_loop3A_1173 : i32 to vector<16xi32>
      %parallel_loop3A_1175 = arith.shli %parallel_loop3A_1168, %parallel_loop3A_1174 : vector<16xi32>
      %parallel_loop3A_1176 = tpu.bitcast %parallel_loop3A_1175 : vector<16xi32> -> vector<16xf32>
      %parallel_loop3A_1177 = arith.constant 16 : i32
      %parallel_loop3A_1178 = vector.broadcast %parallel_loop3A_1177 : i32 to vector<16xi32>
      %parallel_loop3A_1179 = arith.shli %parallel_loop3A_1172, %parallel_loop3A_1178 : vector<16xi32>
      %parallel_loop3A_1180 = tpu.bitcast %parallel_loop3A_1179 : vector<16xi32> -> vector<16xf32>
      %parallel_loop3A_1181 = arith.constant -65536 : i32
      %parallel_loop3A_1182 = vector.broadcast %parallel_loop3A_1181 : i32 to vector<16xi32>
      %parallel_loop3A_1183 = arith.andi %parallel_loop3A_1168, %parallel_loop3A_1182 : vector<16xi32>
      %parallel_loop3A_1184 = tpu.bitcast %parallel_loop3A_1183 : vector<16xi32> -> vector<16xf32>
      %parallel_loop3A_1185 = arith.constant -65536 : i32
      %parallel_loop3A_1186 = vector.broadcast %parallel_loop3A_1185 : i32 to vector<16xi32>
      %parallel_loop3A_1187 = arith.andi %parallel_loop3A_1172, %parallel_loop3A_1186 : vector<16xi32>
      %parallel_loop3A_1188 = tpu.bitcast %parallel_loop3A_1187 : vector<16xi32> -> vector<16xf32>
      %parallel_loop3A_1189 = arith.mulf %parallel_loop3A_80, %parallel_loop3A_1176 : vector<16xf32>
      %parallel_loop3A_1190 = arith.mulf %parallel_loop3A_84, %parallel_loop3A_1180 : vector<16xf32>
      %parallel_loop3A_1191 = arith.addf %parallel_loop3A_1189, %parallel_loop3A_1190 : vector<16xf32>
      %parallel_loop3A_1192 = arith.index_cast %parallel_loop3A_74 : i32 to index
      %parallel_loop3A_1193 = arith.constant 432 : index
      %parallel_loop3A_1194 = tpu.vector_load %arg16[%parallel_loop3A_1192, %parallel_loop3A_1193] {strides = array<i32>} : memref<32x1024xf32, #tpu.memory_space<vmem>>, vector<1x16xf32>,
      %parallel_loop3A_1195 = vector.shape_cast %parallel_loop3A_1194 : vector<1x16xf32> to vector<16xf32>
      %parallel_loop3A_1196 = vector.shape_cast %parallel_loop3A_1191 : vector<16xf32> to vector<1x16xf32>
      tpu.vector_store %arg16[%parallel_loop3A_1192, %parallel_loop3A_1193], %parallel_loop3A_1196 {strides = array<i32>} : memref<32x1024xf32, #tpu.memory_space<vmem>>, vector<1x16xf32>,
      %parallel_loop3A_1197 = arith.mulf %parallel_loop3A_80, %parallel_loop3A_1184 : vector<16xf32>
      %parallel_loop3A_1198 = arith.mulf %parallel_loop3A_84, %parallel_loop3A_1188 : vector<16xf32>
      %parallel_loop3A_1199 = arith.addf %parallel_loop3A_1197, %parallel_loop3A_1198 : vector<16xf32>
      %parallel_loop3A_1200 = arith.index_cast %parallel_loop3A_74 : i32 to index
      %parallel_loop3A_1201 = arith.constant 944 : index
      %parallel_loop3A_1202 = tpu.vector_load %arg16[%parallel_loop3A_1200, %parallel_loop3A_1201] {strides = array<i32>} : memref<32x1024xf32, #tpu.memory_space<vmem>>, vector<1x16xf32>,
      %parallel_loop3A_1203 = vector.shape_cast %parallel_loop3A_1202 : vector<1x16xf32> to vector<16xf32>
      %parallel_loop3A_1204 = vector.shape_cast %parallel_loop3A_1199 : vector<16xf32> to vector<1x16xf32>
      tpu.vector_store %arg16[%parallel_loop3A_1200, %parallel_loop3A_1201], %parallel_loop3A_1204 {strides = array<i32>} : memref<32x1024xf32, #tpu.memory_space<vmem>>, vector<1x16xf32>,
      %parallel_loop3A_1205 = arith.index_cast %parallel_loop3A_74 : i32 to index
      %parallel_loop3A_1206 = arith.constant 448 : index
      %parallel_loop3A_1207 = tpu.vector_load %arg12[%parallel_loop3A_1205, %parallel_loop3A_1206] {strides = array<i32>} : memref<32x512xi32, #tpu.memory_space<vmem>>, vector<1x16xi32>,
      %parallel_loop3A_1208 = vector.shape_cast %parallel_loop3A_1207 : vector<1x16xi32> to vector<16xi32>
      %parallel_loop3A_1209 = arith.index_cast %parallel_loop3A_74 : i32 to index
      %parallel_loop3A_1210 = arith.constant 448 : index
      %parallel_loop3A_1211 = tpu.vector_load %arg13[%parallel_loop3A_1209, %parallel_loop3A_1210] {strides = array<i32>} : memref<32x512xi32, #tpu.memory_space<vmem>>, vector<1x16xi32>,
      %parallel_loop3A_1212 = vector.shape_cast %parallel_loop3A_1211 : vector<1x16xi32> to vector<16xi32>
      %parallel_loop3A_1213 = arith.constant 16 : i32
      %parallel_loop3A_1214 = vector.broadcast %parallel_loop3A_1213 : i32 to vector<16xi32>
      %parallel_loop3A_1215 = arith.shli %parallel_loop3A_1208, %parallel_loop3A_1214 : vector<16xi32>
      %parallel_loop3A_1216 = tpu.bitcast %parallel_loop3A_1215 : vector<16xi32> -> vector<16xf32>
      %parallel_loop3A_1217 = arith.constant 16 : i32
      %parallel_loop3A_1218 = vector.broadcast %parallel_loop3A_1217 : i32 to vector<16xi32>
      %parallel_loop3A_1219 = arith.shli %parallel_loop3A_1212, %parallel_loop3A_1218 : vector<16xi32>
      %parallel_loop3A_1220 = tpu.bitcast %parallel_loop3A_1219 : vector<16xi32> -> vector<16xf32>
      %parallel_loop3A_1221 = arith.constant -65536 : i32
      %parallel_loop3A_1222 = vector.broadcast %parallel_loop3A_1221 : i32 to vector<16xi32>
      %parallel_loop3A_1223 = arith.andi %parallel_loop3A_1208, %parallel_loop3A_1222 : vector<16xi32>
      %parallel_loop3A_1224 = tpu.bitcast %parallel_loop3A_1223 : vector<16xi32> -> vector<16xf32>
      %parallel_loop3A_1225 = arith.constant -65536 : i32
      %parallel_loop3A_1226 = vector.broadcast %parallel_loop3A_1225 : i32 to vector<16xi32>
      %parallel_loop3A_1227 = arith.andi %parallel_loop3A_1212, %parallel_loop3A_1226 : vector<16xi32>
      %parallel_loop3A_1228 = tpu.bitcast %parallel_loop3A_1227 : vector<16xi32> -> vector<16xf32>
      %parallel_loop3A_1229 = arith.mulf %parallel_loop3A_80, %parallel_loop3A_1216 : vector<16xf32>
      %parallel_loop3A_1230 = arith.mulf %parallel_loop3A_84, %parallel_loop3A_1220 : vector<16xf32>
      %parallel_loop3A_1231 = arith.addf %parallel_loop3A_1229, %parallel_loop3A_1230 : vector<16xf32>
      %parallel_loop3A_1232 = arith.index_cast %parallel_loop3A_74 : i32 to index
      %parallel_loop3A_1233 = arith.constant 448 : index
      %parallel_loop3A_1234 = tpu.vector_load %arg16[%parallel_loop3A_1232, %parallel_loop3A_1233] {strides = array<i32>} : memref<32x1024xf32, #tpu.memory_space<vmem>>, vector<1x16xf32>,
      %parallel_loop3A_1235 = vector.shape_cast %parallel_loop3A_1234 : vector<1x16xf32> to vector<16xf32>
      %parallel_loop3A_1236 = vector.shape_cast %parallel_loop3A_1231 : vector<16xf32> to vector<1x16xf32>
      tpu.vector_store %arg16[%parallel_loop3A_1232, %parallel_loop3A_1233], %parallel_loop3A_1236 {strides = array<i32>} : memref<32x1024xf32, #tpu.memory_space<vmem>>, vector<1x16xf32>,
      %parallel_loop3A_1237 = arith.mulf %parallel_loop3A_80, %parallel_loop3A_1224 : vector<16xf32>
      %parallel_loop3A_1238 = arith.mulf %parallel_loop3A_84, %parallel_loop3A_1228 : vector<16xf32>
      %parallel_loop3A_1239 = arith.addf %parallel_loop3A_1237, %parallel_loop3A_1238 : vector<16xf32>
      %parallel_loop3A_1240 = arith.index_cast %parallel_loop3A_74 : i32 to index
      %parallel_loop3A_1241 = arith.constant 960 : index
      %parallel_loop3A_1242 = tpu.vector_load %arg16[%parallel_loop3A_1240, %parallel_loop3A_1241] {strides = array<i32>} : memref<32x1024xf32, #tpu.memory_space<vmem>>, vector<1x16xf32>,
      %parallel_loop3A_1243 = vector.shape_cast %parallel_loop3A_1242 : vector<1x16xf32> to vector<16xf32>
      %parallel_loop3A_1244 = vector.shape_cast %parallel_loop3A_1239 : vector<16xf32> to vector<1x16xf32>
      tpu.vector_store %arg16[%parallel_loop3A_1240, %parallel_loop3A_1241], %parallel_loop3A_1244 {strides = array<i32>} : memref<32x1024xf32, #tpu.memory_space<vmem>>, vector<1x16xf32>,
      %parallel_loop3A_1245 = arith.index_cast %parallel_loop3A_74 : i32 to index
      %parallel_loop3A_1246 = arith.constant 464 : index
      %parallel_loop3A_1247 = tpu.vector_load %arg12[%parallel_loop3A_1245, %parallel_loop3A_1246] {strides = array<i32>} : memref<32x512xi32, #tpu.memory_space<vmem>>, vector<1x16xi32>,
      %parallel_loop3A_1248 = vector.shape_cast %parallel_loop3A_1247 : vector<1x16xi32> to vector<16xi32>
      %parallel_loop3A_1249 = arith.index_cast %parallel_loop3A_74 : i32 to index
      %parallel_loop3A_1250 = arith.constant 464 : index
      %parallel_loop3A_1251 = tpu.vector_load %arg13[%parallel_loop3A_1249, %parallel_loop3A_1250] {strides = array<i32>} : memref<32x512xi32, #tpu.memory_space<vmem>>, vector<1x16xi32>,
      %parallel_loop3A_1252 = vector.shape_cast %parallel_loop3A_1251 : vector<1x16xi32> to vector<16xi32>
      %parallel_loop3A_1253 = arith.constant 16 : i32
      %parallel_loop3A_1254 = vector.broadcast %parallel_loop3A_1253 : i32 to vector<16xi32>
      %parallel_loop3A_1255 = arith.shli %parallel_loop3A_1248, %parallel_loop3A_1254 : vector<16xi32>
      %parallel_loop3A_1256 = tpu.bitcast %parallel_loop3A_1255 : vector<16xi32> -> vector<16xf32>
      %parallel_loop3A_1257 = arith.constant 16 : i32
      %parallel_loop3A_1258 = vector.broadcast %parallel_loop3A_1257 : i32 to vector<16xi32>
      %parallel_loop3A_1259 = arith.shli %parallel_loop3A_1252, %parallel_loop3A_1258 : vector<16xi32>
      %parallel_loop3A_1260 = tpu.bitcast %parallel_loop3A_1259 : vector<16xi32> -> vector<16xf32>
      %parallel_loop3A_1261 = arith.constant -65536 : i32
      %parallel_loop3A_1262 = vector.broadcast %parallel_loop3A_1261 : i32 to vector<16xi32>
      %parallel_loop3A_1263 = arith.andi %parallel_loop3A_1248, %parallel_loop3A_1262 : vector<16xi32>
      %parallel_loop3A_1264 = tpu.bitcast %parallel_loop3A_1263 : vector<16xi32> -> vector<16xf32>
      %parallel_loop3A_1265 = arith.constant -65536 : i32
      %parallel_loop3A_1266 = vector.broadcast %parallel_loop3A_1265 : i32 to vector<16xi32>
      %parallel_loop3A_1267 = arith.andi %parallel_loop3A_1252, %parallel_loop3A_1266 : vector<16xi32>
      %parallel_loop3A_1268 = tpu.bitcast %parallel_loop3A_1267 : vector<16xi32> -> vector<16xf32>
      %parallel_loop3A_1269 = arith.mulf %parallel_loop3A_80, %parallel_loop3A_1256 : vector<16xf32>
      %parallel_loop3A_1270 = arith.mulf %parallel_loop3A_84, %parallel_loop3A_1260 : vector<16xf32>
      %parallel_loop3A_1271 = arith.addf %parallel_loop3A_1269, %parallel_loop3A_1270 : vector<16xf32>
      %parallel_loop3A_1272 = arith.index_cast %parallel_loop3A_74 : i32 to index
      %parallel_loop3A_1273 = arith.constant 464 : index
      %parallel_loop3A_1274 = tpu.vector_load %arg16[%parallel_loop3A_1272, %parallel_loop3A_1273] {strides = array<i32>} : memref<32x1024xf32, #tpu.memory_space<vmem>>, vector<1x16xf32>,
      %parallel_loop3A_1275 = vector.shape_cast %parallel_loop3A_1274 : vector<1x16xf32> to vector<16xf32>
      %parallel_loop3A_1276 = vector.shape_cast %parallel_loop3A_1271 : vector<16xf32> to vector<1x16xf32>
      tpu.vector_store %arg16[%parallel_loop3A_1272, %parallel_loop3A_1273], %parallel_loop3A_1276 {strides = array<i32>} : memref<32x1024xf32, #tpu.memory_space<vmem>>, vector<1x16xf32>,
      %parallel_loop3A_1277 = arith.mulf %parallel_loop3A_80, %parallel_loop3A_1264 : vector<16xf32>
      %parallel_loop3A_1278 = arith.mulf %parallel_loop3A_84, %parallel_loop3A_1268 : vector<16xf32>
      %parallel_loop3A_1279 = arith.addf %parallel_loop3A_1277, %parallel_loop3A_1278 : vector<16xf32>
      %parallel_loop3A_1280 = arith.index_cast %parallel_loop3A_74 : i32 to index
      %parallel_loop3A_1281 = arith.constant 976 : index
      %parallel_loop3A_1282 = tpu.vector_load %arg16[%parallel_loop3A_1280, %parallel_loop3A_1281] {strides = array<i32>} : memref<32x1024xf32, #tpu.memory_space<vmem>>, vector<1x16xf32>,
      %parallel_loop3A_1283 = vector.shape_cast %parallel_loop3A_1282 : vector<1x16xf32> to vector<16xf32>
      %parallel_loop3A_1284 = vector.shape_cast %parallel_loop3A_1279 : vector<16xf32> to vector<1x16xf32>
      tpu.vector_store %arg16[%parallel_loop3A_1280, %parallel_loop3A_1281], %parallel_loop3A_1284 {strides = array<i32>} : memref<32x1024xf32, #tpu.memory_space<vmem>>, vector<1x16xf32>,
      %parallel_loop3A_1285 = arith.index_cast %parallel_loop3A_74 : i32 to index
      %parallel_loop3A_1286 = arith.constant 480 : index
      %parallel_loop3A_1287 = tpu.vector_load %arg12[%parallel_loop3A_1285, %parallel_loop3A_1286] {strides = array<i32>} : memref<32x512xi32, #tpu.memory_space<vmem>>, vector<1x16xi32>,
      %parallel_loop3A_1288 = vector.shape_cast %parallel_loop3A_1287 : vector<1x16xi32> to vector<16xi32>
      %parallel_loop3A_1289 = arith.index_cast %parallel_loop3A_74 : i32 to index
      %parallel_loop3A_1290 = arith.constant 480 : index
      %parallel_loop3A_1291 = tpu.vector_load %arg13[%parallel_loop3A_1289, %parallel_loop3A_1290] {strides = array<i32>} : memref<32x512xi32, #tpu.memory_space<vmem>>, vector<1x16xi32>,
      %parallel_loop3A_1292 = vector.shape_cast %parallel_loop3A_1291 : vector<1x16xi32> to vector<16xi32>
      %parallel_loop3A_1293 = arith.constant 16 : i32
      %parallel_loop3A_1294 = vector.broadcast %parallel_loop3A_1293 : i32 to vector<16xi32>
      %parallel_loop3A_1295 = arith.shli %parallel_loop3A_1288, %parallel_loop3A_1294 : vector<16xi32>
      %parallel_loop3A_1296 = tpu.bitcast %parallel_loop3A_1295 : vector<16xi32> -> vector<16xf32>
      %parallel_loop3A_1297 = arith.constant 16 : i32
      %parallel_loop3A_1298 = vector.broadcast %parallel_loop3A_1297 : i32 to vector<16xi32>
      %parallel_loop3A_1299 = arith.shli %parallel_loop3A_1292, %parallel_loop3A_1298 : vector<16xi32>
      %parallel_loop3A_1300 = tpu.bitcast %parallel_loop3A_1299 : vector<16xi32> -> vector<16xf32>
      %parallel_loop3A_1301 = arith.constant -65536 : i32
      %parallel_loop3A_1302 = vector.broadcast %parallel_loop3A_1301 : i32 to vector<16xi32>
      %parallel_loop3A_1303 = arith.andi %parallel_loop3A_1288, %parallel_loop3A_1302 : vector<16xi32>
      %parallel_loop3A_1304 = tpu.bitcast %parallel_loop3A_1303 : vector<16xi32> -> vector<16xf32>
      %parallel_loop3A_1305 = arith.constant -65536 : i32
      %parallel_loop3A_1306 = vector.broadcast %parallel_loop3A_1305 : i32 to vector<16xi32>
      %parallel_loop3A_1307 = arith.andi %parallel_loop3A_1292, %parallel_loop3A_1306 : vector<16xi32>
      %parallel_loop3A_1308 = tpu.bitcast %parallel_loop3A_1307 : vector<16xi32> -> vector<16xf32>
      %parallel_loop3A_1309 = arith.mulf %parallel_loop3A_80, %parallel_loop3A_1296 : vector<16xf32>
      %parallel_loop3A_1310 = arith.mulf %parallel_loop3A_84, %parallel_loop3A_1300 : vector<16xf32>
      %parallel_loop3A_1311 = arith.addf %parallel_loop3A_1309, %parallel_loop3A_1310 : vector<16xf32>
      %parallel_loop3A_1312 = arith.index_cast %parallel_loop3A_74 : i32 to index
      %parallel_loop3A_1313 = arith.constant 480 : index
      %parallel_loop3A_1314 = tpu.vector_load %arg16[%parallel_loop3A_1312, %parallel_loop3A_1313] {strides = array<i32>} : memref<32x1024xf32, #tpu.memory_space<vmem>>, vector<1x16xf32>,
      %parallel_loop3A_1315 = vector.shape_cast %parallel_loop3A_1314 : vector<1x16xf32> to vector<16xf32>
      %parallel_loop3A_1316 = vector.shape_cast %parallel_loop3A_1311 : vector<16xf32> to vector<1x16xf32>
      tpu.vector_store %arg16[%parallel_loop3A_1312, %parallel_loop3A_1313], %parallel_loop3A_1316 {strides = array<i32>} : memref<32x1024xf32, #tpu.memory_space<vmem>>, vector<1x16xf32>,
      %parallel_loop3A_1317 = arith.mulf %parallel_loop3A_80, %parallel_loop3A_1304 : vector<16xf32>
      %parallel_loop3A_1318 = arith.mulf %parallel_loop3A_84, %parallel_loop3A_1308 : vector<16xf32>
      %parallel_loop3A_1319 = arith.addf %parallel_loop3A_1317, %parallel_loop3A_1318 : vector<16xf32>
      %parallel_loop3A_1320 = arith.index_cast %parallel_loop3A_74 : i32 to index
      %parallel_loop3A_1321 = arith.constant 992 : index
      %parallel_loop3A_1322 = tpu.vector_load %arg16[%parallel_loop3A_1320, %parallel_loop3A_1321] {strides = array<i32>} : memref<32x1024xf32, #tpu.memory_space<vmem>>, vector<1x16xf32>,
      %parallel_loop3A_1323 = vector.shape_cast %parallel_loop3A_1322 : vector<1x16xf32> to vector<16xf32>
      %parallel_loop3A_1324 = vector.shape_cast %parallel_loop3A_1319 : vector<16xf32> to vector<1x16xf32>
      tpu.vector_store %arg16[%parallel_loop3A_1320, %parallel_loop3A_1321], %parallel_loop3A_1324 {strides = array<i32>} : memref<32x1024xf32, #tpu.memory_space<vmem>>, vector<1x16xf32>,
      %parallel_loop3A_1325 = arith.index_cast %parallel_loop3A_74 : i32 to index
      %parallel_loop3A_1326 = arith.constant 496 : index
      %parallel_loop3A_1327 = tpu.vector_load %arg12[%parallel_loop3A_1325, %parallel_loop3A_1326] {strides = array<i32>} : memref<32x512xi32, #tpu.memory_space<vmem>>, vector<1x16xi32>,
      %parallel_loop3A_1328 = vector.shape_cast %parallel_loop3A_1327 : vector<1x16xi32> to vector<16xi32>
      %parallel_loop3A_1329 = arith.index_cast %parallel_loop3A_74 : i32 to index
      %parallel_loop3A_1330 = arith.constant 496 : index
      %parallel_loop3A_1331 = tpu.vector_load %arg13[%parallel_loop3A_1329, %parallel_loop3A_1330] {strides = array<i32>} : memref<32x512xi32, #tpu.memory_space<vmem>>, vector<1x16xi32>,
      %parallel_loop3A_1332 = vector.shape_cast %parallel_loop3A_1331 : vector<1x16xi32> to vector<16xi32>
      %parallel_loop3A_1333 = arith.constant 16 : i32
      %parallel_loop3A_1334 = vector.broadcast %parallel_loop3A_1333 : i32 to vector<16xi32>
      %parallel_loop3A_1335 = arith.shli %parallel_loop3A_1328, %parallel_loop3A_1334 : vector<16xi32>
      %parallel_loop3A_1336 = tpu.bitcast %parallel_loop3A_1335 : vector<16xi32> -> vector<16xf32>
      %parallel_loop3A_1337 = arith.constant 16 : i32
      %parallel_loop3A_1338 = vector.broadcast %parallel_loop3A_1337 : i32 to vector<16xi32>
      %parallel_loop3A_1339 = arith.shli %parallel_loop3A_1332, %parallel_loop3A_1338 : vector<16xi32>
      %parallel_loop3A_1340 = tpu.bitcast %parallel_loop3A_1339 : vector<16xi32> -> vector<16xf32>
      %parallel_loop3A_1341 = arith.constant -65536 : i32
      %parallel_loop3A_1342 = vector.broadcast %parallel_loop3A_1341 : i32 to vector<16xi32>
      %parallel_loop3A_1343 = arith.andi %parallel_loop3A_1328, %parallel_loop3A_1342 : vector<16xi32>
      %parallel_loop3A_1344 = tpu.bitcast %parallel_loop3A_1343 : vector<16xi32> -> vector<16xf32>
      %parallel_loop3A_1345 = arith.constant -65536 : i32
      %parallel_loop3A_1346 = vector.broadcast %parallel_loop3A_1345 : i32 to vector<16xi32>
      %parallel_loop3A_1347 = arith.andi %parallel_loop3A_1332, %parallel_loop3A_1346 : vector<16xi32>
      %parallel_loop3A_1348 = tpu.bitcast %parallel_loop3A_1347 : vector<16xi32> -> vector<16xf32>
      %parallel_loop3A_1349 = arith.mulf %parallel_loop3A_80, %parallel_loop3A_1336 : vector<16xf32>
      %parallel_loop3A_1350 = arith.mulf %parallel_loop3A_84, %parallel_loop3A_1340 : vector<16xf32>
      %parallel_loop3A_1351 = arith.addf %parallel_loop3A_1349, %parallel_loop3A_1350 : vector<16xf32>
      %parallel_loop3A_1352 = arith.index_cast %parallel_loop3A_74 : i32 to index
      %parallel_loop3A_1353 = arith.constant 496 : index
      %parallel_loop3A_1354 = tpu.vector_load %arg16[%parallel_loop3A_1352, %parallel_loop3A_1353] {strides = array<i32>} : memref<32x1024xf32, #tpu.memory_space<vmem>>, vector<1x16xf32>,
      %parallel_loop3A_1355 = vector.shape_cast %parallel_loop3A_1354 : vector<1x16xf32> to vector<16xf32>
      %parallel_loop3A_1356 = vector.shape_cast %parallel_loop3A_1351 : vector<16xf32> to vector<1x16xf32>
      tpu.vector_store %arg16[%parallel_loop3A_1352, %parallel_loop3A_1353], %parallel_loop3A_1356 {strides = array<i32>} : memref<32x1024xf32, #tpu.memory_space<vmem>>, vector<1x16xf32>,
      %parallel_loop3A_1357 = arith.mulf %parallel_loop3A_80, %parallel_loop3A_1344 : vector<16xf32>
      %parallel_loop3A_1358 = arith.mulf %parallel_loop3A_84, %parallel_loop3A_1348 : vector<16xf32>
      %parallel_loop3A_1359 = arith.addf %parallel_loop3A_1357, %parallel_loop3A_1358 : vector<16xf32>
      %parallel_loop3A_1360 = arith.index_cast %parallel_loop3A_74 : i32 to index
      %parallel_loop3A_1361 = arith.constant 1008 : index
      %parallel_loop3A_1362 = tpu.vector_load %arg16[%parallel_loop3A_1360, %parallel_loop3A_1361] {strides = array<i32>} : memref<32x1024xf32, #tpu.memory_space<vmem>>, vector<1x16xf32>,
      %parallel_loop3A_1363 = vector.shape_cast %parallel_loop3A_1362 : vector<1x16xf32> to vector<16xf32>
      %parallel_loop3A_1364 = vector.shape_cast %parallel_loop3A_1359 : vector<16xf32> to vector<1x16xf32>
      tpu.vector_store %arg16[%parallel_loop3A_1360, %parallel_loop3A_1361], %parallel_loop3A_1364 {strides = array<i32>} : memref<32x1024xf32, #tpu.memory_space<vmem>>, vector<1x16xf32>,
    } {sc.loop_unroll_factor = 4 : i64, sc.parallel_access}
    %add3A_57 = arith.constant 0 : i32
    %add3A_58 = arith.addi %mul3A_2, %add3A_57 : i32
    "tpu.region"() ({
      %run_scoped3A = tpu.sem_alloc : memref<!tpu.dma_semaphore, #tpu.memory_space<semaphore_mem>>
      %dma_start3A_74 = arith.constant 0 : i32
      %dma_start3A_75 = tpu.memref_slice %arg7[%add3A_58, %dma_start3A_74] : memref<2048x1024xf32, #tpu.memory_space<hbm>> -> memref<32x1024xf32, #tpu.memory_space<hbm>>
      %dma_start3A_76 = arith.constant 0 : i32
      %dma_start3A_77 = tpu.memref_slice %arg7[%add3A_58, %dma_start3A_76] : memref<2048x1024xf32, #tpu.memory_space<hbm>> -> memref<32x1024xf32, #tpu.memory_space<hbm>>
      tpu.enqueue_dma source(%arg16 : memref<32x1024xf32, #tpu.memory_space<vmem>>) target(%dma_start3A_77 : memref<32x1024xf32, #tpu.memory_space<hbm>>) target_semaphore(%run_scoped3A : memref<!tpu.dma_semaphore, #tpu.memory_space<semaphore_mem>>)
      %dma_wait3A_78 = arith.constant 0 : i32
      %dma_wait3A_79 = tpu.memref_slice %arg7[%add3A_58, %dma_wait3A_78] : memref<2048x1024xf32, #tpu.memory_space<hbm>> -> memref<32x1024xf32, #tpu.memory_space<hbm>>
      %dma_wait3A_80 = arith.constant 0 : i32
      %dma_wait3A_81 = tpu.memref_slice %arg7[%add3A_58, %dma_wait3A_80] : memref<2048x1024xf32, #tpu.memory_space<hbm>> -> memref<32x1024xf32, #tpu.memory_space<hbm>>
      tpu.wait_dma2 semaphore(%run_scoped3A : memref<!tpu.dma_semaphore, #tpu.memory_space<semaphore_mem>>) src(%arg16 : memref<32x1024xf32, #tpu.memory_space<vmem>>) dst(%dma_wait3A_81 : memref<32x1024xf32, #tpu.memory_space<hbm>>)
      tpu.yield
    }) : () -> ()
    %dma_wait3A_59 = arith.constant 32 : i32
    %dma_wait3A_60 = tpu.memref_slice %arg8[%dma_wait3A_59] : memref<64xi32, #tpu.memory_space<vmem>> -> memref<32xi32, #tpu.memory_space<vmem>>
    %dma_wait3A_61 = arith.constant 0 : i32
    %dma_wait3A_62 = arith.constant 0 : i32
    %dma_wait3A_63 = tpu.memref_slice %arg2[%dma_wait3A_61, %dma_wait3A_62] : memref<4096x512xi32, #tpu.memory_space<hbm>> -> memref<4096x512xi32, #tpu.memory_space<hbm>>
    tpu.wait_indirect_dma semaphore(%arg17 : memref<!tpu.dma_semaphore, #tpu.memory_space<semaphore_mem>>) src(%dma_wait3A_63 : memref<4096x512xi32, #tpu.memory_space<hbm>>) dst(%arg14 : memref<32x512xi32, #tpu.memory_space<vmem>>)
    %dma_wait3A_64 = arith.constant 32 : i32
    %dma_wait3A_65 = tpu.memref_slice %arg9[%dma_wait3A_64] : memref<64xi32, #tpu.memory_space<vmem>> -> memref<32xi32, #tpu.memory_space<vmem>>
    %dma_wait3A_66 = arith.constant 0 : i32
    %dma_wait3A_67 = arith.constant 0 : i32
    %dma_wait3A_68 = tpu.memref_slice %arg2[%dma_wait3A_66, %dma_wait3A_67] : memref<4096x512xi32, #tpu.memory_space<hbm>> -> memref<4096x512xi32, #tpu.memory_space<hbm>>
    tpu.wait_indirect_dma semaphore(%arg18 : memref<!tpu.dma_semaphore, #tpu.memory_space<semaphore_mem>>) src(%dma_wait3A_68 : memref<4096x512xi32, #tpu.memory_space<hbm>>) dst(%arg15 : memref<32x512xi32, #tpu.memory_space<vmem>>)
    %parallel_loop3A_69 = arith.constant 0 : i32
    %parallel_loop3A_70 = arith.constant 32 : i32
    %parallel_loop3A_71 = arith.constant 1 : i32
    scf.for %parallel_loop3A_74 = %parallel_loop3A_69 to %parallel_loop3A_70 step %parallel_loop3A_71  : i32 {
      %parallel_loop3A_75 = arith.constant 32 : i32
      %parallel_loop3A_76 = arith.addi %parallel_loop3A_75, %parallel_loop3A_74 : i32
      %parallel_loop3A_77 = arith.index_cast %parallel_loop3A_76 : i32 to index
      %parallel_loop3A_78 = arith.constant 0 : index
      %parallel_loop3A_79 = tpu.vector_load %arg10[%parallel_loop3A_77, %parallel_loop3A_78] {strides = array<i32>} : memref<64x16xf32, #tpu.memory_space<vmem>>, vector<1x16xf32>,
      %parallel_loop3A_80 = vector.shape_cast %parallel_loop3A_79 : vector<1x16xf32> to vector<16xf32>
      %parallel_loop3A_81 = arith.index_cast %parallel_loop3A_76 : i32 to index
      %parallel_loop3A_82 = arith.constant 0 : index
      %parallel_loop3A_83 = tpu.vector_load %arg11[%parallel_loop3A_81, %parallel_loop3A_82] {strides = array<i32>} : memref<64x16xf32, #tpu.memory_space<vmem>>, vector<1x16xf32>,
      %parallel_loop3A_84 = vector.shape_cast %parallel_loop3A_83 : vector<1x16xf32> to vector<16xf32>
      %parallel_loop3A_85 = arith.index_cast %parallel_loop3A_74 : i32 to index
      %parallel_loop3A_86 = arith.constant 0 : index
      %parallel_loop3A_87 = tpu.vector_load %arg14[%parallel_loop3A_85, %parallel_loop3A_86] {strides = array<i32>} : memref<32x512xi32, #tpu.memory_space<vmem>>, vector<1x16xi32>,
      %parallel_loop3A_88 = vector.shape_cast %parallel_loop3A_87 : vector<1x16xi32> to vector<16xi32>
      %parallel_loop3A_89 = arith.index_cast %parallel_loop3A_74 : i32 to index
      %parallel_loop3A_90 = arith.constant 0 : index
      %parallel_loop3A_91 = tpu.vector_load %arg15[%parallel_loop3A_89, %parallel_loop3A_90] {strides = array<i32>} : memref<32x512xi32, #tpu.memory_space<vmem>>, vector<1x16xi32>,
      %parallel_loop3A_92 = vector.shape_cast %parallel_loop3A_91 : vector<1x16xi32> to vector<16xi32>
      %parallel_loop3A_93 = arith.constant 16 : i32
      %parallel_loop3A_94 = vector.broadcast %parallel_loop3A_93 : i32 to vector<16xi32>
      %parallel_loop3A_95 = arith.shli %parallel_loop3A_88, %parallel_loop3A_94 : vector<16xi32>
      %parallel_loop3A_96 = tpu.bitcast %parallel_loop3A_95 : vector<16xi32> -> vector<16xf32>
      %parallel_loop3A_97 = arith.constant 16 : i32
      %parallel_loop3A_98 = vector.broadcast %parallel_loop3A_97 : i32 to vector<16xi32>
      %parallel_loop3A_99 = arith.shli %parallel_loop3A_92, %parallel_loop3A_98 : vector<16xi32>
      %parallel_loop3A_100 = tpu.bitcast %parallel_loop3A_99 : vector<16xi32> -> vector<16xf32>
      %parallel_loop3A_101 = arith.constant -65536 : i32
      %parallel_loop3A_102 = vector.broadcast %parallel_loop3A_101 : i32 to vector<16xi32>
      %parallel_loop3A_103 = arith.andi %parallel_loop3A_88, %parallel_loop3A_102 : vector<16xi32>
      %parallel_loop3A_104 = tpu.bitcast %parallel_loop3A_103 : vector<16xi32> -> vector<16xf32>
      %parallel_loop3A_105 = arith.constant -65536 : i32
      %parallel_loop3A_106 = vector.broadcast %parallel_loop3A_105 : i32 to vector<16xi32>
      %parallel_loop3A_107 = arith.andi %parallel_loop3A_92, %parallel_loop3A_106 : vector<16xi32>
      %parallel_loop3A_108 = tpu.bitcast %parallel_loop3A_107 : vector<16xi32> -> vector<16xf32>
      %parallel_loop3A_109 = arith.mulf %parallel_loop3A_80, %parallel_loop3A_96 : vector<16xf32>
      %parallel_loop3A_110 = arith.mulf %parallel_loop3A_84, %parallel_loop3A_100 : vector<16xf32>
      %parallel_loop3A_111 = arith.addf %parallel_loop3A_109, %parallel_loop3A_110 : vector<16xf32>
      %parallel_loop3A_112 = arith.index_cast %parallel_loop3A_74 : i32 to index
      %parallel_loop3A_113 = arith.constant 0 : index
      %parallel_loop3A_114 = tpu.vector_load %arg16[%parallel_loop3A_112, %parallel_loop3A_113] {strides = array<i32>} : memref<32x1024xf32, #tpu.memory_space<vmem>>, vector<1x16xf32>,
      %parallel_loop3A_115 = vector.shape_cast %parallel_loop3A_114 : vector<1x16xf32> to vector<16xf32>
      %parallel_loop3A_116 = vector.shape_cast %parallel_loop3A_111 : vector<16xf32> to vector<1x16xf32>
      tpu.vector_store %arg16[%parallel_loop3A_112, %parallel_loop3A_113], %parallel_loop3A_116 {strides = array<i32>} : memref<32x1024xf32, #tpu.memory_space<vmem>>, vector<1x16xf32>,
      %parallel_loop3A_117 = arith.mulf %parallel_loop3A_80, %parallel_loop3A_104 : vector<16xf32>
      %parallel_loop3A_118 = arith.mulf %parallel_loop3A_84, %parallel_loop3A_108 : vector<16xf32>
      %parallel_loop3A_119 = arith.addf %parallel_loop3A_117, %parallel_loop3A_118 : vector<16xf32>
      %parallel_loop3A_120 = arith.index_cast %parallel_loop3A_74 : i32 to index
      %parallel_loop3A_121 = arith.constant 512 : index
      %parallel_loop3A_122 = tpu.vector_load %arg16[%parallel_loop3A_120, %parallel_loop3A_121] {strides = array<i32>} : memref<32x1024xf32, #tpu.memory_space<vmem>>, vector<1x16xf32>,
      %parallel_loop3A_123 = vector.shape_cast %parallel_loop3A_122 : vector<1x16xf32> to vector<16xf32>
      %parallel_loop3A_124 = vector.shape_cast %parallel_loop3A_119 : vector<16xf32> to vector<1x16xf32>
      tpu.vector_store %arg16[%parallel_loop3A_120, %parallel_loop3A_121], %parallel_loop3A_124 {strides = array<i32>} : memref<32x1024xf32, #tpu.memory_space<vmem>>, vector<1x16xf32>,
      %parallel_loop3A_125 = arith.index_cast %parallel_loop3A_74 : i32 to index
      %parallel_loop3A_126 = arith.constant 16 : index
      %parallel_loop3A_127 = tpu.vector_load %arg14[%parallel_loop3A_125, %parallel_loop3A_126] {strides = array<i32>} : memref<32x512xi32, #tpu.memory_space<vmem>>, vector<1x16xi32>,
      %parallel_loop3A_128 = vector.shape_cast %parallel_loop3A_127 : vector<1x16xi32> to vector<16xi32>
      %parallel_loop3A_129 = arith.index_cast %parallel_loop3A_74 : i32 to index
      %parallel_loop3A_130 = arith.constant 16 : index
      %parallel_loop3A_131 = tpu.vector_load %arg15[%parallel_loop3A_129, %parallel_loop3A_130] {strides = array<i32>} : memref<32x512xi32, #tpu.memory_space<vmem>>, vector<1x16xi32>,
      %parallel_loop3A_132 = vector.shape_cast %parallel_loop3A_131 : vector<1x16xi32> to vector<16xi32>
      %parallel_loop3A_133 = arith.constant 16 : i32
      %parallel_loop3A_134 = vector.broadcast %parallel_loop3A_133 : i32 to vector<16xi32>
      %parallel_loop3A_135 = arith.shli %parallel_loop3A_128, %parallel_loop3A_134 : vector<16xi32>
      %parallel_loop3A_136 = tpu.bitcast %parallel_loop3A_135 : vector<16xi32> -> vector<16xf32>
      %parallel_loop3A_137 = arith.constant 16 : i32
      %parallel_loop3A_138 = vector.broadcast %parallel_loop3A_137 : i32 to vector<16xi32>
      %parallel_loop3A_139 = arith.shli %parallel_loop3A_132, %parallel_loop3A_138 : vector<16xi32>
      %parallel_loop3A_140 = tpu.bitcast %parallel_loop3A_139 : vector<16xi32> -> vector<16xf32>
      %parallel_loop3A_141 = arith.constant -65536 : i32
      %parallel_loop3A_142 = vector.broadcast %parallel_loop3A_141 : i32 to vector<16xi32>
      %parallel_loop3A_143 = arith.andi %parallel_loop3A_128, %parallel_loop3A_142 : vector<16xi32>
      %parallel_loop3A_144 = tpu.bitcast %parallel_loop3A_143 : vector<16xi32> -> vector<16xf32>
      %parallel_loop3A_145 = arith.constant -65536 : i32
      %parallel_loop3A_146 = vector.broadcast %parallel_loop3A_145 : i32 to vector<16xi32>
      %parallel_loop3A_147 = arith.andi %parallel_loop3A_132, %parallel_loop3A_146 : vector<16xi32>
      %parallel_loop3A_148 = tpu.bitcast %parallel_loop3A_147 : vector<16xi32> -> vector<16xf32>
      %parallel_loop3A_149 = arith.mulf %parallel_loop3A_80, %parallel_loop3A_136 : vector<16xf32>
      %parallel_loop3A_150 = arith.mulf %parallel_loop3A_84, %parallel_loop3A_140 : vector<16xf32>
      %parallel_loop3A_151 = arith.addf %parallel_loop3A_149, %parallel_loop3A_150 : vector<16xf32>
      %parallel_loop3A_152 = arith.index_cast %parallel_loop3A_74 : i32 to index
      %parallel_loop3A_153 = arith.constant 16 : index
      %parallel_loop3A_154 = tpu.vector_load %arg16[%parallel_loop3A_152, %parallel_loop3A_153] {strides = array<i32>} : memref<32x1024xf32, #tpu.memory_space<vmem>>, vector<1x16xf32>,
      %parallel_loop3A_155 = vector.shape_cast %parallel_loop3A_154 : vector<1x16xf32> to vector<16xf32>
      %parallel_loop3A_156 = vector.shape_cast %parallel_loop3A_151 : vector<16xf32> to vector<1x16xf32>
      tpu.vector_store %arg16[%parallel_loop3A_152, %parallel_loop3A_153], %parallel_loop3A_156 {strides = array<i32>} : memref<32x1024xf32, #tpu.memory_space<vmem>>, vector<1x16xf32>,
      %parallel_loop3A_157 = arith.mulf %parallel_loop3A_80, %parallel_loop3A_144 : vector<16xf32>
      %parallel_loop3A_158 = arith.mulf %parallel_loop3A_84, %parallel_loop3A_148 : vector<16xf32>
      %parallel_loop3A_159 = arith.addf %parallel_loop3A_157, %parallel_loop3A_158 : vector<16xf32>
      %parallel_loop3A_160 = arith.index_cast %parallel_loop3A_74 : i32 to index
      %parallel_loop3A_161 = arith.constant 528 : index
      %parallel_loop3A_162 = tpu.vector_load %arg16[%parallel_loop3A_160, %parallel_loop3A_161] {strides = array<i32>} : memref<32x1024xf32, #tpu.memory_space<vmem>>, vector<1x16xf32>,
      %parallel_loop3A_163 = vector.shape_cast %parallel_loop3A_162 : vector<1x16xf32> to vector<16xf32>
      %parallel_loop3A_164 = vector.shape_cast %parallel_loop3A_159 : vector<16xf32> to vector<1x16xf32>
      tpu.vector_store %arg16[%parallel_loop3A_160, %parallel_loop3A_161], %parallel_loop3A_164 {strides = array<i32>} : memref<32x1024xf32, #tpu.memory_space<vmem>>, vector<1x16xf32>,
      %parallel_loop3A_165 = arith.index_cast %parallel_loop3A_74 : i32 to index
      %parallel_loop3A_166 = arith.constant 32 : index
      %parallel_loop3A_167 = tpu.vector_load %arg14[%parallel_loop3A_165, %parallel_loop3A_166] {strides = array<i32>} : memref<32x512xi32, #tpu.memory_space<vmem>>, vector<1x16xi32>,
      %parallel_loop3A_168 = vector.shape_cast %parallel_loop3A_167 : vector<1x16xi32> to vector<16xi32>
      %parallel_loop3A_169 = arith.index_cast %parallel_loop3A_74 : i32 to index
      %parallel_loop3A_170 = arith.constant 32 : index
      %parallel_loop3A_171 = tpu.vector_load %arg15[%parallel_loop3A_169, %parallel_loop3A_170] {strides = array<i32>} : memref<32x512xi32, #tpu.memory_space<vmem>>, vector<1x16xi32>,
      %parallel_loop3A_172 = vector.shape_cast %parallel_loop3A_171 : vector<1x16xi32> to vector<16xi32>
      %parallel_loop3A_173 = arith.constant 16 : i32
      %parallel_loop3A_174 = vector.broadcast %parallel_loop3A_173 : i32 to vector<16xi32>
      %parallel_loop3A_175 = arith.shli %parallel_loop3A_168, %parallel_loop3A_174 : vector<16xi32>
      %parallel_loop3A_176 = tpu.bitcast %parallel_loop3A_175 : vector<16xi32> -> vector<16xf32>
      %parallel_loop3A_177 = arith.constant 16 : i32
      %parallel_loop3A_178 = vector.broadcast %parallel_loop3A_177 : i32 to vector<16xi32>
      %parallel_loop3A_179 = arith.shli %parallel_loop3A_172, %parallel_loop3A_178 : vector<16xi32>
      %parallel_loop3A_180 = tpu.bitcast %parallel_loop3A_179 : vector<16xi32> -> vector<16xf32>
      %parallel_loop3A_181 = arith.constant -65536 : i32
      %parallel_loop3A_182 = vector.broadcast %parallel_loop3A_181 : i32 to vector<16xi32>
      %parallel_loop3A_183 = arith.andi %parallel_loop3A_168, %parallel_loop3A_182 : vector<16xi32>
      %parallel_loop3A_184 = tpu.bitcast %parallel_loop3A_183 : vector<16xi32> -> vector<16xf32>
      %parallel_loop3A_185 = arith.constant -65536 : i32
      %parallel_loop3A_186 = vector.broadcast %parallel_loop3A_185 : i32 to vector<16xi32>
      %parallel_loop3A_187 = arith.andi %parallel_loop3A_172, %parallel_loop3A_186 : vector<16xi32>
      %parallel_loop3A_188 = tpu.bitcast %parallel_loop3A_187 : vector<16xi32> -> vector<16xf32>
      %parallel_loop3A_189 = arith.mulf %parallel_loop3A_80, %parallel_loop3A_176 : vector<16xf32>
      %parallel_loop3A_190 = arith.mulf %parallel_loop3A_84, %parallel_loop3A_180 : vector<16xf32>
      %parallel_loop3A_191 = arith.addf %parallel_loop3A_189, %parallel_loop3A_190 : vector<16xf32>
      %parallel_loop3A_192 = arith.index_cast %parallel_loop3A_74 : i32 to index
      %parallel_loop3A_193 = arith.constant 32 : index
      %parallel_loop3A_194 = tpu.vector_load %arg16[%parallel_loop3A_192, %parallel_loop3A_193] {strides = array<i32>} : memref<32x1024xf32, #tpu.memory_space<vmem>>, vector<1x16xf32>,
      %parallel_loop3A_195 = vector.shape_cast %parallel_loop3A_194 : vector<1x16xf32> to vector<16xf32>
      %parallel_loop3A_196 = vector.shape_cast %parallel_loop3A_191 : vector<16xf32> to vector<1x16xf32>
      tpu.vector_store %arg16[%parallel_loop3A_192, %parallel_loop3A_193], %parallel_loop3A_196 {strides = array<i32>} : memref<32x1024xf32, #tpu.memory_space<vmem>>, vector<1x16xf32>,
      %parallel_loop3A_197 = arith.mulf %parallel_loop3A_80, %parallel_loop3A_184 : vector<16xf32>
      %parallel_loop3A_198 = arith.mulf %parallel_loop3A_84, %parallel_loop3A_188 : vector<16xf32>
      %parallel_loop3A_199 = arith.addf %parallel_loop3A_197, %parallel_loop3A_198 : vector<16xf32>
      %parallel_loop3A_200 = arith.index_cast %parallel_loop3A_74 : i32 to index
      %parallel_loop3A_201 = arith.constant 544 : index
      %parallel_loop3A_202 = tpu.vector_load %arg16[%parallel_loop3A_200, %parallel_loop3A_201] {strides = array<i32>} : memref<32x1024xf32, #tpu.memory_space<vmem>>, vector<1x16xf32>,
      %parallel_loop3A_203 = vector.shape_cast %parallel_loop3A_202 : vector<1x16xf32> to vector<16xf32>
      %parallel_loop3A_204 = vector.shape_cast %parallel_loop3A_199 : vector<16xf32> to vector<1x16xf32>
      tpu.vector_store %arg16[%parallel_loop3A_200, %parallel_loop3A_201], %parallel_loop3A_204 {strides = array<i32>} : memref<32x1024xf32, #tpu.memory_space<vmem>>, vector<1x16xf32>,
      %parallel_loop3A_205 = arith.index_cast %parallel_loop3A_74 : i32 to index
      %parallel_loop3A_206 = arith.constant 48 : index
      %parallel_loop3A_207 = tpu.vector_load %arg14[%parallel_loop3A_205, %parallel_loop3A_206] {strides = array<i32>} : memref<32x512xi32, #tpu.memory_space<vmem>>, vector<1x16xi32>,
      %parallel_loop3A_208 = vector.shape_cast %parallel_loop3A_207 : vector<1x16xi32> to vector<16xi32>
      %parallel_loop3A_209 = arith.index_cast %parallel_loop3A_74 : i32 to index
      %parallel_loop3A_210 = arith.constant 48 : index
      %parallel_loop3A_211 = tpu.vector_load %arg15[%parallel_loop3A_209, %parallel_loop3A_210] {strides = array<i32>} : memref<32x512xi32, #tpu.memory_space<vmem>>, vector<1x16xi32>,
      %parallel_loop3A_212 = vector.shape_cast %parallel_loop3A_211 : vector<1x16xi32> to vector<16xi32>
      %parallel_loop3A_213 = arith.constant 16 : i32
      %parallel_loop3A_214 = vector.broadcast %parallel_loop3A_213 : i32 to vector<16xi32>
      %parallel_loop3A_215 = arith.shli %parallel_loop3A_208, %parallel_loop3A_214 : vector<16xi32>
      %parallel_loop3A_216 = tpu.bitcast %parallel_loop3A_215 : vector<16xi32> -> vector<16xf32>
      %parallel_loop3A_217 = arith.constant 16 : i32
      %parallel_loop3A_218 = vector.broadcast %parallel_loop3A_217 : i32 to vector<16xi32>
      %parallel_loop3A_219 = arith.shli %parallel_loop3A_212, %parallel_loop3A_218 : vector<16xi32>
      %parallel_loop3A_220 = tpu.bitcast %parallel_loop3A_219 : vector<16xi32> -> vector<16xf32>
      %parallel_loop3A_221 = arith.constant -65536 : i32
      %parallel_loop3A_222 = vector.broadcast %parallel_loop3A_221 : i32 to vector<16xi32>
      %parallel_loop3A_223 = arith.andi %parallel_loop3A_208, %parallel_loop3A_222 : vector<16xi32>
      %parallel_loop3A_224 = tpu.bitcast %parallel_loop3A_223 : vector<16xi32> -> vector<16xf32>
      %parallel_loop3A_225 = arith.constant -65536 : i32
      %parallel_loop3A_226 = vector.broadcast %parallel_loop3A_225 : i32 to vector<16xi32>
      %parallel_loop3A_227 = arith.andi %parallel_loop3A_212, %parallel_loop3A_226 : vector<16xi32>
      %parallel_loop3A_228 = tpu.bitcast %parallel_loop3A_227 : vector<16xi32> -> vector<16xf32>
      %parallel_loop3A_229 = arith.mulf %parallel_loop3A_80, %parallel_loop3A_216 : vector<16xf32>
      %parallel_loop3A_230 = arith.mulf %parallel_loop3A_84, %parallel_loop3A_220 : vector<16xf32>
      %parallel_loop3A_231 = arith.addf %parallel_loop3A_229, %parallel_loop3A_230 : vector<16xf32>
      %parallel_loop3A_232 = arith.index_cast %parallel_loop3A_74 : i32 to index
      %parallel_loop3A_233 = arith.constant 48 : index
      %parallel_loop3A_234 = tpu.vector_load %arg16[%parallel_loop3A_232, %parallel_loop3A_233] {strides = array<i32>} : memref<32x1024xf32, #tpu.memory_space<vmem>>, vector<1x16xf32>,
      %parallel_loop3A_235 = vector.shape_cast %parallel_loop3A_234 : vector<1x16xf32> to vector<16xf32>
      %parallel_loop3A_236 = vector.shape_cast %parallel_loop3A_231 : vector<16xf32> to vector<1x16xf32>
      tpu.vector_store %arg16[%parallel_loop3A_232, %parallel_loop3A_233], %parallel_loop3A_236 {strides = array<i32>} : memref<32x1024xf32, #tpu.memory_space<vmem>>, vector<1x16xf32>,
      %parallel_loop3A_237 = arith.mulf %parallel_loop3A_80, %parallel_loop3A_224 : vector<16xf32>
      %parallel_loop3A_238 = arith.mulf %parallel_loop3A_84, %parallel_loop3A_228 : vector<16xf32>
      %parallel_loop3A_239 = arith.addf %parallel_loop3A_237, %parallel_loop3A_238 : vector<16xf32>
      %parallel_loop3A_240 = arith.index_cast %parallel_loop3A_74 : i32 to index
      %parallel_loop3A_241 = arith.constant 560 : index
      %parallel_loop3A_242 = tpu.vector_load %arg16[%parallel_loop3A_240, %parallel_loop3A_241] {strides = array<i32>} : memref<32x1024xf32, #tpu.memory_space<vmem>>, vector<1x16xf32>,
      %parallel_loop3A_243 = vector.shape_cast %parallel_loop3A_242 : vector<1x16xf32> to vector<16xf32>
      %parallel_loop3A_244 = vector.shape_cast %parallel_loop3A_239 : vector<16xf32> to vector<1x16xf32>
      tpu.vector_store %arg16[%parallel_loop3A_240, %parallel_loop3A_241], %parallel_loop3A_244 {strides = array<i32>} : memref<32x1024xf32, #tpu.memory_space<vmem>>, vector<1x16xf32>,
      %parallel_loop3A_245 = arith.index_cast %parallel_loop3A_74 : i32 to index
      %parallel_loop3A_246 = arith.constant 64 : index
      %parallel_loop3A_247 = tpu.vector_load %arg14[%parallel_loop3A_245, %parallel_loop3A_246] {strides = array<i32>} : memref<32x512xi32, #tpu.memory_space<vmem>>, vector<1x16xi32>,
      %parallel_loop3A_248 = vector.shape_cast %parallel_loop3A_247 : vector<1x16xi32> to vector<16xi32>
      %parallel_loop3A_249 = arith.index_cast %parallel_loop3A_74 : i32 to index
      %parallel_loop3A_250 = arith.constant 64 : index
      %parallel_loop3A_251 = tpu.vector_load %arg15[%parallel_loop3A_249, %parallel_loop3A_250] {strides = array<i32>} : memref<32x512xi32, #tpu.memory_space<vmem>>, vector<1x16xi32>,
      %parallel_loop3A_252 = vector.shape_cast %parallel_loop3A_251 : vector<1x16xi32> to vector<16xi32>
      %parallel_loop3A_253 = arith.constant 16 : i32
      %parallel_loop3A_254 = vector.broadcast %parallel_loop3A_253 : i32 to vector<16xi32>
      %parallel_loop3A_255 = arith.shli %parallel_loop3A_248, %parallel_loop3A_254 : vector<16xi32>
      %parallel_loop3A_256 = tpu.bitcast %parallel_loop3A_255 : vector<16xi32> -> vector<16xf32>
      %parallel_loop3A_257 = arith.constant 16 : i32
      %parallel_loop3A_258 = vector.broadcast %parallel_loop3A_257 : i32 to vector<16xi32>
      %parallel_loop3A_259 = arith.shli %parallel_loop3A_252, %parallel_loop3A_258 : vector<16xi32>
      %parallel_loop3A_260 = tpu.bitcast %parallel_loop3A_259 : vector<16xi32> -> vector<16xf32>
      %parallel_loop3A_261 = arith.constant -65536 : i32
      %parallel_loop3A_262 = vector.broadcast %parallel_loop3A_261 : i32 to vector<16xi32>
      %parallel_loop3A_263 = arith.andi %parallel_loop3A_248, %parallel_loop3A_262 : vector<16xi32>
      %parallel_loop3A_264 = tpu.bitcast %parallel_loop3A_263 : vector<16xi32> -> vector<16xf32>
      %parallel_loop3A_265 = arith.constant -65536 : i32
      %parallel_loop3A_266 = vector.broadcast %parallel_loop3A_265 : i32 to vector<16xi32>
      %parallel_loop3A_267 = arith.andi %parallel_loop3A_252, %parallel_loop3A_266 : vector<16xi32>
      %parallel_loop3A_268 = tpu.bitcast %parallel_loop3A_267 : vector<16xi32> -> vector<16xf32>
      %parallel_loop3A_269 = arith.mulf %parallel_loop3A_80, %parallel_loop3A_256 : vector<16xf32>
      %parallel_loop3A_270 = arith.mulf %parallel_loop3A_84, %parallel_loop3A_260 : vector<16xf32>
      %parallel_loop3A_271 = arith.addf %parallel_loop3A_269, %parallel_loop3A_270 : vector<16xf32>
      %parallel_loop3A_272 = arith.index_cast %parallel_loop3A_74 : i32 to index
      %parallel_loop3A_273 = arith.constant 64 : index
      %parallel_loop3A_274 = tpu.vector_load %arg16[%parallel_loop3A_272, %parallel_loop3A_273] {strides = array<i32>} : memref<32x1024xf32, #tpu.memory_space<vmem>>, vector<1x16xf32>,
      %parallel_loop3A_275 = vector.shape_cast %parallel_loop3A_274 : vector<1x16xf32> to vector<16xf32>
      %parallel_loop3A_276 = vector.shape_cast %parallel_loop3A_271 : vector<16xf32> to vector<1x16xf32>
      tpu.vector_store %arg16[%parallel_loop3A_272, %parallel_loop3A_273], %parallel_loop3A_276 {strides = array<i32>} : memref<32x1024xf32, #tpu.memory_space<vmem>>, vector<1x16xf32>,
      %parallel_loop3A_277 = arith.mulf %parallel_loop3A_80, %parallel_loop3A_264 : vector<16xf32>
      %parallel_loop3A_278 = arith.mulf %parallel_loop3A_84, %parallel_loop3A_268 : vector<16xf32>
      %parallel_loop3A_279 = arith.addf %parallel_loop3A_277, %parallel_loop3A_278 : vector<16xf32>
      %parallel_loop3A_280 = arith.index_cast %parallel_loop3A_74 : i32 to index
      %parallel_loop3A_281 = arith.constant 576 : index
      %parallel_loop3A_282 = tpu.vector_load %arg16[%parallel_loop3A_280, %parallel_loop3A_281] {strides = array<i32>} : memref<32x1024xf32, #tpu.memory_space<vmem>>, vector<1x16xf32>,
      %parallel_loop3A_283 = vector.shape_cast %parallel_loop3A_282 : vector<1x16xf32> to vector<16xf32>
      %parallel_loop3A_284 = vector.shape_cast %parallel_loop3A_279 : vector<16xf32> to vector<1x16xf32>
      tpu.vector_store %arg16[%parallel_loop3A_280, %parallel_loop3A_281], %parallel_loop3A_284 {strides = array<i32>} : memref<32x1024xf32, #tpu.memory_space<vmem>>, vector<1x16xf32>,
      %parallel_loop3A_285 = arith.index_cast %parallel_loop3A_74 : i32 to index
      %parallel_loop3A_286 = arith.constant 80 : index
      %parallel_loop3A_287 = tpu.vector_load %arg14[%parallel_loop3A_285, %parallel_loop3A_286] {strides = array<i32>} : memref<32x512xi32, #tpu.memory_space<vmem>>, vector<1x16xi32>,
      %parallel_loop3A_288 = vector.shape_cast %parallel_loop3A_287 : vector<1x16xi32> to vector<16xi32>
      %parallel_loop3A_289 = arith.index_cast %parallel_loop3A_74 : i32 to index
      %parallel_loop3A_290 = arith.constant 80 : index
      %parallel_loop3A_291 = tpu.vector_load %arg15[%parallel_loop3A_289, %parallel_loop3A_290] {strides = array<i32>} : memref<32x512xi32, #tpu.memory_space<vmem>>, vector<1x16xi32>,
      %parallel_loop3A_292 = vector.shape_cast %parallel_loop3A_291 : vector<1x16xi32> to vector<16xi32>
      %parallel_loop3A_293 = arith.constant 16 : i32
      %parallel_loop3A_294 = vector.broadcast %parallel_loop3A_293 : i32 to vector<16xi32>
      %parallel_loop3A_295 = arith.shli %parallel_loop3A_288, %parallel_loop3A_294 : vector<16xi32>
      %parallel_loop3A_296 = tpu.bitcast %parallel_loop3A_295 : vector<16xi32> -> vector<16xf32>
      %parallel_loop3A_297 = arith.constant 16 : i32
      %parallel_loop3A_298 = vector.broadcast %parallel_loop3A_297 : i32 to vector<16xi32>
      %parallel_loop3A_299 = arith.shli %parallel_loop3A_292, %parallel_loop3A_298 : vector<16xi32>
      %parallel_loop3A_300 = tpu.bitcast %parallel_loop3A_299 : vector<16xi32> -> vector<16xf32>
      %parallel_loop3A_301 = arith.constant -65536 : i32
      %parallel_loop3A_302 = vector.broadcast %parallel_loop3A_301 : i32 to vector<16xi32>
      %parallel_loop3A_303 = arith.andi %parallel_loop3A_288, %parallel_loop3A_302 : vector<16xi32>
      %parallel_loop3A_304 = tpu.bitcast %parallel_loop3A_303 : vector<16xi32> -> vector<16xf32>
      %parallel_loop3A_305 = arith.constant -65536 : i32
      %parallel_loop3A_306 = vector.broadcast %parallel_loop3A_305 : i32 to vector<16xi32>
      %parallel_loop3A_307 = arith.andi %parallel_loop3A_292, %parallel_loop3A_306 : vector<16xi32>
      %parallel_loop3A_308 = tpu.bitcast %parallel_loop3A_307 : vector<16xi32> -> vector<16xf32>
      %parallel_loop3A_309 = arith.mulf %parallel_loop3A_80, %parallel_loop3A_296 : vector<16xf32>
      %parallel_loop3A_310 = arith.mulf %parallel_loop3A_84, %parallel_loop3A_300 : vector<16xf32>
      %parallel_loop3A_311 = arith.addf %parallel_loop3A_309, %parallel_loop3A_310 : vector<16xf32>
      %parallel_loop3A_312 = arith.index_cast %parallel_loop3A_74 : i32 to index
      %parallel_loop3A_313 = arith.constant 80 : index
      %parallel_loop3A_314 = tpu.vector_load %arg16[%parallel_loop3A_312, %parallel_loop3A_313] {strides = array<i32>} : memref<32x1024xf32, #tpu.memory_space<vmem>>, vector<1x16xf32>,
      %parallel_loop3A_315 = vector.shape_cast %parallel_loop3A_314 : vector<1x16xf32> to vector<16xf32>
      %parallel_loop3A_316 = vector.shape_cast %parallel_loop3A_311 : vector<16xf32> to vector<1x16xf32>
      tpu.vector_store %arg16[%parallel_loop3A_312, %parallel_loop3A_313], %parallel_loop3A_316 {strides = array<i32>} : memref<32x1024xf32, #tpu.memory_space<vmem>>, vector<1x16xf32>,
      %parallel_loop3A_317 = arith.mulf %parallel_loop3A_80, %parallel_loop3A_304 : vector<16xf32>
      %parallel_loop3A_318 = arith.mulf %parallel_loop3A_84, %parallel_loop3A_308 : vector<16xf32>
      %parallel_loop3A_319 = arith.addf %parallel_loop3A_317, %parallel_loop3A_318 : vector<16xf32>
      %parallel_loop3A_320 = arith.index_cast %parallel_loop3A_74 : i32 to index
      %parallel_loop3A_321 = arith.constant 592 : index
      %parallel_loop3A_322 = tpu.vector_load %arg16[%parallel_loop3A_320, %parallel_loop3A_321] {strides = array<i32>} : memref<32x1024xf32, #tpu.memory_space<vmem>>, vector<1x16xf32>,
      %parallel_loop3A_323 = vector.shape_cast %parallel_loop3A_322 : vector<1x16xf32> to vector<16xf32>
      %parallel_loop3A_324 = vector.shape_cast %parallel_loop3A_319 : vector<16xf32> to vector<1x16xf32>
      tpu.vector_store %arg16[%parallel_loop3A_320, %parallel_loop3A_321], %parallel_loop3A_324 {strides = array<i32>} : memref<32x1024xf32, #tpu.memory_space<vmem>>, vector<1x16xf32>,
      %parallel_loop3A_325 = arith.index_cast %parallel_loop3A_74 : i32 to index
      %parallel_loop3A_326 = arith.constant 96 : index
      %parallel_loop3A_327 = tpu.vector_load %arg14[%parallel_loop3A_325, %parallel_loop3A_326] {strides = array<i32>} : memref<32x512xi32, #tpu.memory_space<vmem>>, vector<1x16xi32>,
      %parallel_loop3A_328 = vector.shape_cast %parallel_loop3A_327 : vector<1x16xi32> to vector<16xi32>
      %parallel_loop3A_329 = arith.index_cast %parallel_loop3A_74 : i32 to index
      %parallel_loop3A_330 = arith.constant 96 : index
      %parallel_loop3A_331 = tpu.vector_load %arg15[%parallel_loop3A_329, %parallel_loop3A_330] {strides = array<i32>} : memref<32x512xi32, #tpu.memory_space<vmem>>, vector<1x16xi32>,
      %parallel_loop3A_332 = vector.shape_cast %parallel_loop3A_331 : vector<1x16xi32> to vector<16xi32>
      %parallel_loop3A_333 = arith.constant 16 : i32
      %parallel_loop3A_334 = vector.broadcast %parallel_loop3A_333 : i32 to vector<16xi32>
      %parallel_loop3A_335 = arith.shli %parallel_loop3A_328, %parallel_loop3A_334 : vector<16xi32>
      %parallel_loop3A_336 = tpu.bitcast %parallel_loop3A_335 : vector<16xi32> -> vector<16xf32>
      %parallel_loop3A_337 = arith.constant 16 : i32
      %parallel_loop3A_338 = vector.broadcast %parallel_loop3A_337 : i32 to vector<16xi32>
      %parallel_loop3A_339 = arith.shli %parallel_loop3A_332, %parallel_loop3A_338 : vector<16xi32>
      %parallel_loop3A_340 = tpu.bitcast %parallel_loop3A_339 : vector<16xi32> -> vector<16xf32>
      %parallel_loop3A_341 = arith.constant -65536 : i32
      %parallel_loop3A_342 = vector.broadcast %parallel_loop3A_341 : i32 to vector<16xi32>
      %parallel_loop3A_343 = arith.andi %parallel_loop3A_328, %parallel_loop3A_342 : vector<16xi32>
      %parallel_loop3A_344 = tpu.bitcast %parallel_loop3A_343 : vector<16xi32> -> vector<16xf32>
      %parallel_loop3A_345 = arith.constant -65536 : i32
      %parallel_loop3A_346 = vector.broadcast %parallel_loop3A_345 : i32 to vector<16xi32>
      %parallel_loop3A_347 = arith.andi %parallel_loop3A_332, %parallel_loop3A_346 : vector<16xi32>
      %parallel_loop3A_348 = tpu.bitcast %parallel_loop3A_347 : vector<16xi32> -> vector<16xf32>
      %parallel_loop3A_349 = arith.mulf %parallel_loop3A_80, %parallel_loop3A_336 : vector<16xf32>
      %parallel_loop3A_350 = arith.mulf %parallel_loop3A_84, %parallel_loop3A_340 : vector<16xf32>
      %parallel_loop3A_351 = arith.addf %parallel_loop3A_349, %parallel_loop3A_350 : vector<16xf32>
      %parallel_loop3A_352 = arith.index_cast %parallel_loop3A_74 : i32 to index
      %parallel_loop3A_353 = arith.constant 96 : index
      %parallel_loop3A_354 = tpu.vector_load %arg16[%parallel_loop3A_352, %parallel_loop3A_353] {strides = array<i32>} : memref<32x1024xf32, #tpu.memory_space<vmem>>, vector<1x16xf32>,
      %parallel_loop3A_355 = vector.shape_cast %parallel_loop3A_354 : vector<1x16xf32> to vector<16xf32>
      %parallel_loop3A_356 = vector.shape_cast %parallel_loop3A_351 : vector<16xf32> to vector<1x16xf32>
      tpu.vector_store %arg16[%parallel_loop3A_352, %parallel_loop3A_353], %parallel_loop3A_356 {strides = array<i32>} : memref<32x1024xf32, #tpu.memory_space<vmem>>, vector<1x16xf32>,
      %parallel_loop3A_357 = arith.mulf %parallel_loop3A_80, %parallel_loop3A_344 : vector<16xf32>
      %parallel_loop3A_358 = arith.mulf %parallel_loop3A_84, %parallel_loop3A_348 : vector<16xf32>
      %parallel_loop3A_359 = arith.addf %parallel_loop3A_357, %parallel_loop3A_358 : vector<16xf32>
      %parallel_loop3A_360 = arith.index_cast %parallel_loop3A_74 : i32 to index
      %parallel_loop3A_361 = arith.constant 608 : index
      %parallel_loop3A_362 = tpu.vector_load %arg16[%parallel_loop3A_360, %parallel_loop3A_361] {strides = array<i32>} : memref<32x1024xf32, #tpu.memory_space<vmem>>, vector<1x16xf32>,
      %parallel_loop3A_363 = vector.shape_cast %parallel_loop3A_362 : vector<1x16xf32> to vector<16xf32>
      %parallel_loop3A_364 = vector.shape_cast %parallel_loop3A_359 : vector<16xf32> to vector<1x16xf32>
      tpu.vector_store %arg16[%parallel_loop3A_360, %parallel_loop3A_361], %parallel_loop3A_364 {strides = array<i32>} : memref<32x1024xf32, #tpu.memory_space<vmem>>, vector<1x16xf32>,
      %parallel_loop3A_365 = arith.index_cast %parallel_loop3A_74 : i32 to index
      %parallel_loop3A_366 = arith.constant 112 : index
      %parallel_loop3A_367 = tpu.vector_load %arg14[%parallel_loop3A_365, %parallel_loop3A_366] {strides = array<i32>} : memref<32x512xi32, #tpu.memory_space<vmem>>, vector<1x16xi32>,
      %parallel_loop3A_368 = vector.shape_cast %parallel_loop3A_367 : vector<1x16xi32> to vector<16xi32>
      %parallel_loop3A_369 = arith.index_cast %parallel_loop3A_74 : i32 to index
      %parallel_loop3A_370 = arith.constant 112 : index
      %parallel_loop3A_371 = tpu.vector_load %arg15[%parallel_loop3A_369, %parallel_loop3A_370] {strides = array<i32>} : memref<32x512xi32, #tpu.memory_space<vmem>>, vector<1x16xi32>,
      %parallel_loop3A_372 = vector.shape_cast %parallel_loop3A_371 : vector<1x16xi32> to vector<16xi32>
      %parallel_loop3A_373 = arith.constant 16 : i32
      %parallel_loop3A_374 = vector.broadcast %parallel_loop3A_373 : i32 to vector<16xi32>
      %parallel_loop3A_375 = arith.shli %parallel_loop3A_368, %parallel_loop3A_374 : vector<16xi32>
      %parallel_loop3A_376 = tpu.bitcast %parallel_loop3A_375 : vector<16xi32> -> vector<16xf32>
      %parallel_loop3A_377 = arith.constant 16 : i32
      %parallel_loop3A_378 = vector.broadcast %parallel_loop3A_377 : i32 to vector<16xi32>
      %parallel_loop3A_379 = arith.shli %parallel_loop3A_372, %parallel_loop3A_378 : vector<16xi32>
      %parallel_loop3A_380 = tpu.bitcast %parallel_loop3A_379 : vector<16xi32> -> vector<16xf32>
      %parallel_loop3A_381 = arith.constant -65536 : i32
      %parallel_loop3A_382 = vector.broadcast %parallel_loop3A_381 : i32 to vector<16xi32>
      %parallel_loop3A_383 = arith.andi %parallel_loop3A_368, %parallel_loop3A_382 : vector<16xi32>
      %parallel_loop3A_384 = tpu.bitcast %parallel_loop3A_383 : vector<16xi32> -> vector<16xf32>
      %parallel_loop3A_385 = arith.constant -65536 : i32
      %parallel_loop3A_386 = vector.broadcast %parallel_loop3A_385 : i32 to vector<16xi32>
      %parallel_loop3A_387 = arith.andi %parallel_loop3A_372, %parallel_loop3A_386 : vector<16xi32>
      %parallel_loop3A_388 = tpu.bitcast %parallel_loop3A_387 : vector<16xi32> -> vector<16xf32>
      %parallel_loop3A_389 = arith.mulf %parallel_loop3A_80, %parallel_loop3A_376 : vector<16xf32>
      %parallel_loop3A_390 = arith.mulf %parallel_loop3A_84, %parallel_loop3A_380 : vector<16xf32>
      %parallel_loop3A_391 = arith.addf %parallel_loop3A_389, %parallel_loop3A_390 : vector<16xf32>
      %parallel_loop3A_392 = arith.index_cast %parallel_loop3A_74 : i32 to index
      %parallel_loop3A_393 = arith.constant 112 : index
      %parallel_loop3A_394 = tpu.vector_load %arg16[%parallel_loop3A_392, %parallel_loop3A_393] {strides = array<i32>} : memref<32x1024xf32, #tpu.memory_space<vmem>>, vector<1x16xf32>,
      %parallel_loop3A_395 = vector.shape_cast %parallel_loop3A_394 : vector<1x16xf32> to vector<16xf32>
      %parallel_loop3A_396 = vector.shape_cast %parallel_loop3A_391 : vector<16xf32> to vector<1x16xf32>
      tpu.vector_store %arg16[%parallel_loop3A_392, %parallel_loop3A_393], %parallel_loop3A_396 {strides = array<i32>} : memref<32x1024xf32, #tpu.memory_space<vmem>>, vector<1x16xf32>,
      %parallel_loop3A_397 = arith.mulf %parallel_loop3A_80, %parallel_loop3A_384 : vector<16xf32>
      %parallel_loop3A_398 = arith.mulf %parallel_loop3A_84, %parallel_loop3A_388 : vector<16xf32>
      %parallel_loop3A_399 = arith.addf %parallel_loop3A_397, %parallel_loop3A_398 : vector<16xf32>
      %parallel_loop3A_400 = arith.index_cast %parallel_loop3A_74 : i32 to index
      %parallel_loop3A_401 = arith.constant 624 : index
      %parallel_loop3A_402 = tpu.vector_load %arg16[%parallel_loop3A_400, %parallel_loop3A_401] {strides = array<i32>} : memref<32x1024xf32, #tpu.memory_space<vmem>>, vector<1x16xf32>,
      %parallel_loop3A_403 = vector.shape_cast %parallel_loop3A_402 : vector<1x16xf32> to vector<16xf32>
      %parallel_loop3A_404 = vector.shape_cast %parallel_loop3A_399 : vector<16xf32> to vector<1x16xf32>
      tpu.vector_store %arg16[%parallel_loop3A_400, %parallel_loop3A_401], %parallel_loop3A_404 {strides = array<i32>} : memref<32x1024xf32, #tpu.memory_space<vmem>>, vector<1x16xf32>,
      %parallel_loop3A_405 = arith.index_cast %parallel_loop3A_74 : i32 to index
      %parallel_loop3A_406 = arith.constant 128 : index
      %parallel_loop3A_407 = tpu.vector_load %arg14[%parallel_loop3A_405, %parallel_loop3A_406] {strides = array<i32>} : memref<32x512xi32, #tpu.memory_space<vmem>>, vector<1x16xi32>,
      %parallel_loop3A_408 = vector.shape_cast %parallel_loop3A_407 : vector<1x16xi32> to vector<16xi32>
      %parallel_loop3A_409 = arith.index_cast %parallel_loop3A_74 : i32 to index
      %parallel_loop3A_410 = arith.constant 128 : index
      %parallel_loop3A_411 = tpu.vector_load %arg15[%parallel_loop3A_409, %parallel_loop3A_410] {strides = array<i32>} : memref<32x512xi32, #tpu.memory_space<vmem>>, vector<1x16xi32>,
      %parallel_loop3A_412 = vector.shape_cast %parallel_loop3A_411 : vector<1x16xi32> to vector<16xi32>
      %parallel_loop3A_413 = arith.constant 16 : i32
      %parallel_loop3A_414 = vector.broadcast %parallel_loop3A_413 : i32 to vector<16xi32>
      %parallel_loop3A_415 = arith.shli %parallel_loop3A_408, %parallel_loop3A_414 : vector<16xi32>
      %parallel_loop3A_416 = tpu.bitcast %parallel_loop3A_415 : vector<16xi32> -> vector<16xf32>
      %parallel_loop3A_417 = arith.constant 16 : i32
      %parallel_loop3A_418 = vector.broadcast %parallel_loop3A_417 : i32 to vector<16xi32>
      %parallel_loop3A_419 = arith.shli %parallel_loop3A_412, %parallel_loop3A_418 : vector<16xi32>
      %parallel_loop3A_420 = tpu.bitcast %parallel_loop3A_419 : vector<16xi32> -> vector<16xf32>
      %parallel_loop3A_421 = arith.constant -65536 : i32
      %parallel_loop3A_422 = vector.broadcast %parallel_loop3A_421 : i32 to vector<16xi32>
      %parallel_loop3A_423 = arith.andi %parallel_loop3A_408, %parallel_loop3A_422 : vector<16xi32>
      %parallel_loop3A_424 = tpu.bitcast %parallel_loop3A_423 : vector<16xi32> -> vector<16xf32>
      %parallel_loop3A_425 = arith.constant -65536 : i32
      %parallel_loop3A_426 = vector.broadcast %parallel_loop3A_425 : i32 to vector<16xi32>
      %parallel_loop3A_427 = arith.andi %parallel_loop3A_412, %parallel_loop3A_426 : vector<16xi32>
      %parallel_loop3A_428 = tpu.bitcast %parallel_loop3A_427 : vector<16xi32> -> vector<16xf32>
      %parallel_loop3A_429 = arith.mulf %parallel_loop3A_80, %parallel_loop3A_416 : vector<16xf32>
      %parallel_loop3A_430 = arith.mulf %parallel_loop3A_84, %parallel_loop3A_420 : vector<16xf32>
      %parallel_loop3A_431 = arith.addf %parallel_loop3A_429, %parallel_loop3A_430 : vector<16xf32>
      %parallel_loop3A_432 = arith.index_cast %parallel_loop3A_74 : i32 to index
      %parallel_loop3A_433 = arith.constant 128 : index
      %parallel_loop3A_434 = tpu.vector_load %arg16[%parallel_loop3A_432, %parallel_loop3A_433] {strides = array<i32>} : memref<32x1024xf32, #tpu.memory_space<vmem>>, vector<1x16xf32>,
      %parallel_loop3A_435 = vector.shape_cast %parallel_loop3A_434 : vector<1x16xf32> to vector<16xf32>
      %parallel_loop3A_436 = vector.shape_cast %parallel_loop3A_431 : vector<16xf32> to vector<1x16xf32>
      tpu.vector_store %arg16[%parallel_loop3A_432, %parallel_loop3A_433], %parallel_loop3A_436 {strides = array<i32>} : memref<32x1024xf32, #tpu.memory_space<vmem>>, vector<1x16xf32>,
      %parallel_loop3A_437 = arith.mulf %parallel_loop3A_80, %parallel_loop3A_424 : vector<16xf32>
      %parallel_loop3A_438 = arith.mulf %parallel_loop3A_84, %parallel_loop3A_428 : vector<16xf32>
      %parallel_loop3A_439 = arith.addf %parallel_loop3A_437, %parallel_loop3A_438 : vector<16xf32>
      %parallel_loop3A_440 = arith.index_cast %parallel_loop3A_74 : i32 to index
      %parallel_loop3A_441 = arith.constant 640 : index
      %parallel_loop3A_442 = tpu.vector_load %arg16[%parallel_loop3A_440, %parallel_loop3A_441] {strides = array<i32>} : memref<32x1024xf32, #tpu.memory_space<vmem>>, vector<1x16xf32>,
      %parallel_loop3A_443 = vector.shape_cast %parallel_loop3A_442 : vector<1x16xf32> to vector<16xf32>
      %parallel_loop3A_444 = vector.shape_cast %parallel_loop3A_439 : vector<16xf32> to vector<1x16xf32>
      tpu.vector_store %arg16[%parallel_loop3A_440, %parallel_loop3A_441], %parallel_loop3A_444 {strides = array<i32>} : memref<32x1024xf32, #tpu.memory_space<vmem>>, vector<1x16xf32>,
      %parallel_loop3A_445 = arith.index_cast %parallel_loop3A_74 : i32 to index
      %parallel_loop3A_446 = arith.constant 144 : index
      %parallel_loop3A_447 = tpu.vector_load %arg14[%parallel_loop3A_445, %parallel_loop3A_446] {strides = array<i32>} : memref<32x512xi32, #tpu.memory_space<vmem>>, vector<1x16xi32>,
      %parallel_loop3A_448 = vector.shape_cast %parallel_loop3A_447 : vector<1x16xi32> to vector<16xi32>
      %parallel_loop3A_449 = arith.index_cast %parallel_loop3A_74 : i32 to index
      %parallel_loop3A_450 = arith.constant 144 : index
      %parallel_loop3A_451 = tpu.vector_load %arg15[%parallel_loop3A_449, %parallel_loop3A_450] {strides = array<i32>} : memref<32x512xi32, #tpu.memory_space<vmem>>, vector<1x16xi32>,
      %parallel_loop3A_452 = vector.shape_cast %parallel_loop3A_451 : vector<1x16xi32> to vector<16xi32>
      %parallel_loop3A_453 = arith.constant 16 : i32
      %parallel_loop3A_454 = vector.broadcast %parallel_loop3A_453 : i32 to vector<16xi32>
      %parallel_loop3A_455 = arith.shli %parallel_loop3A_448, %parallel_loop3A_454 : vector<16xi32>
      %parallel_loop3A_456 = tpu.bitcast %parallel_loop3A_455 : vector<16xi32> -> vector<16xf32>
      %parallel_loop3A_457 = arith.constant 16 : i32
      %parallel_loop3A_458 = vector.broadcast %parallel_loop3A_457 : i32 to vector<16xi32>
      %parallel_loop3A_459 = arith.shli %parallel_loop3A_452, %parallel_loop3A_458 : vector<16xi32>
      %parallel_loop3A_460 = tpu.bitcast %parallel_loop3A_459 : vector<16xi32> -> vector<16xf32>
      %parallel_loop3A_461 = arith.constant -65536 : i32
      %parallel_loop3A_462 = vector.broadcast %parallel_loop3A_461 : i32 to vector<16xi32>
      %parallel_loop3A_463 = arith.andi %parallel_loop3A_448, %parallel_loop3A_462 : vector<16xi32>
      %parallel_loop3A_464 = tpu.bitcast %parallel_loop3A_463 : vector<16xi32> -> vector<16xf32>
      %parallel_loop3A_465 = arith.constant -65536 : i32
      %parallel_loop3A_466 = vector.broadcast %parallel_loop3A_465 : i32 to vector<16xi32>
      %parallel_loop3A_467 = arith.andi %parallel_loop3A_452, %parallel_loop3A_466 : vector<16xi32>
      %parallel_loop3A_468 = tpu.bitcast %parallel_loop3A_467 : vector<16xi32> -> vector<16xf32>
      %parallel_loop3A_469 = arith.mulf %parallel_loop3A_80, %parallel_loop3A_456 : vector<16xf32>
      %parallel_loop3A_470 = arith.mulf %parallel_loop3A_84, %parallel_loop3A_460 : vector<16xf32>
      %parallel_loop3A_471 = arith.addf %parallel_loop3A_469, %parallel_loop3A_470 : vector<16xf32>
      %parallel_loop3A_472 = arith.index_cast %parallel_loop3A_74 : i32 to index
      %parallel_loop3A_473 = arith.constant 144 : index
      %parallel_loop3A_474 = tpu.vector_load %arg16[%parallel_loop3A_472, %parallel_loop3A_473] {strides = array<i32>} : memref<32x1024xf32, #tpu.memory_space<vmem>>, vector<1x16xf32>,
      %parallel_loop3A_475 = vector.shape_cast %parallel_loop3A_474 : vector<1x16xf32> to vector<16xf32>
      %parallel_loop3A_476 = vector.shape_cast %parallel_loop3A_471 : vector<16xf32> to vector<1x16xf32>
      tpu.vector_store %arg16[%parallel_loop3A_472, %parallel_loop3A_473], %parallel_loop3A_476 {strides = array<i32>} : memref<32x1024xf32, #tpu.memory_space<vmem>>, vector<1x16xf32>,
      %parallel_loop3A_477 = arith.mulf %parallel_loop3A_80, %parallel_loop3A_464 : vector<16xf32>
      %parallel_loop3A_478 = arith.mulf %parallel_loop3A_84, %parallel_loop3A_468 : vector<16xf32>
      %parallel_loop3A_479 = arith.addf %parallel_loop3A_477, %parallel_loop3A_478 : vector<16xf32>
      %parallel_loop3A_480 = arith.index_cast %parallel_loop3A_74 : i32 to index
      %parallel_loop3A_481 = arith.constant 656 : index
      %parallel_loop3A_482 = tpu.vector_load %arg16[%parallel_loop3A_480, %parallel_loop3A_481] {strides = array<i32>} : memref<32x1024xf32, #tpu.memory_space<vmem>>, vector<1x16xf32>,
      %parallel_loop3A_483 = vector.shape_cast %parallel_loop3A_482 : vector<1x16xf32> to vector<16xf32>
      %parallel_loop3A_484 = vector.shape_cast %parallel_loop3A_479 : vector<16xf32> to vector<1x16xf32>
      tpu.vector_store %arg16[%parallel_loop3A_480, %parallel_loop3A_481], %parallel_loop3A_484 {strides = array<i32>} : memref<32x1024xf32, #tpu.memory_space<vmem>>, vector<1x16xf32>,
      %parallel_loop3A_485 = arith.index_cast %parallel_loop3A_74 : i32 to index
      %parallel_loop3A_486 = arith.constant 160 : index
      %parallel_loop3A_487 = tpu.vector_load %arg14[%parallel_loop3A_485, %parallel_loop3A_486] {strides = array<i32>} : memref<32x512xi32, #tpu.memory_space<vmem>>, vector<1x16xi32>,
      %parallel_loop3A_488 = vector.shape_cast %parallel_loop3A_487 : vector<1x16xi32> to vector<16xi32>
      %parallel_loop3A_489 = arith.index_cast %parallel_loop3A_74 : i32 to index
      %parallel_loop3A_490 = arith.constant 160 : index
      %parallel_loop3A_491 = tpu.vector_load %arg15[%parallel_loop3A_489, %parallel_loop3A_490] {strides = array<i32>} : memref<32x512xi32, #tpu.memory_space<vmem>>, vector<1x16xi32>,
      %parallel_loop3A_492 = vector.shape_cast %parallel_loop3A_491 : vector<1x16xi32> to vector<16xi32>
      %parallel_loop3A_493 = arith.constant 16 : i32
      %parallel_loop3A_494 = vector.broadcast %parallel_loop3A_493 : i32 to vector<16xi32>
      %parallel_loop3A_495 = arith.shli %parallel_loop3A_488, %parallel_loop3A_494 : vector<16xi32>
      %parallel_loop3A_496 = tpu.bitcast %parallel_loop3A_495 : vector<16xi32> -> vector<16xf32>
      %parallel_loop3A_497 = arith.constant 16 : i32
      %parallel_loop3A_498 = vector.broadcast %parallel_loop3A_497 : i32 to vector<16xi32>
      %parallel_loop3A_499 = arith.shli %parallel_loop3A_492, %parallel_loop3A_498 : vector<16xi32>
      %parallel_loop3A_500 = tpu.bitcast %parallel_loop3A_499 : vector<16xi32> -> vector<16xf32>
      %parallel_loop3A_501 = arith.constant -65536 : i32
      %parallel_loop3A_502 = vector.broadcast %parallel_loop3A_501 : i32 to vector<16xi32>
      %parallel_loop3A_503 = arith.andi %parallel_loop3A_488, %parallel_loop3A_502 : vector<16xi32>
      %parallel_loop3A_504 = tpu.bitcast %parallel_loop3A_503 : vector<16xi32> -> vector<16xf32>
      %parallel_loop3A_505 = arith.constant -65536 : i32
      %parallel_loop3A_506 = vector.broadcast %parallel_loop3A_505 : i32 to vector<16xi32>
      %parallel_loop3A_507 = arith.andi %parallel_loop3A_492, %parallel_loop3A_506 : vector<16xi32>
      %parallel_loop3A_508 = tpu.bitcast %parallel_loop3A_507 : vector<16xi32> -> vector<16xf32>
      %parallel_loop3A_509 = arith.mulf %parallel_loop3A_80, %parallel_loop3A_496 : vector<16xf32>
      %parallel_loop3A_510 = arith.mulf %parallel_loop3A_84, %parallel_loop3A_500 : vector<16xf32>
      %parallel_loop3A_511 = arith.addf %parallel_loop3A_509, %parallel_loop3A_510 : vector<16xf32>
      %parallel_loop3A_512 = arith.index_cast %parallel_loop3A_74 : i32 to index
      %parallel_loop3A_513 = arith.constant 160 : index
      %parallel_loop3A_514 = tpu.vector_load %arg16[%parallel_loop3A_512, %parallel_loop3A_513] {strides = array<i32>} : memref<32x1024xf32, #tpu.memory_space<vmem>>, vector<1x16xf32>,
      %parallel_loop3A_515 = vector.shape_cast %parallel_loop3A_514 : vector<1x16xf32> to vector<16xf32>
      %parallel_loop3A_516 = vector.shape_cast %parallel_loop3A_511 : vector<16xf32> to vector<1x16xf32>
      tpu.vector_store %arg16[%parallel_loop3A_512, %parallel_loop3A_513], %parallel_loop3A_516 {strides = array<i32>} : memref<32x1024xf32, #tpu.memory_space<vmem>>, vector<1x16xf32>,
      %parallel_loop3A_517 = arith.mulf %parallel_loop3A_80, %parallel_loop3A_504 : vector<16xf32>
      %parallel_loop3A_518 = arith.mulf %parallel_loop3A_84, %parallel_loop3A_508 : vector<16xf32>
      %parallel_loop3A_519 = arith.addf %parallel_loop3A_517, %parallel_loop3A_518 : vector<16xf32>
      %parallel_loop3A_520 = arith.index_cast %parallel_loop3A_74 : i32 to index
      %parallel_loop3A_521 = arith.constant 672 : index
      %parallel_loop3A_522 = tpu.vector_load %arg16[%parallel_loop3A_520, %parallel_loop3A_521] {strides = array<i32>} : memref<32x1024xf32, #tpu.memory_space<vmem>>, vector<1x16xf32>,
      %parallel_loop3A_523 = vector.shape_cast %parallel_loop3A_522 : vector<1x16xf32> to vector<16xf32>
      %parallel_loop3A_524 = vector.shape_cast %parallel_loop3A_519 : vector<16xf32> to vector<1x16xf32>
      tpu.vector_store %arg16[%parallel_loop3A_520, %parallel_loop3A_521], %parallel_loop3A_524 {strides = array<i32>} : memref<32x1024xf32, #tpu.memory_space<vmem>>, vector<1x16xf32>,
      %parallel_loop3A_525 = arith.index_cast %parallel_loop3A_74 : i32 to index
      %parallel_loop3A_526 = arith.constant 176 : index
      %parallel_loop3A_527 = tpu.vector_load %arg14[%parallel_loop3A_525, %parallel_loop3A_526] {strides = array<i32>} : memref<32x512xi32, #tpu.memory_space<vmem>>, vector<1x16xi32>,
      %parallel_loop3A_528 = vector.shape_cast %parallel_loop3A_527 : vector<1x16xi32> to vector<16xi32>
      %parallel_loop3A_529 = arith.index_cast %parallel_loop3A_74 : i32 to index
      %parallel_loop3A_530 = arith.constant 176 : index
      %parallel_loop3A_531 = tpu.vector_load %arg15[%parallel_loop3A_529, %parallel_loop3A_530] {strides = array<i32>} : memref<32x512xi32, #tpu.memory_space<vmem>>, vector<1x16xi32>,
      %parallel_loop3A_532 = vector.shape_cast %parallel_loop3A_531 : vector<1x16xi32> to vector<16xi32>
      %parallel_loop3A_533 = arith.constant 16 : i32
      %parallel_loop3A_534 = vector.broadcast %parallel_loop3A_533 : i32 to vector<16xi32>
      %parallel_loop3A_535 = arith.shli %parallel_loop3A_528, %parallel_loop3A_534 : vector<16xi32>
      %parallel_loop3A_536 = tpu.bitcast %parallel_loop3A_535 : vector<16xi32> -> vector<16xf32>
      %parallel_loop3A_537 = arith.constant 16 : i32
      %parallel_loop3A_538 = vector.broadcast %parallel_loop3A_537 : i32 to vector<16xi32>
      %parallel_loop3A_539 = arith.shli %parallel_loop3A_532, %parallel_loop3A_538 : vector<16xi32>
      %parallel_loop3A_540 = tpu.bitcast %parallel_loop3A_539 : vector<16xi32> -> vector<16xf32>
      %parallel_loop3A_541 = arith.constant -65536 : i32
      %parallel_loop3A_542 = vector.broadcast %parallel_loop3A_541 : i32 to vector<16xi32>
      %parallel_loop3A_543 = arith.andi %parallel_loop3A_528, %parallel_loop3A_542 : vector<16xi32>
      %parallel_loop3A_544 = tpu.bitcast %parallel_loop3A_543 : vector<16xi32> -> vector<16xf32>
      %parallel_loop3A_545 = arith.constant -65536 : i32
      %parallel_loop3A_546 = vector.broadcast %parallel_loop3A_545 : i32 to vector<16xi32>
      %parallel_loop3A_547 = arith.andi %parallel_loop3A_532, %parallel_loop3A_546 : vector<16xi32>
      %parallel_loop3A_548 = tpu.bitcast %parallel_loop3A_547 : vector<16xi32> -> vector<16xf32>
      %parallel_loop3A_549 = arith.mulf %parallel_loop3A_80, %parallel_loop3A_536 : vector<16xf32>
      %parallel_loop3A_550 = arith.mulf %parallel_loop3A_84, %parallel_loop3A_540 : vector<16xf32>
      %parallel_loop3A_551 = arith.addf %parallel_loop3A_549, %parallel_loop3A_550 : vector<16xf32>
      %parallel_loop3A_552 = arith.index_cast %parallel_loop3A_74 : i32 to index
      %parallel_loop3A_553 = arith.constant 176 : index
      %parallel_loop3A_554 = tpu.vector_load %arg16[%parallel_loop3A_552, %parallel_loop3A_553] {strides = array<i32>} : memref<32x1024xf32, #tpu.memory_space<vmem>>, vector<1x16xf32>,
      %parallel_loop3A_555 = vector.shape_cast %parallel_loop3A_554 : vector<1x16xf32> to vector<16xf32>
      %parallel_loop3A_556 = vector.shape_cast %parallel_loop3A_551 : vector<16xf32> to vector<1x16xf32>
      tpu.vector_store %arg16[%parallel_loop3A_552, %parallel_loop3A_553], %parallel_loop3A_556 {strides = array<i32>} : memref<32x1024xf32, #tpu.memory_space<vmem>>, vector<1x16xf32>,
      %parallel_loop3A_557 = arith.mulf %parallel_loop3A_80, %parallel_loop3A_544 : vector<16xf32>
      %parallel_loop3A_558 = arith.mulf %parallel_loop3A_84, %parallel_loop3A_548 : vector<16xf32>
      %parallel_loop3A_559 = arith.addf %parallel_loop3A_557, %parallel_loop3A_558 : vector<16xf32>
      %parallel_loop3A_560 = arith.index_cast %parallel_loop3A_74 : i32 to index
      %parallel_loop3A_561 = arith.constant 688 : index
      %parallel_loop3A_562 = tpu.vector_load %arg16[%parallel_loop3A_560, %parallel_loop3A_561] {strides = array<i32>} : memref<32x1024xf32, #tpu.memory_space<vmem>>, vector<1x16xf32>,
      %parallel_loop3A_563 = vector.shape_cast %parallel_loop3A_562 : vector<1x16xf32> to vector<16xf32>
      %parallel_loop3A_564 = vector.shape_cast %parallel_loop3A_559 : vector<16xf32> to vector<1x16xf32>
      tpu.vector_store %arg16[%parallel_loop3A_560, %parallel_loop3A_561], %parallel_loop3A_564 {strides = array<i32>} : memref<32x1024xf32, #tpu.memory_space<vmem>>, vector<1x16xf32>,
      %parallel_loop3A_565 = arith.index_cast %parallel_loop3A_74 : i32 to index
      %parallel_loop3A_566 = arith.constant 192 : index
      %parallel_loop3A_567 = tpu.vector_load %arg14[%parallel_loop3A_565, %parallel_loop3A_566] {strides = array<i32>} : memref<32x512xi32, #tpu.memory_space<vmem>>, vector<1x16xi32>,
      %parallel_loop3A_568 = vector.shape_cast %parallel_loop3A_567 : vector<1x16xi32> to vector<16xi32>
      %parallel_loop3A_569 = arith.index_cast %parallel_loop3A_74 : i32 to index
      %parallel_loop3A_570 = arith.constant 192 : index
      %parallel_loop3A_571 = tpu.vector_load %arg15[%parallel_loop3A_569, %parallel_loop3A_570] {strides = array<i32>} : memref<32x512xi32, #tpu.memory_space<vmem>>, vector<1x16xi32>,
      %parallel_loop3A_572 = vector.shape_cast %parallel_loop3A_571 : vector<1x16xi32> to vector<16xi32>
      %parallel_loop3A_573 = arith.constant 16 : i32
      %parallel_loop3A_574 = vector.broadcast %parallel_loop3A_573 : i32 to vector<16xi32>
      %parallel_loop3A_575 = arith.shli %parallel_loop3A_568, %parallel_loop3A_574 : vector<16xi32>
      %parallel_loop3A_576 = tpu.bitcast %parallel_loop3A_575 : vector<16xi32> -> vector<16xf32>
      %parallel_loop3A_577 = arith.constant 16 : i32
      %parallel_loop3A_578 = vector.broadcast %parallel_loop3A_577 : i32 to vector<16xi32>
      %parallel_loop3A_579 = arith.shli %parallel_loop3A_572, %parallel_loop3A_578 : vector<16xi32>
      %parallel_loop3A_580 = tpu.bitcast %parallel_loop3A_579 : vector<16xi32> -> vector<16xf32>
      %parallel_loop3A_581 = arith.constant -65536 : i32
      %parallel_loop3A_582 = vector.broadcast %parallel_loop3A_581 : i32 to vector<16xi32>
      %parallel_loop3A_583 = arith.andi %parallel_loop3A_568, %parallel_loop3A_582 : vector<16xi32>
      %parallel_loop3A_584 = tpu.bitcast %parallel_loop3A_583 : vector<16xi32> -> vector<16xf32>
      %parallel_loop3A_585 = arith.constant -65536 : i32
      %parallel_loop3A_586 = vector.broadcast %parallel_loop3A_585 : i32 to vector<16xi32>
      %parallel_loop3A_587 = arith.andi %parallel_loop3A_572, %parallel_loop3A_586 : vector<16xi32>
      %parallel_loop3A_588 = tpu.bitcast %parallel_loop3A_587 : vector<16xi32> -> vector<16xf32>
      %parallel_loop3A_589 = arith.mulf %parallel_loop3A_80, %parallel_loop3A_576 : vector<16xf32>
      %parallel_loop3A_590 = arith.mulf %parallel_loop3A_84, %parallel_loop3A_580 : vector<16xf32>
      %parallel_loop3A_591 = arith.addf %parallel_loop3A_589, %parallel_loop3A_590 : vector<16xf32>
      %parallel_loop3A_592 = arith.index_cast %parallel_loop3A_74 : i32 to index
      %parallel_loop3A_593 = arith.constant 192 : index
      %parallel_loop3A_594 = tpu.vector_load %arg16[%parallel_loop3A_592, %parallel_loop3A_593] {strides = array<i32>} : memref<32x1024xf32, #tpu.memory_space<vmem>>, vector<1x16xf32>,
      %parallel_loop3A_595 = vector.shape_cast %parallel_loop3A_594 : vector<1x16xf32> to vector<16xf32>
      %parallel_loop3A_596 = vector.shape_cast %parallel_loop3A_591 : vector<16xf32> to vector<1x16xf32>
      tpu.vector_store %arg16[%parallel_loop3A_592, %parallel_loop3A_593], %parallel_loop3A_596 {strides = array<i32>} : memref<32x1024xf32, #tpu.memory_space<vmem>>, vector<1x16xf32>,
      %parallel_loop3A_597 = arith.mulf %parallel_loop3A_80, %parallel_loop3A_584 : vector<16xf32>
      %parallel_loop3A_598 = arith.mulf %parallel_loop3A_84, %parallel_loop3A_588 : vector<16xf32>
      %parallel_loop3A_599 = arith.addf %parallel_loop3A_597, %parallel_loop3A_598 : vector<16xf32>
      %parallel_loop3A_600 = arith.index_cast %parallel_loop3A_74 : i32 to index
      %parallel_loop3A_601 = arith.constant 704 : index
      %parallel_loop3A_602 = tpu.vector_load %arg16[%parallel_loop3A_600, %parallel_loop3A_601] {strides = array<i32>} : memref<32x1024xf32, #tpu.memory_space<vmem>>, vector<1x16xf32>,
      %parallel_loop3A_603 = vector.shape_cast %parallel_loop3A_602 : vector<1x16xf32> to vector<16xf32>
      %parallel_loop3A_604 = vector.shape_cast %parallel_loop3A_599 : vector<16xf32> to vector<1x16xf32>
      tpu.vector_store %arg16[%parallel_loop3A_600, %parallel_loop3A_601], %parallel_loop3A_604 {strides = array<i32>} : memref<32x1024xf32, #tpu.memory_space<vmem>>, vector<1x16xf32>,
      %parallel_loop3A_605 = arith.index_cast %parallel_loop3A_74 : i32 to index
      %parallel_loop3A_606 = arith.constant 208 : index
      %parallel_loop3A_607 = tpu.vector_load %arg14[%parallel_loop3A_605, %parallel_loop3A_606] {strides = array<i32>} : memref<32x512xi32, #tpu.memory_space<vmem>>, vector<1x16xi32>,
      %parallel_loop3A_608 = vector.shape_cast %parallel_loop3A_607 : vector<1x16xi32> to vector<16xi32>
      %parallel_loop3A_609 = arith.index_cast %parallel_loop3A_74 : i32 to index
      %parallel_loop3A_610 = arith.constant 208 : index
      %parallel_loop3A_611 = tpu.vector_load %arg15[%parallel_loop3A_609, %parallel_loop3A_610] {strides = array<i32>} : memref<32x512xi32, #tpu.memory_space<vmem>>, vector<1x16xi32>,
      %parallel_loop3A_612 = vector.shape_cast %parallel_loop3A_611 : vector<1x16xi32> to vector<16xi32>
      %parallel_loop3A_613 = arith.constant 16 : i32
      %parallel_loop3A_614 = vector.broadcast %parallel_loop3A_613 : i32 to vector<16xi32>
      %parallel_loop3A_615 = arith.shli %parallel_loop3A_608, %parallel_loop3A_614 : vector<16xi32>
      %parallel_loop3A_616 = tpu.bitcast %parallel_loop3A_615 : vector<16xi32> -> vector<16xf32>
      %parallel_loop3A_617 = arith.constant 16 : i32
      %parallel_loop3A_618 = vector.broadcast %parallel_loop3A_617 : i32 to vector<16xi32>
      %parallel_loop3A_619 = arith.shli %parallel_loop3A_612, %parallel_loop3A_618 : vector<16xi32>
      %parallel_loop3A_620 = tpu.bitcast %parallel_loop3A_619 : vector<16xi32> -> vector<16xf32>
      %parallel_loop3A_621 = arith.constant -65536 : i32
      %parallel_loop3A_622 = vector.broadcast %parallel_loop3A_621 : i32 to vector<16xi32>
      %parallel_loop3A_623 = arith.andi %parallel_loop3A_608, %parallel_loop3A_622 : vector<16xi32>
      %parallel_loop3A_624 = tpu.bitcast %parallel_loop3A_623 : vector<16xi32> -> vector<16xf32>
      %parallel_loop3A_625 = arith.constant -65536 : i32
      %parallel_loop3A_626 = vector.broadcast %parallel_loop3A_625 : i32 to vector<16xi32>
      %parallel_loop3A_627 = arith.andi %parallel_loop3A_612, %parallel_loop3A_626 : vector<16xi32>
      %parallel_loop3A_628 = tpu.bitcast %parallel_loop3A_627 : vector<16xi32> -> vector<16xf32>
      %parallel_loop3A_629 = arith.mulf %parallel_loop3A_80, %parallel_loop3A_616 : vector<16xf32>
      %parallel_loop3A_630 = arith.mulf %parallel_loop3A_84, %parallel_loop3A_620 : vector<16xf32>
      %parallel_loop3A_631 = arith.addf %parallel_loop3A_629, %parallel_loop3A_630 : vector<16xf32>
      %parallel_loop3A_632 = arith.index_cast %parallel_loop3A_74 : i32 to index
      %parallel_loop3A_633 = arith.constant 208 : index
      %parallel_loop3A_634 = tpu.vector_load %arg16[%parallel_loop3A_632, %parallel_loop3A_633] {strides = array<i32>} : memref<32x1024xf32, #tpu.memory_space<vmem>>, vector<1x16xf32>,
      %parallel_loop3A_635 = vector.shape_cast %parallel_loop3A_634 : vector<1x16xf32> to vector<16xf32>
      %parallel_loop3A_636 = vector.shape_cast %parallel_loop3A_631 : vector<16xf32> to vector<1x16xf32>
      tpu.vector_store %arg16[%parallel_loop3A_632, %parallel_loop3A_633], %parallel_loop3A_636 {strides = array<i32>} : memref<32x1024xf32, #tpu.memory_space<vmem>>, vector<1x16xf32>,
      %parallel_loop3A_637 = arith.mulf %parallel_loop3A_80, %parallel_loop3A_624 : vector<16xf32>
      %parallel_loop3A_638 = arith.mulf %parallel_loop3A_84, %parallel_loop3A_628 : vector<16xf32>
      %parallel_loop3A_639 = arith.addf %parallel_loop3A_637, %parallel_loop3A_638 : vector<16xf32>
      %parallel_loop3A_640 = arith.index_cast %parallel_loop3A_74 : i32 to index
      %parallel_loop3A_641 = arith.constant 720 : index
      %parallel_loop3A_642 = tpu.vector_load %arg16[%parallel_loop3A_640, %parallel_loop3A_641] {strides = array<i32>} : memref<32x1024xf32, #tpu.memory_space<vmem>>, vector<1x16xf32>,
      %parallel_loop3A_643 = vector.shape_cast %parallel_loop3A_642 : vector<1x16xf32> to vector<16xf32>
      %parallel_loop3A_644 = vector.shape_cast %parallel_loop3A_639 : vector<16xf32> to vector<1x16xf32>
      tpu.vector_store %arg16[%parallel_loop3A_640, %parallel_loop3A_641], %parallel_loop3A_644 {strides = array<i32>} : memref<32x1024xf32, #tpu.memory_space<vmem>>, vector<1x16xf32>,
      %parallel_loop3A_645 = arith.index_cast %parallel_loop3A_74 : i32 to index
      %parallel_loop3A_646 = arith.constant 224 : index
      %parallel_loop3A_647 = tpu.vector_load %arg14[%parallel_loop3A_645, %parallel_loop3A_646] {strides = array<i32>} : memref<32x512xi32, #tpu.memory_space<vmem>>, vector<1x16xi32>,
      %parallel_loop3A_648 = vector.shape_cast %parallel_loop3A_647 : vector<1x16xi32> to vector<16xi32>
      %parallel_loop3A_649 = arith.index_cast %parallel_loop3A_74 : i32 to index
      %parallel_loop3A_650 = arith.constant 224 : index
      %parallel_loop3A_651 = tpu.vector_load %arg15[%parallel_loop3A_649, %parallel_loop3A_650] {strides = array<i32>} : memref<32x512xi32, #tpu.memory_space<vmem>>, vector<1x16xi32>,
      %parallel_loop3A_652 = vector.shape_cast %parallel_loop3A_651 : vector<1x16xi32> to vector<16xi32>
      %parallel_loop3A_653 = arith.constant 16 : i32
      %parallel_loop3A_654 = vector.broadcast %parallel_loop3A_653 : i32 to vector<16xi32>
      %parallel_loop3A_655 = arith.shli %parallel_loop3A_648, %parallel_loop3A_654 : vector<16xi32>
      %parallel_loop3A_656 = tpu.bitcast %parallel_loop3A_655 : vector<16xi32> -> vector<16xf32>
      %parallel_loop3A_657 = arith.constant 16 : i32
      %parallel_loop3A_658 = vector.broadcast %parallel_loop3A_657 : i32 to vector<16xi32>
      %parallel_loop3A_659 = arith.shli %parallel_loop3A_652, %parallel_loop3A_658 : vector<16xi32>
      %parallel_loop3A_660 = tpu.bitcast %parallel_loop3A_659 : vector<16xi32> -> vector<16xf32>
      %parallel_loop3A_661 = arith.constant -65536 : i32
      %parallel_loop3A_662 = vector.broadcast %parallel_loop3A_661 : i32 to vector<16xi32>
      %parallel_loop3A_663 = arith.andi %parallel_loop3A_648, %parallel_loop3A_662 : vector<16xi32>
      %parallel_loop3A_664 = tpu.bitcast %parallel_loop3A_663 : vector<16xi32> -> vector<16xf32>
      %parallel_loop3A_665 = arith.constant -65536 : i32
      %parallel_loop3A_666 = vector.broadcast %parallel_loop3A_665 : i32 to vector<16xi32>
      %parallel_loop3A_667 = arith.andi %parallel_loop3A_652, %parallel_loop3A_666 : vector<16xi32>
      %parallel_loop3A_668 = tpu.bitcast %parallel_loop3A_667 : vector<16xi32> -> vector<16xf32>
      %parallel_loop3A_669 = arith.mulf %parallel_loop3A_80, %parallel_loop3A_656 : vector<16xf32>
      %parallel_loop3A_670 = arith.mulf %parallel_loop3A_84, %parallel_loop3A_660 : vector<16xf32>
      %parallel_loop3A_671 = arith.addf %parallel_loop3A_669, %parallel_loop3A_670 : vector<16xf32>
      %parallel_loop3A_672 = arith.index_cast %parallel_loop3A_74 : i32 to index
      %parallel_loop3A_673 = arith.constant 224 : index
      %parallel_loop3A_674 = tpu.vector_load %arg16[%parallel_loop3A_672, %parallel_loop3A_673] {strides = array<i32>} : memref<32x1024xf32, #tpu.memory_space<vmem>>, vector<1x16xf32>,
      %parallel_loop3A_675 = vector.shape_cast %parallel_loop3A_674 : vector<1x16xf32> to vector<16xf32>
      %parallel_loop3A_676 = vector.shape_cast %parallel_loop3A_671 : vector<16xf32> to vector<1x16xf32>
      tpu.vector_store %arg16[%parallel_loop3A_672, %parallel_loop3A_673], %parallel_loop3A_676 {strides = array<i32>} : memref<32x1024xf32, #tpu.memory_space<vmem>>, vector<1x16xf32>,
      %parallel_loop3A_677 = arith.mulf %parallel_loop3A_80, %parallel_loop3A_664 : vector<16xf32>
      %parallel_loop3A_678 = arith.mulf %parallel_loop3A_84, %parallel_loop3A_668 : vector<16xf32>
      %parallel_loop3A_679 = arith.addf %parallel_loop3A_677, %parallel_loop3A_678 : vector<16xf32>
      %parallel_loop3A_680 = arith.index_cast %parallel_loop3A_74 : i32 to index
      %parallel_loop3A_681 = arith.constant 736 : index
      %parallel_loop3A_682 = tpu.vector_load %arg16[%parallel_loop3A_680, %parallel_loop3A_681] {strides = array<i32>} : memref<32x1024xf32, #tpu.memory_space<vmem>>, vector<1x16xf32>,
      %parallel_loop3A_683 = vector.shape_cast %parallel_loop3A_682 : vector<1x16xf32> to vector<16xf32>
      %parallel_loop3A_684 = vector.shape_cast %parallel_loop3A_679 : vector<16xf32> to vector<1x16xf32>
      tpu.vector_store %arg16[%parallel_loop3A_680, %parallel_loop3A_681], %parallel_loop3A_684 {strides = array<i32>} : memref<32x1024xf32, #tpu.memory_space<vmem>>, vector<1x16xf32>,
      %parallel_loop3A_685 = arith.index_cast %parallel_loop3A_74 : i32 to index
      %parallel_loop3A_686 = arith.constant 240 : index
      %parallel_loop3A_687 = tpu.vector_load %arg14[%parallel_loop3A_685, %parallel_loop3A_686] {strides = array<i32>} : memref<32x512xi32, #tpu.memory_space<vmem>>, vector<1x16xi32>,
      %parallel_loop3A_688 = vector.shape_cast %parallel_loop3A_687 : vector<1x16xi32> to vector<16xi32>
      %parallel_loop3A_689 = arith.index_cast %parallel_loop3A_74 : i32 to index
      %parallel_loop3A_690 = arith.constant 240 : index
      %parallel_loop3A_691 = tpu.vector_load %arg15[%parallel_loop3A_689, %parallel_loop3A_690] {strides = array<i32>} : memref<32x512xi32, #tpu.memory_space<vmem>>, vector<1x16xi32>,
      %parallel_loop3A_692 = vector.shape_cast %parallel_loop3A_691 : vector<1x16xi32> to vector<16xi32>
      %parallel_loop3A_693 = arith.constant 16 : i32
      %parallel_loop3A_694 = vector.broadcast %parallel_loop3A_693 : i32 to vector<16xi32>
      %parallel_loop3A_695 = arith.shli %parallel_loop3A_688, %parallel_loop3A_694 : vector<16xi32>
      %parallel_loop3A_696 = tpu.bitcast %parallel_loop3A_695 : vector<16xi32> -> vector<16xf32>
      %parallel_loop3A_697 = arith.constant 16 : i32
      %parallel_loop3A_698 = vector.broadcast %parallel_loop3A_697 : i32 to vector<16xi32>
      %parallel_loop3A_699 = arith.shli %parallel_loop3A_692, %parallel_loop3A_698 : vector<16xi32>
      %parallel_loop3A_700 = tpu.bitcast %parallel_loop3A_699 : vector<16xi32> -> vector<16xf32>
      %parallel_loop3A_701 = arith.constant -65536 : i32
      %parallel_loop3A_702 = vector.broadcast %parallel_loop3A_701 : i32 to vector<16xi32>
      %parallel_loop3A_703 = arith.andi %parallel_loop3A_688, %parallel_loop3A_702 : vector<16xi32>
      %parallel_loop3A_704 = tpu.bitcast %parallel_loop3A_703 : vector<16xi32> -> vector<16xf32>
      %parallel_loop3A_705 = arith.constant -65536 : i32
      %parallel_loop3A_706 = vector.broadcast %parallel_loop3A_705 : i32 to vector<16xi32>
      %parallel_loop3A_707 = arith.andi %parallel_loop3A_692, %parallel_loop3A_706 : vector<16xi32>
      %parallel_loop3A_708 = tpu.bitcast %parallel_loop3A_707 : vector<16xi32> -> vector<16xf32>
      %parallel_loop3A_709 = arith.mulf %parallel_loop3A_80, %parallel_loop3A_696 : vector<16xf32>
      %parallel_loop3A_710 = arith.mulf %parallel_loop3A_84, %parallel_loop3A_700 : vector<16xf32>
      %parallel_loop3A_711 = arith.addf %parallel_loop3A_709, %parallel_loop3A_710 : vector<16xf32>
      %parallel_loop3A_712 = arith.index_cast %parallel_loop3A_74 : i32 to index
      %parallel_loop3A_713 = arith.constant 240 : index
      %parallel_loop3A_714 = tpu.vector_load %arg16[%parallel_loop3A_712, %parallel_loop3A_713] {strides = array<i32>} : memref<32x1024xf32, #tpu.memory_space<vmem>>, vector<1x16xf32>,
      %parallel_loop3A_715 = vector.shape_cast %parallel_loop3A_714 : vector<1x16xf32> to vector<16xf32>
      %parallel_loop3A_716 = vector.shape_cast %parallel_loop3A_711 : vector<16xf32> to vector<1x16xf32>
      tpu.vector_store %arg16[%parallel_loop3A_712, %parallel_loop3A_713], %parallel_loop3A_716 {strides = array<i32>} : memref<32x1024xf32, #tpu.memory_space<vmem>>, vector<1x16xf32>,
      %parallel_loop3A_717 = arith.mulf %parallel_loop3A_80, %parallel_loop3A_704 : vector<16xf32>
      %parallel_loop3A_718 = arith.mulf %parallel_loop3A_84, %parallel_loop3A_708 : vector<16xf32>
      %parallel_loop3A_719 = arith.addf %parallel_loop3A_717, %parallel_loop3A_718 : vector<16xf32>
      %parallel_loop3A_720 = arith.index_cast %parallel_loop3A_74 : i32 to index
      %parallel_loop3A_721 = arith.constant 752 : index
      %parallel_loop3A_722 = tpu.vector_load %arg16[%parallel_loop3A_720, %parallel_loop3A_721] {strides = array<i32>} : memref<32x1024xf32, #tpu.memory_space<vmem>>, vector<1x16xf32>,
      %parallel_loop3A_723 = vector.shape_cast %parallel_loop3A_722 : vector<1x16xf32> to vector<16xf32>
      %parallel_loop3A_724 = vector.shape_cast %parallel_loop3A_719 : vector<16xf32> to vector<1x16xf32>
      tpu.vector_store %arg16[%parallel_loop3A_720, %parallel_loop3A_721], %parallel_loop3A_724 {strides = array<i32>} : memref<32x1024xf32, #tpu.memory_space<vmem>>, vector<1x16xf32>,
      %parallel_loop3A_725 = arith.index_cast %parallel_loop3A_74 : i32 to index
      %parallel_loop3A_726 = arith.constant 256 : index
      %parallel_loop3A_727 = tpu.vector_load %arg14[%parallel_loop3A_725, %parallel_loop3A_726] {strides = array<i32>} : memref<32x512xi32, #tpu.memory_space<vmem>>, vector<1x16xi32>,
      %parallel_loop3A_728 = vector.shape_cast %parallel_loop3A_727 : vector<1x16xi32> to vector<16xi32>
      %parallel_loop3A_729 = arith.index_cast %parallel_loop3A_74 : i32 to index
      %parallel_loop3A_730 = arith.constant 256 : index
      %parallel_loop3A_731 = tpu.vector_load %arg15[%parallel_loop3A_729, %parallel_loop3A_730] {strides = array<i32>} : memref<32x512xi32, #tpu.memory_space<vmem>>, vector<1x16xi32>,
      %parallel_loop3A_732 = vector.shape_cast %parallel_loop3A_731 : vector<1x16xi32> to vector<16xi32>
      %parallel_loop3A_733 = arith.constant 16 : i32
      %parallel_loop3A_734 = vector.broadcast %parallel_loop3A_733 : i32 to vector<16xi32>
      %parallel_loop3A_735 = arith.shli %parallel_loop3A_728, %parallel_loop3A_734 : vector<16xi32>
      %parallel_loop3A_736 = tpu.bitcast %parallel_loop3A_735 : vector<16xi32> -> vector<16xf32>
      %parallel_loop3A_737 = arith.constant 16 : i32
      %parallel_loop3A_738 = vector.broadcast %parallel_loop3A_737 : i32 to vector<16xi32>
      %parallel_loop3A_739 = arith.shli %parallel_loop3A_732, %parallel_loop3A_738 : vector<16xi32>
      %parallel_loop3A_740 = tpu.bitcast %parallel_loop3A_739 : vector<16xi32> -> vector<16xf32>
      %parallel_loop3A_741 = arith.constant -65536 : i32
      %parallel_loop3A_742 = vector.broadcast %parallel_loop3A_741 : i32 to vector<16xi32>
      %parallel_loop3A_743 = arith.andi %parallel_loop3A_728, %parallel_loop3A_742 : vector<16xi32>
      %parallel_loop3A_744 = tpu.bitcast %parallel_loop3A_743 : vector<16xi32> -> vector<16xf32>
      %parallel_loop3A_745 = arith.constant -65536 : i32
      %parallel_loop3A_746 = vector.broadcast %parallel_loop3A_745 : i32 to vector<16xi32>
      %parallel_loop3A_747 = arith.andi %parallel_loop3A_732, %parallel_loop3A_746 : vector<16xi32>
      %parallel_loop3A_748 = tpu.bitcast %parallel_loop3A_747 : vector<16xi32> -> vector<16xf32>
      %parallel_loop3A_749 = arith.mulf %parallel_loop3A_80, %parallel_loop3A_736 : vector<16xf32>
      %parallel_loop3A_750 = arith.mulf %parallel_loop3A_84, %parallel_loop3A_740 : vector<16xf32>
      %parallel_loop3A_751 = arith.addf %parallel_loop3A_749, %parallel_loop3A_750 : vector<16xf32>
      %parallel_loop3A_752 = arith.index_cast %parallel_loop3A_74 : i32 to index
      %parallel_loop3A_753 = arith.constant 256 : index
      %parallel_loop3A_754 = tpu.vector_load %arg16[%parallel_loop3A_752, %parallel_loop3A_753] {strides = array<i32>} : memref<32x1024xf32, #tpu.memory_space<vmem>>, vector<1x16xf32>,
      %parallel_loop3A_755 = vector.shape_cast %parallel_loop3A_754 : vector<1x16xf32> to vector<16xf32>
      %parallel_loop3A_756 = vector.shape_cast %parallel_loop3A_751 : vector<16xf32> to vector<1x16xf32>
      tpu.vector_store %arg16[%parallel_loop3A_752, %parallel_loop3A_753], %parallel_loop3A_756 {strides = array<i32>} : memref<32x1024xf32, #tpu.memory_space<vmem>>, vector<1x16xf32>,
      %parallel_loop3A_757 = arith.mulf %parallel_loop3A_80, %parallel_loop3A_744 : vector<16xf32>
      %parallel_loop3A_758 = arith.mulf %parallel_loop3A_84, %parallel_loop3A_748 : vector<16xf32>
      %parallel_loop3A_759 = arith.addf %parallel_loop3A_757, %parallel_loop3A_758 : vector<16xf32>
      %parallel_loop3A_760 = arith.index_cast %parallel_loop3A_74 : i32 to index
      %parallel_loop3A_761 = arith.constant 768 : index
      %parallel_loop3A_762 = tpu.vector_load %arg16[%parallel_loop3A_760, %parallel_loop3A_761] {strides = array<i32>} : memref<32x1024xf32, #tpu.memory_space<vmem>>, vector<1x16xf32>,
      %parallel_loop3A_763 = vector.shape_cast %parallel_loop3A_762 : vector<1x16xf32> to vector<16xf32>
      %parallel_loop3A_764 = vector.shape_cast %parallel_loop3A_759 : vector<16xf32> to vector<1x16xf32>
      tpu.vector_store %arg16[%parallel_loop3A_760, %parallel_loop3A_761], %parallel_loop3A_764 {strides = array<i32>} : memref<32x1024xf32, #tpu.memory_space<vmem>>, vector<1x16xf32>,
      %parallel_loop3A_765 = arith.index_cast %parallel_loop3A_74 : i32 to index
      %parallel_loop3A_766 = arith.constant 272 : index
      %parallel_loop3A_767 = tpu.vector_load %arg14[%parallel_loop3A_765, %parallel_loop3A_766] {strides = array<i32>} : memref<32x512xi32, #tpu.memory_space<vmem>>, vector<1x16xi32>,
      %parallel_loop3A_768 = vector.shape_cast %parallel_loop3A_767 : vector<1x16xi32> to vector<16xi32>
      %parallel_loop3A_769 = arith.index_cast %parallel_loop3A_74 : i32 to index
      %parallel_loop3A_770 = arith.constant 272 : index
      %parallel_loop3A_771 = tpu.vector_load %arg15[%parallel_loop3A_769, %parallel_loop3A_770] {strides = array<i32>} : memref<32x512xi32, #tpu.memory_space<vmem>>, vector<1x16xi32>,
      %parallel_loop3A_772 = vector.shape_cast %parallel_loop3A_771 : vector<1x16xi32> to vector<16xi32>
      %parallel_loop3A_773 = arith.constant 16 : i32
      %parallel_loop3A_774 = vector.broadcast %parallel_loop3A_773 : i32 to vector<16xi32>
      %parallel_loop3A_775 = arith.shli %parallel_loop3A_768, %parallel_loop3A_774 : vector<16xi32>
      %parallel_loop3A_776 = tpu.bitcast %parallel_loop3A_775 : vector<16xi32> -> vector<16xf32>
      %parallel_loop3A_777 = arith.constant 16 : i32
      %parallel_loop3A_778 = vector.broadcast %parallel_loop3A_777 : i32 to vector<16xi32>
      %parallel_loop3A_779 = arith.shli %parallel_loop3A_772, %parallel_loop3A_778 : vector<16xi32>
      %parallel_loop3A_780 = tpu.bitcast %parallel_loop3A_779 : vector<16xi32> -> vector<16xf32>
      %parallel_loop3A_781 = arith.constant -65536 : i32
      %parallel_loop3A_782 = vector.broadcast %parallel_loop3A_781 : i32 to vector<16xi32>
      %parallel_loop3A_783 = arith.andi %parallel_loop3A_768, %parallel_loop3A_782 : vector<16xi32>
      %parallel_loop3A_784 = tpu.bitcast %parallel_loop3A_783 : vector<16xi32> -> vector<16xf32>
      %parallel_loop3A_785 = arith.constant -65536 : i32
      %parallel_loop3A_786 = vector.broadcast %parallel_loop3A_785 : i32 to vector<16xi32>
      %parallel_loop3A_787 = arith.andi %parallel_loop3A_772, %parallel_loop3A_786 : vector<16xi32>
      %parallel_loop3A_788 = tpu.bitcast %parallel_loop3A_787 : vector<16xi32> -> vector<16xf32>
      %parallel_loop3A_789 = arith.mulf %parallel_loop3A_80, %parallel_loop3A_776 : vector<16xf32>
      %parallel_loop3A_790 = arith.mulf %parallel_loop3A_84, %parallel_loop3A_780 : vector<16xf32>
      %parallel_loop3A_791 = arith.addf %parallel_loop3A_789, %parallel_loop3A_790 : vector<16xf32>
      %parallel_loop3A_792 = arith.index_cast %parallel_loop3A_74 : i32 to index
      %parallel_loop3A_793 = arith.constant 272 : index
      %parallel_loop3A_794 = tpu.vector_load %arg16[%parallel_loop3A_792, %parallel_loop3A_793] {strides = array<i32>} : memref<32x1024xf32, #tpu.memory_space<vmem>>, vector<1x16xf32>,
      %parallel_loop3A_795 = vector.shape_cast %parallel_loop3A_794 : vector<1x16xf32> to vector<16xf32>
      %parallel_loop3A_796 = vector.shape_cast %parallel_loop3A_791 : vector<16xf32> to vector<1x16xf32>
      tpu.vector_store %arg16[%parallel_loop3A_792, %parallel_loop3A_793], %parallel_loop3A_796 {strides = array<i32>} : memref<32x1024xf32, #tpu.memory_space<vmem>>, vector<1x16xf32>,
      %parallel_loop3A_797 = arith.mulf %parallel_loop3A_80, %parallel_loop3A_784 : vector<16xf32>
      %parallel_loop3A_798 = arith.mulf %parallel_loop3A_84, %parallel_loop3A_788 : vector<16xf32>
      %parallel_loop3A_799 = arith.addf %parallel_loop3A_797, %parallel_loop3A_798 : vector<16xf32>
      %parallel_loop3A_800 = arith.index_cast %parallel_loop3A_74 : i32 to index
      %parallel_loop3A_801 = arith.constant 784 : index
      %parallel_loop3A_802 = tpu.vector_load %arg16[%parallel_loop3A_800, %parallel_loop3A_801] {strides = array<i32>} : memref<32x1024xf32, #tpu.memory_space<vmem>>, vector<1x16xf32>,
      %parallel_loop3A_803 = vector.shape_cast %parallel_loop3A_802 : vector<1x16xf32> to vector<16xf32>
      %parallel_loop3A_804 = vector.shape_cast %parallel_loop3A_799 : vector<16xf32> to vector<1x16xf32>
      tpu.vector_store %arg16[%parallel_loop3A_800, %parallel_loop3A_801], %parallel_loop3A_804 {strides = array<i32>} : memref<32x1024xf32, #tpu.memory_space<vmem>>, vector<1x16xf32>,
      %parallel_loop3A_805 = arith.index_cast %parallel_loop3A_74 : i32 to index
      %parallel_loop3A_806 = arith.constant 288 : index
      %parallel_loop3A_807 = tpu.vector_load %arg14[%parallel_loop3A_805, %parallel_loop3A_806] {strides = array<i32>} : memref<32x512xi32, #tpu.memory_space<vmem>>, vector<1x16xi32>,
      %parallel_loop3A_808 = vector.shape_cast %parallel_loop3A_807 : vector<1x16xi32> to vector<16xi32>
      %parallel_loop3A_809 = arith.index_cast %parallel_loop3A_74 : i32 to index
      %parallel_loop3A_810 = arith.constant 288 : index
      %parallel_loop3A_811 = tpu.vector_load %arg15[%parallel_loop3A_809, %parallel_loop3A_810] {strides = array<i32>} : memref<32x512xi32, #tpu.memory_space<vmem>>, vector<1x16xi32>,
      %parallel_loop3A_812 = vector.shape_cast %parallel_loop3A_811 : vector<1x16xi32> to vector<16xi32>
      %parallel_loop3A_813 = arith.constant 16 : i32
      %parallel_loop3A_814 = vector.broadcast %parallel_loop3A_813 : i32 to vector<16xi32>
      %parallel_loop3A_815 = arith.shli %parallel_loop3A_808, %parallel_loop3A_814 : vector<16xi32>
      %parallel_loop3A_816 = tpu.bitcast %parallel_loop3A_815 : vector<16xi32> -> vector<16xf32>
      %parallel_loop3A_817 = arith.constant 16 : i32
      %parallel_loop3A_818 = vector.broadcast %parallel_loop3A_817 : i32 to vector<16xi32>
      %parallel_loop3A_819 = arith.shli %parallel_loop3A_812, %parallel_loop3A_818 : vector<16xi32>
      %parallel_loop3A_820 = tpu.bitcast %parallel_loop3A_819 : vector<16xi32> -> vector<16xf32>
      %parallel_loop3A_821 = arith.constant -65536 : i32
      %parallel_loop3A_822 = vector.broadcast %parallel_loop3A_821 : i32 to vector<16xi32>
      %parallel_loop3A_823 = arith.andi %parallel_loop3A_808, %parallel_loop3A_822 : vector<16xi32>
      %parallel_loop3A_824 = tpu.bitcast %parallel_loop3A_823 : vector<16xi32> -> vector<16xf32>
      %parallel_loop3A_825 = arith.constant -65536 : i32
      %parallel_loop3A_826 = vector.broadcast %parallel_loop3A_825 : i32 to vector<16xi32>
      %parallel_loop3A_827 = arith.andi %parallel_loop3A_812, %parallel_loop3A_826 : vector<16xi32>
      %parallel_loop3A_828 = tpu.bitcast %parallel_loop3A_827 : vector<16xi32> -> vector<16xf32>
      %parallel_loop3A_829 = arith.mulf %parallel_loop3A_80, %parallel_loop3A_816 : vector<16xf32>
      %parallel_loop3A_830 = arith.mulf %parallel_loop3A_84, %parallel_loop3A_820 : vector<16xf32>
      %parallel_loop3A_831 = arith.addf %parallel_loop3A_829, %parallel_loop3A_830 : vector<16xf32>
      %parallel_loop3A_832 = arith.index_cast %parallel_loop3A_74 : i32 to index
      %parallel_loop3A_833 = arith.constant 288 : index
      %parallel_loop3A_834 = tpu.vector_load %arg16[%parallel_loop3A_832, %parallel_loop3A_833] {strides = array<i32>} : memref<32x1024xf32, #tpu.memory_space<vmem>>, vector<1x16xf32>,
      %parallel_loop3A_835 = vector.shape_cast %parallel_loop3A_834 : vector<1x16xf32> to vector<16xf32>
      %parallel_loop3A_836 = vector.shape_cast %parallel_loop3A_831 : vector<16xf32> to vector<1x16xf32>
      tpu.vector_store %arg16[%parallel_loop3A_832, %parallel_loop3A_833], %parallel_loop3A_836 {strides = array<i32>} : memref<32x1024xf32, #tpu.memory_space<vmem>>, vector<1x16xf32>,
      %parallel_loop3A_837 = arith.mulf %parallel_loop3A_80, %parallel_loop3A_824 : vector<16xf32>
      %parallel_loop3A_838 = arith.mulf %parallel_loop3A_84, %parallel_loop3A_828 : vector<16xf32>
      %parallel_loop3A_839 = arith.addf %parallel_loop3A_837, %parallel_loop3A_838 : vector<16xf32>
      %parallel_loop3A_840 = arith.index_cast %parallel_loop3A_74 : i32 to index
      %parallel_loop3A_841 = arith.constant 800 : index
      %parallel_loop3A_842 = tpu.vector_load %arg16[%parallel_loop3A_840, %parallel_loop3A_841] {strides = array<i32>} : memref<32x1024xf32, #tpu.memory_space<vmem>>, vector<1x16xf32>,
      %parallel_loop3A_843 = vector.shape_cast %parallel_loop3A_842 : vector<1x16xf32> to vector<16xf32>
      %parallel_loop3A_844 = vector.shape_cast %parallel_loop3A_839 : vector<16xf32> to vector<1x16xf32>
      tpu.vector_store %arg16[%parallel_loop3A_840, %parallel_loop3A_841], %parallel_loop3A_844 {strides = array<i32>} : memref<32x1024xf32, #tpu.memory_space<vmem>>, vector<1x16xf32>,
      %parallel_loop3A_845 = arith.index_cast %parallel_loop3A_74 : i32 to index
      %parallel_loop3A_846 = arith.constant 304 : index
      %parallel_loop3A_847 = tpu.vector_load %arg14[%parallel_loop3A_845, %parallel_loop3A_846] {strides = array<i32>} : memref<32x512xi32, #tpu.memory_space<vmem>>, vector<1x16xi32>,
      %parallel_loop3A_848 = vector.shape_cast %parallel_loop3A_847 : vector<1x16xi32> to vector<16xi32>
      %parallel_loop3A_849 = arith.index_cast %parallel_loop3A_74 : i32 to index
      %parallel_loop3A_850 = arith.constant 304 : index
      %parallel_loop3A_851 = tpu.vector_load %arg15[%parallel_loop3A_849, %parallel_loop3A_850] {strides = array<i32>} : memref<32x512xi32, #tpu.memory_space<vmem>>, vector<1x16xi32>,
      %parallel_loop3A_852 = vector.shape_cast %parallel_loop3A_851 : vector<1x16xi32> to vector<16xi32>
      %parallel_loop3A_853 = arith.constant 16 : i32
      %parallel_loop3A_854 = vector.broadcast %parallel_loop3A_853 : i32 to vector<16xi32>
      %parallel_loop3A_855 = arith.shli %parallel_loop3A_848, %parallel_loop3A_854 : vector<16xi32>
      %parallel_loop3A_856 = tpu.bitcast %parallel_loop3A_855 : vector<16xi32> -> vector<16xf32>
      %parallel_loop3A_857 = arith.constant 16 : i32
      %parallel_loop3A_858 = vector.broadcast %parallel_loop3A_857 : i32 to vector<16xi32>
      %parallel_loop3A_859 = arith.shli %parallel_loop3A_852, %parallel_loop3A_858 : vector<16xi32>
      %parallel_loop3A_860 = tpu.bitcast %parallel_loop3A_859 : vector<16xi32> -> vector<16xf32>
      %parallel_loop3A_861 = arith.constant -65536 : i32
      %parallel_loop3A_862 = vector.broadcast %parallel_loop3A_861 : i32 to vector<16xi32>
      %parallel_loop3A_863 = arith.andi %parallel_loop3A_848, %parallel_loop3A_862 : vector<16xi32>
      %parallel_loop3A_864 = tpu.bitcast %parallel_loop3A_863 : vector<16xi32> -> vector<16xf32>
      %parallel_loop3A_865 = arith.constant -65536 : i32
      %parallel_loop3A_866 = vector.broadcast %parallel_loop3A_865 : i32 to vector<16xi32>
      %parallel_loop3A_867 = arith.andi %parallel_loop3A_852, %parallel_loop3A_866 : vector<16xi32>
      %parallel_loop3A_868 = tpu.bitcast %parallel_loop3A_867 : vector<16xi32> -> vector<16xf32>
      %parallel_loop3A_869 = arith.mulf %parallel_loop3A_80, %parallel_loop3A_856 : vector<16xf32>
      %parallel_loop3A_870 = arith.mulf %parallel_loop3A_84, %parallel_loop3A_860 : vector<16xf32>
      %parallel_loop3A_871 = arith.addf %parallel_loop3A_869, %parallel_loop3A_870 : vector<16xf32>
      %parallel_loop3A_872 = arith.index_cast %parallel_loop3A_74 : i32 to index
      %parallel_loop3A_873 = arith.constant 304 : index
      %parallel_loop3A_874 = tpu.vector_load %arg16[%parallel_loop3A_872, %parallel_loop3A_873] {strides = array<i32>} : memref<32x1024xf32, #tpu.memory_space<vmem>>, vector<1x16xf32>,
      %parallel_loop3A_875 = vector.shape_cast %parallel_loop3A_874 : vector<1x16xf32> to vector<16xf32>
      %parallel_loop3A_876 = vector.shape_cast %parallel_loop3A_871 : vector<16xf32> to vector<1x16xf32>
      tpu.vector_store %arg16[%parallel_loop3A_872, %parallel_loop3A_873], %parallel_loop3A_876 {strides = array<i32>} : memref<32x1024xf32, #tpu.memory_space<vmem>>, vector<1x16xf32>,
      %parallel_loop3A_877 = arith.mulf %parallel_loop3A_80, %parallel_loop3A_864 : vector<16xf32>
      %parallel_loop3A_878 = arith.mulf %parallel_loop3A_84, %parallel_loop3A_868 : vector<16xf32>
      %parallel_loop3A_879 = arith.addf %parallel_loop3A_877, %parallel_loop3A_878 : vector<16xf32>
      %parallel_loop3A_880 = arith.index_cast %parallel_loop3A_74 : i32 to index
      %parallel_loop3A_881 = arith.constant 816 : index
      %parallel_loop3A_882 = tpu.vector_load %arg16[%parallel_loop3A_880, %parallel_loop3A_881] {strides = array<i32>} : memref<32x1024xf32, #tpu.memory_space<vmem>>, vector<1x16xf32>,
      %parallel_loop3A_883 = vector.shape_cast %parallel_loop3A_882 : vector<1x16xf32> to vector<16xf32>
      %parallel_loop3A_884 = vector.shape_cast %parallel_loop3A_879 : vector<16xf32> to vector<1x16xf32>
      tpu.vector_store %arg16[%parallel_loop3A_880, %parallel_loop3A_881], %parallel_loop3A_884 {strides = array<i32>} : memref<32x1024xf32, #tpu.memory_space<vmem>>, vector<1x16xf32>,
      %parallel_loop3A_885 = arith.index_cast %parallel_loop3A_74 : i32 to index
      %parallel_loop3A_886 = arith.constant 320 : index
      %parallel_loop3A_887 = tpu.vector_load %arg14[%parallel_loop3A_885, %parallel_loop3A_886] {strides = array<i32>} : memref<32x512xi32, #tpu.memory_space<vmem>>, vector<1x16xi32>,
      %parallel_loop3A_888 = vector.shape_cast %parallel_loop3A_887 : vector<1x16xi32> to vector<16xi32>
      %parallel_loop3A_889 = arith.index_cast %parallel_loop3A_74 : i32 to index
      %parallel_loop3A_890 = arith.constant 320 : index
      %parallel_loop3A_891 = tpu.vector_load %arg15[%parallel_loop3A_889, %parallel_loop3A_890] {strides = array<i32>} : memref<32x512xi32, #tpu.memory_space<vmem>>, vector<1x16xi32>,
      %parallel_loop3A_892 = vector.shape_cast %parallel_loop3A_891 : vector<1x16xi32> to vector<16xi32>
      %parallel_loop3A_893 = arith.constant 16 : i32
      %parallel_loop3A_894 = vector.broadcast %parallel_loop3A_893 : i32 to vector<16xi32>
      %parallel_loop3A_895 = arith.shli %parallel_loop3A_888, %parallel_loop3A_894 : vector<16xi32>
      %parallel_loop3A_896 = tpu.bitcast %parallel_loop3A_895 : vector<16xi32> -> vector<16xf32>
      %parallel_loop3A_897 = arith.constant 16 : i32
      %parallel_loop3A_898 = vector.broadcast %parallel_loop3A_897 : i32 to vector<16xi32>
      %parallel_loop3A_899 = arith.shli %parallel_loop3A_892, %parallel_loop3A_898 : vector<16xi32>
      %parallel_loop3A_900 = tpu.bitcast %parallel_loop3A_899 : vector<16xi32> -> vector<16xf32>
      %parallel_loop3A_901 = arith.constant -65536 : i32
      %parallel_loop3A_902 = vector.broadcast %parallel_loop3A_901 : i32 to vector<16xi32>
      %parallel_loop3A_903 = arith.andi %parallel_loop3A_888, %parallel_loop3A_902 : vector<16xi32>
      %parallel_loop3A_904 = tpu.bitcast %parallel_loop3A_903 : vector<16xi32> -> vector<16xf32>
      %parallel_loop3A_905 = arith.constant -65536 : i32
      %parallel_loop3A_906 = vector.broadcast %parallel_loop3A_905 : i32 to vector<16xi32>
      %parallel_loop3A_907 = arith.andi %parallel_loop3A_892, %parallel_loop3A_906 : vector<16xi32>
      %parallel_loop3A_908 = tpu.bitcast %parallel_loop3A_907 : vector<16xi32> -> vector<16xf32>
      %parallel_loop3A_909 = arith.mulf %parallel_loop3A_80, %parallel_loop3A_896 : vector<16xf32>
      %parallel_loop3A_910 = arith.mulf %parallel_loop3A_84, %parallel_loop3A_900 : vector<16xf32>
      %parallel_loop3A_911 = arith.addf %parallel_loop3A_909, %parallel_loop3A_910 : vector<16xf32>
      %parallel_loop3A_912 = arith.index_cast %parallel_loop3A_74 : i32 to index
      %parallel_loop3A_913 = arith.constant 320 : index
      %parallel_loop3A_914 = tpu.vector_load %arg16[%parallel_loop3A_912, %parallel_loop3A_913] {strides = array<i32>} : memref<32x1024xf32, #tpu.memory_space<vmem>>, vector<1x16xf32>,
      %parallel_loop3A_915 = vector.shape_cast %parallel_loop3A_914 : vector<1x16xf32> to vector<16xf32>
      %parallel_loop3A_916 = vector.shape_cast %parallel_loop3A_911 : vector<16xf32> to vector<1x16xf32>
      tpu.vector_store %arg16[%parallel_loop3A_912, %parallel_loop3A_913], %parallel_loop3A_916 {strides = array<i32>} : memref<32x1024xf32, #tpu.memory_space<vmem>>, vector<1x16xf32>,
      %parallel_loop3A_917 = arith.mulf %parallel_loop3A_80, %parallel_loop3A_904 : vector<16xf32>
      %parallel_loop3A_918 = arith.mulf %parallel_loop3A_84, %parallel_loop3A_908 : vector<16xf32>
      %parallel_loop3A_919 = arith.addf %parallel_loop3A_917, %parallel_loop3A_918 : vector<16xf32>
      %parallel_loop3A_920 = arith.index_cast %parallel_loop3A_74 : i32 to index
      %parallel_loop3A_921 = arith.constant 832 : index
      %parallel_loop3A_922 = tpu.vector_load %arg16[%parallel_loop3A_920, %parallel_loop3A_921] {strides = array<i32>} : memref<32x1024xf32, #tpu.memory_space<vmem>>, vector<1x16xf32>,
      %parallel_loop3A_923 = vector.shape_cast %parallel_loop3A_922 : vector<1x16xf32> to vector<16xf32>
      %parallel_loop3A_924 = vector.shape_cast %parallel_loop3A_919 : vector<16xf32> to vector<1x16xf32>
      tpu.vector_store %arg16[%parallel_loop3A_920, %parallel_loop3A_921], %parallel_loop3A_924 {strides = array<i32>} : memref<32x1024xf32, #tpu.memory_space<vmem>>, vector<1x16xf32>,
      %parallel_loop3A_925 = arith.index_cast %parallel_loop3A_74 : i32 to index
      %parallel_loop3A_926 = arith.constant 336 : index
      %parallel_loop3A_927 = tpu.vector_load %arg14[%parallel_loop3A_925, %parallel_loop3A_926] {strides = array<i32>} : memref<32x512xi32, #tpu.memory_space<vmem>>, vector<1x16xi32>,
      %parallel_loop3A_928 = vector.shape_cast %parallel_loop3A_927 : vector<1x16xi32> to vector<16xi32>
      %parallel_loop3A_929 = arith.index_cast %parallel_loop3A_74 : i32 to index
      %parallel_loop3A_930 = arith.constant 336 : index
      %parallel_loop3A_931 = tpu.vector_load %arg15[%parallel_loop3A_929, %parallel_loop3A_930] {strides = array<i32>} : memref<32x512xi32, #tpu.memory_space<vmem>>, vector<1x16xi32>,
      %parallel_loop3A_932 = vector.shape_cast %parallel_loop3A_931 : vector<1x16xi32> to vector<16xi32>
      %parallel_loop3A_933 = arith.constant 16 : i32
      %parallel_loop3A_934 = vector.broadcast %parallel_loop3A_933 : i32 to vector<16xi32>
      %parallel_loop3A_935 = arith.shli %parallel_loop3A_928, %parallel_loop3A_934 : vector<16xi32>
      %parallel_loop3A_936 = tpu.bitcast %parallel_loop3A_935 : vector<16xi32> -> vector<16xf32>
      %parallel_loop3A_937 = arith.constant 16 : i32
      %parallel_loop3A_938 = vector.broadcast %parallel_loop3A_937 : i32 to vector<16xi32>
      %parallel_loop3A_939 = arith.shli %parallel_loop3A_932, %parallel_loop3A_938 : vector<16xi32>
      %parallel_loop3A_940 = tpu.bitcast %parallel_loop3A_939 : vector<16xi32> -> vector<16xf32>
      %parallel_loop3A_941 = arith.constant -65536 : i32
      %parallel_loop3A_942 = vector.broadcast %parallel_loop3A_941 : i32 to vector<16xi32>
      %parallel_loop3A_943 = arith.andi %parallel_loop3A_928, %parallel_loop3A_942 : vector<16xi32>
      %parallel_loop3A_944 = tpu.bitcast %parallel_loop3A_943 : vector<16xi32> -> vector<16xf32>
      %parallel_loop3A_945 = arith.constant -65536 : i32
      %parallel_loop3A_946 = vector.broadcast %parallel_loop3A_945 : i32 to vector<16xi32>
      %parallel_loop3A_947 = arith.andi %parallel_loop3A_932, %parallel_loop3A_946 : vector<16xi32>
      %parallel_loop3A_948 = tpu.bitcast %parallel_loop3A_947 : vector<16xi32> -> vector<16xf32>
      %parallel_loop3A_949 = arith.mulf %parallel_loop3A_80, %parallel_loop3A_936 : vector<16xf32>
      %parallel_loop3A_950 = arith.mulf %parallel_loop3A_84, %parallel_loop3A_940 : vector<16xf32>
      %parallel_loop3A_951 = arith.addf %parallel_loop3A_949, %parallel_loop3A_950 : vector<16xf32>
      %parallel_loop3A_952 = arith.index_cast %parallel_loop3A_74 : i32 to index
      %parallel_loop3A_953 = arith.constant 336 : index
      %parallel_loop3A_954 = tpu.vector_load %arg16[%parallel_loop3A_952, %parallel_loop3A_953] {strides = array<i32>} : memref<32x1024xf32, #tpu.memory_space<vmem>>, vector<1x16xf32>,
      %parallel_loop3A_955 = vector.shape_cast %parallel_loop3A_954 : vector<1x16xf32> to vector<16xf32>
      %parallel_loop3A_956 = vector.shape_cast %parallel_loop3A_951 : vector<16xf32> to vector<1x16xf32>
      tpu.vector_store %arg16[%parallel_loop3A_952, %parallel_loop3A_953], %parallel_loop3A_956 {strides = array<i32>} : memref<32x1024xf32, #tpu.memory_space<vmem>>, vector<1x16xf32>,
      %parallel_loop3A_957 = arith.mulf %parallel_loop3A_80, %parallel_loop3A_944 : vector<16xf32>
      %parallel_loop3A_958 = arith.mulf %parallel_loop3A_84, %parallel_loop3A_948 : vector<16xf32>
      %parallel_loop3A_959 = arith.addf %parallel_loop3A_957, %parallel_loop3A_958 : vector<16xf32>
      %parallel_loop3A_960 = arith.index_cast %parallel_loop3A_74 : i32 to index
      %parallel_loop3A_961 = arith.constant 848 : index
      %parallel_loop3A_962 = tpu.vector_load %arg16[%parallel_loop3A_960, %parallel_loop3A_961] {strides = array<i32>} : memref<32x1024xf32, #tpu.memory_space<vmem>>, vector<1x16xf32>,
      %parallel_loop3A_963 = vector.shape_cast %parallel_loop3A_962 : vector<1x16xf32> to vector<16xf32>
      %parallel_loop3A_964 = vector.shape_cast %parallel_loop3A_959 : vector<16xf32> to vector<1x16xf32>
      tpu.vector_store %arg16[%parallel_loop3A_960, %parallel_loop3A_961], %parallel_loop3A_964 {strides = array<i32>} : memref<32x1024xf32, #tpu.memory_space<vmem>>, vector<1x16xf32>,
      %parallel_loop3A_965 = arith.index_cast %parallel_loop3A_74 : i32 to index
      %parallel_loop3A_966 = arith.constant 352 : index
      %parallel_loop3A_967 = tpu.vector_load %arg14[%parallel_loop3A_965, %parallel_loop3A_966] {strides = array<i32>} : memref<32x512xi32, #tpu.memory_space<vmem>>, vector<1x16xi32>,
      %parallel_loop3A_968 = vector.shape_cast %parallel_loop3A_967 : vector<1x16xi32> to vector<16xi32>
      %parallel_loop3A_969 = arith.index_cast %parallel_loop3A_74 : i32 to index
      %parallel_loop3A_970 = arith.constant 352 : index
      %parallel_loop3A_971 = tpu.vector_load %arg15[%parallel_loop3A_969, %parallel_loop3A_970] {strides = array<i32>} : memref<32x512xi32, #tpu.memory_space<vmem>>, vector<1x16xi32>,
      %parallel_loop3A_972 = vector.shape_cast %parallel_loop3A_971 : vector<1x16xi32> to vector<16xi32>
      %parallel_loop3A_973 = arith.constant 16 : i32
      %parallel_loop3A_974 = vector.broadcast %parallel_loop3A_973 : i32 to vector<16xi32>
      %parallel_loop3A_975 = arith.shli %parallel_loop3A_968, %parallel_loop3A_974 : vector<16xi32>
      %parallel_loop3A_976 = tpu.bitcast %parallel_loop3A_975 : vector<16xi32> -> vector<16xf32>
      %parallel_loop3A_977 = arith.constant 16 : i32
      %parallel_loop3A_978 = vector.broadcast %parallel_loop3A_977 : i32 to vector<16xi32>
      %parallel_loop3A_979 = arith.shli %parallel_loop3A_972, %parallel_loop3A_978 : vector<16xi32>
      %parallel_loop3A_980 = tpu.bitcast %parallel_loop3A_979 : vector<16xi32> -> vector<16xf32>
      %parallel_loop3A_981 = arith.constant -65536 : i32
      %parallel_loop3A_982 = vector.broadcast %parallel_loop3A_981 : i32 to vector<16xi32>
      %parallel_loop3A_983 = arith.andi %parallel_loop3A_968, %parallel_loop3A_982 : vector<16xi32>
      %parallel_loop3A_984 = tpu.bitcast %parallel_loop3A_983 : vector<16xi32> -> vector<16xf32>
      %parallel_loop3A_985 = arith.constant -65536 : i32
      %parallel_loop3A_986 = vector.broadcast %parallel_loop3A_985 : i32 to vector<16xi32>
      %parallel_loop3A_987 = arith.andi %parallel_loop3A_972, %parallel_loop3A_986 : vector<16xi32>
      %parallel_loop3A_988 = tpu.bitcast %parallel_loop3A_987 : vector<16xi32> -> vector<16xf32>
      %parallel_loop3A_989 = arith.mulf %parallel_loop3A_80, %parallel_loop3A_976 : vector<16xf32>
      %parallel_loop3A_990 = arith.mulf %parallel_loop3A_84, %parallel_loop3A_980 : vector<16xf32>
      %parallel_loop3A_991 = arith.addf %parallel_loop3A_989, %parallel_loop3A_990 : vector<16xf32>
      %parallel_loop3A_992 = arith.index_cast %parallel_loop3A_74 : i32 to index
      %parallel_loop3A_993 = arith.constant 352 : index
      %parallel_loop3A_994 = tpu.vector_load %arg16[%parallel_loop3A_992, %parallel_loop3A_993] {strides = array<i32>} : memref<32x1024xf32, #tpu.memory_space<vmem>>, vector<1x16xf32>,
      %parallel_loop3A_995 = vector.shape_cast %parallel_loop3A_994 : vector<1x16xf32> to vector<16xf32>
      %parallel_loop3A_996 = vector.shape_cast %parallel_loop3A_991 : vector<16xf32> to vector<1x16xf32>
      tpu.vector_store %arg16[%parallel_loop3A_992, %parallel_loop3A_993], %parallel_loop3A_996 {strides = array<i32>} : memref<32x1024xf32, #tpu.memory_space<vmem>>, vector<1x16xf32>,
      %parallel_loop3A_997 = arith.mulf %parallel_loop3A_80, %parallel_loop3A_984 : vector<16xf32>
      %parallel_loop3A_998 = arith.mulf %parallel_loop3A_84, %parallel_loop3A_988 : vector<16xf32>
      %parallel_loop3A_999 = arith.addf %parallel_loop3A_997, %parallel_loop3A_998 : vector<16xf32>
      %parallel_loop3A_1000 = arith.index_cast %parallel_loop3A_74 : i32 to index
      %parallel_loop3A_1001 = arith.constant 864 : index
      %parallel_loop3A_1002 = tpu.vector_load %arg16[%parallel_loop3A_1000, %parallel_loop3A_1001] {strides = array<i32>} : memref<32x1024xf32, #tpu.memory_space<vmem>>, vector<1x16xf32>,
      %parallel_loop3A_1003 = vector.shape_cast %parallel_loop3A_1002 : vector<1x16xf32> to vector<16xf32>
      %parallel_loop3A_1004 = vector.shape_cast %parallel_loop3A_999 : vector<16xf32> to vector<1x16xf32>
      tpu.vector_store %arg16[%parallel_loop3A_1000, %parallel_loop3A_1001], %parallel_loop3A_1004 {strides = array<i32>} : memref<32x1024xf32, #tpu.memory_space<vmem>>, vector<1x16xf32>,
      %parallel_loop3A_1005 = arith.index_cast %parallel_loop3A_74 : i32 to index
      %parallel_loop3A_1006 = arith.constant 368 : index
      %parallel_loop3A_1007 = tpu.vector_load %arg14[%parallel_loop3A_1005, %parallel_loop3A_1006] {strides = array<i32>} : memref<32x512xi32, #tpu.memory_space<vmem>>, vector<1x16xi32>,
      %parallel_loop3A_1008 = vector.shape_cast %parallel_loop3A_1007 : vector<1x16xi32> to vector<16xi32>
      %parallel_loop3A_1009 = arith.index_cast %parallel_loop3A_74 : i32 to index
      %parallel_loop3A_1010 = arith.constant 368 : index
      %parallel_loop3A_1011 = tpu.vector_load %arg15[%parallel_loop3A_1009, %parallel_loop3A_1010] {strides = array<i32>} : memref<32x512xi32, #tpu.memory_space<vmem>>, vector<1x16xi32>,
      %parallel_loop3A_1012 = vector.shape_cast %parallel_loop3A_1011 : vector<1x16xi32> to vector<16xi32>
      %parallel_loop3A_1013 = arith.constant 16 : i32
      %parallel_loop3A_1014 = vector.broadcast %parallel_loop3A_1013 : i32 to vector<16xi32>
      %parallel_loop3A_1015 = arith.shli %parallel_loop3A_1008, %parallel_loop3A_1014 : vector<16xi32>
      %parallel_loop3A_1016 = tpu.bitcast %parallel_loop3A_1015 : vector<16xi32> -> vector<16xf32>
      %parallel_loop3A_1017 = arith.constant 16 : i32
      %parallel_loop3A_1018 = vector.broadcast %parallel_loop3A_1017 : i32 to vector<16xi32>
      %parallel_loop3A_1019 = arith.shli %parallel_loop3A_1012, %parallel_loop3A_1018 : vector<16xi32>
      %parallel_loop3A_1020 = tpu.bitcast %parallel_loop3A_1019 : vector<16xi32> -> vector<16xf32>
      %parallel_loop3A_1021 = arith.constant -65536 : i32
      %parallel_loop3A_1022 = vector.broadcast %parallel_loop3A_1021 : i32 to vector<16xi32>
      %parallel_loop3A_1023 = arith.andi %parallel_loop3A_1008, %parallel_loop3A_1022 : vector<16xi32>
      %parallel_loop3A_1024 = tpu.bitcast %parallel_loop3A_1023 : vector<16xi32> -> vector<16xf32>
      %parallel_loop3A_1025 = arith.constant -65536 : i32
      %parallel_loop3A_1026 = vector.broadcast %parallel_loop3A_1025 : i32 to vector<16xi32>
      %parallel_loop3A_1027 = arith.andi %parallel_loop3A_1012, %parallel_loop3A_1026 : vector<16xi32>
      %parallel_loop3A_1028 = tpu.bitcast %parallel_loop3A_1027 : vector<16xi32> -> vector<16xf32>
      %parallel_loop3A_1029 = arith.mulf %parallel_loop3A_80, %parallel_loop3A_1016 : vector<16xf32>
      %parallel_loop3A_1030 = arith.mulf %parallel_loop3A_84, %parallel_loop3A_1020 : vector<16xf32>
      %parallel_loop3A_1031 = arith.addf %parallel_loop3A_1029, %parallel_loop3A_1030 : vector<16xf32>
      %parallel_loop3A_1032 = arith.index_cast %parallel_loop3A_74 : i32 to index
      %parallel_loop3A_1033 = arith.constant 368 : index
      %parallel_loop3A_1034 = tpu.vector_load %arg16[%parallel_loop3A_1032, %parallel_loop3A_1033] {strides = array<i32>} : memref<32x1024xf32, #tpu.memory_space<vmem>>, vector<1x16xf32>,
      %parallel_loop3A_1035 = vector.shape_cast %parallel_loop3A_1034 : vector<1x16xf32> to vector<16xf32>
      %parallel_loop3A_1036 = vector.shape_cast %parallel_loop3A_1031 : vector<16xf32> to vector<1x16xf32>
      tpu.vector_store %arg16[%parallel_loop3A_1032, %parallel_loop3A_1033], %parallel_loop3A_1036 {strides = array<i32>} : memref<32x1024xf32, #tpu.memory_space<vmem>>, vector<1x16xf32>,
      %parallel_loop3A_1037 = arith.mulf %parallel_loop3A_80, %parallel_loop3A_1024 : vector<16xf32>
      %parallel_loop3A_1038 = arith.mulf %parallel_loop3A_84, %parallel_loop3A_1028 : vector<16xf32>
      %parallel_loop3A_1039 = arith.addf %parallel_loop3A_1037, %parallel_loop3A_1038 : vector<16xf32>
      %parallel_loop3A_1040 = arith.index_cast %parallel_loop3A_74 : i32 to index
      %parallel_loop3A_1041 = arith.constant 880 : index
      %parallel_loop3A_1042 = tpu.vector_load %arg16[%parallel_loop3A_1040, %parallel_loop3A_1041] {strides = array<i32>} : memref<32x1024xf32, #tpu.memory_space<vmem>>, vector<1x16xf32>,
      %parallel_loop3A_1043 = vector.shape_cast %parallel_loop3A_1042 : vector<1x16xf32> to vector<16xf32>
      %parallel_loop3A_1044 = vector.shape_cast %parallel_loop3A_1039 : vector<16xf32> to vector<1x16xf32>
      tpu.vector_store %arg16[%parallel_loop3A_1040, %parallel_loop3A_1041], %parallel_loop3A_1044 {strides = array<i32>} : memref<32x1024xf32, #tpu.memory_space<vmem>>, vector<1x16xf32>,
      %parallel_loop3A_1045 = arith.index_cast %parallel_loop3A_74 : i32 to index
      %parallel_loop3A_1046 = arith.constant 384 : index
      %parallel_loop3A_1047 = tpu.vector_load %arg14[%parallel_loop3A_1045, %parallel_loop3A_1046] {strides = array<i32>} : memref<32x512xi32, #tpu.memory_space<vmem>>, vector<1x16xi32>,
      %parallel_loop3A_1048 = vector.shape_cast %parallel_loop3A_1047 : vector<1x16xi32> to vector<16xi32>
      %parallel_loop3A_1049 = arith.index_cast %parallel_loop3A_74 : i32 to index
      %parallel_loop3A_1050 = arith.constant 384 : index
      %parallel_loop3A_1051 = tpu.vector_load %arg15[%parallel_loop3A_1049, %parallel_loop3A_1050] {strides = array<i32>} : memref<32x512xi32, #tpu.memory_space<vmem>>, vector<1x16xi32>,
      %parallel_loop3A_1052 = vector.shape_cast %parallel_loop3A_1051 : vector<1x16xi32> to vector<16xi32>
      %parallel_loop3A_1053 = arith.constant 16 : i32
      %parallel_loop3A_1054 = vector.broadcast %parallel_loop3A_1053 : i32 to vector<16xi32>
      %parallel_loop3A_1055 = arith.shli %parallel_loop3A_1048, %parallel_loop3A_1054 : vector<16xi32>
      %parallel_loop3A_1056 = tpu.bitcast %parallel_loop3A_1055 : vector<16xi32> -> vector<16xf32>
      %parallel_loop3A_1057 = arith.constant 16 : i32
      %parallel_loop3A_1058 = vector.broadcast %parallel_loop3A_1057 : i32 to vector<16xi32>
      %parallel_loop3A_1059 = arith.shli %parallel_loop3A_1052, %parallel_loop3A_1058 : vector<16xi32>
      %parallel_loop3A_1060 = tpu.bitcast %parallel_loop3A_1059 : vector<16xi32> -> vector<16xf32>
      %parallel_loop3A_1061 = arith.constant -65536 : i32
      %parallel_loop3A_1062 = vector.broadcast %parallel_loop3A_1061 : i32 to vector<16xi32>
      %parallel_loop3A_1063 = arith.andi %parallel_loop3A_1048, %parallel_loop3A_1062 : vector<16xi32>
      %parallel_loop3A_1064 = tpu.bitcast %parallel_loop3A_1063 : vector<16xi32> -> vector<16xf32>
      %parallel_loop3A_1065 = arith.constant -65536 : i32
      %parallel_loop3A_1066 = vector.broadcast %parallel_loop3A_1065 : i32 to vector<16xi32>
      %parallel_loop3A_1067 = arith.andi %parallel_loop3A_1052, %parallel_loop3A_1066 : vector<16xi32>
      %parallel_loop3A_1068 = tpu.bitcast %parallel_loop3A_1067 : vector<16xi32> -> vector<16xf32>
      %parallel_loop3A_1069 = arith.mulf %parallel_loop3A_80, %parallel_loop3A_1056 : vector<16xf32>
      %parallel_loop3A_1070 = arith.mulf %parallel_loop3A_84, %parallel_loop3A_1060 : vector<16xf32>
      %parallel_loop3A_1071 = arith.addf %parallel_loop3A_1069, %parallel_loop3A_1070 : vector<16xf32>
      %parallel_loop3A_1072 = arith.index_cast %parallel_loop3A_74 : i32 to index
      %parallel_loop3A_1073 = arith.constant 384 : index
      %parallel_loop3A_1074 = tpu.vector_load %arg16[%parallel_loop3A_1072, %parallel_loop3A_1073] {strides = array<i32>} : memref<32x1024xf32, #tpu.memory_space<vmem>>, vector<1x16xf32>,
      %parallel_loop3A_1075 = vector.shape_cast %parallel_loop3A_1074 : vector<1x16xf32> to vector<16xf32>
      %parallel_loop3A_1076 = vector.shape_cast %parallel_loop3A_1071 : vector<16xf32> to vector<1x16xf32>
      tpu.vector_store %arg16[%parallel_loop3A_1072, %parallel_loop3A_1073], %parallel_loop3A_1076 {strides = array<i32>} : memref<32x1024xf32, #tpu.memory_space<vmem>>, vector<1x16xf32>,
      %parallel_loop3A_1077 = arith.mulf %parallel_loop3A_80, %parallel_loop3A_1064 : vector<16xf32>
      %parallel_loop3A_1078 = arith.mulf %parallel_loop3A_84, %parallel_loop3A_1068 : vector<16xf32>
      %parallel_loop3A_1079 = arith.addf %parallel_loop3A_1077, %parallel_loop3A_1078 : vector<16xf32>
      %parallel_loop3A_1080 = arith.index_cast %parallel_loop3A_74 : i32 to index
      %parallel_loop3A_1081 = arith.constant 896 : index
      %parallel_loop3A_1082 = tpu.vector_load %arg16[%parallel_loop3A_1080, %parallel_loop3A_1081] {strides = array<i32>} : memref<32x1024xf32, #tpu.memory_space<vmem>>, vector<1x16xf32>,
      %parallel_loop3A_1083 = vector.shape_cast %parallel_loop3A_1082 : vector<1x16xf32> to vector<16xf32>
      %parallel_loop3A_1084 = vector.shape_cast %parallel_loop3A_1079 : vector<16xf32> to vector<1x16xf32>
      tpu.vector_store %arg16[%parallel_loop3A_1080, %parallel_loop3A_1081], %parallel_loop3A_1084 {strides = array<i32>} : memref<32x1024xf32, #tpu.memory_space<vmem>>, vector<1x16xf32>,
      %parallel_loop3A_1085 = arith.index_cast %parallel_loop3A_74 : i32 to index
      %parallel_loop3A_1086 = arith.constant 400 : index
      %parallel_loop3A_1087 = tpu.vector_load %arg14[%parallel_loop3A_1085, %parallel_loop3A_1086] {strides = array<i32>} : memref<32x512xi32, #tpu.memory_space<vmem>>, vector<1x16xi32>,
      %parallel_loop3A_1088 = vector.shape_cast %parallel_loop3A_1087 : vector<1x16xi32> to vector<16xi32>
      %parallel_loop3A_1089 = arith.index_cast %parallel_loop3A_74 : i32 to index
      %parallel_loop3A_1090 = arith.constant 400 : index
      %parallel_loop3A_1091 = tpu.vector_load %arg15[%parallel_loop3A_1089, %parallel_loop3A_1090] {strides = array<i32>} : memref<32x512xi32, #tpu.memory_space<vmem>>, vector<1x16xi32>,
      %parallel_loop3A_1092 = vector.shape_cast %parallel_loop3A_1091 : vector<1x16xi32> to vector<16xi32>
      %parallel_loop3A_1093 = arith.constant 16 : i32
      %parallel_loop3A_1094 = vector.broadcast %parallel_loop3A_1093 : i32 to vector<16xi32>
      %parallel_loop3A_1095 = arith.shli %parallel_loop3A_1088, %parallel_loop3A_1094 : vector<16xi32>
      %parallel_loop3A_1096 = tpu.bitcast %parallel_loop3A_1095 : vector<16xi32> -> vector<16xf32>
      %parallel_loop3A_1097 = arith.constant 16 : i32
      %parallel_loop3A_1098 = vector.broadcast %parallel_loop3A_1097 : i32 to vector<16xi32>
      %parallel_loop3A_1099 = arith.shli %parallel_loop3A_1092, %parallel_loop3A_1098 : vector<16xi32>
      %parallel_loop3A_1100 = tpu.bitcast %parallel_loop3A_1099 : vector<16xi32> -> vector<16xf32>
      %parallel_loop3A_1101 = arith.constant -65536 : i32
      %parallel_loop3A_1102 = vector.broadcast %parallel_loop3A_1101 : i32 to vector<16xi32>
      %parallel_loop3A_1103 = arith.andi %parallel_loop3A_1088, %parallel_loop3A_1102 : vector<16xi32>
      %parallel_loop3A_1104 = tpu.bitcast %parallel_loop3A_1103 : vector<16xi32> -> vector<16xf32>
      %parallel_loop3A_1105 = arith.constant -65536 : i32
      %parallel_loop3A_1106 = vector.broadcast %parallel_loop3A_1105 : i32 to vector<16xi32>
      %parallel_loop3A_1107 = arith.andi %parallel_loop3A_1092, %parallel_loop3A_1106 : vector<16xi32>
      %parallel_loop3A_1108 = tpu.bitcast %parallel_loop3A_1107 : vector<16xi32> -> vector<16xf32>
      %parallel_loop3A_1109 = arith.mulf %parallel_loop3A_80, %parallel_loop3A_1096 : vector<16xf32>
      %parallel_loop3A_1110 = arith.mulf %parallel_loop3A_84, %parallel_loop3A_1100 : vector<16xf32>
      %parallel_loop3A_1111 = arith.addf %parallel_loop3A_1109, %parallel_loop3A_1110 : vector<16xf32>
      %parallel_loop3A_1112 = arith.index_cast %parallel_loop3A_74 : i32 to index
      %parallel_loop3A_1113 = arith.constant 400 : index
      %parallel_loop3A_1114 = tpu.vector_load %arg16[%parallel_loop3A_1112, %parallel_loop3A_1113] {strides = array<i32>} : memref<32x1024xf32, #tpu.memory_space<vmem>>, vector<1x16xf32>,
      %parallel_loop3A_1115 = vector.shape_cast %parallel_loop3A_1114 : vector<1x16xf32> to vector<16xf32>
      %parallel_loop3A_1116 = vector.shape_cast %parallel_loop3A_1111 : vector<16xf32> to vector<1x16xf32>
      tpu.vector_store %arg16[%parallel_loop3A_1112, %parallel_loop3A_1113], %parallel_loop3A_1116 {strides = array<i32>} : memref<32x1024xf32, #tpu.memory_space<vmem>>, vector<1x16xf32>,
      %parallel_loop3A_1117 = arith.mulf %parallel_loop3A_80, %parallel_loop3A_1104 : vector<16xf32>
      %parallel_loop3A_1118 = arith.mulf %parallel_loop3A_84, %parallel_loop3A_1108 : vector<16xf32>
      %parallel_loop3A_1119 = arith.addf %parallel_loop3A_1117, %parallel_loop3A_1118 : vector<16xf32>
      %parallel_loop3A_1120 = arith.index_cast %parallel_loop3A_74 : i32 to index
      %parallel_loop3A_1121 = arith.constant 912 : index
      %parallel_loop3A_1122 = tpu.vector_load %arg16[%parallel_loop3A_1120, %parallel_loop3A_1121] {strides = array<i32>} : memref<32x1024xf32, #tpu.memory_space<vmem>>, vector<1x16xf32>,
      %parallel_loop3A_1123 = vector.shape_cast %parallel_loop3A_1122 : vector<1x16xf32> to vector<16xf32>
      %parallel_loop3A_1124 = vector.shape_cast %parallel_loop3A_1119 : vector<16xf32> to vector<1x16xf32>
      tpu.vector_store %arg16[%parallel_loop3A_1120, %parallel_loop3A_1121], %parallel_loop3A_1124 {strides = array<i32>} : memref<32x1024xf32, #tpu.memory_space<vmem>>, vector<1x16xf32>,
      %parallel_loop3A_1125 = arith.index_cast %parallel_loop3A_74 : i32 to index
      %parallel_loop3A_1126 = arith.constant 416 : index
      %parallel_loop3A_1127 = tpu.vector_load %arg14[%parallel_loop3A_1125, %parallel_loop3A_1126] {strides = array<i32>} : memref<32x512xi32, #tpu.memory_space<vmem>>, vector<1x16xi32>,
      %parallel_loop3A_1128 = vector.shape_cast %parallel_loop3A_1127 : vector<1x16xi32> to vector<16xi32>
      %parallel_loop3A_1129 = arith.index_cast %parallel_loop3A_74 : i32 to index
      %parallel_loop3A_1130 = arith.constant 416 : index
      %parallel_loop3A_1131 = tpu.vector_load %arg15[%parallel_loop3A_1129, %parallel_loop3A_1130] {strides = array<i32>} : memref<32x512xi32, #tpu.memory_space<vmem>>, vector<1x16xi32>,
      %parallel_loop3A_1132 = vector.shape_cast %parallel_loop3A_1131 : vector<1x16xi32> to vector<16xi32>
      %parallel_loop3A_1133 = arith.constant 16 : i32
      %parallel_loop3A_1134 = vector.broadcast %parallel_loop3A_1133 : i32 to vector<16xi32>
      %parallel_loop3A_1135 = arith.shli %parallel_loop3A_1128, %parallel_loop3A_1134 : vector<16xi32>
      %parallel_loop3A_1136 = tpu.bitcast %parallel_loop3A_1135 : vector<16xi32> -> vector<16xf32>
      %parallel_loop3A_1137 = arith.constant 16 : i32
      %parallel_loop3A_1138 = vector.broadcast %parallel_loop3A_1137 : i32 to vector<16xi32>
      %parallel_loop3A_1139 = arith.shli %parallel_loop3A_1132, %parallel_loop3A_1138 : vector<16xi32>
      %parallel_loop3A_1140 = tpu.bitcast %parallel_loop3A_1139 : vector<16xi32> -> vector<16xf32>
      %parallel_loop3A_1141 = arith.constant -65536 : i32
      %parallel_loop3A_1142 = vector.broadcast %parallel_loop3A_1141 : i32 to vector<16xi32>
      %parallel_loop3A_1143 = arith.andi %parallel_loop3A_1128, %parallel_loop3A_1142 : vector<16xi32>
      %parallel_loop3A_1144 = tpu.bitcast %parallel_loop3A_1143 : vector<16xi32> -> vector<16xf32>
      %parallel_loop3A_1145 = arith.constant -65536 : i32
      %parallel_loop3A_1146 = vector.broadcast %parallel_loop3A_1145 : i32 to vector<16xi32>
      %parallel_loop3A_1147 = arith.andi %parallel_loop3A_1132, %parallel_loop3A_1146 : vector<16xi32>
      %parallel_loop3A_1148 = tpu.bitcast %parallel_loop3A_1147 : vector<16xi32> -> vector<16xf32>
      %parallel_loop3A_1149 = arith.mulf %parallel_loop3A_80, %parallel_loop3A_1136 : vector<16xf32>
      %parallel_loop3A_1150 = arith.mulf %parallel_loop3A_84, %parallel_loop3A_1140 : vector<16xf32>
      %parallel_loop3A_1151 = arith.addf %parallel_loop3A_1149, %parallel_loop3A_1150 : vector<16xf32>
      %parallel_loop3A_1152 = arith.index_cast %parallel_loop3A_74 : i32 to index
      %parallel_loop3A_1153 = arith.constant 416 : index
      %parallel_loop3A_1154 = tpu.vector_load %arg16[%parallel_loop3A_1152, %parallel_loop3A_1153] {strides = array<i32>} : memref<32x1024xf32, #tpu.memory_space<vmem>>, vector<1x16xf32>,
      %parallel_loop3A_1155 = vector.shape_cast %parallel_loop3A_1154 : vector<1x16xf32> to vector<16xf32>
      %parallel_loop3A_1156 = vector.shape_cast %parallel_loop3A_1151 : vector<16xf32> to vector<1x16xf32>
      tpu.vector_store %arg16[%parallel_loop3A_1152, %parallel_loop3A_1153], %parallel_loop3A_1156 {strides = array<i32>} : memref<32x1024xf32, #tpu.memory_space<vmem>>, vector<1x16xf32>,
      %parallel_loop3A_1157 = arith.mulf %parallel_loop3A_80, %parallel_loop3A_1144 : vector<16xf32>
      %parallel_loop3A_1158 = arith.mulf %parallel_loop3A_84, %parallel_loop3A_1148 : vector<16xf32>
      %parallel_loop3A_1159 = arith.addf %parallel_loop3A_1157, %parallel_loop3A_1158 : vector<16xf32>
      %parallel_loop3A_1160 = arith.index_cast %parallel_loop3A_74 : i32 to index
      %parallel_loop3A_1161 = arith.constant 928 : index
      %parallel_loop3A_1162 = tpu.vector_load %arg16[%parallel_loop3A_1160, %parallel_loop3A_1161] {strides = array<i32>} : memref<32x1024xf32, #tpu.memory_space<vmem>>, vector<1x16xf32>,
      %parallel_loop3A_1163 = vector.shape_cast %parallel_loop3A_1162 : vector<1x16xf32> to vector<16xf32>
      %parallel_loop3A_1164 = vector.shape_cast %parallel_loop3A_1159 : vector<16xf32> to vector<1x16xf32>
      tpu.vector_store %arg16[%parallel_loop3A_1160, %parallel_loop3A_1161], %parallel_loop3A_1164 {strides = array<i32>} : memref<32x1024xf32, #tpu.memory_space<vmem>>, vector<1x16xf32>,
      %parallel_loop3A_1165 = arith.index_cast %parallel_loop3A_74 : i32 to index
      %parallel_loop3A_1166 = arith.constant 432 : index
      %parallel_loop3A_1167 = tpu.vector_load %arg14[%parallel_loop3A_1165, %parallel_loop3A_1166] {strides = array<i32>} : memref<32x512xi32, #tpu.memory_space<vmem>>, vector<1x16xi32>,
      %parallel_loop3A_1168 = vector.shape_cast %parallel_loop3A_1167 : vector<1x16xi32> to vector<16xi32>
      %parallel_loop3A_1169 = arith.index_cast %parallel_loop3A_74 : i32 to index
      %parallel_loop3A_1170 = arith.constant 432 : index
      %parallel_loop3A_1171 = tpu.vector_load %arg15[%parallel_loop3A_1169, %parallel_loop3A_1170] {strides = array<i32>} : memref<32x512xi32, #tpu.memory_space<vmem>>, vector<1x16xi32>,
      %parallel_loop3A_1172 = vector.shape_cast %parallel_loop3A_1171 : vector<1x16xi32> to vector<16xi32>
      %parallel_loop3A_1173 = arith.constant 16 : i32
      %parallel_loop3A_1174 = vector.broadcast %parallel_loop3A_1173 : i32 to vector<16xi32>
      %parallel_loop3A_1175 = arith.shli %parallel_loop3A_1168, %parallel_loop3A_1174 : vector<16xi32>
      %parallel_loop3A_1176 = tpu.bitcast %parallel_loop3A_1175 : vector<16xi32> -> vector<16xf32>
      %parallel_loop3A_1177 = arith.constant 16 : i32
      %parallel_loop3A_1178 = vector.broadcast %parallel_loop3A_1177 : i32 to vector<16xi32>
      %parallel_loop3A_1179 = arith.shli %parallel_loop3A_1172, %parallel_loop3A_1178 : vector<16xi32>
      %parallel_loop3A_1180 = tpu.bitcast %parallel_loop3A_1179 : vector<16xi32> -> vector<16xf32>
      %parallel_loop3A_1181 = arith.constant -65536 : i32
      %parallel_loop3A_1182 = vector.broadcast %parallel_loop3A_1181 : i32 to vector<16xi32>
      %parallel_loop3A_1183 = arith.andi %parallel_loop3A_1168, %parallel_loop3A_1182 : vector<16xi32>
      %parallel_loop3A_1184 = tpu.bitcast %parallel_loop3A_1183 : vector<16xi32> -> vector<16xf32>
      %parallel_loop3A_1185 = arith.constant -65536 : i32
      %parallel_loop3A_1186 = vector.broadcast %parallel_loop3A_1185 : i32 to vector<16xi32>
      %parallel_loop3A_1187 = arith.andi %parallel_loop3A_1172, %parallel_loop3A_1186 : vector<16xi32>
      %parallel_loop3A_1188 = tpu.bitcast %parallel_loop3A_1187 : vector<16xi32> -> vector<16xf32>
      %parallel_loop3A_1189 = arith.mulf %parallel_loop3A_80, %parallel_loop3A_1176 : vector<16xf32>
      %parallel_loop3A_1190 = arith.mulf %parallel_loop3A_84, %parallel_loop3A_1180 : vector<16xf32>
      %parallel_loop3A_1191 = arith.addf %parallel_loop3A_1189, %parallel_loop3A_1190 : vector<16xf32>
      %parallel_loop3A_1192 = arith.index_cast %parallel_loop3A_74 : i32 to index
      %parallel_loop3A_1193 = arith.constant 432 : index
      %parallel_loop3A_1194 = tpu.vector_load %arg16[%parallel_loop3A_1192, %parallel_loop3A_1193] {strides = array<i32>} : memref<32x1024xf32, #tpu.memory_space<vmem>>, vector<1x16xf32>,
      %parallel_loop3A_1195 = vector.shape_cast %parallel_loop3A_1194 : vector<1x16xf32> to vector<16xf32>
      %parallel_loop3A_1196 = vector.shape_cast %parallel_loop3A_1191 : vector<16xf32> to vector<1x16xf32>
      tpu.vector_store %arg16[%parallel_loop3A_1192, %parallel_loop3A_1193], %parallel_loop3A_1196 {strides = array<i32>} : memref<32x1024xf32, #tpu.memory_space<vmem>>, vector<1x16xf32>,
      %parallel_loop3A_1197 = arith.mulf %parallel_loop3A_80, %parallel_loop3A_1184 : vector<16xf32>
      %parallel_loop3A_1198 = arith.mulf %parallel_loop3A_84, %parallel_loop3A_1188 : vector<16xf32>
      %parallel_loop3A_1199 = arith.addf %parallel_loop3A_1197, %parallel_loop3A_1198 : vector<16xf32>
      %parallel_loop3A_1200 = arith.index_cast %parallel_loop3A_74 : i32 to index
      %parallel_loop3A_1201 = arith.constant 944 : index
      %parallel_loop3A_1202 = tpu.vector_load %arg16[%parallel_loop3A_1200, %parallel_loop3A_1201] {strides = array<i32>} : memref<32x1024xf32, #tpu.memory_space<vmem>>, vector<1x16xf32>,
      %parallel_loop3A_1203 = vector.shape_cast %parallel_loop3A_1202 : vector<1x16xf32> to vector<16xf32>
      %parallel_loop3A_1204 = vector.shape_cast %parallel_loop3A_1199 : vector<16xf32> to vector<1x16xf32>
      tpu.vector_store %arg16[%parallel_loop3A_1200, %parallel_loop3A_1201], %parallel_loop3A_1204 {strides = array<i32>} : memref<32x1024xf32, #tpu.memory_space<vmem>>, vector<1x16xf32>,
      %parallel_loop3A_1205 = arith.index_cast %parallel_loop3A_74 : i32 to index
      %parallel_loop3A_1206 = arith.constant 448 : index
      %parallel_loop3A_1207 = tpu.vector_load %arg14[%parallel_loop3A_1205, %parallel_loop3A_1206] {strides = array<i32>} : memref<32x512xi32, #tpu.memory_space<vmem>>, vector<1x16xi32>,
      %parallel_loop3A_1208 = vector.shape_cast %parallel_loop3A_1207 : vector<1x16xi32> to vector<16xi32>
      %parallel_loop3A_1209 = arith.index_cast %parallel_loop3A_74 : i32 to index
      %parallel_loop3A_1210 = arith.constant 448 : index
      %parallel_loop3A_1211 = tpu.vector_load %arg15[%parallel_loop3A_1209, %parallel_loop3A_1210] {strides = array<i32>} : memref<32x512xi32, #tpu.memory_space<vmem>>, vector<1x16xi32>,
      %parallel_loop3A_1212 = vector.shape_cast %parallel_loop3A_1211 : vector<1x16xi32> to vector<16xi32>
      %parallel_loop3A_1213 = arith.constant 16 : i32
      %parallel_loop3A_1214 = vector.broadcast %parallel_loop3A_1213 : i32 to vector<16xi32>
      %parallel_loop3A_1215 = arith.shli %parallel_loop3A_1208, %parallel_loop3A_1214 : vector<16xi32>
      %parallel_loop3A_1216 = tpu.bitcast %parallel_loop3A_1215 : vector<16xi32> -> vector<16xf32>
      %parallel_loop3A_1217 = arith.constant 16 : i32
      %parallel_loop3A_1218 = vector.broadcast %parallel_loop3A_1217 : i32 to vector<16xi32>
      %parallel_loop3A_1219 = arith.shli %parallel_loop3A_1212, %parallel_loop3A_1218 : vector<16xi32>
      %parallel_loop3A_1220 = tpu.bitcast %parallel_loop3A_1219 : vector<16xi32> -> vector<16xf32>
      %parallel_loop3A_1221 = arith.constant -65536 : i32
      %parallel_loop3A_1222 = vector.broadcast %parallel_loop3A_1221 : i32 to vector<16xi32>
      %parallel_loop3A_1223 = arith.andi %parallel_loop3A_1208, %parallel_loop3A_1222 : vector<16xi32>
      %parallel_loop3A_1224 = tpu.bitcast %parallel_loop3A_1223 : vector<16xi32> -> vector<16xf32>
      %parallel_loop3A_1225 = arith.constant -65536 : i32
      %parallel_loop3A_1226 = vector.broadcast %parallel_loop3A_1225 : i32 to vector<16xi32>
      %parallel_loop3A_1227 = arith.andi %parallel_loop3A_1212, %parallel_loop3A_1226 : vector<16xi32>
      %parallel_loop3A_1228 = tpu.bitcast %parallel_loop3A_1227 : vector<16xi32> -> vector<16xf32>
      %parallel_loop3A_1229 = arith.mulf %parallel_loop3A_80, %parallel_loop3A_1216 : vector<16xf32>
      %parallel_loop3A_1230 = arith.mulf %parallel_loop3A_84, %parallel_loop3A_1220 : vector<16xf32>
      %parallel_loop3A_1231 = arith.addf %parallel_loop3A_1229, %parallel_loop3A_1230 : vector<16xf32>
      %parallel_loop3A_1232 = arith.index_cast %parallel_loop3A_74 : i32 to index
      %parallel_loop3A_1233 = arith.constant 448 : index
      %parallel_loop3A_1234 = tpu.vector_load %arg16[%parallel_loop3A_1232, %parallel_loop3A_1233] {strides = array<i32>} : memref<32x1024xf32, #tpu.memory_space<vmem>>, vector<1x16xf32>,
      %parallel_loop3A_1235 = vector.shape_cast %parallel_loop3A_1234 : vector<1x16xf32> to vector<16xf32>
      %parallel_loop3A_1236 = vector.shape_cast %parallel_loop3A_1231 : vector<16xf32> to vector<1x16xf32>
      tpu.vector_store %arg16[%parallel_loop3A_1232, %parallel_loop3A_1233], %parallel_loop3A_1236 {strides = array<i32>} : memref<32x1024xf32, #tpu.memory_space<vmem>>, vector<1x16xf32>,
      %parallel_loop3A_1237 = arith.mulf %parallel_loop3A_80, %parallel_loop3A_1224 : vector<16xf32>
      %parallel_loop3A_1238 = arith.mulf %parallel_loop3A_84, %parallel_loop3A_1228 : vector<16xf32>
      %parallel_loop3A_1239 = arith.addf %parallel_loop3A_1237, %parallel_loop3A_1238 : vector<16xf32>
      %parallel_loop3A_1240 = arith.index_cast %parallel_loop3A_74 : i32 to index
      %parallel_loop3A_1241 = arith.constant 960 : index
      %parallel_loop3A_1242 = tpu.vector_load %arg16[%parallel_loop3A_1240, %parallel_loop3A_1241] {strides = array<i32>} : memref<32x1024xf32, #tpu.memory_space<vmem>>, vector<1x16xf32>,
      %parallel_loop3A_1243 = vector.shape_cast %parallel_loop3A_1242 : vector<1x16xf32> to vector<16xf32>
      %parallel_loop3A_1244 = vector.shape_cast %parallel_loop3A_1239 : vector<16xf32> to vector<1x16xf32>
      tpu.vector_store %arg16[%parallel_loop3A_1240, %parallel_loop3A_1241], %parallel_loop3A_1244 {strides = array<i32>} : memref<32x1024xf32, #tpu.memory_space<vmem>>, vector<1x16xf32>,
      %parallel_loop3A_1245 = arith.index_cast %parallel_loop3A_74 : i32 to index
      %parallel_loop3A_1246 = arith.constant 464 : index
      %parallel_loop3A_1247 = tpu.vector_load %arg14[%parallel_loop3A_1245, %parallel_loop3A_1246] {strides = array<i32>} : memref<32x512xi32, #tpu.memory_space<vmem>>, vector<1x16xi32>,
      %parallel_loop3A_1248 = vector.shape_cast %parallel_loop3A_1247 : vector<1x16xi32> to vector<16xi32>
      %parallel_loop3A_1249 = arith.index_cast %parallel_loop3A_74 : i32 to index
      %parallel_loop3A_1250 = arith.constant 464 : index
      %parallel_loop3A_1251 = tpu.vector_load %arg15[%parallel_loop3A_1249, %parallel_loop3A_1250] {strides = array<i32>} : memref<32x512xi32, #tpu.memory_space<vmem>>, vector<1x16xi32>,
      %parallel_loop3A_1252 = vector.shape_cast %parallel_loop3A_1251 : vector<1x16xi32> to vector<16xi32>
      %parallel_loop3A_1253 = arith.constant 16 : i32
      %parallel_loop3A_1254 = vector.broadcast %parallel_loop3A_1253 : i32 to vector<16xi32>
      %parallel_loop3A_1255 = arith.shli %parallel_loop3A_1248, %parallel_loop3A_1254 : vector<16xi32>
      %parallel_loop3A_1256 = tpu.bitcast %parallel_loop3A_1255 : vector<16xi32> -> vector<16xf32>
      %parallel_loop3A_1257 = arith.constant 16 : i32
      %parallel_loop3A_1258 = vector.broadcast %parallel_loop3A_1257 : i32 to vector<16xi32>
      %parallel_loop3A_1259 = arith.shli %parallel_loop3A_1252, %parallel_loop3A_1258 : vector<16xi32>
      %parallel_loop3A_1260 = tpu.bitcast %parallel_loop3A_1259 : vector<16xi32> -> vector<16xf32>
      %parallel_loop3A_1261 = arith.constant -65536 : i32
      %parallel_loop3A_1262 = vector.broadcast %parallel_loop3A_1261 : i32 to vector<16xi32>
      %parallel_loop3A_1263 = arith.andi %parallel_loop3A_1248, %parallel_loop3A_1262 : vector<16xi32>
      %parallel_loop3A_1264 = tpu.bitcast %parallel_loop3A_1263 : vector<16xi32> -> vector<16xf32>
      %parallel_loop3A_1265 = arith.constant -65536 : i32
      %parallel_loop3A_1266 = vector.broadcast %parallel_loop3A_1265 : i32 to vector<16xi32>
      %parallel_loop3A_1267 = arith.andi %parallel_loop3A_1252, %parallel_loop3A_1266 : vector<16xi32>
      %parallel_loop3A_1268 = tpu.bitcast %parallel_loop3A_1267 : vector<16xi32> -> vector<16xf32>
      %parallel_loop3A_1269 = arith.mulf %parallel_loop3A_80, %parallel_loop3A_1256 : vector<16xf32>
      %parallel_loop3A_1270 = arith.mulf %parallel_loop3A_84, %parallel_loop3A_1260 : vector<16xf32>
      %parallel_loop3A_1271 = arith.addf %parallel_loop3A_1269, %parallel_loop3A_1270 : vector<16xf32>
      %parallel_loop3A_1272 = arith.index_cast %parallel_loop3A_74 : i32 to index
      %parallel_loop3A_1273 = arith.constant 464 : index
      %parallel_loop3A_1274 = tpu.vector_load %arg16[%parallel_loop3A_1272, %parallel_loop3A_1273] {strides = array<i32>} : memref<32x1024xf32, #tpu.memory_space<vmem>>, vector<1x16xf32>,
      %parallel_loop3A_1275 = vector.shape_cast %parallel_loop3A_1274 : vector<1x16xf32> to vector<16xf32>
      %parallel_loop3A_1276 = vector.shape_cast %parallel_loop3A_1271 : vector<16xf32> to vector<1x16xf32>
      tpu.vector_store %arg16[%parallel_loop3A_1272, %parallel_loop3A_1273], %parallel_loop3A_1276 {strides = array<i32>} : memref<32x1024xf32, #tpu.memory_space<vmem>>, vector<1x16xf32>,
      %parallel_loop3A_1277 = arith.mulf %parallel_loop3A_80, %parallel_loop3A_1264 : vector<16xf32>
      %parallel_loop3A_1278 = arith.mulf %parallel_loop3A_84, %parallel_loop3A_1268 : vector<16xf32>
      %parallel_loop3A_1279 = arith.addf %parallel_loop3A_1277, %parallel_loop3A_1278 : vector<16xf32>
      %parallel_loop3A_1280 = arith.index_cast %parallel_loop3A_74 : i32 to index
      %parallel_loop3A_1281 = arith.constant 976 : index
      %parallel_loop3A_1282 = tpu.vector_load %arg16[%parallel_loop3A_1280, %parallel_loop3A_1281] {strides = array<i32>} : memref<32x1024xf32, #tpu.memory_space<vmem>>, vector<1x16xf32>,
      %parallel_loop3A_1283 = vector.shape_cast %parallel_loop3A_1282 : vector<1x16xf32> to vector<16xf32>
      %parallel_loop3A_1284 = vector.shape_cast %parallel_loop3A_1279 : vector<16xf32> to vector<1x16xf32>
      tpu.vector_store %arg16[%parallel_loop3A_1280, %parallel_loop3A_1281], %parallel_loop3A_1284 {strides = array<i32>} : memref<32x1024xf32, #tpu.memory_space<vmem>>, vector<1x16xf32>,
      %parallel_loop3A_1285 = arith.index_cast %parallel_loop3A_74 : i32 to index
      %parallel_loop3A_1286 = arith.constant 480 : index
      %parallel_loop3A_1287 = tpu.vector_load %arg14[%parallel_loop3A_1285, %parallel_loop3A_1286] {strides = array<i32>} : memref<32x512xi32, #tpu.memory_space<vmem>>, vector<1x16xi32>,
      %parallel_loop3A_1288 = vector.shape_cast %parallel_loop3A_1287 : vector<1x16xi32> to vector<16xi32>
      %parallel_loop3A_1289 = arith.index_cast %parallel_loop3A_74 : i32 to index
      %parallel_loop3A_1290 = arith.constant 480 : index
      %parallel_loop3A_1291 = tpu.vector_load %arg15[%parallel_loop3A_1289, %parallel_loop3A_1290] {strides = array<i32>} : memref<32x512xi32, #tpu.memory_space<vmem>>, vector<1x16xi32>,
      %parallel_loop3A_1292 = vector.shape_cast %parallel_loop3A_1291 : vector<1x16xi32> to vector<16xi32>
      %parallel_loop3A_1293 = arith.constant 16 : i32
      %parallel_loop3A_1294 = vector.broadcast %parallel_loop3A_1293 : i32 to vector<16xi32>
      %parallel_loop3A_1295 = arith.shli %parallel_loop3A_1288, %parallel_loop3A_1294 : vector<16xi32>
      %parallel_loop3A_1296 = tpu.bitcast %parallel_loop3A_1295 : vector<16xi32> -> vector<16xf32>
      %parallel_loop3A_1297 = arith.constant 16 : i32
      %parallel_loop3A_1298 = vector.broadcast %parallel_loop3A_1297 : i32 to vector<16xi32>
      %parallel_loop3A_1299 = arith.shli %parallel_loop3A_1292, %parallel_loop3A_1298 : vector<16xi32>
      %parallel_loop3A_1300 = tpu.bitcast %parallel_loop3A_1299 : vector<16xi32> -> vector<16xf32>
      %parallel_loop3A_1301 = arith.constant -65536 : i32
      %parallel_loop3A_1302 = vector.broadcast %parallel_loop3A_1301 : i32 to vector<16xi32>
      %parallel_loop3A_1303 = arith.andi %parallel_loop3A_1288, %parallel_loop3A_1302 : vector<16xi32>
      %parallel_loop3A_1304 = tpu.bitcast %parallel_loop3A_1303 : vector<16xi32> -> vector<16xf32>
      %parallel_loop3A_1305 = arith.constant -65536 : i32
      %parallel_loop3A_1306 = vector.broadcast %parallel_loop3A_1305 : i32 to vector<16xi32>
      %parallel_loop3A_1307 = arith.andi %parallel_loop3A_1292, %parallel_loop3A_1306 : vector<16xi32>
      %parallel_loop3A_1308 = tpu.bitcast %parallel_loop3A_1307 : vector<16xi32> -> vector<16xf32>
      %parallel_loop3A_1309 = arith.mulf %parallel_loop3A_80, %parallel_loop3A_1296 : vector<16xf32>
      %parallel_loop3A_1310 = arith.mulf %parallel_loop3A_84, %parallel_loop3A_1300 : vector<16xf32>
      %parallel_loop3A_1311 = arith.addf %parallel_loop3A_1309, %parallel_loop3A_1310 : vector<16xf32>
      %parallel_loop3A_1312 = arith.index_cast %parallel_loop3A_74 : i32 to index
      %parallel_loop3A_1313 = arith.constant 480 : index
      %parallel_loop3A_1314 = tpu.vector_load %arg16[%parallel_loop3A_1312, %parallel_loop3A_1313] {strides = array<i32>} : memref<32x1024xf32, #tpu.memory_space<vmem>>, vector<1x16xf32>,
      %parallel_loop3A_1315 = vector.shape_cast %parallel_loop3A_1314 : vector<1x16xf32> to vector<16xf32>
      %parallel_loop3A_1316 = vector.shape_cast %parallel_loop3A_1311 : vector<16xf32> to vector<1x16xf32>
      tpu.vector_store %arg16[%parallel_loop3A_1312, %parallel_loop3A_1313], %parallel_loop3A_1316 {strides = array<i32>} : memref<32x1024xf32, #tpu.memory_space<vmem>>, vector<1x16xf32>,
      %parallel_loop3A_1317 = arith.mulf %parallel_loop3A_80, %parallel_loop3A_1304 : vector<16xf32>
      %parallel_loop3A_1318 = arith.mulf %parallel_loop3A_84, %parallel_loop3A_1308 : vector<16xf32>
      %parallel_loop3A_1319 = arith.addf %parallel_loop3A_1317, %parallel_loop3A_1318 : vector<16xf32>
      %parallel_loop3A_1320 = arith.index_cast %parallel_loop3A_74 : i32 to index
      %parallel_loop3A_1321 = arith.constant 992 : index
      %parallel_loop3A_1322 = tpu.vector_load %arg16[%parallel_loop3A_1320, %parallel_loop3A_1321] {strides = array<i32>} : memref<32x1024xf32, #tpu.memory_space<vmem>>, vector<1x16xf32>,
      %parallel_loop3A_1323 = vector.shape_cast %parallel_loop3A_1322 : vector<1x16xf32> to vector<16xf32>
      %parallel_loop3A_1324 = vector.shape_cast %parallel_loop3A_1319 : vector<16xf32> to vector<1x16xf32>
      tpu.vector_store %arg16[%parallel_loop3A_1320, %parallel_loop3A_1321], %parallel_loop3A_1324 {strides = array<i32>} : memref<32x1024xf32, #tpu.memory_space<vmem>>, vector<1x16xf32>,
      %parallel_loop3A_1325 = arith.index_cast %parallel_loop3A_74 : i32 to index
      %parallel_loop3A_1326 = arith.constant 496 : index
      %parallel_loop3A_1327 = tpu.vector_load %arg14[%parallel_loop3A_1325, %parallel_loop3A_1326] {strides = array<i32>} : memref<32x512xi32, #tpu.memory_space<vmem>>, vector<1x16xi32>,
      %parallel_loop3A_1328 = vector.shape_cast %parallel_loop3A_1327 : vector<1x16xi32> to vector<16xi32>
      %parallel_loop3A_1329 = arith.index_cast %parallel_loop3A_74 : i32 to index
      %parallel_loop3A_1330 = arith.constant 496 : index
      %parallel_loop3A_1331 = tpu.vector_load %arg15[%parallel_loop3A_1329, %parallel_loop3A_1330] {strides = array<i32>} : memref<32x512xi32, #tpu.memory_space<vmem>>, vector<1x16xi32>,
      %parallel_loop3A_1332 = vector.shape_cast %parallel_loop3A_1331 : vector<1x16xi32> to vector<16xi32>
      %parallel_loop3A_1333 = arith.constant 16 : i32
      %parallel_loop3A_1334 = vector.broadcast %parallel_loop3A_1333 : i32 to vector<16xi32>
      %parallel_loop3A_1335 = arith.shli %parallel_loop3A_1328, %parallel_loop3A_1334 : vector<16xi32>
      %parallel_loop3A_1336 = tpu.bitcast %parallel_loop3A_1335 : vector<16xi32> -> vector<16xf32>
      %parallel_loop3A_1337 = arith.constant 16 : i32
      %parallel_loop3A_1338 = vector.broadcast %parallel_loop3A_1337 : i32 to vector<16xi32>
      %parallel_loop3A_1339 = arith.shli %parallel_loop3A_1332, %parallel_loop3A_1338 : vector<16xi32>
      %parallel_loop3A_1340 = tpu.bitcast %parallel_loop3A_1339 : vector<16xi32> -> vector<16xf32>
      %parallel_loop3A_1341 = arith.constant -65536 : i32
      %parallel_loop3A_1342 = vector.broadcast %parallel_loop3A_1341 : i32 to vector<16xi32>
      %parallel_loop3A_1343 = arith.andi %parallel_loop3A_1328, %parallel_loop3A_1342 : vector<16xi32>
      %parallel_loop3A_1344 = tpu.bitcast %parallel_loop3A_1343 : vector<16xi32> -> vector<16xf32>
      %parallel_loop3A_1345 = arith.constant -65536 : i32
      %parallel_loop3A_1346 = vector.broadcast %parallel_loop3A_1345 : i32 to vector<16xi32>
      %parallel_loop3A_1347 = arith.andi %parallel_loop3A_1332, %parallel_loop3A_1346 : vector<16xi32>
      %parallel_loop3A_1348 = tpu.bitcast %parallel_loop3A_1347 : vector<16xi32> -> vector<16xf32>
      %parallel_loop3A_1349 = arith.mulf %parallel_loop3A_80, %parallel_loop3A_1336 : vector<16xf32>
      %parallel_loop3A_1350 = arith.mulf %parallel_loop3A_84, %parallel_loop3A_1340 : vector<16xf32>
      %parallel_loop3A_1351 = arith.addf %parallel_loop3A_1349, %parallel_loop3A_1350 : vector<16xf32>
      %parallel_loop3A_1352 = arith.index_cast %parallel_loop3A_74 : i32 to index
      %parallel_loop3A_1353 = arith.constant 496 : index
      %parallel_loop3A_1354 = tpu.vector_load %arg16[%parallel_loop3A_1352, %parallel_loop3A_1353] {strides = array<i32>} : memref<32x1024xf32, #tpu.memory_space<vmem>>, vector<1x16xf32>,
      %parallel_loop3A_1355 = vector.shape_cast %parallel_loop3A_1354 : vector<1x16xf32> to vector<16xf32>
      %parallel_loop3A_1356 = vector.shape_cast %parallel_loop3A_1351 : vector<16xf32> to vector<1x16xf32>
      tpu.vector_store %arg16[%parallel_loop3A_1352, %parallel_loop3A_1353], %parallel_loop3A_1356 {strides = array<i32>} : memref<32x1024xf32, #tpu.memory_space<vmem>>, vector<1x16xf32>,
      %parallel_loop3A_1357 = arith.mulf %parallel_loop3A_80, %parallel_loop3A_1344 : vector<16xf32>
      %parallel_loop3A_1358 = arith.mulf %parallel_loop3A_84, %parallel_loop3A_1348 : vector<16xf32>
      %parallel_loop3A_1359 = arith.addf %parallel_loop3A_1357, %parallel_loop3A_1358 : vector<16xf32>
      %parallel_loop3A_1360 = arith.index_cast %parallel_loop3A_74 : i32 to index
      %parallel_loop3A_1361 = arith.constant 1008 : index
      %parallel_loop3A_1362 = tpu.vector_load %arg16[%parallel_loop3A_1360, %parallel_loop3A_1361] {strides = array<i32>} : memref<32x1024xf32, #tpu.memory_space<vmem>>, vector<1x16xf32>,
      %parallel_loop3A_1363 = vector.shape_cast %parallel_loop3A_1362 : vector<1x16xf32> to vector<16xf32>
      %parallel_loop3A_1364 = vector.shape_cast %parallel_loop3A_1359 : vector<16xf32> to vector<1x16xf32>
      tpu.vector_store %arg16[%parallel_loop3A_1360, %parallel_loop3A_1361], %parallel_loop3A_1364 {strides = array<i32>} : memref<32x1024xf32, #tpu.memory_space<vmem>>, vector<1x16xf32>,
    } {sc.loop_unroll_factor = 4 : i64, sc.parallel_access}
    %add3A_72 = arith.constant 32 : i32
    %add3A_73 = arith.addi %mul3A_2, %add3A_72 : i32
    "tpu.region"() ({
      %run_scoped3A = tpu.sem_alloc : memref<!tpu.dma_semaphore, #tpu.memory_space<semaphore_mem>>
      %dma_start3A_74 = arith.constant 0 : i32
      %dma_start3A_75 = tpu.memref_slice %arg7[%add3A_73, %dma_start3A_74] : memref<2048x1024xf32, #tpu.memory_space<hbm>> -> memref<32x1024xf32, #tpu.memory_space<hbm>>
      %dma_start3A_76 = arith.constant 0 : i32
      %dma_start3A_77 = tpu.memref_slice %arg7[%add3A_73, %dma_start3A_76] : memref<2048x1024xf32, #tpu.memory_space<hbm>> -> memref<32x1024xf32, #tpu.memory_space<hbm>>
      tpu.enqueue_dma source(%arg16 : memref<32x1024xf32, #tpu.memory_space<vmem>>) target(%dma_start3A_77 : memref<32x1024xf32, #tpu.memory_space<hbm>>) target_semaphore(%run_scoped3A : memref<!tpu.dma_semaphore, #tpu.memory_space<semaphore_mem>>)
      %dma_wait3A_78 = arith.constant 0 : i32
      %dma_wait3A_79 = tpu.memref_slice %arg7[%add3A_73, %dma_wait3A_78] : memref<2048x1024xf32, #tpu.memory_space<hbm>> -> memref<32x1024xf32, #tpu.memory_space<hbm>>
      %dma_wait3A_80 = arith.constant 0 : i32
      %dma_wait3A_81 = tpu.memref_slice %arg7[%add3A_73, %dma_wait3A_80] : memref<2048x1024xf32, #tpu.memory_space<hbm>> -> memref<32x1024xf32, #tpu.memory_space<hbm>>
      tpu.wait_dma2 semaphore(%run_scoped3A : memref<!tpu.dma_semaphore, #tpu.memory_space<semaphore_mem>>) src(%arg16 : memref<32x1024xf32, #tpu.memory_space<vmem>>) dst(%dma_wait3A_81 : memref<32x1024xf32, #tpu.memory_space<hbm>>)
      tpu.yield
    }) : () -> ()
    return
  }
}

#map = affine_map<(d0, d1) -> (0, 0)>
#map1 = affine_map<(d0, d1) -> (0)>
module attributes {stable_mosaic.version = 14 : i64} {
  func.func @_dispatch_body(%arg0: i32, %arg1: i32, %arg2: memref<2048x512xi32, #tpu.memory_space<hbm>>, %arg3: memref<2048xi32, #tpu.memory_space<hbm>>, %arg4: memref<2048xi32, #tpu.memory_space<hbm>>, %arg5: memref<4096x512xi32, #tpu.memory_space<hbm>>, %arg6: memref<64xi32, #tpu.memory_space<vmem>>, %arg7: memref<64xi32, #tpu.memory_space<vmem>>, %arg8: memref<64x512xi32, #tpu.memory_space<vmem>>, %arg9: memref<!tpu.dma_semaphore, #tpu.memory_space<semaphore_mem>>, %arg10: memref<!tpu.dma_semaphore, #tpu.memory_space<semaphore_mem>>) attributes {dimension_semantics = [#tpu.dimension_semantics<core_parallel>, #tpu.dimension_semantics<subcore_parallel>], iteration_bounds = array<i64: 2, 16>, scalar_prefetch = 0 : i64, scratch_operands = 5 : i64, tpu.core_type = #tpu.core_type<sc_vector_subcore>, window_params = [{transform_indices = #map}, {transform_indices = #map1}, {transform_indices = #map1}, {transform_indices = #map}]} {
    %mul3A = arith.constant 2 : i32
    %mul3A_0 = arith.muli %arg1, %mul3A : i32
    %add3A = arith.addi %mul3A_0, %arg0 : i32
    %mul3A_1 = arith.constant 64 : i32
    %mul3A_2 = arith.muli %add3A, %mul3A_1 : i32
    %dma_start3A = tpu.memref_slice %arg3[%mul3A_2] : memref<2048xi32, #tpu.memory_space<hbm>> -> memref<64xi32, #tpu.memory_space<hbm>>
    %dma_start3A_3 = tpu.memref_slice %arg3[%mul3A_2] : memref<2048xi32, #tpu.memory_space<hbm>> -> memref<64xi32, #tpu.memory_space<hbm>>
    tpu.enqueue_dma source(%dma_start3A_3 : memref<64xi32, #tpu.memory_space<hbm>>) target(%arg6 : memref<64xi32, #tpu.memory_space<vmem>>) target_semaphore(%arg9 : memref<!tpu.dma_semaphore, #tpu.memory_space<semaphore_mem>>)
    %dma_start3A_4 = tpu.memref_slice %arg4[%mul3A_2] : memref<2048xi32, #tpu.memory_space<hbm>> -> memref<64xi32, #tpu.memory_space<hbm>>
    %dma_start3A_5 = tpu.memref_slice %arg4[%mul3A_2] : memref<2048xi32, #tpu.memory_space<hbm>> -> memref<64xi32, #tpu.memory_space<hbm>>
    tpu.enqueue_dma source(%dma_start3A_5 : memref<64xi32, #tpu.memory_space<hbm>>) target(%arg7 : memref<64xi32, #tpu.memory_space<vmem>>) target_semaphore(%arg10 : memref<!tpu.dma_semaphore, #tpu.memory_space<semaphore_mem>>)
    "tpu.region"() ({
      %run_scoped3A = tpu.sem_alloc : memref<!tpu.dma_semaphore, #tpu.memory_space<semaphore_mem>>
      %dma_start3A_21 = arith.constant 0 : i32
      %dma_start3A_22 = tpu.memref_slice %arg2[%mul3A_2, %dma_start3A_21] : memref<2048x512xi32, #tpu.memory_space<hbm>> -> memref<64x512xi32, #tpu.memory_space<hbm>>
      %dma_start3A_23 = arith.constant 0 : i32
      %dma_start3A_24 = tpu.memref_slice %arg2[%mul3A_2, %dma_start3A_23] : memref<2048x512xi32, #tpu.memory_space<hbm>> -> memref<64x512xi32, #tpu.memory_space<hbm>>
      tpu.enqueue_dma source(%dma_start3A_24 : memref<64x512xi32, #tpu.memory_space<hbm>>) target(%arg8 : memref<64x512xi32, #tpu.memory_space<vmem>>) target_semaphore(%run_scoped3A : memref<!tpu.dma_semaphore, #tpu.memory_space<semaphore_mem>>)
      %dma_wait3A_25 = arith.constant 0 : i32
      %dma_wait3A_26 = tpu.memref_slice %arg2[%mul3A_2, %dma_wait3A_25] : memref<2048x512xi32, #tpu.memory_space<hbm>> -> memref<64x512xi32, #tpu.memory_space<hbm>>
      %dma_wait3A_27 = arith.constant 0 : i32
      %dma_wait3A_28 = tpu.memref_slice %arg2[%mul3A_2, %dma_wait3A_27] : memref<2048x512xi32, #tpu.memory_space<hbm>> -> memref<64x512xi32, #tpu.memory_space<hbm>>
      tpu.wait_dma2 semaphore(%run_scoped3A : memref<!tpu.dma_semaphore, #tpu.memory_space<semaphore_mem>>) src(%dma_wait3A_28 : memref<64x512xi32, #tpu.memory_space<hbm>>) dst(%arg8 : memref<64x512xi32, #tpu.memory_space<vmem>>)
      tpu.yield
    }) : () -> ()
    %dma_wait3A = tpu.memref_slice %arg3[%mul3A_2] : memref<2048xi32, #tpu.memory_space<hbm>> -> memref<64xi32, #tpu.memory_space<hbm>>
    %dma_wait3A_6 = tpu.memref_slice %arg3[%mul3A_2] : memref<2048xi32, #tpu.memory_space<hbm>> -> memref<64xi32, #tpu.memory_space<hbm>>
    tpu.wait_dma2 semaphore(%arg9 : memref<!tpu.dma_semaphore, #tpu.memory_space<semaphore_mem>>) src(%dma_wait3A_6 : memref<64xi32, #tpu.memory_space<hbm>>) dst(%arg6 : memref<64xi32, #tpu.memory_space<vmem>>)
    %dma_wait3A_7 = tpu.memref_slice %arg4[%mul3A_2] : memref<2048xi32, #tpu.memory_space<hbm>> -> memref<64xi32, #tpu.memory_space<hbm>>
    %dma_wait3A_8 = tpu.memref_slice %arg4[%mul3A_2] : memref<2048xi32, #tpu.memory_space<hbm>> -> memref<64xi32, #tpu.memory_space<hbm>>
    tpu.wait_dma2 semaphore(%arg10 : memref<!tpu.dma_semaphore, #tpu.memory_space<semaphore_mem>>) src(%dma_wait3A_8 : memref<64xi32, #tpu.memory_space<hbm>>) dst(%arg7 : memref<64xi32, #tpu.memory_space<vmem>>)
    %dma_start3A_9 = arith.constant 0 : i32
    %dma_start3A_10 = arith.constant 0 : i32
    %dma_start3A_11 = tpu.memref_slice %arg5[%dma_start3A_9, %dma_start3A_10] : memref<4096x512xi32, #tpu.memory_space<hbm>> -> memref<4096x512xi32, #tpu.memory_space<hbm>>
    tpu.enqueue_indirect_dma source(%arg8 : memref<64x512xi32, #tpu.memory_space<vmem>>) target(%dma_start3A_11 : memref<4096x512xi32, #tpu.memory_space<hbm>>) offsets(%arg6 : memref<64xi32, #tpu.memory_space<vmem>>) semaphore(%arg9 : memref<!tpu.dma_semaphore, #tpu.memory_space<semaphore_mem>>)
    %dma_start3A_12 = arith.constant 0 : i32
    %dma_start3A_13 = arith.constant 0 : i32
    %dma_start3A_14 = tpu.memref_slice %arg5[%dma_start3A_12, %dma_start3A_13] : memref<4096x512xi32, #tpu.memory_space<hbm>> -> memref<4096x512xi32, #tpu.memory_space<hbm>>
    tpu.enqueue_indirect_dma source(%arg8 : memref<64x512xi32, #tpu.memory_space<vmem>>) target(%dma_start3A_14 : memref<4096x512xi32, #tpu.memory_space<hbm>>) offsets(%arg7 : memref<64xi32, #tpu.memory_space<vmem>>) semaphore(%arg10 : memref<!tpu.dma_semaphore, #tpu.memory_space<semaphore_mem>>)
    %dma_wait3A_15 = arith.constant 0 : i32
    %dma_wait3A_16 = arith.constant 0 : i32
    %dma_wait3A_17 = tpu.memref_slice %arg5[%dma_wait3A_15, %dma_wait3A_16] : memref<4096x512xi32, #tpu.memory_space<hbm>> -> memref<4096x512xi32, #tpu.memory_space<hbm>>
    tpu.wait_indirect_dma semaphore(%arg9 : memref<!tpu.dma_semaphore, #tpu.memory_space<semaphore_mem>>) src(%arg8 : memref<64x512xi32, #tpu.memory_space<vmem>>) dst(%dma_wait3A_17 : memref<4096x512xi32, #tpu.memory_space<hbm>>)
    %dma_wait3A_18 = arith.constant 0 : i32
    %dma_wait3A_19 = arith.constant 0 : i32
    %dma_wait3A_20 = tpu.memref_slice %arg5[%dma_wait3A_18, %dma_wait3A_19] : memref<4096x512xi32, #tpu.memory_space<hbm>> -> memref<4096x512xi32, #tpu.memory_space<hbm>>
    tpu.wait_indirect_dma semaphore(%arg10 : memref<!tpu.dma_semaphore, #tpu.memory_space<semaphore_mem>>) src(%arg8 : memref<64x512xi32, #tpu.memory_space<vmem>>) dst(%dma_wait3A_20 : memref<4096x512xi32, #tpu.memory_space<hbm>>)
    return
  }
}

module attributes {stable_mosaic.version = 14 : i64} {
  func.func @_router_body(%arg0: i32, %arg1: memref<2048x1024xf32, #tpu.memory_space<vmem>>, %arg2: memref<8x1024xf32, #tpu.memory_space<vmem>>, %arg3: memref<2048xi32, #tpu.memory_space<vmem>>, %arg4: memref<2048xi32, #tpu.memory_space<vmem>>, %arg5: memref<2048x16xf32, #tpu.memory_space<vmem>>, %arg6: memref<2048x16xf32, #tpu.memory_space<vmem>>, %arg7: memref<8x1xf32, #tpu.memory_space<vmem>>, %arg8: memref<2048x512xi32, #tpu.memory_space<vmem>>) attributes {dimension_semantics = [#tpu.dimension_semantics<arbitrary>], iteration_bounds = array<i64: 1>, scalar_prefetch = 0 : i64, scratch_operands = 0 : i64, tpu.core_type = #tpu.core_type<tc>, window_params = [{pipeline_mode = #tpu.pipeline_mode<synchronous>, transform_indices = @transform_0, window_bounds = array<i64: 2048, 1024>}, {pipeline_mode = #tpu.pipeline_mode<synchronous>, transform_indices = @transform_1, window_bounds = array<i64: 8, 1024>}, {pipeline_mode = #tpu.pipeline_mode<synchronous>, transform_indices = @transform_2, window_bounds = array<i64: 2048>}, {pipeline_mode = #tpu.pipeline_mode<synchronous>, transform_indices = @transform_3, window_bounds = array<i64: 2048>}, {pipeline_mode = #tpu.pipeline_mode<synchronous>, transform_indices = @transform_4, window_bounds = array<i64: 2048, 16>}, {pipeline_mode = #tpu.pipeline_mode<synchronous>, transform_indices = @transform_5, window_bounds = array<i64: 2048, 16>}, {pipeline_mode = #tpu.pipeline_mode<synchronous>, transform_indices = @transform_6, window_bounds = array<i64: 8, 1>}, {pipeline_mode = #tpu.pipeline_mode<synchronous>, transform_indices = @transform_7, window_bounds = array<i64: 2048, 512>}]} {
    %get3A = arith.constant 0 : index
    %get3A_0 = arith.constant 0 : index
    %get3A_1 = vector.load %arg1[%get3A, %get3A_0] : memref<2048x1024xf32, #tpu.memory_space<vmem>>, vector<2048x1024xf32>
    %slice3A = vector.extract_strided_slice %get3A_1 {offsets = [0, 0], sizes = [2048, 512], strides = [1, 1]} : vector<2048x1024xf32> to vector<2048x512xf32>
    %slice3A_2 = vector.extract_strided_slice %get3A_1 {offsets = [0, 512], sizes = [2048, 512], strides = [1, 1]} : vector<2048x1024xf32> to vector<2048x512xf32>
    %bitcast_convert_type3A = tpu.bitcast %slice3A : vector<2048x512xf32> -> vector<2048x512xi32>
    %bitcast_convert_type3A_3 = tpu.bitcast %slice3A_2 : vector<2048x512xf32> -> vector<2048x512xi32>
    %add3A = arith.constant 32768 : i32
    %add3A_4 = vector.broadcast %add3A : i32 to vector<2048x512xi32>
    %add3A_5 = arith.addi %bitcast_convert_type3A, %add3A_4 : vector<2048x512xi32>
    %shift_right_logical3A = arith.constant 16 : i32
    %shift_right_logical3A_6 = vector.broadcast %shift_right_logical3A : i32 to vector<2048x512xi32>
    %shift_right_logical3A_7 = arith.shrui %add3A_5, %shift_right_logical3A_6 : vector<2048x512xi32>
    %add3A_8 = arith.constant 32768 : i32
    %add3A_9 = vector.broadcast %add3A_8 : i32 to vector<2048x512xi32>
    %add3A_10 = arith.addi %bitcast_convert_type3A_3, %add3A_9 : vector<2048x512xi32>
    %and3A = arith.constant -65536 : i32
    %and3A_11 = vector.broadcast %and3A : i32 to vector<2048x512xi32>
    %and3A_12 = arith.andi %add3A_10, %and3A_11 : vector<2048x512xi32>
    %or3A = arith.ori %and3A_12, %shift_right_logical3A_7 : vector<2048x512xi32>
    %swap3A = arith.constant 0 : index
    %swap3A_13 = arith.constant 0 : index
    %swap3A_14 = vector.load %arg8[%swap3A, %swap3A_13] : memref<2048x512xi32, #tpu.memory_space<vmem>>, vector<2048x512xi32>
    tpu.vector_store %arg8[%swap3A, %swap3A_13], %or3A {strides = array<i32>} : memref<2048x512xi32, #tpu.memory_space<vmem>>, vector<2048x512xi32>,
    %get3A_15 = arith.constant 0 : index
    %get3A_16 = arith.constant 0 : index
    %get3A_17 = vector.load %arg2[%get3A_15, %get3A_16] : memref<8x1024xf32, #tpu.memory_space<vmem>>, vector<8x1024xf32>
    %dot_general3A = arith.constant dense<0.000000e+00> : vector<2048x8xf32>
    %dot_general3A_18 = tpu.matmul %get3A_1, %get3A_17, %dot_general3A {dimension_numbers = #tpu.dot_dimension_numbers<[1], [1], [0], [0], [0, 0, 1, 0], [], []>, transpose_lhs_hint = false} : vector<2048x1024xf32>, vector<8x1024xf32>, vector<2048x8xf32> -> vector<2048x8xf32>
    %reduce_max3A = arith.constant dense<0xFF800000> : vector<2048xf32>
    %reduce_max3A_19 = vector.multi_reduction <maximumf>, %dot_general3A_18, %reduce_max3A [1] : vector<2048x8xf32> to vector<2048xf32>
    %broadcast_in_dim3A = vector.shape_cast %reduce_max3A_19 : vector<2048xf32> to vector<2048x1xf32>
    %sub3A = vector.broadcast %broadcast_in_dim3A : vector<2048x1xf32> to vector<2048x8xf32>
    %sub3A_20 = arith.subf %dot_general3A_18, %sub3A : vector<2048x8xf32>
    %exp3A = math.exp %sub3A_20 : vector<2048x8xf32>
    %reduce_sum3A = arith.constant dense<0.000000e+00> : vector<2048xf32>
    %reduce_sum3A_21 = vector.multi_reduction <add>, %exp3A, %reduce_sum3A [1] : vector<2048x8xf32> to vector<2048xf32>
    %broadcast_in_dim3A_22 = vector.shape_cast %reduce_sum3A_21 : vector<2048xf32> to vector<2048x1xf32>
    %div3A = vector.broadcast %broadcast_in_dim3A_22 : vector<2048x1xf32> to vector<2048x8xf32>
    %div3A_23 = arith.divf %exp3A, %div3A : vector<2048x8xf32>
    %iota3A = tpu.iota {dimensions = array<i32: 1>} : vector<2048x8xi32>
    %reduce_max3A_24 = arith.constant dense<0xFF800000> : vector<2048xf32>
    %reduce_max3A_25 = vector.multi_reduction <maximumf>, %div3A_23, %reduce_max3A_24 [1] : vector<2048x8xf32> to vector<2048xf32>
    %broadcast_in_dim3A_26 = vector.shape_cast %reduce_max3A_25 : vector<2048xf32> to vector<2048x1xf32>
    %eq3A = vector.broadcast %broadcast_in_dim3A_26 : vector<2048x1xf32> to vector<2048x8xf32>
    %eq3A_27 = arith.cmpf oeq, %div3A_23, %eq3A : vector<2048x8xf32>
    %jit3A = arith.constant 8 : i32
    %broadcast_in_dim3A_28 = vector.broadcast %jit3A : i32 to vector<2048x8xi32>
    %select_n3A = arith.select %eq3A_27, %iota3A, %broadcast_in_dim3A_28 : vector<2048x8xi1>, vector<2048x8xi32>
    %reduce_min3A = arith.constant dense<2147483647> : vector<2048xi32>
    %reduce_min3A_29 = vector.multi_reduction <minsi>, %select_n3A, %reduce_min3A [1] : vector<2048x8xi32> to vector<2048xi32>
    %broadcast_in_dim3A_30 = vector.shape_cast %reduce_min3A_29 : vector<2048xi32> to vector<2048x1xi32>
    %eq3A_31 = vector.broadcast %broadcast_in_dim3A_30 : vector<2048x1xi32> to vector<2048x8xi32>
    %eq3A_32 = arith.cmpi eq, %iota3A, %eq3A_31 : vector<2048x8xi32>
    %jit3A_33 = arith.constant 0xFF800000 : f32
    %broadcast_in_dim3A_34 = vector.broadcast %jit3A_33 : f32 to vector<2048x8xf32>
    %select_n3A_35 = arith.select %eq3A_32, %broadcast_in_dim3A_34, %div3A_23 : vector<2048x8xi1>, vector<2048x8xf32>
    %reduce_max3A_36 = arith.constant dense<0xFF800000> : vector<2048xf32>
    %reduce_max3A_37 = vector.multi_reduction <maximumf>, %select_n3A_35, %reduce_max3A_36 [1] : vector<2048x8xf32> to vector<2048xf32>
    %broadcast_in_dim3A_38 = vector.shape_cast %reduce_max3A_37 : vector<2048xf32> to vector<2048x1xf32>
    %eq3A_39 = vector.broadcast %broadcast_in_dim3A_38 : vector<2048x1xf32> to vector<2048x8xf32>
    %eq3A_40 = arith.cmpf oeq, %select_n3A_35, %eq3A_39 : vector<2048x8xf32>
    %jit3A_41 = arith.constant 8 : i32
    %broadcast_in_dim3A_42 = vector.broadcast %jit3A_41 : i32 to vector<2048x8xi32>
    %select_n3A_43 = arith.select %eq3A_40, %iota3A, %broadcast_in_dim3A_42 : vector<2048x8xi1>, vector<2048x8xi32>
    %reduce_min3A_44 = arith.constant dense<2147483647> : vector<2048xi32>
    %reduce_min3A_45 = vector.multi_reduction <minsi>, %select_n3A_43, %reduce_min3A_44 [1] : vector<2048x8xi32> to vector<2048xi32>
    %broadcast_in_dim3A_46 = vector.shape_cast %reduce_min3A_45 : vector<2048xi32> to vector<2048x1xi32>
    %add3A_47 = arith.addf %broadcast_in_dim3A_26, %broadcast_in_dim3A_38 : vector<2048x1xf32>
    %add3A_48 = arith.constant 9.99999968E-21 : f32
    %add3A_49 = vector.broadcast %add3A_48 : f32 to vector<2048x1xf32>
    %add3A_50 = arith.addf %add3A_47, %add3A_49 : vector<2048x1xf32>
    %div3A_51 = arith.divf %broadcast_in_dim3A_26, %add3A_50 : vector<2048x1xf32>
    %div3A_52 = arith.divf %broadcast_in_dim3A_38, %add3A_50 : vector<2048x1xf32>
    %eq3A_53 = vector.broadcast %broadcast_in_dim3A_30 : vector<2048x1xi32> to vector<2048x8xi32>
    %eq3A_54 = arith.cmpi eq, %iota3A, %eq3A_53 : vector<2048x8xi32>
    %jit3A_55 = arith.constant 1.000000e+00 : f32
    %jit3A_56 = arith.constant 0.000000e+00 : f32
    %broadcast_in_dim3A_57 = vector.broadcast %jit3A_55 : f32 to vector<2048x8xf32>
    %broadcast_in_dim3A_58 = vector.broadcast %jit3A_56 : f32 to vector<2048x8xf32>
    %select_n3A_59 = arith.select %eq3A_54, %broadcast_in_dim3A_57, %broadcast_in_dim3A_58 : vector<2048x8xi1>, vector<2048x8xf32>
    %eq3A_60 = vector.broadcast %broadcast_in_dim3A_46 : vector<2048x1xi32> to vector<2048x8xi32>
    %eq3A_61 = arith.cmpi eq, %iota3A, %eq3A_60 : vector<2048x8xi32>
    %jit3A_62 = arith.constant 1.000000e+00 : f32
    %jit3A_63 = arith.constant 0.000000e+00 : f32
    %broadcast_in_dim3A_64 = vector.broadcast %jit3A_62 : f32 to vector<2048x8xf32>
    %broadcast_in_dim3A_65 = vector.broadcast %jit3A_63 : f32 to vector<2048x8xf32>
    %select_n3A_66 = arith.select %eq3A_61, %broadcast_in_dim3A_64, %broadcast_in_dim3A_65 : vector<2048x8xi1>, vector<2048x8xf32>
    %add3A_67 = arith.addf %select_n3A_59, %select_n3A_66 : vector<2048x8xf32>
    %iota3A_68 = tpu.iota {dimensions = array<i32: 0>} : vector<256x256xi32>
    %iota3A_69 = tpu.iota {dimensions = array<i32: 1>} : vector<256x256xi32>
    %lt3A = arith.cmpi slt, %iota3A_69, %iota3A_68 : vector<256x256xi32>
    %jit3A_70 = arith.constant 1.000000e+00 : f32
    %jit3A_71 = arith.constant 0.000000e+00 : f32
    %broadcast_in_dim3A_72 = vector.broadcast %jit3A_70 : f32 to vector<256x256xf32>
    %broadcast_in_dim3A_73 = vector.broadcast %jit3A_71 : f32 to vector<256x256xf32>
    %select_n3A_74 = arith.select %lt3A, %broadcast_in_dim3A_72, %broadcast_in_dim3A_73 : vector<256x256xi1>, vector<256x256xf32>
    %broadcast_in_dim3A_75 = arith.constant 0.000000e+00 : f32
    %broadcast_in_dim3A_76 = vector.broadcast %broadcast_in_dim3A_75 : f32 to vector<1x8xf32>
    %slice3A_77 = vector.extract_strided_slice %add3A_67 {offsets = [0, 0], sizes = [256, 8], strides = [1, 1]} : vector<2048x8xf32> to vector<256x8xf32>
    %dot_general3A_78 = arith.constant dense<0.000000e+00> : vector<256x8xf32>
    %dot_general3A_79 = tpu.matmul %select_n3A_74, %slice3A_77, %dot_general3A_78 {dimension_numbers = #tpu.dot_dimension_numbers<[1], [0], [0], [1], [0, 0, 1, 1], [], []>, precision = #tpu.contract_precision<fp32>, transpose_lhs_hint = false} : vector<256x256xf32>, vector<256x8xf32>, vector<256x8xf32> -> vector<256x8xf32>
    %add3A_80 = vector.broadcast %broadcast_in_dim3A_76 : vector<1x8xf32> to vector<256x8xf32>
    %add3A_81 = arith.addf %dot_general3A_79, %add3A_80 : vector<256x8xf32>
    %reduce_sum3A_82 = arith.constant dense<0.000000e+00> : vector<8xf32>
    %reduce_sum3A_83 = vector.multi_reduction <add>, %slice3A_77, %reduce_sum3A_82 [0] : vector<256x8xf32> to vector<8xf32>
    %broadcast_in_dim3A_84 = vector.shape_cast %reduce_sum3A_83 : vector<8xf32> to vector<1x8xf32>
    %add3A_85 = arith.addf %broadcast_in_dim3A_76, %broadcast_in_dim3A_84 : vector<1x8xf32>
    %slice3A_86 = vector.extract_strided_slice %add3A_67 {offsets = [256, 0], sizes = [256, 8], strides = [1, 1]} : vector<2048x8xf32> to vector<256x8xf32>
    %dot_general3A_87 = arith.constant dense<0.000000e+00> : vector<256x8xf32>
    %dot_general3A_88 = tpu.matmul %select_n3A_74, %slice3A_86, %dot_general3A_87 {dimension_numbers = #tpu.dot_dimension_numbers<[1], [0], [0], [1], [0, 0, 1, 1], [], []>, precision = #tpu.contract_precision<fp32>, transpose_lhs_hint = false} : vector<256x256xf32>, vector<256x8xf32>, vector<256x8xf32> -> vector<256x8xf32>
    %add3A_89 = vector.broadcast %add3A_85 : vector<1x8xf32> to vector<256x8xf32>
    %add3A_90 = arith.addf %dot_general3A_88, %add3A_89 : vector<256x8xf32>
    %reduce_sum3A_91 = arith.constant dense<0.000000e+00> : vector<8xf32>
    %reduce_sum3A_92 = vector.multi_reduction <add>, %slice3A_86, %reduce_sum3A_91 [0] : vector<256x8xf32> to vector<8xf32>
    %broadcast_in_dim3A_93 = vector.shape_cast %reduce_sum3A_92 : vector<8xf32> to vector<1x8xf32>
    %add3A_94 = arith.addf %add3A_85, %broadcast_in_dim3A_93 : vector<1x8xf32>
    %slice3A_95 = vector.extract_strided_slice %add3A_67 {offsets = [512, 0], sizes = [256, 8], strides = [1, 1]} : vector<2048x8xf32> to vector<256x8xf32>
    %dot_general3A_96 = arith.constant dense<0.000000e+00> : vector<256x8xf32>
    %dot_general3A_97 = tpu.matmul %select_n3A_74, %slice3A_95, %dot_general3A_96 {dimension_numbers = #tpu.dot_dimension_numbers<[1], [0], [0], [1], [0, 0, 1, 1], [], []>, precision = #tpu.contract_precision<fp32>, transpose_lhs_hint = false} : vector<256x256xf32>, vector<256x8xf32>, vector<256x8xf32> -> vector<256x8xf32>
    %add3A_98 = vector.broadcast %add3A_94 : vector<1x8xf32> to vector<256x8xf32>
    %add3A_99 = arith.addf %dot_general3A_97, %add3A_98 : vector<256x8xf32>
    %reduce_sum3A_100 = arith.constant dense<0.000000e+00> : vector<8xf32>
    %reduce_sum3A_101 = vector.multi_reduction <add>, %slice3A_95, %reduce_sum3A_100 [0] : vector<256x8xf32> to vector<8xf32>
    %broadcast_in_dim3A_102 = vector.shape_cast %reduce_sum3A_101 : vector<8xf32> to vector<1x8xf32>
    %add3A_103 = arith.addf %add3A_94, %broadcast_in_dim3A_102 : vector<1x8xf32>
    %slice3A_104 = vector.extract_strided_slice %add3A_67 {offsets = [768, 0], sizes = [256, 8], strides = [1, 1]} : vector<2048x8xf32> to vector<256x8xf32>
    %dot_general3A_105 = arith.constant dense<0.000000e+00> : vector<256x8xf32>
    %dot_general3A_106 = tpu.matmul %select_n3A_74, %slice3A_104, %dot_general3A_105 {dimension_numbers = #tpu.dot_dimension_numbers<[1], [0], [0], [1], [0, 0, 1, 1], [], []>, precision = #tpu.contract_precision<fp32>, transpose_lhs_hint = false} : vector<256x256xf32>, vector<256x8xf32>, vector<256x8xf32> -> vector<256x8xf32>
    %add3A_107 = vector.broadcast %add3A_103 : vector<1x8xf32> to vector<256x8xf32>
    %add3A_108 = arith.addf %dot_general3A_106, %add3A_107 : vector<256x8xf32>
    %reduce_sum3A_109 = arith.constant dense<0.000000e+00> : vector<8xf32>
    %reduce_sum3A_110 = vector.multi_reduction <add>, %slice3A_104, %reduce_sum3A_109 [0] : vector<256x8xf32> to vector<8xf32>
    %broadcast_in_dim3A_111 = vector.shape_cast %reduce_sum3A_110 : vector<8xf32> to vector<1x8xf32>
    %add3A_112 = arith.addf %add3A_103, %broadcast_in_dim3A_111 : vector<1x8xf32>
    %slice3A_113 = vector.extract_strided_slice %add3A_67 {offsets = [1024, 0], sizes = [256, 8], strides = [1, 1]} : vector<2048x8xf32> to vector<256x8xf32>
    %dot_general3A_114 = arith.constant dense<0.000000e+00> : vector<256x8xf32>
    %dot_general3A_115 = tpu.matmul %select_n3A_74, %slice3A_113, %dot_general3A_114 {dimension_numbers = #tpu.dot_dimension_numbers<[1], [0], [0], [1], [0, 0, 1, 1], [], []>, precision = #tpu.contract_precision<fp32>, transpose_lhs_hint = false} : vector<256x256xf32>, vector<256x8xf32>, vector<256x8xf32> -> vector<256x8xf32>
    %add3A_116 = vector.broadcast %add3A_112 : vector<1x8xf32> to vector<256x8xf32>
    %add3A_117 = arith.addf %dot_general3A_115, %add3A_116 : vector<256x8xf32>
    %reduce_sum3A_118 = arith.constant dense<0.000000e+00> : vector<8xf32>
    %reduce_sum3A_119 = vector.multi_reduction <add>, %slice3A_113, %reduce_sum3A_118 [0] : vector<256x8xf32> to vector<8xf32>
    %broadcast_in_dim3A_120 = vector.shape_cast %reduce_sum3A_119 : vector<8xf32> to vector<1x8xf32>
    %add3A_121 = arith.addf %add3A_112, %broadcast_in_dim3A_120 : vector<1x8xf32>
    %slice3A_122 = vector.extract_strided_slice %add3A_67 {offsets = [1280, 0], sizes = [256, 8], strides = [1, 1]} : vector<2048x8xf32> to vector<256x8xf32>
    %dot_general3A_123 = arith.constant dense<0.000000e+00> : vector<256x8xf32>
    %dot_general3A_124 = tpu.matmul %select_n3A_74, %slice3A_122, %dot_general3A_123 {dimension_numbers = #tpu.dot_dimension_numbers<[1], [0], [0], [1], [0, 0, 1, 1], [], []>, precision = #tpu.contract_precision<fp32>, transpose_lhs_hint = false} : vector<256x256xf32>, vector<256x8xf32>, vector<256x8xf32> -> vector<256x8xf32>
    %add3A_125 = vector.broadcast %add3A_121 : vector<1x8xf32> to vector<256x8xf32>
    %add3A_126 = arith.addf %dot_general3A_124, %add3A_125 : vector<256x8xf32>
    %reduce_sum3A_127 = arith.constant dense<0.000000e+00> : vector<8xf32>
    %reduce_sum3A_128 = vector.multi_reduction <add>, %slice3A_122, %reduce_sum3A_127 [0] : vector<256x8xf32> to vector<8xf32>
    %broadcast_in_dim3A_129 = vector.shape_cast %reduce_sum3A_128 : vector<8xf32> to vector<1x8xf32>
    %add3A_130 = arith.addf %add3A_121, %broadcast_in_dim3A_129 : vector<1x8xf32>
    %slice3A_131 = vector.extract_strided_slice %add3A_67 {offsets = [1536, 0], sizes = [256, 8], strides = [1, 1]} : vector<2048x8xf32> to vector<256x8xf32>
    %dot_general3A_132 = arith.constant dense<0.000000e+00> : vector<256x8xf32>
    %dot_general3A_133 = tpu.matmul %select_n3A_74, %slice3A_131, %dot_general3A_132 {dimension_numbers = #tpu.dot_dimension_numbers<[1], [0], [0], [1], [0, 0, 1, 1], [], []>, precision = #tpu.contract_precision<fp32>, transpose_lhs_hint = false} : vector<256x256xf32>, vector<256x8xf32>, vector<256x8xf32> -> vector<256x8xf32>
    %add3A_134 = vector.broadcast %add3A_130 : vector<1x8xf32> to vector<256x8xf32>
    %add3A_135 = arith.addf %dot_general3A_133, %add3A_134 : vector<256x8xf32>
    %reduce_sum3A_136 = arith.constant dense<0.000000e+00> : vector<8xf32>
    %reduce_sum3A_137 = vector.multi_reduction <add>, %slice3A_131, %reduce_sum3A_136 [0] : vector<256x8xf32> to vector<8xf32>
    %broadcast_in_dim3A_138 = vector.shape_cast %reduce_sum3A_137 : vector<8xf32> to vector<1x8xf32>
    %add3A_139 = arith.addf %add3A_130, %broadcast_in_dim3A_138 : vector<1x8xf32>
    %slice3A_140 = vector.extract_strided_slice %add3A_67 {offsets = [1792, 0], sizes = [256, 8], strides = [1, 1]} : vector<2048x8xf32> to vector<256x8xf32>
    %dot_general3A_141 = arith.constant dense<0.000000e+00> : vector<256x8xf32>
    %dot_general3A_142 = tpu.matmul %select_n3A_74, %slice3A_140, %dot_general3A_141 {dimension_numbers = #tpu.dot_dimension_numbers<[1], [0], [0], [1], [0, 0, 1, 1], [], []>, precision = #tpu.contract_precision<fp32>, transpose_lhs_hint = false} : vector<256x256xf32>, vector<256x8xf32>, vector<256x8xf32> -> vector<256x8xf32>
    %add3A_143 = vector.broadcast %add3A_139 : vector<1x8xf32> to vector<256x8xf32>
    %add3A_144 = arith.addf %dot_general3A_142, %add3A_143 : vector<256x8xf32>
    %reduce_sum3A_145 = arith.constant dense<0.000000e+00> : vector<8xf32>
    %reduce_sum3A_146 = vector.multi_reduction <add>, %slice3A_140, %reduce_sum3A_145 [0] : vector<256x8xf32> to vector<8xf32>
    %broadcast_in_dim3A_147 = vector.shape_cast %reduce_sum3A_146 : vector<8xf32> to vector<1x8xf32>
    %add3A_148 = arith.addf %add3A_139, %broadcast_in_dim3A_147 : vector<1x8xf32>
    %concatenate3A = tpu.concatenate %add3A_81, %add3A_90, %add3A_99, %add3A_108, %add3A_117, %add3A_126, %add3A_135, %add3A_144 in 0 : vector<256x8xf32>, vector<256x8xf32>, vector<256x8xf32>, vector<256x8xf32>, vector<256x8xf32>, vector<256x8xf32>, vector<256x8xf32>, vector<256x8xf32> -> vector<2048x8xf32>
    %iota3A_149 = tpu.iota {dimensions = array<i32: 0>} : vector<8x8xi32>
    %iota3A_150 = tpu.iota {dimensions = array<i32: 1>} : vector<8x8xi32>
    %lt3A_151 = arith.cmpi slt, %iota3A_149, %iota3A_150 : vector<8x8xi32>
    %jit3A_152 = arith.constant 1.000000e+00 : f32
    %jit3A_153 = arith.constant 0.000000e+00 : f32
    %broadcast_in_dim3A_154 = vector.broadcast %jit3A_152 : f32 to vector<8x8xf32>
    %broadcast_in_dim3A_155 = vector.broadcast %jit3A_153 : f32 to vector<8x8xf32>
    %select_n3A_156 = arith.select %lt3A_151, %broadcast_in_dim3A_154, %broadcast_in_dim3A_155 : vector<8x8xi1>, vector<8x8xf32>
    %dot_general3A_157 = arith.constant dense<0.000000e+00> : vector<1x8xf32>
    %dot_general3A_158 = tpu.matmul %add3A_148, %select_n3A_156, %dot_general3A_157 {dimension_numbers = #tpu.dot_dimension_numbers<[1], [0], [0], [1], [0, 0, 1, 1], [], []>, precision = #tpu.contract_precision<fp32>, transpose_lhs_hint = false} : vector<1x8xf32>, vector<8x8xf32>, vector<1x8xf32> -> vector<1x8xf32>
    %add3A_159 = vector.broadcast %dot_general3A_158 : vector<1x8xf32> to vector<2048x8xf32>
    %add3A_160 = arith.addf %add3A_159, %concatenate3A : vector<2048x8xf32>
    %mul3A = arith.mulf %add3A_160, %select_n3A_59 : vector<2048x8xf32>
    %reduce_sum3A_161 = arith.constant dense<0.000000e+00> : vector<2048xf32>
    %reduce_sum3A_162 = vector.multi_reduction <add>, %mul3A, %reduce_sum3A_161 [1] : vector<2048x8xf32> to vector<2048xf32>
    %convert_element_type3A = arith.fptosi %reduce_sum3A_162 : vector<2048xf32> to vector<2048xi32>
    %swap3A_163 = arith.constant 0 : index
    %swap3A_164 = vector.load %arg3[%swap3A_163] : memref<2048xi32, #tpu.memory_space<vmem>>, vector<2048xi32>
    tpu.vector_store %arg3[%swap3A_163], %convert_element_type3A {strides = array<i32>} : memref<2048xi32, #tpu.memory_space<vmem>>, vector<2048xi32>,
    %add3A_165 = vector.broadcast %dot_general3A_158 : vector<1x8xf32> to vector<2048x8xf32>
    %add3A_166 = arith.addf %add3A_165, %concatenate3A : vector<2048x8xf32>
    %mul3A_167 = arith.mulf %add3A_166, %select_n3A_66 : vector<2048x8xf32>
    %reduce_sum3A_168 = arith.constant dense<0.000000e+00> : vector<2048xf32>
    %reduce_sum3A_169 = vector.multi_reduction <add>, %mul3A_167, %reduce_sum3A_168 [1] : vector<2048x8xf32> to vector<2048xf32>
    %convert_element_type3A_170 = arith.fptosi %reduce_sum3A_169 : vector<2048xf32> to vector<2048xi32>
    %swap3A_171 = arith.constant 0 : index
    %swap3A_172 = vector.load %arg4[%swap3A_171] : memref<2048xi32, #tpu.memory_space<vmem>>, vector<2048xi32>
    tpu.vector_store %arg4[%swap3A_171], %convert_element_type3A_170 {strides = array<i32>} : memref<2048xi32, #tpu.memory_space<vmem>>, vector<2048xi32>,
    %broadcast_in_dim3A_173 = vector.shape_cast %div3A_51 : vector<2048x1xf32> to vector<2048x1xf32>
    %broadcast_in_dim3A_174 = vector.broadcast %broadcast_in_dim3A_173 : vector<2048x1xf32> to vector<2048x16xf32>
    %swap3A_175 = arith.constant 0 : index
    %swap3A_176 = arith.constant 0 : index
    %swap3A_177 = vector.load %arg5[%swap3A_175, %swap3A_176] : memref<2048x16xf32, #tpu.memory_space<vmem>>, vector<2048x16xf32>
    tpu.vector_store %arg5[%swap3A_175, %swap3A_176], %broadcast_in_dim3A_174 {strides = array<i32>} : memref<2048x16xf32, #tpu.memory_space<vmem>>, vector<2048x16xf32>,
    %broadcast_in_dim3A_178 = vector.shape_cast %div3A_52 : vector<2048x1xf32> to vector<2048x1xf32>
    %broadcast_in_dim3A_179 = vector.broadcast %broadcast_in_dim3A_178 : vector<2048x1xf32> to vector<2048x16xf32>
    %swap3A_180 = arith.constant 0 : index
    %swap3A_181 = arith.constant 0 : index
    %swap3A_182 = vector.load %arg6[%swap3A_180, %swap3A_181] : memref<2048x16xf32, #tpu.memory_space<vmem>>, vector<2048x16xf32>
    tpu.vector_store %arg6[%swap3A_180, %swap3A_181], %broadcast_in_dim3A_179 {strides = array<i32>} : memref<2048x16xf32, #tpu.memory_space<vmem>>, vector<2048x16xf32>,
    %eq3A_183 = arith.cmpi eq, %iota3A_149, %iota3A_150 : vector<8x8xi32>
    %jit3A_184 = arith.constant 1.000000e+00 : f32
    %jit3A_185 = arith.constant 0.000000e+00 : f32
    %broadcast_in_dim3A_186 = vector.broadcast %jit3A_184 : f32 to vector<8x8xf32>
    %broadcast_in_dim3A_187 = vector.broadcast %jit3A_185 : f32 to vector<8x8xf32>
    %select_n3A_188 = arith.select %eq3A_183, %broadcast_in_dim3A_186, %broadcast_in_dim3A_187 : vector<8x8xi1>, vector<8x8xf32>
    %dot_general3A_189 = arith.constant dense<0.000000e+00> : vector<8x1xf32>
    %dot_general3A_190 = tpu.matmul %select_n3A_188, %add3A_148, %dot_general3A_189 {dimension_numbers = #tpu.dot_dimension_numbers<[1], [1], [0], [0], [0, 0, 1, 0], [], []>, precision = #tpu.contract_precision<fp32>, transpose_lhs_hint = false} : vector<8x8xf32>, vector<1x8xf32>, vector<8x1xf32> -> vector<8x1xf32>
    %swap3A_191 = arith.constant 0 : index
    %swap3A_192 = arith.constant 0 : index
    %swap3A_193 = vector.load %arg7[%swap3A_191, %swap3A_192] : memref<8x1xf32, #tpu.memory_space<vmem>>, vector<8x1xf32>
    tpu.vector_store %arg7[%swap3A_191, %swap3A_192], %dot_general3A_190 {strides = array<i32>} : memref<8x1xf32, #tpu.memory_space<vmem>>, vector<8x1xf32>,
    return
  }
  func.func @transform_0(%arg0: i32) -> (i32, i32) {
    %c0_i32 = arith.constant 0 : i32
    %c0_i32_0 = arith.constant 0 : i32
    %c0_i32_1 = arith.constant 0 : i32
    return %c0_i32, %c0_i32_0 : i32, i32
  }
  func.func @transform_1(%arg0: i32) -> (i32, i32) {
    %c0_i32 = arith.constant 0 : i32
    %c0_i32_0 = arith.constant 0 : i32
    %c0_i32_1 = arith.constant 0 : i32
    return %c0_i32, %c0_i32_0 : i32, i32
  }
  func.func @transform_2(%arg0: i32) -> i32 {
    %c0_i32 = arith.constant 0 : i32
    %c0_i32_0 = arith.constant 0 : i32
    return %c0_i32 : i32
  }
  func.func @transform_3(%arg0: i32) -> i32 {
    %c0_i32 = arith.constant 0 : i32
    %c0_i32_0 = arith.constant 0 : i32
    return %c0_i32 : i32
  }
  func.func @transform_4(%arg0: i32) -> (i32, i32) {
    %c0_i32 = arith.constant 0 : i32
    %c0_i32_0 = arith.constant 0 : i32
    %c0_i32_1 = arith.constant 0 : i32
    return %c0_i32, %c0_i32_0 : i32, i32
  }
  func.func @transform_5(%arg0: i32) -> (i32, i32) {
    %c0_i32 = arith.constant 0 : i32
    %c0_i32_0 = arith.constant 0 : i32
    %c0_i32_1 = arith.constant 0 : i32
    return %c0_i32, %c0_i32_0 : i32, i32
  }
  func.func @transform_6(%arg0: i32) -> (i32, i32) {
    %c0_i32 = arith.constant 0 : i32
    %c0_i32_0 = arith.constant 0 : i32
    %c0_i32_1 = arith.constant 0 : i32
    return %c0_i32, %c0_i32_0 : i32, i32
  }
  func.func @transform_7(%arg0: i32) -> (i32, i32) {
    %c0_i32 = arith.constant 0 : i32
    %c0_i32_0 = arith.constant 0 : i32
    %c0_i32_1 = arith.constant 0 : i32
    return %c0_i32, %c0_i32_0 : i32, i32
  }
}

module attributes {stable_mosaic.version = 14 : i64} {
  func.func @_gmm_body(%arg0: i32, %arg1: memref<15xi32, #tpu.memory_space<smem>>, %arg2: memref<15xi32, #tpu.memory_space<smem>>, %arg3: memref<15xi32, #tpu.memory_space<smem>>, %arg4: memref<15xi32, #tpu.memory_space<smem>>, %arg5: memref<512x512xi32, #tpu.memory_space<vmem>>, %arg6: memref<1x512x1024xf32, #tpu.memory_space<vmem>>, %arg7: memref<1x512x1024xf32, #tpu.memory_space<vmem>>, %arg8: memref<1x1024x512xf32, #tpu.memory_space<vmem>>, %arg9: memref<512x512xi32, #tpu.memory_space<vmem>>) attributes {dimension_semantics = [#tpu.dimension_semantics<arbitrary>], iteration_bounds = array<i64: 15>, scalar_prefetch = 4 : i64, scratch_operands = 0 : i64, tpu.core_type = #tpu.core_type<tc>, window_params = [{transform_indices = @transform_0, window_bounds = array<i64: 512, 512>}, {transform_indices = @transform_1, window_bounds = array<i64: 1, 512, 1024>}, {transform_indices = @transform_2, window_bounds = array<i64: 1, 512, 1024>}, {transform_indices = @transform_3, window_bounds = array<i64: 1, 1024, 512>}, {transform_indices = @transform_4, window_bounds = array<i64: 512, 512>}]} {
    %get3A = arith.index_cast %arg0 : i32 to index
    %get3A_0 = memref.load %arg3[%get3A] : memref<15xi32, #tpu.memory_space<smem>>
    %get3A_1 = arith.index_cast %arg0 : i32 to index
    %get3A_2 = memref.load %arg4[%get3A_1] : memref<15xi32, #tpu.memory_space<smem>>
    %get3A_3 = arith.constant 0 : index
    %get3A_4 = arith.constant 0 : index
    %get3A_5 = vector.load %arg5[%get3A_3, %get3A_4] : memref<512x512xi32, #tpu.memory_space<vmem>>, vector<512x512xi32>
    %shift_left3A = arith.constant 16 : i32
    %shift_left3A_6 = vector.broadcast %shift_left3A : i32 to vector<512x512xi32>
    %shift_left3A_7 = arith.shli %get3A_5, %shift_left3A_6 : vector<512x512xi32>
    %bitcast_convert_type3A = tpu.bitcast %shift_left3A_7 : vector<512x512xi32> -> vector<512x512xf32>
    %convert_element_type3A = arith.truncf %bitcast_convert_type3A : vector<512x512xf32> to vector<512x512xbf16>
    %and3A = arith.constant -65536 : i32
    %and3A_8 = vector.broadcast %and3A : i32 to vector<512x512xi32>
    %and3A_9 = arith.andi %get3A_5, %and3A_8 : vector<512x512xi32>
    %bitcast_convert_type3A_10 = tpu.bitcast %and3A_9 : vector<512x512xi32> -> vector<512x512xf32>
    %convert_element_type3A_11 = arith.truncf %bitcast_convert_type3A_10 : vector<512x512xf32> to vector<512x512xbf16>
    %get3A_12 = arith.constant 0 : index
    %get3A_13 = arith.constant 0 : index
    %get3A_14 = arith.constant 0 : index
    %get3A_15 = vector.load %arg6[%get3A_12, %get3A_13, %get3A_14] : memref<1x512x1024xf32, #tpu.memory_space<vmem>>, vector<1x512x1024xf32>
    %get3A_16 = vector.shape_cast %get3A_15 : vector<1x512x1024xf32> to vector<512x1024xf32>
    %convert_element_type3A_17 = arith.truncf %get3A_16 : vector<512x1024xf32> to vector<512x1024xbf16>
    %get3A_18 = arith.constant 0 : index
    %get3A_19 = arith.constant 0 : index
    %get3A_20 = arith.constant 0 : index
    %get3A_21 = vector.load %arg7[%get3A_18, %get3A_19, %get3A_20] : memref<1x512x1024xf32, #tpu.memory_space<vmem>>, vector<1x512x1024xf32>
    %get3A_22 = vector.shape_cast %get3A_21 : vector<1x512x1024xf32> to vector<512x1024xf32>
    %convert_element_type3A_23 = arith.truncf %get3A_22 : vector<512x1024xf32> to vector<512x1024xbf16>
    %slice3A = vector.extract_strided_slice %convert_element_type3A_17 {offsets = [0, 0], sizes = [512, 512], strides = [1, 1]} : vector<512x1024xbf16> to vector<512x512xbf16>
    %dot_general3A = arith.constant dense<0.000000e+00> : vector<512x512xf32>
    %dot_general3A_24 = tpu.matmul %convert_element_type3A, %slice3A, %dot_general3A {dimension_numbers = #tpu.dot_dimension_numbers<[1], [1], [0], [0], [0, 0, 1, 0], [], []>, transpose_lhs_hint = false} : vector<512x512xbf16>, vector<512x512xbf16>, vector<512x512xf32> -> vector<512x512xf32>
    %slice3A_25 = vector.extract_strided_slice %convert_element_type3A_17 {offsets = [0, 512], sizes = [512, 512], strides = [1, 1]} : vector<512x1024xbf16> to vector<512x512xbf16>
    %dot_general3A_26 = arith.constant dense<0.000000e+00> : vector<512x512xf32>
    %dot_general3A_27 = tpu.matmul %convert_element_type3A_11, %slice3A_25, %dot_general3A_26 {dimension_numbers = #tpu.dot_dimension_numbers<[1], [1], [0], [0], [0, 0, 1, 0], [], []>, transpose_lhs_hint = false} : vector<512x512xbf16>, vector<512x512xbf16>, vector<512x512xf32> -> vector<512x512xf32>
    %add3A = arith.addf %dot_general3A_24, %dot_general3A_27 : vector<512x512xf32>
    %slice3A_28 = vector.extract_strided_slice %convert_element_type3A_23 {offsets = [0, 0], sizes = [512, 512], strides = [1, 1]} : vector<512x1024xbf16> to vector<512x512xbf16>
    %dot_general3A_29 = arith.constant dense<0.000000e+00> : vector<512x512xf32>
    %dot_general3A_30 = tpu.matmul %convert_element_type3A, %slice3A_28, %dot_general3A_29 {dimension_numbers = #tpu.dot_dimension_numbers<[1], [1], [0], [0], [0, 0, 1, 0], [], []>, transpose_lhs_hint = false} : vector<512x512xbf16>, vector<512x512xbf16>, vector<512x512xf32> -> vector<512x512xf32>
    %slice3A_31 = vector.extract_strided_slice %convert_element_type3A_23 {offsets = [0, 512], sizes = [512, 512], strides = [1, 1]} : vector<512x1024xbf16> to vector<512x512xbf16>
    %dot_general3A_32 = arith.constant dense<0.000000e+00> : vector<512x512xf32>
    %dot_general3A_33 = tpu.matmul %convert_element_type3A_11, %slice3A_31, %dot_general3A_32 {dimension_numbers = #tpu.dot_dimension_numbers<[1], [1], [0], [0], [0, 0, 1, 0], [], []>, transpose_lhs_hint = false} : vector<512x512xbf16>, vector<512x512xbf16>, vector<512x512xf32> -> vector<512x512xf32>
    %add3A_34 = arith.addf %dot_general3A_30, %dot_general3A_33 : vector<512x512xf32>
    %neg3A = arith.constant 0.000000e+00 : f32
    %neg3A_35 = vector.broadcast %neg3A : f32 to vector<512x512xf32>
    %neg3A_36 = arith.subf %neg3A_35, %add3A : vector<512x512xf32>
    %exp3A = math.exp %neg3A_36 : vector<512x512xf32>
    %add3A_37 = arith.constant 1.000000e+00 : f32
    %add3A_38 = vector.broadcast %add3A_37 : f32 to vector<512x512xf32>
    %add3A_39 = arith.addf %add3A_38, %exp3A : vector<512x512xf32>
    %div3A = arith.divf %add3A, %add3A_39 : vector<512x512xf32>
    %mul3A = arith.mulf %div3A, %add3A_34 : vector<512x512xf32>
    %convert_element_type3A_40 = arith.truncf %mul3A : vector<512x512xf32> to vector<512x512xbf16>
    %get3A_41 = arith.constant 0 : index
    %get3A_42 = arith.constant 0 : index
    %get3A_43 = arith.constant 0 : index
    %get3A_44 = vector.load %arg8[%get3A_41, %get3A_42, %get3A_43] : memref<1x1024x512xf32, #tpu.memory_space<vmem>>, vector<1x1024x512xf32>
    %get3A_45 = vector.shape_cast %get3A_44 : vector<1x1024x512xf32> to vector<1024x512xf32>
    %convert_element_type3A_46 = arith.truncf %get3A_45 : vector<1024x512xf32> to vector<1024x512xbf16>
    %dot_general3A_47 = arith.constant dense<0.000000e+00> : vector<512x1024xf32>
    %dot_general3A_48 = tpu.matmul %convert_element_type3A_40, %convert_element_type3A_46, %dot_general3A_47 {dimension_numbers = #tpu.dot_dimension_numbers<[1], [1], [0], [0], [0, 0, 1, 0], [], []>, transpose_lhs_hint = false} : vector<512x512xbf16>, vector<1024x512xbf16>, vector<512x1024xf32> -> vector<512x1024xf32>
    %slice3A_49 = vector.extract_strided_slice %dot_general3A_48 {offsets = [0, 0], sizes = [512, 512], strides = [1, 1]} : vector<512x1024xf32> to vector<512x512xf32>
    %slice3A_50 = vector.extract_strided_slice %dot_general3A_48 {offsets = [0, 512], sizes = [512, 512], strides = [1, 1]} : vector<512x1024xf32> to vector<512x512xf32>
    %bitcast_convert_type3A_51 = tpu.bitcast %slice3A_49 : vector<512x512xf32> -> vector<512x512xi32>
    %bitcast_convert_type3A_52 = tpu.bitcast %slice3A_50 : vector<512x512xf32> -> vector<512x512xi32>
    %add3A_53 = arith.constant 32768 : i32
    %add3A_54 = vector.broadcast %add3A_53 : i32 to vector<512x512xi32>
    %add3A_55 = arith.addi %bitcast_convert_type3A_51, %add3A_54 : vector<512x512xi32>
    %shift_right_logical3A = arith.constant 16 : i32
    %shift_right_logical3A_56 = vector.broadcast %shift_right_logical3A : i32 to vector<512x512xi32>
    %shift_right_logical3A_57 = arith.shrui %add3A_55, %shift_right_logical3A_56 : vector<512x512xi32>
    %add3A_58 = arith.constant 32768 : i32
    %add3A_59 = vector.broadcast %add3A_58 : i32 to vector<512x512xi32>
    %add3A_60 = arith.addi %bitcast_convert_type3A_52, %add3A_59 : vector<512x512xi32>
    %and3A_61 = arith.constant -65536 : i32
    %and3A_62 = vector.broadcast %and3A_61 : i32 to vector<512x512xi32>
    %and3A_63 = arith.andi %add3A_60, %and3A_62 : vector<512x512xi32>
    %or3A = arith.ori %and3A_63, %shift_right_logical3A_57 : vector<512x512xi32>
    %iota3A = tpu.iota {dimensions = array<i32: 0>} : vector<512x512xi32>
    %ge3A = vector.broadcast %get3A_0 : i32 to vector<512x512xi32>
    %ge3A_64 = arith.cmpi sge, %iota3A, %ge3A : vector<512x512xi32>
    %lt3A = vector.broadcast %get3A_2 : i32 to vector<512x512xi32>
    %lt3A_65 = arith.cmpi slt, %iota3A, %lt3A : vector<512x512xi32>
    %and3A_66 = arith.andi %ge3A_64, %lt3A_65 : vector<512x512xi1>
    %get3A_67 = arith.constant 0 : index
    %get3A_68 = arith.constant 0 : index
    %get3A_69 = vector.load %arg9[%get3A_67, %get3A_68] : memref<512x512xi32, #tpu.memory_space<vmem>>, vector<512x512xi32>
    %select_n3A = arith.select %and3A_66, %or3A, %get3A_69 : vector<512x512xi1>, vector<512x512xi32>
    %swap3A = arith.constant 0 : index
    %swap3A_70 = arith.constant 0 : index
    %swap3A_71 = vector.load %arg9[%swap3A, %swap3A_70] : memref<512x512xi32, #tpu.memory_space<vmem>>, vector<512x512xi32>
    tpu.vector_store %arg9[%swap3A, %swap3A_70], %select_n3A {strides = array<i32>} : memref<512x512xi32, #tpu.memory_space<vmem>>, vector<512x512xi32>,
    return
  }
  func.func @transform_0(%arg0: i32, %arg1: memref<15xi32, #tpu.memory_space<smem>>, %arg2: memref<15xi32, #tpu.memory_space<smem>>, %arg3: memref<15xi32, #tpu.memory_space<smem>>, %arg4: memref<15xi32, #tpu.memory_space<smem>>) -> (i32, i32) {
    %get3A = arith.index_cast %arg0 : i32 to index
    %get3A_0 = memref.load %arg1[%get3A] : memref<15xi32, #tpu.memory_space<smem>>
    %c0_i32 = arith.constant 0 : i32
    %c0_i32_1 = arith.constant 0 : i32
    return %get3A_0, %c0_i32 : i32, i32
  }
  func.func @transform_1(%arg0: i32, %arg1: memref<15xi32, #tpu.memory_space<smem>>, %arg2: memref<15xi32, #tpu.memory_space<smem>>, %arg3: memref<15xi32, #tpu.memory_space<smem>>, %arg4: memref<15xi32, #tpu.memory_space<smem>>) -> (i32, i32, i32) {
    %get3A = arith.index_cast %arg0 : i32 to index
    %get3A_0 = memref.load %arg2[%get3A] : memref<15xi32, #tpu.memory_space<smem>>
    %c0_i32 = arith.constant 0 : i32
    %c0_i32_1 = arith.constant 0 : i32
    %c0_i32_2 = arith.constant 0 : i32
    return %get3A_0, %c0_i32, %c0_i32_1 : i32, i32, i32
  }
  func.func @transform_2(%arg0: i32, %arg1: memref<15xi32, #tpu.memory_space<smem>>, %arg2: memref<15xi32, #tpu.memory_space<smem>>, %arg3: memref<15xi32, #tpu.memory_space<smem>>, %arg4: memref<15xi32, #tpu.memory_space<smem>>) -> (i32, i32, i32) {
    %get3A = arith.index_cast %arg0 : i32 to index
    %get3A_0 = memref.load %arg2[%get3A] : memref<15xi32, #tpu.memory_space<smem>>
    %c0_i32 = arith.constant 0 : i32
    %c0_i32_1 = arith.constant 0 : i32
    %c0_i32_2 = arith.constant 0 : i32
    return %get3A_0, %c0_i32, %c0_i32_1 : i32, i32, i32
  }
  func.func @transform_3(%arg0: i32, %arg1: memref<15xi32, #tpu.memory_space<smem>>, %arg2: memref<15xi32, #tpu.memory_space<smem>>, %arg3: memref<15xi32, #tpu.memory_space<smem>>, %arg4: memref<15xi32, #tpu.memory_space<smem>>) -> (i32, i32, i32) {
    %get3A = arith.index_cast %arg0 : i32 to index
    %get3A_0 = memref.load %arg2[%get3A] : memref<15xi32, #tpu.memory_space<smem>>
    %c0_i32 = arith.constant 0 : i32
    %c0_i32_1 = arith.constant 0 : i32
    %c0_i32_2 = arith.constant 0 : i32
    return %get3A_0, %c0_i32, %c0_i32_1 : i32, i32, i32
  }
  func.func @transform_4(%arg0: i32, %arg1: memref<15xi32, #tpu.memory_space<smem>>, %arg2: memref<15xi32, #tpu.memory_space<smem>>, %arg3: memref<15xi32, #tpu.memory_space<smem>>, %arg4: memref<15xi32, #tpu.memory_space<smem>>) -> (i32, i32) {
    %get3A = arith.index_cast %arg0 : i32 to index
    %get3A_0 = memref.load %arg1[%get3A] : memref<15xi32, #tpu.memory_space<smem>>
    %c0_i32 = arith.constant 0 : i32
    %c0_i32_1 = arith.constant 0 : i32
    return %get3A_0, %c0_i32 : i32, i32
  }
}

</mosaic_0001>

<sc_bundles>
// kernel: kernel.6.cloned.1.call-start
scs
__scs_entry_jumppad:
0x0: {  	(pc) =	sbr.rel $0x88, $3  }
0x1: {  	(tag) =	ssettag $0x0;
	lr =	simm.s32 $0x1  }
0x2: {  	[smem:$0x3F9C] =	sst lr;
	_ =	strace $0xD0000000  }
0x3: {  	_ = 	snop  }
0x4: {  	_ = 	snop  }
0x5: {  	_ = 	snop  }
0x6: {  	_ = 	snop  }
0x7: {  	_ = 	snop  }
__scs_overlays_trampoline_lowered:
0x8: {  	[smem:$0x3FAB] =	sst s0  }
0x9: {  	[smem:$0x3FAC] =	sst s1  }
0xa: {  	[smem:$0x3FAD] =	sst s2  }
0xb: {  	[smem:$0x3FAE] =	sst s3  }
0xc: {  	[smem:$0x3FAF] =	sst s4  }
0xd: {  	[smem:$0x3FB0] =	sst s5  }
0xe: {  	[smem:$0x3FB1] =	sst s6  }
0xf: {  	[smem:$0x3FB2] =	sst s7  }
0x10: {  	[smem:$0x3FB3] =	sst s8  }
0x11: {  	[smem:$0x3FB4] =	sst s9;
	s0 =	simm.s32 @!p0 $0x0  }
0x12: {  	s1 =	sld [smem:$0x3F9A];
	s0 =	simm.s32 @p0 $0x1  }
0x13: {  	[smem:$0x3FB5] =	sst s0;
	s0 =	simm.s32 @!p1 $0x0  }
0x14: {  	s2 =	sld [smem:$0x3F99];
	s0 =	simm.s32 @p1 $0x1  }
0x15: {  	[smem:$0x3FB6] =	sst s0;
	s0 =	simm.s32 @!p2 $0x0  }
0x16: {  	s3 =	sld [smem:$0x3FDB];
	s0 =	simm.s32 @p2 $0x1  }
0x17: {  	s4 =	simm.s32 $0x1BF5;
	[smem:$0x3FB8] =	sst s0  }
0x18: {  	s0 =	sld [smem:$0x3F9B];
	_ =	swait.ge [sflag:s4], $0x0  }
0x19: {  	s7 =	sld [smem:$0x3F9C]  }
0x1a: {  	s8 =	sadd.s32 $0xFFFFE003, lr  }
0x1b: {  	s9 =	sadd.s32 $0xFFFFFEF7, lr;
	s5 =	simm.s32 $0xFFFFFFFF;
	p2 =	slt.u32 s8, $0xFFFFF086  }
0x1c: {  	p1 =	slt.u32 s9, $0xF7A;
	s5 =	simm.s32 @!p2 $0x0  }
0x1d: {  	s5 =	simm.s32 @p1 $0x1;
	p0 =	seq.s32 s7, s2  }
0x1e: {  	s7 =	smul.u32 @!p0 $0xF7A, s2;
	p2 =	seq.s32 @!p0 s5, $0x0  }
0x1f: {  	s9 =	smul.u32 $0xF7A, s1;
	s8 =	simm.s32 @!p0 $0x1BF5;
	p2 =	por !p2, p0  }
0x20: {  	[sflag:s8] =	ssyncset.s32 @!p0 $0xFFFFF086;
	s6 =	sadd.s32 @!p0 s3, s7;
	s7 =	simm.s32 @!p0 $0x108  }
0x21: {  	s3 =	sadd.s32 s3, s9;
	s6 =	sadd.s32 @!p0 $0x88, s6;
	s7 =	simm.s32 @p2 $0x1082  }
0x22: {  	[simem:s7], [sflag:s8] =	dma.local @!p0 [hbm:s6], $0xF7A  }
0x23: {  	s9 =	sor.u32 $0xD0000000, s2;
	s6 =	simm.s32 $0x108;
	_ =	swait.ge @!p0 [sflag:s8], $0x0  }
0x24: {  	s3 =	sadd.s32 $0x88, s3;
	s6 =	simm.s32 @!p1 $0x1082;
	[sflag:s4] =	ssyncset.s32 $0xFFFFF086  }
0x25: {  	[simem:s6], [sflag:s4] =	dma.local [hbm:s3], $0xF7A  }
0x26: {  	[smem:$0x3F9C] =	sst s1;
	(tag) =	ssettag s2;
	_ =	strace s9  }
0x27: {  	s1 =	sld [smem:$0x3FAC]  }
0x28: {  	s2 =	sld [smem:$0x3FAD]  }
0x29: {  	s4 =	sld [smem:$0x3FAF]  }
0x2a: {  	p0 =	seq.s32 s5, $0x0;
	s5 =	sld [smem:$0x3FB0]  }
0x2b: {  	s6 =	sld [smem:$0x3FB1]  }
0x2c: {  	s7 =	sld [smem:$0x3FB2]  }
0x2d: {  	s3 =	simm.s32 $0x108;
	s8 =	sld [smem:$0x3FB3]  }
0x2e: {  	s3 =	simm.s32 @!p0 $0x1082;
	s9 =	sld [smem:$0x3FB4]  }
0x2f: {  	lr =	sadd.s32 s0, s3;
	s0 =	sld [smem:$0x3FAB]  }
0x30: {  	s3 =	sld [smem:$0x3FAE]  }
0x31: {  	[smem:$0x3FB7] =	sst s10  }
0x32: {  	s10 =	sld [smem:$0x3FB5];
	_ =	sdelay $0x3  }
0x33: {  	p0 =	seq.s32 s10, $0x1;
	s10 =	sld [smem:$0x3FB7];
	_ =	sdelay $0x3  }
0x34: {  	[smem:$0x3FB7] =	sst s10  }
0x35: {  	s10 =	sld [smem:$0x3FB6];
	_ =	sdelay $0x3  }
0x36: {  	p1 =	seq.s32 s10, $0x1;
	s10 =	sld [smem:$0x3FB7];
	_ =	sdelay $0x3  }
0x37: {  	[smem:$0x3FB7] =	sst s10  }
0x38: {  	s10 =	sld [smem:$0x3FB8]  }
0x39: {  	_ = 	snop;
	(pc) =	sbr.ind lr, $3  }
0x3a: {  	_ = 	snop  }
0x3b: {  	_ = 	snop  }
0x3c: {  	p2 =	seq.s32 s10, $0x1;
	s10 =	sld [smem:$0x3FB7]  }
0x3d: {  	_ =	shalt  }
0x3e: {  	_ =	shalt  }
0x3f: {  	_ =	shalt  }
0x40: {  	_ =	shalt  }
0x41: {  	_ =	shalt  }
0x42: {  	_ =	shalt  }
0x43: {  	_ =	shalt  }
0x44: {  	_ =	shalt  }
0x45: {  	_ =	shalt  }
0x46: {  	_ =	shalt  }
0x47: {  	_ =	shalt  }
0x48: {  	_ =	shalt  }
0x49: {  	_ =	shalt  }
0x4a: {  	_ =	shalt  }
0x4b: {  	_ =	shalt  }
0x4c: {  	_ =	shalt  }
0x4d: {  	_ =	shalt  }
0x4e: {  	_ =	shalt  }
0x4f: {  	_ =	shalt  }
0x50: {  	_ =	shalt  }
0x51: {  	_ =	shalt  }
0x52: {  	_ =	shalt  }
0x53: {  	_ =	shalt  }
0x54: {  	_ =	shalt  }
0x55: {  	_ =	shalt  }
0x56: {  	_ =	shalt  }
0x57: {  	_ =	shalt  }
0x58: {  	_ =	shalt  }
0x59: {  	_ =	shalt  }
0x5a: {  	_ =	shalt  }
0x5b: {  	_ =	shalt  }
0x5c: {  	_ =	shalt  }
0x5d: {  	_ =	shalt  }
0x5e: {  	_ =	shalt  }
0x5f: {  	_ =	shalt  }
0x60: {  	_ =	shalt  }
0x61: {  	_ =	shalt  }
0x62: {  	_ =	shalt  }
0x63: {  	_ =	shalt  }
0x64: {  	_ =	shalt  }
0x65: {  	_ =	shalt  }
0x66: {  	_ =	shalt  }
0x67: {  	_ =	shalt  }
0x68: {  	_ =	shalt  }
0x69: {  	_ =	shalt  }
0x6a: {  	_ =	shalt  }
0x6b: {  	_ =	shalt  }
0x6c: {  	_ =	shalt  }
0x6d: {  	_ =	shalt  }
0x6e: {  	_ =	shalt  }
0x6f: {  	_ =	shalt  }
0x70: {  	_ =	shalt  }
0x71: {  	_ =	shalt  }
0x72: {  	_ =	shalt  }
0x73: {  	_ =	shalt  }
0x74: {  	_ =	shalt  }
0x75: {  	_ =	shalt  }
0x76: {  	_ =	shalt  }
0x77: {  	_ =	shalt  }
0x78: {  	_ =	shalt  }
0x79: {  	_ =	shalt  }
0x7a: {  	_ =	shalt  }
0x7b: {  	_ =	shalt  }
0x7c: {  	_ =	shalt  }
0x7d: {  	_ =	shalt  }
0x7e: {  	_ =	shalt  }
0x7f: {  	_ =	shalt  }
0x80: {  	_ =	shalt  }
0x81: {  	_ =	shalt  }
0x82: {  	_ =	shalt  }
0x83: {  	_ =	shalt  }
0x84: {  	_ =	shalt  }
0x85: {  	_ =	shalt  }
0x86: {  	_ =	shalt  }
0x87: {  	_ =	shalt  }
.Lfunc_end0:
.L_simem_size_0:
called_computation_lowered:
.L_overlay_start_0:
0x88: {  	s2 =	sld [smem:$0x3FD9]  }
0x89: {  	s3 =	sld [smem:$0x3FFE];
	_ =	sdelay $0x1  }
0x8a: {  	s1 =	srdreg.scid  }
0x8b: {  	s0 =	sand.u32 $0x1, s1  }
0x8c: {  	s17 =	sshll.u32 s0, $0xA;
	s2 =	sadd.s32 s3, s2  }
0x8d: {  	s2 =	sadd.s32 s2, s17  }
0x8e: {  	[smem:$0x3FC3] =	sst s2  }
0x8f: {  	_ = 	snop  }
0x90: {  	s2 =	sld [smem:$0x3FD0];
	(tm) =	ssettm $0x1  }
0x91: {  	s18 =	sld [smem:$0x3FFB];
	_ =	sdelay $0x3  }
0x92: {  	_ =	strace s18  }
0x93: {  	s3 =	sld [smem:$0x3FFC];
	_ =	sdelay $0x3  }
0x94: {  	_ =	strace s3  }
0x95: {  	s3 =	sld [smem:$0x3FFD];
	_ =	sdelay $0x3  }
0x96: {  	_ =	strace s3  }
0x97: {  	_ =	strace $0x8FFFFFFF  }
0x98: {  	s19 =	sld [smem:$0x3FDB];
	_ =	sdelay $0x1  }
0x99: {  	s4 =	simm.s32 $_scs_section_size  }
0x9a: {  	s5 =	simm.s32 $_size__tile_overlayer_lowered;
	s6 =	simm.s32 $_tile_overlayer_lowered  }
0x9b: {  	s22 =	simm.s32 $0x1BFF;
	s21 =	sshll.u32 s6, $0x1;
	s3 =	sadd.s32 s4, s19  }
0x9c: {  	s7 =	simm.s32 $0x0;
	s20 =	sshll.u32 s5, $0x1;
	s5 =	sadd.s32 s21, s3  }
0x9d: {  	[timem:s7], [sflag:s22] =	dma.local [hbm:s5], s20  }
0x9e: {  	_ =	swait.ge [sflag:s22], s20  }
0x9f: {  	s4 =	ssub.s32 $0x0, s20;
	[sflag:s22] =	ssyncset.done $0x0  }
0xa0: {  	[sflag:s22] =	ssyncadd.s32 s4;
	_ =	sdelay $0x1  }
0xa1: {  	s23 =	simm.s32 $0x1B8B  }
0xa2: {  	_ =	swait.ge [sflag:s23], $0x1  }
0xa3: {  	[sflag:s23] =	ssyncset.done $0x0  }
0xa4: {  	s25 =	simm.s32 $0x1B8E;
	s24 =	sld [smem:$0x3FFE];
	[sflag:s23] =	ssyncadd.s32 $0xFFFFFFFF  }
0xa5: {  	s26 =	simm.s32 $execute0_lowered;
	[smem:$0x3FD2] =	sst s25  }
0xa6: {  	s5 =	sshll.u32 s26, $0x1;
	_ =	strace $0x80000046;
	[dreg:$0x1] =	wrdreg $0xFFFFFFFF  }
0xa7: {  	s28 =	simm.s32 $_size_execute0_lowered;
	s3 =	sadd.s32 s3, s5;
	[dreg:$0x0] =	wrdreg $0x0  }
0xa8: {  	s5 =	sshll.u32 s28, $0x1;
	[dreg:$0x2] =	wrdreg s3  }
0xa9: {  	[dreg:$0x3] =	wrdreg s5  }
0xaa: {  	[dreg:$0x4] =	wrdreg $0xC0  }
0xab: {  	_ =	task [dreg:s7], $0x5FFFF  }
0xac: {  	[dreg:$0x1] =	wrdreg $0xFFFFFFFF  }
0xad: {  	[dreg:$0x0] =	wrdreg $0x60  }
0xae: {  	[dreg:$0x2] =	wrdreg s24  }
0xaf: {  	[dreg:$0x3] =	wrdreg s2  }
0xb0: {  	[dreg:$0x4] =	wrdreg $0x9  }
0xb1: {  	_ =	task.clear_ibuf [dreg:s7], $0x5FFFF;
	_ =	strace $0x90000046  }
0xb2: {  	s29 =	simm.s32 $0x9;
	_ =	strace $0x80000048  }
0xb3: {  	_ =	swait.ge [sflag:s29], $0x1  }
0xb4: {  	[sflag:s29] =	ssyncadd.s32 $0xFFFFFFFF  }
0xb5: {  	_ =	strace $0x90000048  }
0xb6: {  	_ =	sfence  }
0xb7: {  	s30 =	sld [smem:$0x0];
	_ =	sdelay $0x2  }
0xb8: {  	s31 =	sshll.u32 s1, $0xD;
	s1 =	sshrl.u32 s1, $0x2  }
0xb9: {  	s3 =	sand.u32 $0x4000, s31;
	s1 =	sadd.s32 s1, s30  }
0xba: {  	s0 =	sor.u32 s3, s0;
	s1 =	sshll.u32 s1, $0x11  }
0xbb: {  	s0 =	sor.u32 s1, s0  }
0xbc: {  	s0 =	sadd.s32 $0x8F2B, s0  }
0xbd: {  	[sflag:s0] =	ssyncadd.remote.s32 $0x1  }
0xbe: {  	_ =	sfence.sel $0xFFFF  }
0xbf: {  	[dreg:$0x0] =	wrdreg $0xFFFFFFFF;
	(pc) =	sbr.abs _section_cstart, $3  }
0xc0: {  	[dreg:$0x1] =	wrdreg $0xFFFFFFFF  }
0xc1: {  	_ =	task.clear_ibuf [dreg:s7], $0x2FFFF;
	_ =	strace $0x9FFFFFFF  }
0xc2: {  	(tm) =	ssettm $0x7FFFFFFF  }
0xc3: {  	_ =	shalt  }
tec
execute0_lowered:
.L_overlay_start_1:
0x0: {  	(tag) =	ssettag $0x1  }
0x1: {  	s4 =	rddreg [dreg:$0x0]  }
0x2: {  	s2 =	rddreg [dreg:$0x1];
	s3 =	srdreg.scid  }
0x3: {  	s0 =	rddreg [dreg:$0x2];
	s1 =	stileid.u32  }
0x4: {  	s9 =	simm.s32 $0x80;
	s10 =	simm.s32 $0x100;
	s11 =	simm.s32 $0x3  }
0x5: {  	s12 =	simm.s32 $0x1;
	s13 =	simm.s32 $0x2;
	s14 =	simm.s32 $0x900  }
0x6: {  	s15 =	simm.s32 $0x1100;
	s16 =	simm.s32 $0x1900;
	s17 =	simm.s32 $0x2100  }
0x7: {  	s18 =	simm.s32 $0x2900;
	s19 =	simm.s32 $0x3100;
	s20 =	simm.s32 $0x3900  }
0x8: {  	s21 =	simm.s32 $0x4100;
	s22 =	simm.s32 $0x4900;
	s23 =	simm.s32 $0x5100  }
0x9: {  	s24 =	simm.s32 $0x5900;
	s25 =	simm.s32 $0x6100;
	s26 =	simm.s32 $0x6900  }
0xa: {  	s28 =	simm.s32 $0x7100;
	s29 =	simm.s32 $0x7900;
	s5 =	sand.u32 $0x1, s3  }
0xb: {  	s3 =	simm.s32 $0x0;
	s6 =	sshll.u32 s1, $0x7;
	s7 =	sshll.u32 s5, $0x6  }
0xc: {  	[smem:$0x7FF] =	sst s3;
	s5 =	ssub.s32 $0x2, s5;
	s6 =	sor.u32 s7, s6  }
0xd: {  	_ =	strace $0x80000047;
	s8 =	sshrl.u32 s5, $0x1;
	s7 =	sshrl.u32 s6, $0x3  }
0xe: {  	v2 =	vlaneseq.u32;
	s6 =	sshll.u32 s6, $0x6;
	s8 =	ssub.s32 s5, s8;
	s7 =	sadd.s32 s7, s4  }
0xf: {  	vm0 =	vmmov $0xffff;
	v1 =	vshrl.u32 v2, $0x3;
	s6 =	sadd.s32 s6, s4;
	s8 =	smax.u32 s8, $0x1;
	s4 =	sadd.s32 $0x20200, s7  }
0x10: {  	v0 =	vand.u32 $0x7, v2;
	v2 =	vor.u32 $0x8, v2;
	v1 =	vmul.u32 $0x8, v1;
	s5 =	sadd.s32 $0x20400, s7;
	s6 =	sadd.s32 $0x200, s6;
	s7 =	sadd.s32 $0x100, s2  }
.LBB2_1:
0x11: {  	[tilespmem:s3], [sflag:$0x1] =	stream.linear.gather [hbm4b:s4+s3], $0x40, $0x38;
	[tilespmem:$0x8100] =	vst v63  }
0x12: {  	_ = 	snop  }
0x13: {  	[tilespmem:s9], [sflag:$0x2] =	stream.linear.gather [hbm4b:s5+s3], $0x40, $0x38;
	[tilespmem:$0x8100] =	vst v63  }
0x14: {  	_ = 	snop  }
0x15: {  	[tilespmem:s10], [sflag:$0x3] =	stream.linear.gather [hbm4b:s6+s3], $0x8000, $0x38;
	[tilespmem:$0x8100] =	vst v63  }
0x16: {  	_ =	swait.ge [sflag:s11], $0x8000  }
0x17: {  	[sflag:s11] =	ssyncset.done $0x0  }
0x18: {  	[sflag:s11] =	ssyncadd.s32 $0xFFFF8000  }
0x19: {  	_ =	swait.ge [sflag:s12], $0x40  }
0x1a: {  	[sflag:s12] =	ssyncset.done $0x0  }
0x1b: {  	[sflag:s12] =	ssyncadd.s32 $0xFFFFFFC0  }
0x1c: {  	_ =	swait.ge [sflag:s13], $0x40  }
0x1d: {  	[sflag:s13] =	ssyncset.done $0x0  }
0x1e: {  	[sflag:s13] =	ssyncadd.s32 $0xFFFFFFC0  }
0x1f: {  	v3 =	vld [tilespmem:$0x0];
	_ =	sdelay $0x4  }
0x20: {  	v4 =	vshll.u32 v3, $0x2  }
0x21: {  	v3 =	vand.u32 $0x7, v3;
	v4 =	vand.u32 $0xFFFFFFE0, v4  }
0x22: {  	v3 =	vor.u32 v3, v4  }
0x23: {  	v4 =	vperm.xlane v3, v0;
	_ =	sdelay $0x1  }
0x24: {  	v4 =	vadd.s32 v1, v4;
	_ =	sdelay $0x1  }
0x25: {  	v3 =	vperm.xlane v3, v2;
	_ =	sdelay $0x1  }
0x26: {  	v3 =	vadd.s32 v1, v3  }
0x27: {  	[hbm4b:s2+s3] =	stream.indirect_vreg.scatter [tilespmem:s10], [sflag:$0x1], $0x80, v4, vm0, $0xb8;
	[tilespmem:$0x8100] =	vst v63  }
0x28: {  	_ = 	snop  }
0x29: {  	[hbm4b:s7+s3] =	stream.indirect_vreg.scatter [tilespmem:s14], [sflag:$0x1], $0x80, v4, vm0, $0xb8;
	[tilespmem:$0x8100] =	vst v63  }
0x2a: {  	_ = 	snop  }
0x2b: {  	[hbm4b:s2+s3] =	stream.indirect_vreg.scatter [tilespmem:s15], [sflag:$0x1], $0x80, v3, vm0, $0xb8;
	[tilespmem:$0x8100] =	vst v63  }
0x2c: {  	_ = 	snop  }
0x2d: {  	[hbm4b:s7+s3] =	stream.indirect_vreg.scatter [tilespmem:s16], [sflag:$0x1], $0x80, v3, vm0, $0xb8;
	[tilespmem:$0x8100] =	vst v63  }
0x2e: {  	v3 =	vld [tilespmem:$0x10];
	_ =	sdelay $0x4  }
0x2f: {  	v57 =	vshll.u32 v3, $0x2  }
0x30: {  	v3 =	vand.u32 $0x7, v3;
	v4 =	vand.u32 $0xFFFFFFE0, v57  }
0x31: {  	v3 =	vor.u32 v3, v4  }
0x32: {  	v4 =	vperm.xlane v3, v0;
	_ =	sdelay $0x1  }
0x33: {  	v4 =	vadd.s32 v1, v4;
	_ =	sdelay $0x1  }
0x34: {  	v3 =	vperm.xlane v3, v2;
	_ =	sdelay $0x1  }
0x35: {  	v3 =	vadd.s32 v1, v3  }
0x36: {  	[hbm4b:s2+s3] =	stream.indirect_vreg.scatter [tilespmem:s17], [sflag:$0x1], $0x80, v4, vm0, $0xb8;
	[tilespmem:$0x8100] =	vst v63  }
0x37: {  	_ = 	snop  }
0x38: {  	[hbm4b:s7+s3] =	stream.indirect_vreg.scatter [tilespmem:s18], [sflag:$0x1], $0x80, v4, vm0, $0xb8;
	[tilespmem:$0x8100] =	vst v63  }
0x39: {  	_ = 	snop  }
0x3a: {  	[hbm4b:s2+s3] =	stream.indirect_vreg.scatter [tilespmem:s19], [sflag:$0x1], $0x80, v3, vm0, $0xb8;
	[tilespmem:$0x8100] =	vst v63  }
0x3b: {  	_ = 	snop  }
0x3c: {  	[hbm4b:s7+s3] =	stream.indirect_vreg.scatter [tilespmem:s20], [sflag:$0x1], $0x80, v3, vm0, $0xb8;
	[tilespmem:$0x8100] =	vst v63  }
0x3d: {  	v3 =	vld [tilespmem:$0x20];
	_ =	sdelay $0x4  }
0x3e: {  	v58 =	vshll.u32 v3, $0x2  }
0x3f: {  	v3 =	vand.u32 $0x7, v3;
	v4 =	vand.u32 $0xFFFFFFE0, v58  }
0x40: {  	v3 =	vor.u32 v3, v4  }
0x41: {  	v4 =	vperm.xlane v3, v0;
	_ =	sdelay $0x1  }
0x42: {  	v4 =	vadd.s32 v1, v4;
	_ =	sdelay $0x1  }
0x43: {  	v3 =	vperm.xlane v3, v2;
	_ =	sdelay $0x1  }
0x44: {  	v3 =	vadd.s32 v1, v3  }
0x45: {  	[hbm4b:s2+s3] =	stream.indirect_vreg.scatter [tilespmem:s21], [sflag:$0x1], $0x80, v4, vm0, $0xb8;
	[tilespmem:$0x8100] =	vst v63  }
0x46: {  	_ = 	snop  }
0x47: {  	[hbm4b:s7+s3] =	stream.indirect_vreg.scatter [tilespmem:s22], [sflag:$0x1], $0x80, v4, vm0, $0xb8;
	[tilespmem:$0x8100] =	vst v63  }
0x48: {  	_ = 	snop  }
0x49: {  	[hbm4b:s2+s3] =	stream.indirect_vreg.scatter [tilespmem:s23], [sflag:$0x1], $0x80, v3, vm0, $0xb8;
	[tilespmem:$0x8100] =	vst v63  }
0x4a: {  	_ = 	snop  }
0x4b: {  	[hbm4b:s7+s3] =	stream.indirect_vreg.scatter [tilespmem:s24], [sflag:$0x1], $0x80, v3, vm0, $0xb8;
	[tilespmem:$0x8100] =	vst v63  }
0x4c: {  	v3 =	vld [tilespmem:$0x30];
	_ =	sdelay $0x4  }
0x4d: {  	v59 =	vshll.u32 v3, $0x2  }
0x4e: {  	v3 =	vand.u32 $0x7, v3;
	v4 =	vand.u32 $0xFFFFFFE0, v59  }
0x4f: {  	v3 =	vor.u32 v3, v4  }
0x50: {  	v4 =	vperm.xlane v3, v0;
	_ =	sdelay $0x1  }
0x51: {  	v4 =	vadd.s32 v1, v4;
	_ =	sdelay $0x1  }
0x52: {  	v3 =	vperm.xlane v3, v2;
	_ =	sdelay $0x1  }
0x53: {  	v3 =	vadd.s32 v1, v3  }
0x54: {  	[hbm4b:s2+s3] =	stream.indirect_vreg.scatter [tilespmem:s25], [sflag:$0x1], $0x80, v4, vm0, $0xb8;
	[tilespmem:$0x8100] =	vst v63  }
0x55: {  	_ = 	snop  }
0x56: {  	[hbm4b:s7+s3] =	stream.indirect_vreg.scatter [tilespmem:s26], [sflag:$0x1], $0x80, v4, vm0, $0xb8;
	[tilespmem:$0x8100] =	vst v63  }
0x57: {  	_ = 	snop  }
0x58: {  	[hbm4b:s2+s3] =	stream.indirect_vreg.scatter [tilespmem:s28], [sflag:$0x1], $0x80, v3, vm0, $0xb8;
	[tilespmem:$0x8100] =	vst v63  }
0x59: {  	_ = 	snop  }
0x5a: {  	[hbm4b:s7+s3] =	stream.indirect_vreg.scatter [tilespmem:s29], [sflag:$0x1], $0x80, v3, vm0, $0xb8;
	[tilespmem:$0x8100] =	vst v63  }
0x5b: {  	v3 =	vld [tilespmem:$0x80];
	_ =	sdelay $0x4  }
0x5c: {  	v60 =	vshll.u32 v3, $0x2  }
0x5d: {  	v3 =	vand.u32 $0x7, v3;
	v4 =	vand.u32 $0xFFFFFFE0, v60  }
0x5e: {  	v3 =	vor.u32 v3, v4  }
0x5f: {  	v4 =	vperm.xlane v3, v0;
	_ =	sdelay $0x1  }
0x60: {  	v4 =	vadd.s32 v1, v4;
	_ =	sdelay $0x1  }
0x61: {  	v3 =	vperm.xlane v3, v2;
	_ =	sdelay $0x1  }
0x62: {  	v3 =	vadd.s32 v1, v3  }
0x63: {  	[hbm4b:s2+s3] =	stream.indirect_vreg.scatter [tilespmem:s10], [sflag:$0x2], $0x80, v4, vm0, $0xb8;
	[tilespmem:$0x8100] =	vst v63  }
0x64: {  	_ = 	snop  }
0x65: {  	[hbm4b:s7+s3] =	stream.indirect_vreg.scatter [tilespmem:s14], [sflag:$0x2], $0x80, v4, vm0, $0xb8;
	[tilespmem:$0x8100] =	vst v63  }
0x66: {  	_ = 	snop  }
0x67: {  	[hbm4b:s2+s3] =	stream.indirect_vreg.scatter [tilespmem:s15], [sflag:$0x2], $0x80, v3, vm0, $0xb8;
	[tilespmem:$0x8100] =	vst v63  }
0x68: {  	_ = 	snop  }
0x69: {  	[hbm4b:s7+s3] =	stream.indirect_vreg.scatter [tilespmem:s16], [sflag:$0x2], $0x80, v3, vm0, $0xb8;
	[tilespmem:$0x8100] =	vst v63  }
0x6a: {  	v3 =	vld [tilespmem:$0x90];
	_ =	sdelay $0x4  }
0x6b: {  	v61 =	vshll.u32 v3, $0x2  }
0x6c: {  	v3 =	vand.u32 $0x7, v3;
	v4 =	vand.u32 $0xFFFFFFE0, v61  }
0x6d: {  	v3 =	vor.u32 v3, v4  }
0x6e: {  	v4 =	vperm.xlane v3, v0;
	_ =	sdelay $0x1  }
0x6f: {  	v4 =	vadd.s32 v1, v4;
	_ =	sdelay $0x1  }
0x70: {  	v3 =	vperm.xlane v3, v2;
	_ =	sdelay $0x1  }
0x71: {  	v3 =	vadd.s32 v1, v3  }
0x72: {  	[hbm4b:s2+s3] =	stream.indirect_vreg.scatter [tilespmem:s17], [sflag:$0x2], $0x80, v4, vm0, $0xb8;
	[tilespmem:$0x8100] =	vst v63  }
0x73: {  	_ = 	snop  }
0x74: {  	[hbm4b:s7+s3] =	stream.indirect_vreg.scatter [tilespmem:s18], [sflag:$0x2], $0x80, v4, vm0, $0xb8;
	[tilespmem:$0x8100] =	vst v63  }
0x75: {  	_ = 	snop  }
0x76: {  	[hbm4b:s2+s3] =	stream.indirect_vreg.scatter [tilespmem:s19], [sflag:$0x2], $0x80, v3, vm0, $0xb8;
	[tilespmem:$0x8100] =	vst v63  }
0x77: {  	_ = 	snop  }
0x78: {  	[hbm4b:s7+s3] =	stream.indirect_vreg.scatter [tilespmem:s20], [sflag:$0x2], $0x80, v3, vm0, $0xb8;
	[tilespmem:$0x8100] =	vst v63  }
0x79: {  	v3 =	vld [tilespmem:$0xA0];
	_ =	sdelay $0x4  }
0x7a: {  	v62 =	vshll.u32 v3, $0x2  }
0x7b: {  	v3 =	vand.u32 $0x7, v3;
	v4 =	vand.u32 $0xFFFFFFE0, v62  }
0x7c: {  	v3 =	vor.u32 v3, v4  }
0x7d: {  	v4 =	vperm.xlane v3, v0;
	_ =	sdelay $0x1  }
0x7e: {  	v4 =	vadd.s32 v1, v4;
	_ =	sdelay $0x1  }
0x7f: {  	v3 =	vperm.xlane v3, v2;
	_ =	sdelay $0x1  }
0x80: {  	v3 =	vadd.s32 v1, v3  }
0x81: {  	[hbm4b:s2+s3] =	stream.indirect_vreg.scatter [tilespmem:s21], [sflag:$0x2], $0x80, v4, vm0, $0xb8;
	[tilespmem:$0x8100] =	vst v63  }
0x82: {  	_ = 	snop  }
0x83: {  	[hbm4b:s7+s3] =	stream.indirect_vreg.scatter [tilespmem:s22], [sflag:$0x2], $0x80, v4, vm0, $0xb8;
	[tilespmem:$0x8100] =	vst v63  }
0x84: {  	_ = 	snop  }
0x85: {  	[hbm4b:s2+s3] =	stream.indirect_vreg.scatter [tilespmem:s23], [sflag:$0x2], $0x80, v3, vm0, $0xb8;
	[tilespmem:$0x8100] =	vst v63  }
0x86: {  	_ = 	snop  }
0x87: {  	[hbm4b:s7+s3] =	stream.indirect_vreg.scatter [tilespmem:s24], [sflag:$0x2], $0x80, v3, vm0, $0xb8;
	[tilespmem:$0x8100] =	vst v63  }
0x88: {  	v3 =	vld [tilespmem:$0xB0];
	_ =	sdelay $0x4  }
0x89: {  	v63 =	vshll.u32 v3, $0x2  }
0x8a: {  	v3 =	vand.u32 $0x7, v3;
	v4 =	vand.u32 $0xFFFFFFE0, v63  }
0x8b: {  	v3 =	vor.u32 v3, v4  }
0x8c: {  	v4 =	vperm.xlane v3, v0;
	_ =	sdelay $0x1  }
0x8d: {  	v4 =	vadd.s32 v1, v4;
	_ =	sdelay $0x1  }
0x8e: {  	v3 =	vperm.xlane v3, v2;
	_ =	sdelay $0x1  }
0x8f: {  	v3 =	vadd.s32 v1, v3  }
0x90: {  	[hbm4b:s2+s3] =	stream.indirect_vreg.scatter [tilespmem:s25], [sflag:$0x2], $0x80, v4, vm0, $0xb8;
	[tilespmem:$0x8100] =	vst v63  }
0x91: {  	_ = 	snop  }
0x92: {  	[hbm4b:s7+s3] =	stream.indirect_vreg.scatter [tilespmem:s26], [sflag:$0x2], $0x80, v4, vm0, $0xb8;
	[tilespmem:$0x8100] =	vst v63  }
0x93: {  	_ = 	snop  }
0x94: {  	[hbm4b:s2+s3] =	stream.indirect_vreg.scatter [tilespmem:s28], [sflag:$0x2], $0x80, v3, vm0, $0xb8;
	[tilespmem:$0x8100] =	vst v63  }
0x95: {  	_ = 	snop  }
0x96: {  	[hbm4b:s7+s3] =	stream.indirect_vreg.scatter [tilespmem:s29], [sflag:$0x2], $0x80, v3, vm0, $0xb8;
	[tilespmem:$0x8100] =	vst v63  }
0x97: {  	p0 =	sne.s32 s8, $0x1;
	_ =	swait.ge [sflag:s12], $0x8000  }
.Ltmp0:
0x98: {  	[sflag:s12] =	ssyncset.done $0x0;
	(pc) =	sbr.rel @p0 .LBB2_1-.Ltmp0, $4  }
0x99: {  	[sflag:s12] =	ssyncadd.s32 $0xFFFF8000  }
0x9a: {  	_ =	swait.ge [sflag:s13], $0x8000  }
0x9b: {  	[sflag:s13] =	ssyncset.done $0x0  }
0x9c: {  	s8 =	sadd.s32 $0xFFFFFFFF, s8;
	[sflag:s13] =	ssyncadd.s32 $0xFFFF8000  }
0x9d: {  	_ =	sfence.sel $0x180000  }
0x9e: {  	[bflag:$0x0] =	sbarrier.arrive $0xFFFF  }
0x9f: {  	p0 =	sne.s32 s1, $0x0;
	_ =	strace $0x90000047  }
0xa0: {  	s0 =	sadd.s32 @!p0 $0x100000, s0;
	[bflag:$0x2] =	sbarrier.arrive $0xFFFF  }
0xa1: {  	[sflag:s0] =	ssyncadd.tile.s32 @!p0 $0x1;
	_ =	shalt  }
.Lfunc_end2:
_tile_overlayer_lowered:
.L_overlay_start_2:
0xa2: {  	(tag) =	ssettag $0x2  }
0xa3: {  	s0 =	rddreg [dreg:$0x0];
	s2 =	stileid.u32  }
0xa4: {  	s1 =	rddreg [dreg:$0x1];
	p0 =	sne.s32 s2, $0x0  }
0xa5: {  	s3 =	rddreg [dreg:$0x2];
	[bflag:$0x3] =	sbarrier.arrive $0xFFFF;
	s2 =	simm.s32 @!p0 $0x1C03  }
0xa6: {  	[timem:s3], [sflag:s2] =	dma.local @!p0 [hbm:s0], s1  }
0xa7: {  	s0 =	simm.s32 @!p0 $0x3  }
0xa8: {  	_ =	swait.ge @!p0 [sflag:s0], s1  }
0xa9: {  	s1 =	ssub.s32 @!p0 $0x0, s1;
	[sflag:s0] =	ssyncset.done @!p0 $0x0  }
0xaa: {  	[sflag:s0] =	ssyncadd.s32 @!p0 s1  }
0xab: {  	[bflag:$0x3] =	sbarrier.arrive $0xFFFF  }
0xac: {  	_ =	shalt  }

// kernel: kernel.9.cloned.1.call-start
scs
__scs_entry_jumppad:
0x0: {  	(pc) =	sbr.rel $0x88, $3  }
0x1: {  	(tag) =	ssettag $0x0;
	lr =	simm.s32 $0x1  }
0x2: {  	[smem:$0x3F9C] =	sst lr;
	_ =	strace $0xD0000000  }
0x3: {  	_ = 	snop  }
0x4: {  	_ = 	snop  }
0x5: {  	_ = 	snop  }
0x6: {  	_ = 	snop  }
0x7: {  	_ = 	snop  }
__scs_overlays_trampoline_lowered:
0x8: {  	[smem:$0x3FAB] =	sst s0  }
0x9: {  	[smem:$0x3FAC] =	sst s1  }
0xa: {  	[smem:$0x3FAD] =	sst s2  }
0xb: {  	[smem:$0x3FAE] =	sst s3  }
0xc: {  	[smem:$0x3FAF] =	sst s4  }
0xd: {  	[smem:$0x3FB0] =	sst s5  }
0xe: {  	[smem:$0x3FB1] =	sst s6  }
0xf: {  	[smem:$0x3FB2] =	sst s7  }
0x10: {  	[smem:$0x3FB3] =	sst s8  }
0x11: {  	[smem:$0x3FB4] =	sst s9;
	s0 =	simm.s32 @!p0 $0x0  }
0x12: {  	s1 =	sld [smem:$0x3F9A];
	s0 =	simm.s32 @p0 $0x1  }
0x13: {  	[smem:$0x3FB5] =	sst s0;
	s0 =	simm.s32 @!p1 $0x0  }
0x14: {  	s2 =	sld [smem:$0x3F99];
	s0 =	simm.s32 @p1 $0x1  }
0x15: {  	[smem:$0x3FB6] =	sst s0;
	s0 =	simm.s32 @!p2 $0x0  }
0x16: {  	s3 =	sld [smem:$0x3FDB];
	s0 =	simm.s32 @p2 $0x1  }
0x17: {  	s4 =	simm.s32 $0x1BF5;
	[smem:$0x3FB8] =	sst s0  }
0x18: {  	s0 =	sld [smem:$0x3F9B];
	_ =	swait.ge [sflag:s4], $0x0  }
0x19: {  	s7 =	sld [smem:$0x3F9C]  }
0x1a: {  	s8 =	sadd.s32 $0xFFFFE003, lr  }
0x1b: {  	s9 =	sadd.s32 $0xFFFFFEF7, lr;
	s5 =	simm.s32 $0xFFFFFFFF;
	p2 =	slt.u32 s8, $0xFFFFF086  }
0x1c: {  	p1 =	slt.u32 s9, $0xF7A;
	s5 =	simm.s32 @!p2 $0x0  }
0x1d: {  	s5 =	simm.s32 @p1 $0x1;
	p0 =	seq.s32 s7, s2  }
0x1e: {  	s7 =	smul.u32 @!p0 $0xF7A, s2;
	p2 =	seq.s32 @!p0 s5, $0x0  }
0x1f: {  	s9 =	smul.u32 $0xF7A, s1;
	s8 =	simm.s32 @!p0 $0x1BF5;
	p2 =	por !p2, p0  }
0x20: {  	[sflag:s8] =	ssyncset.s32 @!p0 $0xFFFFF086;
	s6 =	sadd.s32 @!p0 s3, s7;
	s7 =	simm.s32 @!p0 $0x108  }
0x21: {  	s3 =	sadd.s32 s3, s9;
	s6 =	sadd.s32 @!p0 $0x88, s6;
	s7 =	simm.s32 @p2 $0x1082  }
0x22: {  	[simem:s7], [sflag:s8] =	dma.local @!p0 [hbm:s6], $0xF7A  }
0x23: {  	s9 =	sor.u32 $0xD0000000, s2;
	s6 =	simm.s32 $0x108;
	_ =	swait.ge @!p0 [sflag:s8], $0x0  }
0x24: {  	s3 =	sadd.s32 $0x88, s3;
	s6 =	simm.s32 @!p1 $0x1082;
	[sflag:s4] =	ssyncset.s32 $0xFFFFF086  }
0x25: {  	[simem:s6], [sflag:s4] =	dma.local [hbm:s3], $0xF7A  }
0x26: {  	[smem:$0x3F9C] =	sst s1;
	(tag) =	ssettag s2;
	_ =	strace s9  }
0x27: {  	s1 =	sld [smem:$0x3FAC]  }
0x28: {  	s2 =	sld [smem:$0x3FAD]  }
0x29: {  	s4 =	sld [smem:$0x3FAF]  }
0x2a: {  	p0 =	seq.s32 s5, $0x0;
	s5 =	sld [smem:$0x3FB0]  }
0x2b: {  	s6 =	sld [smem:$0x3FB1]  }
0x2c: {  	s7 =	sld [smem:$0x3FB2]  }
0x2d: {  	s3 =	simm.s32 $0x108;
	s8 =	sld [smem:$0x3FB3]  }
0x2e: {  	s3 =	simm.s32 @!p0 $0x1082;
	s9 =	sld [smem:$0x3FB4]  }
0x2f: {  	lr =	sadd.s32 s0, s3;
	s0 =	sld [smem:$0x3FAB]  }
0x30: {  	s3 =	sld [smem:$0x3FAE]  }
0x31: {  	[smem:$0x3FB7] =	sst s10  }
0x32: {  	s10 =	sld [smem:$0x3FB5];
	_ =	sdelay $0x3  }
0x33: {  	p0 =	seq.s32 s10, $0x1;
	s10 =	sld [smem:$0x3FB7];
	_ =	sdelay $0x3  }
0x34: {  	[smem:$0x3FB7] =	sst s10  }
0x35: {  	s10 =	sld [smem:$0x3FB6];
	_ =	sdelay $0x3  }
0x36: {  	p1 =	seq.s32 s10, $0x1;
	s10 =	sld [smem:$0x3FB7];
	_ =	sdelay $0x3  }
0x37: {  	[smem:$0x3FB7] =	sst s10  }
0x38: {  	s10 =	sld [smem:$0x3FB8]  }
0x39: {  	_ = 	snop;
	(pc) =	sbr.ind lr, $3  }
0x3a: {  	_ = 	snop  }
0x3b: {  	_ = 	snop  }
0x3c: {  	p2 =	seq.s32 s10, $0x1;
	s10 =	sld [smem:$0x3FB7]  }
0x3d: {  	_ =	shalt  }
0x3e: {  	_ =	shalt  }
0x3f: {  	_ =	shalt  }
0x40: {  	_ =	shalt  }
0x41: {  	_ =	shalt  }
0x42: {  	_ =	shalt  }
0x43: {  	_ =	shalt  }
0x44: {  	_ =	shalt  }
0x45: {  	_ =	shalt  }
0x46: {  	_ =	shalt  }
0x47: {  	_ =	shalt  }
0x48: {  	_ =	shalt  }
0x49: {  	_ =	shalt  }
0x4a: {  	_ =	shalt  }
0x4b: {  	_ =	shalt  }
0x4c: {  	_ =	shalt  }
0x4d: {  	_ =	shalt  }
0x4e: {  	_ =	shalt  }
0x4f: {  	_ =	shalt  }
0x50: {  	_ =	shalt  }
0x51: {  	_ =	shalt  }
0x52: {  	_ =	shalt  }
0x53: {  	_ =	shalt  }
0x54: {  	_ =	shalt  }
0x55: {  	_ =	shalt  }
0x56: {  	_ =	shalt  }
0x57: {  	_ =	shalt  }
0x58: {  	_ =	shalt  }
0x59: {  	_ =	shalt  }
0x5a: {  	_ =	shalt  }
0x5b: {  	_ =	shalt  }
0x5c: {  	_ =	shalt  }
0x5d: {  	_ =	shalt  }
0x5e: {  	_ =	shalt  }
0x5f: {  	_ =	shalt  }
0x60: {  	_ =	shalt  }
0x61: {  	_ =	shalt  }
0x62: {  	_ =	shalt  }
0x63: {  	_ =	shalt  }
0x64: {  	_ =	shalt  }
0x65: {  	_ =	shalt  }
0x66: {  	_ =	shalt  }
0x67: {  	_ =	shalt  }
0x68: {  	_ =	shalt  }
0x69: {  	_ =	shalt  }
0x6a: {  	_ =	shalt  }
0x6b: {  	_ =	shalt  }
0x6c: {  	_ =	shalt  }
0x6d: {  	_ =	shalt  }
0x6e: {  	_ =	shalt  }
0x6f: {  	_ =	shalt  }
0x70: {  	_ =	shalt  }
0x71: {  	_ =	shalt  }
0x72: {  	_ =	shalt  }
0x73: {  	_ =	shalt  }
0x74: {  	_ =	shalt  }
0x75: {  	_ =	shalt  }
0x76: {  	_ =	shalt  }
0x77: {  	_ =	shalt  }
0x78: {  	_ =	shalt  }
0x79: {  	_ =	shalt  }
0x7a: {  	_ =	shalt  }
0x7b: {  	_ =	shalt  }
0x7c: {  	_ =	shalt  }
0x7d: {  	_ =	shalt  }
0x7e: {  	_ =	shalt  }
0x7f: {  	_ =	shalt  }
0x80: {  	_ =	shalt  }
0x81: {  	_ =	shalt  }
0x82: {  	_ =	shalt  }
0x83: {  	_ =	shalt  }
0x84: {  	_ =	shalt  }
0x85: {  	_ =	shalt  }
0x86: {  	_ =	shalt  }
0x87: {  	_ =	shalt  }
.Lfunc_end0:
.L_simem_size_0:
called_computation.1_lowered:
.L_overlay_start_0:
0x88: {  	s2 =	sld [smem:$0x3FD9]  }
0x89: {  	s3 =	sld [smem:$0x3FFE];
	_ =	sdelay $0x1  }
0x8a: {  	s1 =	srdreg.scid  }
0x8b: {  	s0 =	sand.u32 $0x1, s1  }
0x8c: {  	s17 =	sshll.u32 s0, $0xA;
	s2 =	sadd.s32 s3, s2  }
0x8d: {  	s2 =	sadd.s32 s2, s17  }
0x8e: {  	[smem:$0x3FC3] =	sst s2  }
0x8f: {  	_ = 	snop  }
0x90: {  	s2 =	sld [smem:$0x3FD0];
	(tm) =	ssettm $0x1  }
0x91: {  	s18 =	sld [smem:$0x3FFB];
	_ =	sdelay $0x3  }
0x92: {  	_ =	strace s18  }
0x93: {  	s3 =	sld [smem:$0x3FFC];
	_ =	sdelay $0x3  }
0x94: {  	_ =	strace s3  }
0x95: {  	s3 =	sld [smem:$0x3FFD];
	_ =	sdelay $0x3  }
0x96: {  	_ =	strace s3  }
0x97: {  	_ =	strace $0x8FFFFFFF  }
0x98: {  	s19 =	sld [smem:$0x3FDB];
	_ =	sdelay $0x1  }
0x99: {  	s4 =	simm.s32 $_scs_section_size  }
0x9a: {  	s5 =	simm.s32 $_size__tile_overlayer_lowered;
	s6 =	simm.s32 $_tile_overlayer_lowered  }
0x9b: {  	s22 =	simm.s32 $0x1BFF;
	s21 =	sshll.u32 s6, $0x1;
	s3 =	sadd.s32 s4, s19  }
0x9c: {  	s7 =	simm.s32 $0x0;
	s20 =	sshll.u32 s5, $0x1;
	s5 =	sadd.s32 s21, s3  }
0x9d: {  	[timem:s7], [sflag:s22] =	dma.local [hbm:s5], s20  }
0x9e: {  	_ =	swait.ge [sflag:s22], s20  }
0x9f: {  	s4 =	ssub.s32 $0x0, s20;
	[sflag:s22] =	ssyncset.done $0x0  }
0xa0: {  	[sflag:s22] =	ssyncadd.s32 s4;
	_ =	sdelay $0x1  }
0xa1: {  	s23 =	simm.s32 $0x1B8B  }
0xa2: {  	_ =	swait.ge [sflag:s23], $0x1  }
0xa3: {  	[sflag:s23] =	ssyncset.done $0x0  }
0xa4: {  	s25 =	simm.s32 $0x1B8E;
	s24 =	sld [smem:$0x3FFE];
	[sflag:s23] =	ssyncadd.s32 $0xFFFFFFFF  }
0xa5: {  	s26 =	simm.s32 $execute0_lowered;
	[smem:$0x3FD2] =	sst s25  }
0xa6: {  	s5 =	sshll.u32 s26, $0x1;
	_ =	strace $0x80000049;
	[dreg:$0x1] =	wrdreg $0xFFFFFFFF  }
0xa7: {  	s28 =	simm.s32 $_size_execute0_lowered;
	s3 =	sadd.s32 s3, s5;
	[dreg:$0x0] =	wrdreg $0x0  }
0xa8: {  	s5 =	sshll.u32 s28, $0x1;
	[dreg:$0x2] =	wrdreg s3  }
0xa9: {  	[dreg:$0x3] =	wrdreg s5  }
0xaa: {  	[dreg:$0x4] =	wrdreg $0xC0  }
0xab: {  	_ =	task [dreg:s7], $0x5FFFF  }
0xac: {  	[dreg:$0x1] =	wrdreg $0xFFFFFFFF  }
0xad: {  	[dreg:$0x0] =	wrdreg $0x60  }
0xae: {  	[dreg:$0x2] =	wrdreg s24  }
0xaf: {  	[dreg:$0x3] =	wrdreg s2  }
0xb0: {  	[dreg:$0x4] =	wrdreg $0x9  }
0xb1: {  	_ =	task.clear_ibuf [dreg:s7], $0x5FFFF;
	_ =	strace $0x90000049  }
0xb2: {  	s29 =	simm.s32 $0x9;
	_ =	strace $0x8000004B  }
0xb3: {  	_ =	swait.ge [sflag:s29], $0x1  }
0xb4: {  	[sflag:s29] =	ssyncadd.s32 $0xFFFFFFFF  }
0xb5: {  	_ =	strace $0x9000004B  }
0xb6: {  	_ =	sfence  }
0xb7: {  	s30 =	sld [smem:$0x0];
	_ =	sdelay $0x2  }
0xb8: {  	s31 =	sshll.u32 s1, $0xD;
	s1 =	sshrl.u32 s1, $0x2  }
0xb9: {  	s3 =	sand.u32 $0x4000, s31;
	s1 =	sadd.s32 s1, s30  }
0xba: {  	s0 =	sor.u32 s3, s0;
	s1 =	sshll.u32 s1, $0x11  }
0xbb: {  	s0 =	sor.u32 s1, s0  }
0xbc: {  	s0 =	sadd.s32 $0x8F2B, s0  }
0xbd: {  	[sflag:s0] =	ssyncadd.remote.s32 $0x1  }
0xbe: {  	_ =	sfence.sel $0xFFFF  }
0xbf: {  	[dreg:$0x0] =	wrdreg $0xFFFFFFFF;
	(pc) =	sbr.abs _section_cstart, $3  }
0xc0: {  	[dreg:$0x1] =	wrdreg $0xFFFFFFFF  }
0xc1: {  	_ =	task.clear_ibuf [dreg:s7], $0x2FFFF;
	_ =	strace $0x9FFFFFFF  }
0xc2: {  	(tm) =	ssettm $0x7FFFFFFF  }
0xc3: {  	_ =	shalt  }
tec
execute0_lowered:
.L_overlay_start_1:
0x0: {  	(tag) =	ssettag $0x1  }
0x1: {  	s0 =	rddreg [dreg:$0x0]  }
0x2: {  	s1 =	rddreg [dreg:$0x1]  }
0x3: {  	s3 =	srdreg.scid;
	s2 =	simm.s32 $0x0;
	s5 =	stileid.u32  }
0x4: {  	s15 =	simm.s32 $0x1;
	s16 =	simm.s32 $0x2;
	s29 =	simm.s32 $0x13100  }
0x5: {  	s30 =	simm.s32 $0x13900;
	s31 =	simm.s32 $0x14100;
	s4 =	sand.u32 $0x1, s3  }
0x6: {  	[smem:$0x7FF] =	sst s2;
	s26 =	sshll.u32 s5, $0x7;
	s28 =	sshll.u32 s4, $0x6  }
0x7: {  	s3 =	sadd.s32 $0x30600, s0;
	s4 =	ssub.s32 $0x2, s4;
	s7 =	sor.u32 s28, s26  }
0x8: {  	_ =	strace $0x8000004A;
	s8 =	sshrl.u32 s4, $0x1;
	s5 =	sshll.u32 s7, $0x4  }
0x9: {  	s6 =	sshrl.u32 s7, $0x3;
	s11 =	ssub.s32 s4, s8;
	s10 =	sshll.u32 s7, $0x7  }
0xa: {  	s8 =	sadd.s32 $0x30700, s0;
	s5 =	sadd.s32 s5, s0;
	s9 =	sadd.s32 s6, s0  }
0xb: {  	v2 =	vlaneseq.u32;
	s11 =	smax.u32 s11, $0x1;
	s0 =	simm.s32 $0x3;
	s4 =	sadd.s32 $0x20600, s5  }
0xc: {  	vm0 =	vmmov $0xffff;
	v1 =	vshrl.u32 v2, $0x3;
	s6 =	sadd.s32 $0x20200, s9;
	s7 =	sadd.s32 $0x20400, s9;
	s9 =	sadd.s32 s1, s10  }
0xd: {  	v0 =	vand.u32 $0x7, v2;
	v2 =	vor.u32 $0x8, v2;
	v1 =	vmul.u32 $0x8, v1;
	s5 =	sadd.s32 $0x28600, s5;
	s1 =	simm.s32 $0x0;
	s10 =	sadd.s32 $0x1000, s9  }
.LBB2_1:
0xe: {  	s12 =	simm.s32 $0x100  }
0xf: {  	[tilespmem:s12], [sflag:$0x1] =	stream.linear.gather [hbm4b:s4+s2], $0x2000, $0x38;
	[tilespmem:$0x1C100] =	vst v63  }
0x10: {  	s22 =	simm.s32 $0x2100  }
0x11: {  	[tilespmem:s22], [sflag:$0x2] =	stream.linear.gather [hbm4b:s5+s2], $0x2000, $0x38;
	[tilespmem:$0x1C100] =	vst v63  }
0x12: {  	_ = 	snop  }
0x13: {  	[tilespmem:s2], [sflag:$0x1] =	stream.linear.gather [hbm4b:s6+s2], $0x40, $0x38;
	[tilespmem:$0x1C100] =	vst v63  }
0x14: {  	s23 =	simm.s32 $0x80  }
0x15: {  	[tilespmem:s23], [sflag:$0x2] =	stream.linear.gather [hbm4b:s7+s2], $0x40, $0x38;
	[tilespmem:$0x1C100] =	vst v63  }
0x16: {  	_ =	swait.ge [sflag:s15], $0x2000  }
0x17: {  	[sflag:s15] =	ssyncset.done $0x0  }
0x18: {  	[sflag:s15] =	ssyncadd.s32 $0xFFFFE000  }
0x19: {  	_ =	swait.ge [sflag:s16], $0x2000  }
0x1a: {  	[sflag:s16] =	ssyncset.done $0x0  }
0x1b: {  	[sflag:s16] =	ssyncadd.s32 $0xFFFFE000  }
0x1c: {  	_ =	swait.ge [sflag:s15], $0x40  }
0x1d: {  	[sflag:s15] =	ssyncset.done $0x0  }
0x1e: {  	[sflag:s15] =	ssyncadd.s32 $0xFFFFFFC0  }
0x1f: {  	_ =	swait.ge [sflag:s16], $0x40  }
0x20: {  	[sflag:s16] =	ssyncset.done $0x0  }
0x21: {  	[sflag:s16] =	ssyncadd.s32 $0xFFFFFFC0  }
0x22: {  	v3 =	vld [tilespmem:$0x0];
	_ =	sdelay $0x4  }
0x23: {  	v4 =	vshll.u32 v3, $0x2  }
0x24: {  	v3 =	vand.u32 $0x7, v3;
	v4 =	vand.u32 $0xFFFFFFE0, v4  }
0x25: {  	v3 =	vor.u32 v3, v4  }
0x26: {  	v4 =	vperm.xlane v3, v0;
	_ =	sdelay $0x1  }
0x27: {  	v4 =	vadd.s32 v1, v4;
	_ =	sdelay $0x1  }
0x28: {  	v3 =	vperm.xlane v3, v2;
	_ =	sdelay $0x1  }
0x29: {  	s24 =	simm.s32 $0x4100;
	v3 =	vadd.s32 v1, v3  }
0x2a: {  	[tilespmem:s24], [sflag:$0x1] =	stream.indirect_vreg.gather [hbm4b:s3+s2], $0x80, v4, vm0, $0xb8;
	[tilespmem:$0x1C100] =	vst v63  }
0x2b: {  	s25 =	simm.s32 $0x4900  }
0x2c: {  	[tilespmem:s25], [sflag:$0x1] =	stream.indirect_vreg.gather [hbm4b:s8+s2], $0x80, v4, vm0, $0xb8;
	[tilespmem:$0x1C100] =	vst v63  }
0x2d: {  	s26 =	simm.s32 $0x5100  }
0x2e: {  	[tilespmem:s26], [sflag:$0x1] =	stream.indirect_vreg.gather [hbm4b:s3+s2], $0x80, v3, vm0, $0xb8;
	[tilespmem:$0x1C100] =	vst v63  }
0x2f: {  	s28 =	simm.s32 $0x5900  }
0x30: {  	[tilespmem:s28], [sflag:$0x1] =	stream.indirect_vreg.gather [hbm4b:s8+s2], $0x80, v3, vm0, $0xb8;
	[tilespmem:$0x1C100] =	vst v63  }
0x31: {  	v3 =	vld [tilespmem:$0x10];
	_ =	sdelay $0x4  }
0x32: {  	v57 =	vshll.u32 v3, $0x2  }
0x33: {  	v3 =	vand.u32 $0x7, v3;
	v4 =	vand.u32 $0xFFFFFFE0, v57  }
0x34: {  	v3 =	vor.u32 v3, v4  }
0x35: {  	v4 =	vperm.xlane v3, v0;
	_ =	sdelay $0x1  }
0x36: {  	v4 =	vadd.s32 v1, v4;
	_ =	sdelay $0x1  }
0x37: {  	v3 =	vperm.xlane v3, v2;
	_ =	sdelay $0x1  }
0x38: {  	s13 =	simm.s32 $0x6100;
	v3 =	vadd.s32 v1, v3  }
0x39: {  	[tilespmem:s13], [sflag:$0x1] =	stream.indirect_vreg.gather [hbm4b:s3+s2], $0x80, v4, vm0, $0xb8;
	[tilespmem:$0x1C100] =	vst v63  }
0x3a: {  	s14 =	simm.s32 $0x6900  }
0x3b: {  	[tilespmem:s14], [sflag:$0x1] =	stream.indirect_vreg.gather [hbm4b:s8+s2], $0x80, v4, vm0, $0xb8;
	[tilespmem:$0x1C100] =	vst v63  }
0x3c: {  	s17 =	simm.s32 $0x7100  }
0x3d: {  	[tilespmem:s17], [sflag:$0x1] =	stream.indirect_vreg.gather [hbm4b:s3+s2], $0x80, v3, vm0, $0xb8;
	[tilespmem:$0x1C100] =	vst v63  }
0x3e: {  	s18 =	simm.s32 $0x7900  }
0x3f: {  	[tilespmem:s18], [sflag:$0x1] =	stream.indirect_vreg.gather [hbm4b:s8+s2], $0x80, v3, vm0, $0xb8;
	[tilespmem:$0x1C100] =	vst v63  }
0x40: {  	v3 =	vld [tilespmem:$0x80];
	_ =	sdelay $0x4  }
0x41: {  	v58 =	vshll.u32 v3, $0x2  }
0x42: {  	v3 =	vand.u32 $0x7, v3;
	v4 =	vand.u32 $0xFFFFFFE0, v58  }
0x43: {  	v3 =	vor.u32 v3, v4  }
0x44: {  	v4 =	vperm.xlane v3, v0;
	_ =	sdelay $0x1  }
0x45: {  	v4 =	vadd.s32 v1, v4;
	_ =	sdelay $0x1  }
0x46: {  	v3 =	vperm.xlane v3, v2;
	_ =	sdelay $0x1  }
0x47: {  	s19 =	simm.s32 $0x8100;
	v3 =	vadd.s32 v1, v3  }
0x48: {  	[tilespmem:s19], [sflag:$0x2] =	stream.indirect_vreg.gather [hbm4b:s3+s2], $0x80, v4, vm0, $0xb8;
	[tilespmem:$0x1C100] =	vst v63  }
0x49: {  	s20 =	simm.s32 $0x8900  }
0x4a: {  	[tilespmem:s20], [sflag:$0x2] =	stream.indirect_vreg.gather [hbm4b:s8+s2], $0x80, v4, vm0, $0xb8;
	[tilespmem:$0x1C100] =	vst v63  }
0x4b: {  	s21 =	simm.s32 $0x9100  }
0x4c: {  	[tilespmem:s21], [sflag:$0x2] =	stream.indirect_vreg.gather [hbm4b:s3+s2], $0x80, v3, vm0, $0xb8;
	[tilespmem:$0x1C100] =	vst v63  }
0x4d: {  	s22 =	simm.s32 $0x9900  }
0x4e: {  	[tilespmem:s22], [sflag:$0x2] =	stream.indirect_vreg.gather [hbm4b:s8+s2], $0x80, v3, vm0, $0xb8;
	[tilespmem:$0x1C100] =	vst v63  }
0x4f: {  	v3 =	vld [tilespmem:$0x90];
	_ =	sdelay $0x4  }
0x50: {  	v59 =	vshll.u32 v3, $0x2  }
0x51: {  	v3 =	vand.u32 $0x7, v3;
	v4 =	vand.u32 $0xFFFFFFE0, v59  }
0x52: {  	v3 =	vor.u32 v3, v4  }
0x53: {  	v4 =	vperm.xlane v3, v0;
	_ =	sdelay $0x1  }
0x54: {  	v4 =	vadd.s32 v1, v4;
	_ =	sdelay $0x1  }
0x55: {  	v3 =	vperm.xlane v3, v2;
	_ =	sdelay $0x1  }
0x56: {  	s23 =	simm.s32 $0xA100;
	v3 =	vadd.s32 v1, v3  }
0x57: {  	[tilespmem:s23], [sflag:$0x2] =	stream.indirect_vreg.gather [hbm4b:s3+s2], $0x80, v4, vm0, $0xb8;
	[tilespmem:$0x1C100] =	vst v63  }
0x58: {  	s24 =	simm.s32 $0xA900  }
0x59: {  	[tilespmem:s24], [sflag:$0x2] =	stream.indirect_vreg.gather [hbm4b:s8+s2], $0x80, v4, vm0, $0xb8;
	[tilespmem:$0x1C100] =	vst v63  }
0x5a: {  	s25 =	simm.s32 $0xB100  }
0x5b: {  	[tilespmem:s25], [sflag:$0x2] =	stream.indirect_vreg.gather [hbm4b:s3+s2], $0x80, v3, vm0, $0xb8;
	[tilespmem:$0x1C100] =	vst v63  }
0x5c: {  	s26 =	simm.s32 $0xB900  }
0x5d: {  	[tilespmem:s26], [sflag:$0x2] =	stream.indirect_vreg.gather [hbm4b:s8+s2], $0x80, v3, vm0, $0xb8;
	[tilespmem:$0x1C100] =	vst v63  }
0x5e: {  	v3 =	vld [tilespmem:$0x20];
	_ =	sdelay $0x4  }
0x5f: {  	v60 =	vshll.u32 v3, $0x2  }
0x60: {  	v3 =	vand.u32 $0x7, v3;
	v4 =	vand.u32 $0xFFFFFFE0, v60  }
0x61: {  	v3 =	vor.u32 v3, v4  }
0x62: {  	v4 =	vperm.xlane v3, v0;
	_ =	sdelay $0x1  }
0x63: {  	v4 =	vadd.s32 v1, v4;
	_ =	sdelay $0x1  }
0x64: {  	v3 =	vperm.xlane v3, v2;
	_ =	sdelay $0x1  }
0x65: {  	s28 =	simm.s32 $0xC100;
	v3 =	vadd.s32 v1, v3  }
0x66: {  	[tilespmem:s28], [sflag:$0x1] =	stream.indirect_vreg.gather [hbm4b:s3+s2], $0x80, v4, vm0, $0xb8;
	[tilespmem:$0x1C100] =	vst v63  }
0x67: {  	s13 =	simm.s32 $0xC900  }
0x68: {  	[tilespmem:s13], [sflag:$0x1] =	stream.indirect_vreg.gather [hbm4b:s8+s2], $0x80, v4, vm0, $0xb8;
	[tilespmem:$0x1C100] =	vst v63  }
0x69: {  	s14 =	simm.s32 $0xD100  }
0x6a: {  	[tilespmem:s14], [sflag:$0x1] =	stream.indirect_vreg.gather [hbm4b:s3+s2], $0x80, v3, vm0, $0xb8;
	[tilespmem:$0x1C100] =	vst v63  }
0x6b: {  	s17 =	simm.s32 $0xD900  }
0x6c: {  	[tilespmem:s17], [sflag:$0x1] =	stream.indirect_vreg.gather [hbm4b:s8+s2], $0x80, v3, vm0, $0xb8;
	[tilespmem:$0x1C100] =	vst v63  }
0x6d: {  	v3 =	vld [tilespmem:$0x30];
	_ =	sdelay $0x4  }
0x6e: {  	v61 =	vshll.u32 v3, $0x2  }
0x6f: {  	v3 =	vand.u32 $0x7, v3;
	v4 =	vand.u32 $0xFFFFFFE0, v61  }
0x70: {  	v3 =	vor.u32 v3, v4  }
0x71: {  	v4 =	vperm.xlane v3, v0;
	_ =	sdelay $0x1  }
0x72: {  	v4 =	vadd.s32 v1, v4;
	_ =	sdelay $0x1  }
0x73: {  	v3 =	vperm.xlane v3, v2;
	_ =	sdelay $0x1  }
0x74: {  	s18 =	simm.s32 $0xE100;
	v3 =	vadd.s32 v1, v3  }
0x75: {  	[tilespmem:s18], [sflag:$0x1] =	stream.indirect_vreg.gather [hbm4b:s3+s2], $0x80, v4, vm0, $0xb8;
	[tilespmem:$0x1C100] =	vst v63  }
0x76: {  	s19 =	simm.s32 $0xE900  }
0x77: {  	[tilespmem:s19], [sflag:$0x1] =	stream.indirect_vreg.gather [hbm4b:s8+s2], $0x80, v4, vm0, $0xb8;
	[tilespmem:$0x1C100] =	vst v63  }
0x78: {  	s20 =	simm.s32 $0xF100  }
0x79: {  	[tilespmem:s20], [sflag:$0x1] =	stream.indirect_vreg.gather [hbm4b:s3+s2], $0x80, v3, vm0, $0xb8;
	[tilespmem:$0x1C100] =	vst v63  }
0x7a: {  	s21 =	simm.s32 $0xF900  }
0x7b: {  	[tilespmem:s21], [sflag:$0x1] =	stream.indirect_vreg.gather [hbm4b:s8+s2], $0x80, v3, vm0, $0xb8;
	[tilespmem:$0x1C100] =	vst v63  }
0x7c: {  	v3 =	vld [tilespmem:$0xA0];
	_ =	sdelay $0x4  }
0x7d: {  	v62 =	vshll.u32 v3, $0x2  }
0x7e: {  	v3 =	vand.u32 $0x7, v3;
	v4 =	vand.u32 $0xFFFFFFE0, v62  }
0x7f: {  	v3 =	vor.u32 v3, v4  }
0x80: {  	v4 =	vperm.xlane v3, v0;
	_ =	sdelay $0x1  }
0x81: {  	v4 =	vadd.s32 v1, v4;
	_ =	sdelay $0x1  }
0x82: {  	v3 =	vperm.xlane v3, v2;
	_ =	sdelay $0x1  }
0x83: {  	s22 =	simm.s32 $0x10100;
	v3 =	vadd.s32 v1, v3  }
0x84: {  	[tilespmem:s22], [sflag:$0x2] =	stream.indirect_vreg.gather [hbm4b:s3+s2], $0x80, v4, vm0, $0xb8;
	[tilespmem:$0x1C100] =	vst v63  }
0x85: {  	s23 =	simm.s32 $0x10900  }
0x86: {  	[tilespmem:s23], [sflag:$0x2] =	stream.indirect_vreg.gather [hbm4b:s8+s2], $0x80, v4, vm0, $0xb8;
	[tilespmem:$0x1C100] =	vst v63  }
0x87: {  	s24 =	simm.s32 $0x11100  }
0x88: {  	[tilespmem:s24], [sflag:$0x2] =	stream.indirect_vreg.gather [hbm4b:s3+s2], $0x80, v3, vm0, $0xb8;
	[tilespmem:$0x1C100] =	vst v63  }
0x89: {  	s25 =	simm.s32 $0x11900  }
0x8a: {  	[tilespmem:s25], [sflag:$0x2] =	stream.indirect_vreg.gather [hbm4b:s8+s2], $0x80, v3, vm0, $0xb8;
	[tilespmem:$0x1C100] =	vst v63  }
0x8b: {  	v3 =	vld [tilespmem:$0xB0];
	_ =	sdelay $0x4  }
0x8c: {  	v63 =	vshll.u32 v3, $0x2  }
0x8d: {  	v3 =	vand.u32 $0x7, v3;
	v4 =	vand.u32 $0xFFFFFFE0, v63  }
0x8e: {  	v3 =	vor.u32 v3, v4  }
0x8f: {  	v4 =	vperm.xlane v3, v0;
	_ =	sdelay $0x1  }
0x90: {  	v4 =	vadd.s32 v1, v4;
	_ =	sdelay $0x1  }
0x91: {  	v3 =	vperm.xlane v3, v2;
	_ =	sdelay $0x1  }
0x92: {  	s26 =	simm.s32 $0x12100;
	v3 =	vadd.s32 v1, v3  }
0x93: {  	[tilespmem:s26], [sflag:$0x2] =	stream.indirect_vreg.gather [hbm4b:s3+s2], $0x80, v4, vm0, $0xb8;
	[tilespmem:$0x1C100] =	vst v63  }
0x94: {  	s28 =	simm.s32 $0x12900  }
0x95: {  	[tilespmem:s28], [sflag:$0x2] =	stream.indirect_vreg.gather [hbm4b:s8+s2], $0x80, v4, vm0, $0xb8;
	[tilespmem:$0x1C100] =	vst v63  }
0x96: {  	_ = 	snop  }
0x97: {  	[tilespmem:s29], [sflag:$0x2] =	stream.indirect_vreg.gather [hbm4b:s3+s2], $0x80, v3, vm0, $0xb8;
	[tilespmem:$0x1C100] =	vst v63  }
0x98: {  	_ = 	snop  }
0x99: {  	[tilespmem:s30], [sflag:$0x2] =	stream.indirect_vreg.gather [hbm4b:s8+s2], $0x80, v3, vm0, $0xb8;
	[tilespmem:$0x1C100] =	vst v63  }
0x9a: {  	_ =	swait.ge [sflag:s15], $0x4000  }
0x9b: {  	[sflag:s15] =	ssyncset.done $0x0  }
0x9c: {  	[sflag:s15] =	ssyncadd.s32 $0xFFFFC000  }
0x9d: {  	_ =	swait.ge [sflag:s16], $0x4000  }
0x9e: {  	s12 =	simm.s32 $0xFFFFFFFC;
	s13 =	simm.s32 $0x2200;
	[sflag:s16] =	ssyncset.done $0x0  }
0x9f: {  	s14 =	simm.s32 $0x200;
	s17 =	simm.s32 $0x0;
	[sflag:s16] =	ssyncadd.s32 $0xFFFFC000  }
.LBB2_2:
0xa0: {  	s12 =	sadd.s32 $0x4, s12  }
0xa1: {  	s18 =	sshll.u32 s12, $0x9  }
0xa2: {  	s23 =	sand.u32 $0x200, s17;
	s22 =	sand.u32 $0xFFFFF000, s18  }
0xa3: {  	v4 =	vld [tilespmem:s14+$0xFFFFFF00];
	s19 =	sor.u32 s23, s22  }
0xa4: {  	v5 =	vld [tilespmem:s19+$0x4100]  }
0xa5: {  	v6 =	vld [tilespmem:s19+$0x8100]  }
0xa6: {  	v3 =	vld [tilespmem:s13+$0xFFFFFF00];
	_ =	sdelay $0x3  }
0xa7: {  	v7 =	vshll.u32 v5, $0x10;
	v8 =	vshll.u32 v6, $0x10;
	v5 =	vand.u32 $0xFFFF0000, v5  }
0xa8: {  	s20 =	sshll.u32 s12, $0xA;
	v6 =	vand.u32 $0xFFFF0000, v6;
	v7 =	vmul.f32 v7, v4;
	v8 =	vmul.f32 v8, v3  }
0xa9: {  	s20 =	sand.u32 $0x3FFFE000, s20;
	v5 =	vmul.f32 v5, v4;
	v6 =	vmul.f32 v6, v3  }
0xaa: {  	s25 =	sadd.s32 $0x14100, s20;
	v7 =	vadd.f32 v8, v7  }
0xab: {  	s18 =	sor.u32 s23, s25;
	v5 =	vadd.f32 v6, v5  }
0xac: {  	[tilespmem:s18+$0x0] =	vst v7  }
0xad: {  	[tilespmem:s18+$0x1000] =	vst v5  }
0xae: {  	v5 =	vld [tilespmem:s19+$0x4110]  }
0xaf: {  	v23 =	vld [tilespmem:s19+$0x8110];
	_ =	sdelay $0x4  }
0xb0: {  	v24 =	vshll.u32 v5, $0x10;
	v25 =	vshll.u32 v23, $0x10;
	v5 =	vand.u32 $0xFFFF0000, v5  }
0xb1: {  	v6 =	vand.u32 $0xFFFF0000, v23;
	v7 =	vmul.f32 v24, v4;
	v8 =	vmul.f32 v25, v3  }
0xb2: {  	v5 =	vmul.f32 v5, v4;
	v6 =	vmul.f32 v6, v3  }
0xb3: {  	v7 =	vadd.f32 v8, v7  }
0xb4: {  	v5 =	vadd.f32 v6, v5  }
0xb5: {  	[tilespmem:s18+$0x10] =	vst v7  }
0xb6: {  	[tilespmem:s18+$0x1010] =	vst v5  }
0xb7: {  	v5 =	vld [tilespmem:s19+$0x4120]  }
0xb8: {  	v26 =	vld [tilespmem:s19+$0x8120];
	_ =	sdelay $0x4  }
0xb9: {  	v27 =	vshll.u32 v5, $0x10;
	v28 =	vshll.u32 v26, $0x10;
	v5 =	vand.u32 $0xFFFF0000, v5  }
0xba: {  	v6 =	vand.u32 $0xFFFF0000, v26;
	v7 =	vmul.f32 v27, v4;
	v8 =	vmul.f32 v28, v3  }
0xbb: {  	v5 =	vmul.f32 v5, v4;
	v6 =	vmul.f32 v6, v3  }
0xbc: {  	v7 =	vadd.f32 v8, v7  }
0xbd: {  	v5 =	vadd.f32 v6, v5  }
0xbe: {  	[tilespmem:s18+$0x20] =	vst v7  }
0xbf: {  	[tilespmem:s18+$0x1020] =	vst v5  }
0xc0: {  	v5 =	vld [tilespmem:s19+$0x4130]  }
0xc1: {  	v29 =	vld [tilespmem:s19+$0x8130];
	_ =	sdelay $0x4  }
0xc2: {  	v30 =	vshll.u32 v5, $0x10;
	v31 =	vshll.u32 v29, $0x10;
	v5 =	vand.u32 $0xFFFF0000, v5  }
0xc3: {  	v6 =	vand.u32 $0xFFFF0000, v29;
	v7 =	vmul.f32 v30, v4;
	v8 =	vmul.f32 v31, v3  }
0xc4: {  	v5 =	vmul.f32 v5, v4;
	v6 =	vmul.f32 v6, v3  }
0xc5: {  	v7 =	vadd.f32 v8, v7  }
0xc6: {  	v5 =	vadd.f32 v6, v5  }
0xc7: {  	[tilespmem:s18+$0x30] =	vst v7  }
0xc8: {  	[tilespmem:s18+$0x1030] =	vst v5  }
0xc9: {  	v7 =	vld [tilespmem:s19+$0x4140]  }
0xca: {  	v32 =	vld [tilespmem:s19+$0x8140];
	_ =	sdelay $0x4  }
0xcb: {  	v33 =	vshll.u32 v7, $0x10;
	v34 =	vshll.u32 v32, $0x10  }
0xcc: {  	v5 =	vmul.f32 v33, v4;
	v6 =	vmul.f32 v34, v3;
	_ =	sdelay $0x1  }
0xcd: {  	v5 =	vadd.f32 v6, v5  }
0xce: {  	s24 =	sadd.s32 $0x80, s17  }
0xcf: {  	s20 =	sand.u32 $0x280, s24;
	[tilespmem:s18+$0x40] =	vst v5  }
0xd0: {  	s21 =	sor.u32 s22, s20;
	v5 =	vld [tilespmem:s14+$0xFFFFFF80]  }
0xd1: {  	v9 =	vld [tilespmem:s21+$0x4100]  }
0xd2: {  	v10 =	vld [tilespmem:s21+$0x8100]  }
0xd3: {  	v6 =	vld [tilespmem:s13+$0xFFFFFF80];
	_ =	sdelay $0x3  }
0xd4: {  	v11 =	vshll.u32 v9, $0x10;
	v12 =	vshll.u32 v10, $0x10;
	v9 =	vand.u32 $0xFFFF0000, v9  }
0xd5: {  	v10 =	vand.u32 $0xFFFF0000, v10;
	v11 =	vmul.f32 v11, v5;
	v12 =	vmul.f32 v12, v6  }
0xd6: {  	v9 =	vmul.f32 v9, v5;
	v10 =	vmul.f32 v10, v6  }
0xd7: {  	v11 =	vadd.f32 v12, v11  }
0xd8: {  	s20 =	sor.u32 s20, s25;
	v9 =	vadd.f32 v10, v9  }
0xd9: {  	[tilespmem:s20+$0x0] =	vst v11  }
0xda: {  	[tilespmem:s20+$0x1000] =	vst v9  }
0xdb: {  	v9 =	vld [tilespmem:s21+$0x4110]  }
0xdc: {  	v35 =	vld [tilespmem:s21+$0x8110];
	_ =	sdelay $0x4  }
0xdd: {  	v36 =	vshll.u32 v9, $0x10;
	v37 =	vshll.u32 v35, $0x10;
	v9 =	vand.u32 $0xFFFF0000, v9  }
0xde: {  	v10 =	vand.u32 $0xFFFF0000, v35;
	v11 =	vmul.f32 v36, v5;
	v12 =	vmul.f32 v37, v6  }
0xdf: {  	v9 =	vmul.f32 v9, v5;
	v10 =	vmul.f32 v10, v6  }
0xe0: {  	v11 =	vadd.f32 v12, v11  }
0xe1: {  	v9 =	vadd.f32 v10, v9  }
0xe2: {  	[tilespmem:s20+$0x10] =	vst v11  }
0xe3: {  	[tilespmem:s20+$0x1010] =	vst v9  }
0xe4: {  	v9 =	vld [tilespmem:s21+$0x4120]  }
0xe5: {  	v38 =	vld [tilespmem:s21+$0x8120];
	_ =	sdelay $0x4  }
0xe6: {  	v39 =	vshll.u32 v9, $0x10;
	v40 =	vshll.u32 v38, $0x10;
	v9 =	vand.u32 $0xFFFF0000, v9  }
0xe7: {  	v10 =	vand.u32 $0xFFFF0000, v38;
	v11 =	vmul.f32 v39, v5;
	v12 =	vmul.f32 v40, v6  }
0xe8: {  	v9 =	vmul.f32 v9, v5;
	v10 =	vmul.f32 v10, v6  }
0xe9: {  	v11 =	vadd.f32 v12, v11  }
0xea: {  	v9 =	vadd.f32 v10, v9  }
0xeb: {  	[tilespmem:s20+$0x20] =	vst v11  }
0xec: {  	[tilespmem:s20+$0x1020] =	vst v9  }
0xed: {  	v9 =	vld [tilespmem:s21+$0x4130]  }
0xee: {  	v41 =	vld [tilespmem:s21+$0x8130];
	_ =	sdelay $0x4  }
0xef: {  	v42 =	vshll.u32 v9, $0x10;
	v43 =	vshll.u32 v41, $0x10;
	v9 =	vand.u32 $0xFFFF0000, v9  }
0xf0: {  	v10 =	vand.u32 $0xFFFF0000, v41;
	v11 =	vmul.f32 v42, v5;
	v12 =	vmul.f32 v43, v6  }
0xf1: {  	v9 =	vmul.f32 v9, v5;
	v10 =	vmul.f32 v10, v6  }
0xf2: {  	v11 =	vadd.f32 v12, v11  }
0xf3: {  	v9 =	vadd.f32 v10, v9  }
0xf4: {  	[tilespmem:s20+$0x30] =	vst v11  }
0xf5: {  	[tilespmem:s20+$0x1030] =	vst v9  }
0xf6: {  	v9 =	vld [tilespmem:s21+$0x4140]  }
0xf7: {  	v7 =	vand.u32 $0xFFFF0000, v7;
	v8 =	vand.u32 $0xFFFF0000, v32;
	v44 =	vld [tilespmem:s21+$0x8140]  }
0xf8: {  	v7 =	vmul.f32 v7, v4;
	v8 =	vmul.f32 v8, v3;
	_ =	sdelay $0x1  }
0xf9: {  	v7 =	vadd.f32 v8, v7;
	_ =	sdelay $0x1  }
0xfa: {  	[tilespmem:s18+$0x1040] =	vst v7;
	v45 =	vshll.u32 v9, $0x10;
	v46 =	vshll.u32 v44, $0x10;
	v9 =	vand.u32 $0xFFFF0000, v9  }
0xfb: {  	v7 =	vld [tilespmem:s19+$0x4150];
	v10 =	vand.u32 $0xFFFF0000, v44;
	v8 =	vmul.f32 v45, v5;
	v11 =	vmul.f32 v46, v6  }
0xfc: {  	v47 =	vld [tilespmem:s19+$0x8150];
	v9 =	vmul.f32 v9, v5;
	v10 =	vmul.f32 v10, v6  }
0xfd: {  	v8 =	vadd.f32 v11, v8  }
0xfe: {  	v9 =	vadd.f32 v10, v9  }
0xff: {  	[tilespmem:s20+$0x40] =	vst v8  }
0x100: {  	[tilespmem:s20+$0x1040] =	vst v9  }
0x101: {  	v48 =	vshll.u32 v7, $0x10;
	v49 =	vshll.u32 v47, $0x10;
	v7 =	vand.u32 $0xFFFF0000, v7;
	v51 =	vld [tilespmem:s21+$0x4150]  }
0x102: {  	v50 =	vand.u32 $0xFFFF0000, v47;
	v10 =	vmul.f32 v49, v3;
	v8 =	vmul.f32 v48, v4;
	v52 =	vld [tilespmem:s21+$0x8150]  }
0x103: {  	v7 =	vmul.f32 v7, v4;
	v9 =	vmul.f32 v50, v3  }
0x104: {  	v8 =	vadd.f32 v10, v8  }
0x105: {  	v7 =	vadd.f32 v9, v7  }
0x106: {  	[tilespmem:s18+$0x50] =	vst v8  }
0x107: {  	[tilespmem:s18+$0x1050] =	vst v7;
	v53 =	vshll.u32 v51, $0x10;
	v54 =	vshll.u32 v52, $0x10;
	v55 =	vand.u32 $0xFFFF0000, v51  }
0x108: {  	v7 =	vld [tilespmem:s19+$0x4160];
	v12 =	vand.u32 $0xFFFF0000, v52;
	v8 =	vmul.f32 v53, v5;
	v9 =	vmul.f32 v54, v6  }
0x109: {  	v56 =	vld [tilespmem:s19+$0x8160];
	v10 =	vmul.f32 v55, v5;
	v12 =	vmul.f32 v12, v6  }
0x10a: {  	v8 =	vadd.f32 v9, v8  }
0x10b: {  	v57 =	vadd.f32 v12, v10  }
0x10c: {  	[tilespmem:s20+$0x50] =	vst v8  }
0x10d: {  	[tilespmem:s20+$0x1050] =	vst v57  }
0x10e: {  	v58 =	vshll.u32 v7, $0x10;
	v59 =	vshll.u32 v56, $0x10;
	v7 =	vand.u32 $0xFFFF0000, v7;
	v61 =	vld [tilespmem:s21+$0x4160]  }
0x10f: {  	v60 =	vand.u32 $0xFFFF0000, v56;
	v8 =	vmul.f32 v58, v4;
	v10 =	vmul.f32 v59, v3;
	v62 =	vld [tilespmem:s21+$0x8160]  }
0x110: {  	v7 =	vmul.f32 v7, v4;
	v9 =	vmul.f32 v60, v3  }
0x111: {  	v8 =	vadd.f32 v10, v8  }
0x112: {  	v7 =	vadd.f32 v9, v7  }
0x113: {  	[tilespmem:s18+$0x60] =	vst v8  }
0x114: {  	[tilespmem:s18+$0x1060] =	vst v7;
	v63 =	vshll.u32 v61, $0x10;
	v16 =	vshll.u32 v62, $0x10;
	v17 =	vand.u32 $0xFFFF0000, v61  }
0x115: {  	v7 =	vld [tilespmem:s19+$0x4170];
	v12 =	vand.u32 $0xFFFF0000, v62;
	v8 =	vmul.f32 v63, v5;
	v9 =	vmul.f32 v16, v6  }
0x116: {  	v18 =	vld [tilespmem:s19+$0x8170];
	v10 =	vmul.f32 v17, v5;
	v12 =	vmul.f32 v12, v6  }
0x117: {  	v8 =	vadd.f32 v9, v8  }
0x118: {  	v19 =	vadd.f32 v12, v10  }
0x119: {  	[tilespmem:s20+$0x60] =	vst v8  }
0x11a: {  	[tilespmem:s20+$0x1060] =	vst v19  }
0x11b: {  	v20 =	vshll.u32 v7, $0x10;
	v21 =	vshll.u32 v18, $0x10;
	v7 =	vand.u32 $0xFFFF0000, v7;
	v23 =	vld [tilespmem:s21+$0x4170]  }
0x11c: {  	v22 =	vand.u32 $0xFFFF0000, v18;
	v8 =	vmul.f32 v20, v4;
	v10 =	vmul.f32 v21, v3;
	v24 =	vld [tilespmem:s21+$0x8170]  }
0x11d: {  	s23 =	sadd.s32 $0x100, s17;
	v7 =	vmul.f32 v7, v4;
	v9 =	vmul.f32 v22, v3  }
0x11e: {  	s26 =	sand.u32 $0x300, s23;
	v8 =	vadd.f32 v10, v8  }
0x11f: {  	s23 =	sor.u32 s22, s26;
	v7 =	vadd.f32 v9, v7  }
0x120: {  	v29 =	vld [tilespmem:s23+$0x4100];
	[tilespmem:s18+$0x70] =	vst v8  }
0x121: {  	v13 =	vld [tilespmem:s23+$0x8100];
	[tilespmem:s18+$0x1070] =	vst v7;
	v25 =	vshll.u32 v23, $0x10;
	v26 =	vshll.u32 v24, $0x10  }
0x122: {  	v8 =	vld [tilespmem:s19+$0x4500];
	v7 =	vmul.f32 v25, v5;
	v9 =	vmul.f32 v26, v6  }
0x123: {  	v28 =	vld [tilespmem:s19+$0x8500]  }
0x124: {  	s24 =	sadd.s32 $0x180, s17;
	v27 =	vand.u32 $0xFFFF0000, v23;
	v12 =	vand.u32 $0xFFFF0000, v24;
	v9 =	vadd.f32 v9, v7  }
0x125: {  	s28 =	sand.u32 $0x380, s24;
	v10 =	vmul.f32 v27, v5;
	v12 =	vmul.f32 v12, v6;
	v7 =	vld [tilespmem:s14+$0x0]  }
0x126: {  	s24 =	sor.u32 s22, s28;
	v33 =	vshll.u32 v29, $0x10;
	[tilespmem:s20+$0x70] =	vst v9;
	v9 =	vld [tilespmem:s13+$0x0]  }
0x127: {  	v17 =	vld [tilespmem:s24+$0x4100];
	v18 =	vshll.u32 v13, $0x10;
	v13 =	vand.u32 $0xFFFF0000, v13;
	v10 =	vadd.f32 v12, v10  }
0x128: {  	v19 =	vld [tilespmem:s24+$0x8100];
	v14 =	vshll.u32 v8, $0x10;
	v15 =	vshll.u32 v28, $0x10;
	v16 =	vand.u32 $0xFFFF0000, v8  }
0x129: {  	v11 =	vand.u32 $0xFFFF0000, v28;
	v8 =	vld [tilespmem:s14+$0x80];
	v30 =	vmul.f32 v14, v4;
	v31 =	vmul.f32 v15, v3  }
0x12a: {  	v12 =	vand.u32 $0xFFFF0000, v29;
	[tilespmem:s20+$0x1070] =	vst v10;
	v16 =	vmul.f32 v16, v4;
	v11 =	vmul.f32 v11, v3;
	v10 =	vld [tilespmem:s13+$0x80]  }
0x12b: {  	v32 =	vld [tilespmem:s21+$0x4500];
	v14 =	vadd.f32 v31, v30;
	v20 =	vmul.f32 v33, v7;
	v18 =	vmul.f32 v18, v9  }
0x12c: {  	v34 =	vld [tilespmem:s21+$0x8500];
	v11 =	vadd.f32 v11, v16;
	v12 =	vmul.f32 v12, v7;
	v13 =	vmul.f32 v13, v9  }
0x12d: {  	[tilespmem:s18+$0x400] =	vst v14;
	v35 =	vadd.f32 v18, v20  }
0x12e: {  	s26 =	sadd.s32 s26, s25;
	v38 =	vshll.u32 v17, $0x10;
	[tilespmem:s18+$0x1400] =	vst v11;
	v12 =	vadd.f32 v13, v12  }
0x12f: {  	v17 =	vand.u32 $0xFFFF0000, v17;
	v39 =	vshll.u32 v19, $0x10;
	v14 =	vmul.f32 v38, v8;
	v37 =	vld [tilespmem:s19+$0x4510];
	[tilespmem:s26+$0x0] =	vst v35  }
0x130: {  	v41 =	vand.u32 $0xFFFF0000, v19;
	v17 =	vmul.f32 v17, v8;
	v40 =	vld [tilespmem:s19+$0x8510];
	v18 =	vmul.f32 v39, v10;
	[tilespmem:s26+$0x1000] =	vst v12  }
0x131: {  	v36 =	vshll.u32 v32, $0x10;
	v42 =	vshll.u32 v34, $0x10;
	v12 =	vmul.f32 v41, v10;
	v21 =	vld [tilespmem:s23+$0x4110]  }
0x132: {  	v15 =	vand.u32 $0xFFFF0000, v32;
	v16 =	vand.u32 $0xFFFF0000, v34;
	v14 =	vadd.f32 v18, v14;
	v22 =	vld [tilespmem:s23+$0x8110]  }
0x133: {  	s25 =	sadd.s32 s28, s25;
	v11 =	vmul.f32 v36, v5;
	v43 =	vmul.f32 v42, v6;
	v12 =	vadd.f32 v12, v17  }
0x134: {  	v15 =	vmul.f32 v15, v5;
	v16 =	vmul.f32 v16, v6;
	[tilespmem:s25+$0x0] =	vst v14  }
0x135: {  	v11 =	vadd.f32 v43, v11;
	v44 =	vshll.u32 v37, $0x10;
	v45 =	vshll.u32 v40, $0x10;
	[tilespmem:s25+$0x1000] =	vst v12  }
0x136: {  	v47 =	vadd.f32 v16, v15;
	v17 =	vmul.f32 v44, v4;
	v46 =	vmul.f32 v45, v3;
	v48 =	vld [tilespmem:s24+$0x4110]  }
0x137: {  	v52 =	vld [tilespmem:s24+$0x8110];
	v49 =	vshll.u32 v21, $0x10;
	v50 =	vshll.u32 v22, $0x10;
	v51 =	vand.u32 $0xFFFF0000, v21  }
0x138: {  	[tilespmem:s20+$0x400] =	vst v11;
	v53 =	vand.u32 $0xFFFF0000, v22;
	v16 =	vmul.f32 v49, v7;
	v18 =	vmul.f32 v50, v9  }
0x139: {  	v13 =	vand.u32 $0xFFFF0000, v37;
	[tilespmem:s20+$0x1400] =	vst v47;
	v54 =	vmul.f32 v51, v7;
	v11 =	vmul.f32 v53, v9  }
0x13a: {  	v55 =	vand.u32 $0xFFFF0000, v40;
	v13 =	vmul.f32 v13, v4;
	v56 =	vld [tilespmem:s21+$0x4510];
	v16 =	vadd.f32 v18, v16  }
0x13b: {  	v57 =	vmul.f32 v55, v3;
	v58 =	vld [tilespmem:s21+$0x8510];
	v12 =	vadd.f32 v46, v17;
	v11 =	vadd.f32 v11, v54  }
0x13c: {  	v59 =	vshll.u32 v48, $0x10;
	v60 =	vshll.u32 v52, $0x10;
	v15 =	vand.u32 $0xFFFF0000, v48;
	[tilespmem:s26+$0x10] =	vst v16  }
0x13d: {  	v61 =	vand.u32 $0xFFFF0000, v52;
	[tilespmem:s26+$0x1010] =	vst v11;
	v14 =	vmul.f32 v59, v8;
	v16 =	vmul.f32 v60, v10  }
0x13e: {  	v13 =	vadd.f32 v57, v13;
	v15 =	vmul.f32 v15, v8;
	v11 =	vmul.f32 v61, v10;
	v62 =	vld [tilespmem:s23+$0x4120]  }
0x13f: {  	[tilespmem:s18+$0x410] =	vst v12;
	v63 =	vld [tilespmem:s23+$0x8120];
	v14 =	vadd.f32 v16, v14  }
0x140: {  	[tilespmem:s18+$0x1410] =	vst v13;
	v23 =	vshll.u32 v56, $0x10;
	v24 =	vshll.u32 v58, $0x10;
	v11 =	vadd.f32 v11, v15  }
0x141: {  	v13 =	vmul.f32 v23, v5;
	v25 =	vmul.f32 v24, v6;
	[tilespmem:s25+$0x10] =	vst v14  }
0x142: {  	v26 =	vld [tilespmem:s19+$0x4520];
	v27 =	vand.u32 $0xFFFF0000, v56;
	v28 =	vand.u32 $0xFFFF0000, v58;
	[tilespmem:s25+$0x1010] =	vst v11  }
0x143: {  	v30 =	vmul.f32 v27, v5;
	v31 =	vmul.f32 v28, v6;
	v29 =	vadd.f32 v25, v13;
	v32 =	vld [tilespmem:s24+$0x4120]  }
0x144: {  	v35 =	vld [tilespmem:s24+$0x8120];
	v33 =	vshll.u32 v62, $0x10;
	v34 =	vshll.u32 v63, $0x10;
	v18 =	vand.u32 $0xFFFF0000, v62  }
0x145: {  	v12 =	vand.u32 $0xFFFF0000, v63;
	v17 =	vmul.f32 v33, v7;
	v19 =	vmul.f32 v34, v9  }
0x146: {  	v36 =	vld [tilespmem:s19+$0x8520];
	v13 =	vadd.f32 v31, v30;
	v37 =	vmul.f32 v18, v7;
	v12 =	vmul.f32 v12, v9  }
0x147: {  	[tilespmem:s20+$0x410] =	vst v29;
	v38 =	vadd.f32 v19, v17  }
0x148: {  	v39 =	vshll.u32 v26, $0x10;
	[tilespmem:s20+$0x1410] =	vst v13;
	v12 =	vadd.f32 v12, v37  }
0x149: {  	v13 =	vld [tilespmem:s21+$0x4520];
	v40 =	vshll.u32 v32, $0x10;
	v41 =	vshll.u32 v35, $0x10;
	v16 =	vand.u32 $0xFFFF0000, v32;
	[tilespmem:s26+$0x20] =	vst v38  }
0x14a: {  	v42 =	vld [tilespmem:s21+$0x8520];
	v43 =	vand.u32 $0xFFFF0000, v35;
	[tilespmem:s26+$0x1020] =	vst v12;
	v11 =	vmul.f32 v40, v8;
	v15 =	vmul.f32 v41, v10  }
0x14b: {  	v44 =	vshll.u32 v36, $0x10;
	v16 =	vmul.f32 v16, v8;
	v12 =	vmul.f32 v43, v10;
	v45 =	vld [tilespmem:s23+$0x4130]  }
0x14c: {  	v21 =	vand.u32 $0xFFFF0000, v36;
	v47 =	vmul.f32 v39, v4;
	v46 =	vld [tilespmem:s23+$0x8130];
	v11 =	vadd.f32 v15, v11  }
0x14d: {  	v48 =	vmul.f32 v44, v3;
	v14 =	vand.u32 $0xFFFF0000, v26;
	v12 =	vadd.f32 v12, v16  }
0x14e: {  	v49 =	vmul.f32 v21, v3;
	v14 =	vmul.f32 v14, v4;
	[tilespmem:s25+$0x20] =	vst v11  }
0x14f: {  	v50 =	vadd.f32 v48, v47;
	v51 =	vshll.u32 v13, $0x10;
	v52 =	vshll.u32 v42, $0x10;
	[tilespmem:s25+$0x1020] =	vst v12  }
0x150: {  	v53 =	vadd.f32 v49, v14;
	v54 =	vmul.f32 v51, v5;
	v55 =	vmul.f32 v52, v6;
	v56 =	vld [tilespmem:s24+$0x4130]  }
0x151: {  	v59 =	vld [tilespmem:s24+$0x8130];
	v57 =	vshll.u32 v45, $0x10;
	v58 =	vshll.u32 v46, $0x10;
	v20 =	vand.u32 $0xFFFF0000, v45  }
0x152: {  	[tilespmem:s18+$0x420] =	vst v50;
	v60 =	vand.u32 $0xFFFF0000, v46;
	v17 =	vmul.f32 v57, v7;
	v19 =	vmul.f32 v58, v9  }
0x153: {  	v18 =	vand.u32 $0xFFFF0000, v42;
	[tilespmem:s18+$0x1420] =	vst v53;
	v62 =	vmul.f32 v20, v7;
	v11 =	vmul.f32 v60, v9  }
0x154: {  	v61 =	vand.u32 $0xFFFF0000, v13;
	v18 =	vmul.f32 v18, v6;
	v63 =	vld [tilespmem:s19+$0x4530];
	v23 =	vadd.f32 v19, v17  }
0x155: {  	v24 =	vld [tilespmem:s19+$0x8530];
	v14 =	vadd.f32 v55, v54;
	v12 =	vmul.f32 v61, v5;
	v11 =	vadd.f32 v11, v62  }
0x156: {  	v25 =	vshll.u32 v56, $0x10;
	v26 =	vshll.u32 v59, $0x10;
	v16 =	vand.u32 $0xFFFF0000, v56;
	[tilespmem:s26+$0x30] =	vst v23  }
0x157: {  	v27 =	vand.u32 $0xFFFF0000, v59;
	[tilespmem:s26+$0x1030] =	vst v11;
	v13 =	vmul.f32 v25, v8;
	v15 =	vmul.f32 v26, v10  }
0x158: {  	v12 =	vadd.f32 v18, v12;
	v16 =	vmul.f32 v16, v8;
	v11 =	vmul.f32 v27, v10;
	v28 =	vld [tilespmem:s23+$0x4140]  }
0x159: {  	[tilespmem:s20+$0x420] =	vst v14;
	v29 =	vld [tilespmem:s23+$0x8140];
	v13 =	vadd.f32 v15, v13  }
0x15a: {  	v30 =	vshll.u32 v63, $0x10;
	v31 =	vshll.u32 v24, $0x10;
	[tilespmem:s20+$0x1420] =	vst v12;
	v11 =	vadd.f32 v11, v16  }
0x15b: {  	v32 =	vmul.f32 v30, v4;
	v33 =	vmul.f32 v31, v3;
	[tilespmem:s25+$0x30] =	vst v13  }
0x15c: {  	v34 =	vand.u32 $0xFFFF0000, v63;
	v35 =	vand.u32 $0xFFFF0000, v24;
	v36 =	vld [tilespmem:s21+$0x4530];
	[tilespmem:s25+$0x1030] =	vst v11  }
0x15d: {  	v38 =	vmul.f32 v34, v4;
	v39 =	vmul.f32 v35, v3;
	v37 =	vadd.f32 v33, v32;
	v40 =	vld [tilespmem:s24+$0x4140]  }
0x15e: {  	v43 =	vld [tilespmem:s24+$0x8140];
	v41 =	vshll.u32 v28, $0x10;
	v42 =	vshll.u32 v29, $0x10;
	v18 =	vand.u32 $0xFFFF0000, v28  }
0x15f: {  	v14 =	vand.u32 $0xFFFF0000, v29;
	v16 =	vmul.f32 v41, v7;
	v19 =	vmul.f32 v42, v9  }
0x160: {  	v12 =	vadd.f32 v39, v38;
	v44 =	vld [tilespmem:s21+$0x8530];
	v18 =	vmul.f32 v18, v7;
	v14 =	vmul.f32 v14, v9  }
0x161: {  	[tilespmem:s18+$0x430] =	vst v37;
	v45 =	vadd.f32 v19, v16  }
0x162: {  	[tilespmem:s18+$0x1430] =	vst v12;
	v46 =	vshll.u32 v36, $0x10;
	v14 =	vadd.f32 v14, v18  }
0x163: {  	v47 =	vld [tilespmem:s19+$0x4540];
	v48 =	vshll.u32 v40, $0x10;
	v49 =	vshll.u32 v43, $0x10;
	v15 =	vand.u32 $0xFFFF0000, v40;
	[tilespmem:s26+$0x40] =	vst v45  }
0x164: {  	v50 =	vld [tilespmem:s19+$0x8540];
	v51 =	vand.u32 $0xFFFF0000, v43;
	[tilespmem:s26+$0x1040] =	vst v14;
	v11 =	vmul.f32 v48, v8;
	v18 =	vmul.f32 v49, v10  }
0x165: {  	v52 =	vshll.u32 v44, $0x10;
	v15 =	vmul.f32 v15, v8;
	v14 =	vmul.f32 v51, v10;
	v53 =	vld [tilespmem:s23+$0x4150]  }
0x166: {  	v17 =	vand.u32 $0xFFFF0000, v36;
	v13 =	vand.u32 $0xFFFF0000, v44;
	v54 =	vld [tilespmem:s23+$0x8150];
	v11 =	vadd.f32 v18, v11  }
0x167: {  	v12 =	vmul.f32 v46, v5;
	v55 =	vmul.f32 v52, v6;
	v14 =	vadd.f32 v14, v15  }
0x168: {  	v17 =	vmul.f32 v17, v5;
	v13 =	vmul.f32 v13, v6;
	[tilespmem:s25+$0x40] =	vst v11  }
0x169: {  	v12 =	vadd.f32 v55, v12;
	v16 =	vand.u32 $0xFFFF0000, v47;
	v19 =	vand.u32 $0xFFFF0000, v50;
	[tilespmem:s25+$0x1040] =	vst v14  }
0x16a: {  	v13 =	vadd.f32 v13, v17;
	v16 =	vmul.f32 v16, v4;
	v23 =	vmul.f32 v19, v3;
	v14 =	vld [tilespmem:s24+$0x4150]  }
0x16b: {  	v61 =	vld [tilespmem:s24+$0x8150];
	v58 =	vshll.u32 v53, $0x10;
	v59 =	vshll.u32 v54, $0x10;
	v60 =	vand.u32 $0xFFFF0000, v53  }
0x16c: {  	[tilespmem:s20+$0x430] =	vst v12;
	v62 =	vand.u32 $0xFFFF0000, v54;
	v17 =	vmul.f32 v58, v7;
	v18 =	vmul.f32 v59, v9  }
0x16d: {  	v56 =	vshll.u32 v47, $0x10;
	[tilespmem:s20+$0x1430] =	vst v13;
	v63 =	vmul.f32 v60, v7;
	v12 =	vmul.f32 v62, v9  }
0x16e: {  	v57 =	vshll.u32 v50, $0x10;
	v22 =	vld [tilespmem:s21+$0x4540];
	v16 =	vadd.f32 v23, v16;
	v17 =	vadd.f32 v18, v17  }
0x16f: {  	v24 =	vld [tilespmem:s21+$0x8540];
	v15 =	vmul.f32 v56, v4;
	v11 =	vmul.f32 v57, v3;
	v12 =	vadd.f32 v12, v63  }
0x170: {  	v25 =	vshll.u32 v14, $0x10;
	v26 =	vshll.u32 v61, $0x10;
	v14 =	vand.u32 $0xFFFF0000, v14;
	[tilespmem:s26+$0x50] =	vst v17  }
0x171: {  	v27 =	vand.u32 $0xFFFF0000, v61;
	[tilespmem:s26+$0x1050] =	vst v12;
	v13 =	vmul.f32 v25, v8;
	v17 =	vmul.f32 v26, v10  }
0x172: {  	v11 =	vadd.f32 v11, v15;
	v14 =	vmul.f32 v14, v8;
	v12 =	vmul.f32 v27, v10;
	v28 =	vld [tilespmem:s23+$0x4160]  }
0x173: {  	[tilespmem:s18+$0x1440] =	vst v16;
	v29 =	vld [tilespmem:s23+$0x8160];
	v13 =	vadd.f32 v17, v13  }
0x174: {  	v30 =	vshll.u32 v22, $0x10;
	v31 =	vshll.u32 v24, $0x10;
	[tilespmem:s18+$0x440] =	vst v11;
	v12 =	vadd.f32 v12, v14  }
0x175: {  	v32 =	vmul.f32 v30, v5;
	v33 =	vmul.f32 v31, v6;
	[tilespmem:s25+$0x50] =	vst v13  }
0x176: {  	v35 =	vand.u32 $0xFFFF0000, v24;
	v15 =	vand.u32 $0xFFFF0000, v22;
	v34 =	vld [tilespmem:s19+$0x4550];
	[tilespmem:s25+$0x1050] =	vst v12  }
0x177: {  	v38 =	vmul.f32 v35, v6;
	v36 =	vadd.f32 v33, v32;
	v37 =	vmul.f32 v15, v5;
	v39 =	vld [tilespmem:s24+$0x4160]  }
0x178: {  	v42 =	vld [tilespmem:s24+$0x8160];
	v40 =	vshll.u32 v28, $0x10;
	v41 =	vshll.u32 v29, $0x10;
	v18 =	vand.u32 $0xFFFF0000, v28  }
0x179: {  	v11 =	vand.u32 $0xFFFF0000, v29;
	v17 =	vmul.f32 v40, v7;
	v19 =	vmul.f32 v41, v9  }
0x17a: {  	v43 =	vld [tilespmem:s19+$0x8550];
	v14 =	vadd.f32 v38, v37;
	v44 =	vmul.f32 v18, v7;
	v11 =	vmul.f32 v11, v9  }
0x17b: {  	[tilespmem:s20+$0x440] =	vst v36;
	v45 =	vadd.f32 v19, v17  }
0x17c: {  	v46 =	vshll.u32 v34, $0x10;
	[tilespmem:s20+$0x1440] =	vst v14;
	v11 =	vadd.f32 v11, v44  }
0x17d: {  	v14 =	vld [tilespmem:s21+$0x4550];
	v47 =	vshll.u32 v39, $0x10;
	v48 =	vshll.u32 v42, $0x10;
	v16 =	vand.u32 $0xFFFF0000, v39;
	[tilespmem:s26+$0x60] =	vst v45  }
0x17e: {  	v49 =	vld [tilespmem:s21+$0x8550];
	v50 =	vand.u32 $0xFFFF0000, v42;
	[tilespmem:s26+$0x1060] =	vst v11;
	v12 =	vmul.f32 v47, v8;
	v15 =	vmul.f32 v48, v10  }
0x17f: {  	v51 =	vshll.u32 v43, $0x10;
	v16 =	vmul.f32 v16, v8;
	v11 =	vmul.f32 v50, v10;
	v52 =	vld [tilespmem:s23+$0x4170]  }
0x180: {  	v21 =	vand.u32 $0xFFFF0000, v43;
	v13 =	vand.u32 $0xFFFF0000, v34;
	v53 =	vld [tilespmem:s23+$0x8170];
	v12 =	vadd.f32 v15, v12  }
0x181: {  	v54 =	vmul.f32 v46, v4;
	v55 =	vmul.f32 v51, v3;
	v11 =	vadd.f32 v11, v16  }
0x182: {  	v56 =	vmul.f32 v21, v3;
	v13 =	vmul.f32 v13, v4;
	[tilespmem:s25+$0x60] =	vst v12  }
0x183: {  	v57 =	vadd.f32 v55, v54;
	v58 =	vshll.u32 v14, $0x10;
	v59 =	vshll.u32 v49, $0x10;
	[tilespmem:s25+$0x1060] =	vst v11  }
0x184: {  	v60 =	vadd.f32 v56, v13;
	v61 =	vmul.f32 v58, v5;
	v62 =	vmul.f32 v59, v6;
	v63 =	vld [tilespmem:s24+$0x4170]  }
0x185: {  	v26 =	vld [tilespmem:s24+$0x8170];
	v24 =	vshll.u32 v52, $0x10;
	v25 =	vshll.u32 v53, $0x10;
	v20 =	vand.u32 $0xFFFF0000, v52  }
0x186: {  	[tilespmem:s18+$0x450] =	vst v57;
	v27 =	vand.u32 $0xFFFF0000, v53;
	v17 =	vmul.f32 v24, v7;
	v19 =	vmul.f32 v25, v9  }
0x187: {  	[tilespmem:s18+$0x1450] =	vst v60;
	v18 =	vand.u32 $0xFFFF0000, v49;
	v29 =	vmul.f32 v20, v7;
	v12 =	vmul.f32 v27, v9  }
0x188: {  	v28 =	vand.u32 $0xFFFF0000, v14;
	v30 =	vld [tilespmem:s19+$0x4560];
	v18 =	vmul.f32 v18, v6;
	v31 =	vadd.f32 v19, v17  }
0x189: {  	v32 =	vld [tilespmem:s19+$0x8560];
	v13 =	vadd.f32 v62, v61;
	v11 =	vmul.f32 v28, v5;
	v12 =	vadd.f32 v12, v29  }
0x18a: {  	v33 =	vshll.u32 v63, $0x10;
	v34 =	vshll.u32 v26, $0x10;
	v16 =	vand.u32 $0xFFFF0000, v63;
	[tilespmem:s26+$0x70] =	vst v31  }
0x18b: {  	v35 =	vand.u32 $0xFFFF0000, v26;
	[tilespmem:s26+$0x1070] =	vst v12;
	v14 =	vmul.f32 v33, v8;
	v15 =	vmul.f32 v34, v10  }
0x18c: {  	v11 =	vadd.f32 v18, v11;
	v16 =	vmul.f32 v16, v8;
	v12 =	vmul.f32 v35, v10;
	v36 =	vld [tilespmem:s23+$0x4500]  }
0x18d: {  	[tilespmem:s20+$0x450] =	vst v13;
	v37 =	vld [tilespmem:s23+$0x8500];
	v14 =	vadd.f32 v15, v14  }
0x18e: {  	v38 =	vshll.u32 v30, $0x10;
	v39 =	vshll.u32 v32, $0x10;
	[tilespmem:s20+$0x1450] =	vst v11;
	v40 =	vadd.f32 v12, v16  }
0x18f: {  	v41 =	vmul.f32 v38, v4;
	v42 =	vmul.f32 v39, v3;
	[tilespmem:s25+$0x70] =	vst v14  }
0x190: {  	v43 =	vand.u32 $0xFFFF0000, v30;
	v44 =	vand.u32 $0xFFFF0000, v32;
	v45 =	vld [tilespmem:s21+$0x4560];
	[tilespmem:s25+$0x1070] =	vst v40  }
0x191: {  	v47 =	vmul.f32 v43, v4;
	v48 =	vmul.f32 v44, v3;
	v46 =	vadd.f32 v42, v41;
	v49 =	vld [tilespmem:s24+$0x4500]  }
0x192: {  	v52 =	vld [tilespmem:s24+$0x8500];
	v50 =	vshll.u32 v36, $0x10;
	v51 =	vshll.u32 v37, $0x10;
	v18 =	vand.u32 $0xFFFF0000, v36  }
0x193: {  	v13 =	vand.u32 $0xFFFF0000, v37;
	v16 =	vmul.f32 v50, v7;
	v19 =	vmul.f32 v51, v9  }
0x194: {  	v53 =	vld [tilespmem:s21+$0x8560];
	v12 =	vadd.f32 v48, v47;
	v18 =	vmul.f32 v18, v7;
	v13 =	vmul.f32 v13, v9  }
0x195: {  	[tilespmem:s18+$0x460] =	vst v46;
	v54 =	vadd.f32 v19, v16  }
0x196: {  	v55 =	vshll.u32 v45, $0x10;
	[tilespmem:s18+$0x1460] =	vst v12;
	v13 =	vadd.f32 v13, v18  }
0x197: {  	v56 =	vld [tilespmem:s19+$0x4570];
	v57 =	vshll.u32 v49, $0x10;
	v58 =	vshll.u32 v52, $0x10;
	v15 =	vand.u32 $0xFFFF0000, v49;
	[tilespmem:s26+$0x400] =	vst v54  }
0x198: {  	v59 =	vld [tilespmem:s19+$0x8570];
	v60 =	vand.u32 $0xFFFF0000, v52;
	[tilespmem:s26+$0x1400] =	vst v13;
	v11 =	vmul.f32 v57, v8;
	v18 =	vmul.f32 v58, v10  }
0x199: {  	v61 =	vshll.u32 v53, $0x10;
	v15 =	vmul.f32 v15, v8;
	v13 =	vmul.f32 v60, v10;
	v62 =	vld [tilespmem:s23+$0x4510]  }
0x19a: {  	v17 =	vand.u32 $0xFFFF0000, v45;
	v14 =	vand.u32 $0xFFFF0000, v53;
	v63 =	vld [tilespmem:s23+$0x8510];
	v11 =	vadd.f32 v18, v11  }
0x19b: {  	v12 =	vmul.f32 v55, v5;
	v24 =	vmul.f32 v61, v6;
	v13 =	vadd.f32 v13, v15  }
0x19c: {  	v17 =	vmul.f32 v17, v5;
	v14 =	vmul.f32 v14, v6;
	[tilespmem:s25+$0x400] =	vst v11  }
0x19d: {  	v12 =	vadd.f32 v24, v12;
	v16 =	vand.u32 $0xFFFF0000, v56;
	v19 =	vand.u32 $0xFFFF0000, v59;
	[tilespmem:s25+$0x1400] =	vst v13  }
0x19e: {  	v27 =	vadd.f32 v14, v17;
	v16 =	vmul.f32 v16, v4;
	v36 =	vmul.f32 v19, v3;
	v28 =	vld [tilespmem:s24+$0x4510]  }
0x19f: {  	v32 =	vld [tilespmem:s24+$0x8510];
	v29 =	vshll.u32 v62, $0x10;
	v30 =	vshll.u32 v63, $0x10;
	v31 =	vand.u32 $0xFFFF0000, v62  }
0x1a0: {  	[tilespmem:s20+$0x460] =	vst v12;
	v33 =	vand.u32 $0xFFFF0000, v63;
	v17 =	vmul.f32 v29, v7;
	v18 =	vmul.f32 v30, v9  }
0x1a1: {  	[tilespmem:s20+$0x1460] =	vst v27;
	v25 =	vshll.u32 v56, $0x10;
	v34 =	vmul.f32 v31, v7;
	v12 =	vmul.f32 v33, v9  }
0x1a2: {  	v26 =	vshll.u32 v59, $0x10;
	v35 =	vld [tilespmem:s21+$0x4570];
	v15 =	vmul.f32 v25, v4;
	v17 =	vadd.f32 v18, v17  }
0x1a3: {  	v37 =	vld [tilespmem:s21+$0x8570];
	v16 =	vadd.f32 v36, v16;
	v11 =	vmul.f32 v26, v3;
	v12 =	vadd.f32 v12, v34  }
0x1a4: {  	v38 =	vshll.u32 v28, $0x10;
	v39 =	vshll.u32 v32, $0x10;
	v14 =	vand.u32 $0xFFFF0000, v28;
	[tilespmem:s26+$0x410] =	vst v17  }
0x1a5: {  	v40 =	vand.u32 $0xFFFF0000, v32;
	[tilespmem:s26+$0x1410] =	vst v12;
	v13 =	vmul.f32 v38, v8;
	v17 =	vmul.f32 v39, v10  }
0x1a6: {  	v11 =	vadd.f32 v11, v15;
	v14 =	vmul.f32 v14, v8;
	v12 =	vmul.f32 v40, v10;
	v41 =	vld [tilespmem:s23+$0x4520]  }
0x1a7: {  	[tilespmem:s18+$0x1470] =	vst v16;
	v42 =	vld [tilespmem:s23+$0x8520];
	v13 =	vadd.f32 v17, v13  }
0x1a8: {  	v43 =	vshll.u32 v35, $0x10;
	v44 =	vshll.u32 v37, $0x10;
	[tilespmem:s18+$0x470] =	vst v11;
	v12 =	vadd.f32 v12, v14  }
0x1a9: {  	v45 =	vmul.f32 v43, v5;
	v46 =	vmul.f32 v44, v6;
	[tilespmem:s25+$0x410] =	vst v13  }
0x1aa: {  	v48 =	vand.u32 $0xFFFF0000, v37;
	v15 =	vand.u32 $0xFFFF0000, v35;
	v47 =	vld [tilespmem:s19+$0x4900];
	[tilespmem:s25+$0x1410] =	vst v12  }
0x1ab: {  	v51 =	vmul.f32 v48, v6;
	v49 =	vadd.f32 v46, v45;
	v50 =	vmul.f32 v15, v5;
	v52 =	vld [tilespmem:s24+$0x4520]  }
0x1ac: {  	v55 =	vld [tilespmem:s24+$0x8520];
	v53 =	vshll.u32 v41, $0x10;
	v54 =	vshll.u32 v42, $0x10;
	v18 =	vand.u32 $0xFFFF0000, v41  }
0x1ad: {  	v11 =	vand.u32 $0xFFFF0000, v42;
	v17 =	vmul.f32 v53, v7;
	v19 =	vmul.f32 v54, v9  }
0x1ae: {  	v56 =	vld [tilespmem:s19+$0x8900];
	v14 =	vadd.f32 v51, v50;
	v57 =	vmul.f32 v18, v7;
	v11 =	vmul.f32 v11, v9  }
0x1af: {  	[tilespmem:s20+$0x470] =	vst v49;
	v58 =	vadd.f32 v19, v17  }
0x1b0: {  	v59 =	vshll.u32 v47, $0x10;
	[tilespmem:s20+$0x1470] =	vst v14;
	v11 =	vadd.f32 v11, v57  }
0x1b1: {  	v14 =	vld [tilespmem:s21+$0x4900];
	v60 =	vshll.u32 v52, $0x10;
	v61 =	vshll.u32 v55, $0x10;
	v16 =	vand.u32 $0xFFFF0000, v52;
	[tilespmem:s26+$0x420] =	vst v58  }
0x1b2: {  	v62 =	vld [tilespmem:s21+$0x8900];
	v63 =	vand.u32 $0xFFFF0000, v55;
	[tilespmem:s26+$0x1420] =	vst v11;
	v12 =	vmul.f32 v60, v8;
	v15 =	vmul.f32 v61, v10  }
0x1b3: {  	v24 =	vshll.u32 v56, $0x10;
	v16 =	vmul.f32 v16, v8;
	v11 =	vmul.f32 v63, v10;
	v25 =	vld [tilespmem:s23+$0x4530]  }
0x1b4: {  	v21 =	vand.u32 $0xFFFF0000, v56;
	v13 =	vand.u32 $0xFFFF0000, v47;
	v26 =	vld [tilespmem:s23+$0x8530];
	v12 =	vadd.f32 v15, v12  }
0x1b5: {  	v27 =	vmul.f32 v59, v4;
	v28 =	vmul.f32 v24, v3;
	v11 =	vadd.f32 v11, v16  }
0x1b6: {  	v29 =	vmul.f32 v21, v3;
	v13 =	vmul.f32 v13, v4;
	[tilespmem:s25+$0x420] =	vst v12  }
0x1b7: {  	v30 =	vadd.f32 v28, v27;
	v31 =	vshll.u32 v14, $0x10;
	v32 =	vshll.u32 v62, $0x10;
	[tilespmem:s25+$0x1420] =	vst v11  }
0x1b8: {  	v33 =	vadd.f32 v29, v13;
	v34 =	vmul.f32 v31, v5;
	v35 =	vmul.f32 v32, v6;
	v36 =	vld [tilespmem:s24+$0x4530]  }
0x1b9: {  	v39 =	vld [tilespmem:s24+$0x8530];
	v37 =	vshll.u32 v25, $0x10;
	v38 =	vshll.u32 v26, $0x10;
	v20 =	vand.u32 $0xFFFF0000, v25  }
0x1ba: {  	[tilespmem:s18+$0x800] =	vst v30;
	v40 =	vand.u32 $0xFFFF0000, v26;
	v17 =	vmul.f32 v37, v7;
	v19 =	vmul.f32 v38, v9  }
0x1bb: {  	[tilespmem:s18+$0x1800] =	vst v33;
	v18 =	vand.u32 $0xFFFF0000, v62;
	v42 =	vmul.f32 v20, v7;
	v12 =	vmul.f32 v40, v9  }
0x1bc: {  	v41 =	vand.u32 $0xFFFF0000, v14;
	v43 =	vld [tilespmem:s19+$0x4910];
	v18 =	vmul.f32 v18, v6;
	v44 =	vadd.f32 v19, v17  }
0x1bd: {  	v45 =	vld [tilespmem:s19+$0x8910];
	v13 =	vadd.f32 v35, v34;
	v11 =	vmul.f32 v41, v5;
	v12 =	vadd.f32 v12, v42  }
0x1be: {  	v46 =	vshll.u32 v36, $0x10;
	v47 =	vshll.u32 v39, $0x10;
	v16 =	vand.u32 $0xFFFF0000, v36;
	[tilespmem:s26+$0x430] =	vst v44  }
0x1bf: {  	v48 =	vand.u32 $0xFFFF0000, v39;
	[tilespmem:s26+$0x1430] =	vst v12;
	v14 =	vmul.f32 v46, v8;
	v15 =	vmul.f32 v47, v10  }
0x1c0: {  	v11 =	vadd.f32 v18, v11;
	v16 =	vmul.f32 v16, v8;
	v12 =	vmul.f32 v48, v10;
	v49 =	vld [tilespmem:s23+$0x4540]  }
0x1c1: {  	[tilespmem:s20+$0x800] =	vst v13;
	v50 =	vld [tilespmem:s23+$0x8540];
	v14 =	vadd.f32 v15, v14  }
0x1c2: {  	v51 =	vshll.u32 v43, $0x10;
	v52 =	vshll.u32 v45, $0x10;
	[tilespmem:s20+$0x1800] =	vst v11;
	v53 =	vadd.f32 v12, v16  }
0x1c3: {  	v54 =	vmul.f32 v51, v4;
	v55 =	vmul.f32 v52, v3;
	[tilespmem:s25+$0x430] =	vst v14  }
0x1c4: {  	v56 =	vand.u32 $0xFFFF0000, v43;
	v57 =	vand.u32 $0xFFFF0000, v45;
	v58 =	vld [tilespmem:s21+$0x4910];
	[tilespmem:s25+$0x1430] =	vst v53  }
0x1c5: {  	v60 =	vmul.f32 v56, v4;
	v61 =	vmul.f32 v57, v3;
	v59 =	vadd.f32 v55, v54;
	v62 =	vld [tilespmem:s24+$0x4540]  }
0x1c6: {  	v25 =	vld [tilespmem:s24+$0x8540];
	v63 =	vshll.u32 v49, $0x10;
	v24 =	vshll.u32 v50, $0x10;
	v18 =	vand.u32 $0xFFFF0000, v49  }
0x1c7: {  	v13 =	vand.u32 $0xFFFF0000, v50;
	v16 =	vmul.f32 v63, v7;
	v19 =	vmul.f32 v24, v9  }
0x1c8: {  	v26 =	vld [tilespmem:s21+$0x8910];
	v12 =	vadd.f32 v61, v60;
	v18 =	vmul.f32 v18, v7;
	v13 =	vmul.f32 v13, v9  }
0x1c9: {  	[tilespmem:s18+$0x810] =	vst v59;
	v27 =	vadd.f32 v19, v16  }
0x1ca: {  	v28 =	vshll.u32 v58, $0x10;
	[tilespmem:s18+$0x1810] =	vst v12;
	v13 =	vadd.f32 v13, v18  }
0x1cb: {  	v29 =	vld [tilespmem:s19+$0x4920];
	v30 =	vshll.u32 v62, $0x10;
	v31 =	vshll.u32 v25, $0x10;
	v15 =	vand.u32 $0xFFFF0000, v62;
	[tilespmem:s26+$0x440] =	vst v27  }
0x1cc: {  	v32 =	vld [tilespmem:s19+$0x8920];
	v33 =	vand.u32 $0xFFFF0000, v25;
	[tilespmem:s26+$0x1440] =	vst v13;
	v11 =	vmul.f32 v30, v8;
	v18 =	vmul.f32 v31, v10  }
0x1cd: {  	v34 =	vshll.u32 v26, $0x10;
	v15 =	vmul.f32 v15, v8;
	v13 =	vmul.f32 v33, v10;
	v35 =	vld [tilespmem:s23+$0x4550]  }
0x1ce: {  	v17 =	vand.u32 $0xFFFF0000, v58;
	v14 =	vand.u32 $0xFFFF0000, v26;
	v36 =	vld [tilespmem:s23+$0x8550];
	v11 =	vadd.f32 v18, v11  }
0x1cf: {  	v12 =	vmul.f32 v28, v5;
	v37 =	vmul.f32 v34, v6;
	v13 =	vadd.f32 v13, v15  }
0x1d0: {  	v17 =	vmul.f32 v17, v5;
	v14 =	vmul.f32 v14, v6;
	[tilespmem:s25+$0x440] =	vst v11  }
0x1d1: {  	v12 =	vadd.f32 v37, v12;
	v16 =	vand.u32 $0xFFFF0000, v29;
	v19 =	vand.u32 $0xFFFF0000, v32;
	[tilespmem:s25+$0x1440] =	vst v13  }
0x1d2: {  	v40 =	vadd.f32 v14, v17;
	v16 =	vmul.f32 v16, v4;
	v49 =	vmul.f32 v19, v3;
	v41 =	vld [tilespmem:s24+$0x4550]  }
0x1d3: {  	v45 =	vld [tilespmem:s24+$0x8550];
	v42 =	vshll.u32 v35, $0x10;
	v43 =	vshll.u32 v36, $0x10;
	v44 =	vand.u32 $0xFFFF0000, v35  }
0x1d4: {  	[tilespmem:s20+$0x810] =	vst v12;
	v46 =	vand.u32 $0xFFFF0000, v36;
	v17 =	vmul.f32 v42, v7;
	v18 =	vmul.f32 v43, v9  }
0x1d5: {  	[tilespmem:s20+$0x1810] =	vst v40;
	v38 =	vshll.u32 v29, $0x10;
	v47 =	vmul.f32 v44, v7;
	v12 =	vmul.f32 v46, v9  }
0x1d6: {  	v39 =	vshll.u32 v32, $0x10;
	v48 =	vld [tilespmem:s21+$0x4920];
	v15 =	vmul.f32 v38, v4;
	v17 =	vadd.f32 v18, v17  }
0x1d7: {  	v50 =	vld [tilespmem:s21+$0x8920];
	v16 =	vadd.f32 v49, v16;
	v11 =	vmul.f32 v39, v3;
	v12 =	vadd.f32 v12, v47  }
0x1d8: {  	v51 =	vshll.u32 v41, $0x10;
	v52 =	vshll.u32 v45, $0x10;
	v14 =	vand.u32 $0xFFFF0000, v41;
	[tilespmem:s26+$0x450] =	vst v17  }
0x1d9: {  	v53 =	vand.u32 $0xFFFF0000, v45;
	[tilespmem:s26+$0x1450] =	vst v12;
	v13 =	vmul.f32 v51, v8;
	v17 =	vmul.f32 v52, v10  }
0x1da: {  	v11 =	vadd.f32 v11, v15;
	v14 =	vmul.f32 v14, v8;
	v12 =	vmul.f32 v53, v10;
	v54 =	vld [tilespmem:s23+$0x4560]  }
0x1db: {  	[tilespmem:s18+$0x1820] =	vst v16;
	v55 =	vld [tilespmem:s23+$0x8560];
	v13 =	vadd.f32 v17, v13  }
0x1dc: {  	v56 =	vshll.u32 v48, $0x10;
	v57 =	vshll.u32 v50, $0x10;
	[tilespmem:s18+$0x820] =	vst v11;
	v12 =	vadd.f32 v12, v14  }
0x1dd: {  	v58 =	vmul.f32 v56, v5;
	v59 =	vmul.f32 v57, v6;
	[tilespmem:s25+$0x450] =	vst v13  }
0x1de: {  	v61 =	vand.u32 $0xFFFF0000, v50;
	v15 =	vand.u32 $0xFFFF0000, v48;
	v60 =	vld [tilespmem:s19+$0x4930];
	[tilespmem:s25+$0x1450] =	vst v12  }
0x1df: {  	v24 =	vmul.f32 v61, v6;
	v62 =	vadd.f32 v59, v58;
	v63 =	vmul.f32 v15, v5;
	v25 =	vld [tilespmem:s24+$0x4560]  }
0x1e0: {  	v28 =	vld [tilespmem:s24+$0x8560];
	v26 =	vshll.u32 v54, $0x10;
	v27 =	vshll.u32 v55, $0x10;
	v18 =	vand.u32 $0xFFFF0000, v54  }
0x1e1: {  	v11 =	vand.u32 $0xFFFF0000, v55;
	v17 =	vmul.f32 v26, v7;
	v19 =	vmul.f32 v27, v9  }
0x1e2: {  	v29 =	vld [tilespmem:s19+$0x8930];
	v14 =	vadd.f32 v24, v63;
	v30 =	vmul.f32 v18, v7;
	v11 =	vmul.f32 v11, v9  }
0x1e3: {  	[tilespmem:s20+$0x820] =	vst v62;
	v31 =	vadd.f32 v19, v17  }
0x1e4: {  	v32 =	vshll.u32 v60, $0x10;
	[tilespmem:s20+$0x1820] =	vst v14;
	v11 =	vadd.f32 v11, v30  }
0x1e5: {  	v14 =	vld [tilespmem:s21+$0x4930];
	v33 =	vshll.u32 v25, $0x10;
	v34 =	vshll.u32 v28, $0x10;
	v16 =	vand.u32 $0xFFFF0000, v25;
	[tilespmem:s26+$0x460] =	vst v31  }
0x1e6: {  	v35 =	vld [tilespmem:s21+$0x8930];
	v36 =	vand.u32 $0xFFFF0000, v28;
	[tilespmem:s26+$0x1460] =	vst v11;
	v12 =	vmul.f32 v33, v8;
	v15 =	vmul.f32 v34, v10  }
0x1e7: {  	v37 =	vshll.u32 v29, $0x10;
	v16 =	vmul.f32 v16, v8;
	v11 =	vmul.f32 v36, v10;
	v38 =	vld [tilespmem:s23+$0x4570]  }
0x1e8: {  	v21 =	vand.u32 $0xFFFF0000, v29;
	v13 =	vand.u32 $0xFFFF0000, v60;
	v39 =	vld [tilespmem:s23+$0x8570];
	v12 =	vadd.f32 v15, v12  }
0x1e9: {  	v40 =	vmul.f32 v32, v4;
	v41 =	vmul.f32 v37, v3;
	v11 =	vadd.f32 v11, v16  }
0x1ea: {  	v42 =	vmul.f32 v21, v3;
	v13 =	vmul.f32 v13, v4;
	[tilespmem:s25+$0x460] =	vst v12  }
0x1eb: {  	v43 =	vadd.f32 v41, v40;
	v44 =	vshll.u32 v14, $0x10;
	v45 =	vshll.u32 v35, $0x10;
	[tilespmem:s25+$0x1460] =	vst v11  }
0x1ec: {  	v46 =	vadd.f32 v42, v13;
	v47 =	vmul.f32 v44, v5;
	v48 =	vmul.f32 v45, v6;
	v49 =	vld [tilespmem:s24+$0x4570]  }
0x1ed: {  	v52 =	vld [tilespmem:s24+$0x8570];
	v50 =	vshll.u32 v38, $0x10;
	v51 =	vshll.u32 v39, $0x10;
	v20 =	vand.u32 $0xFFFF0000, v38  }
0x1ee: {  	[tilespmem:s18+$0x830] =	vst v43;
	v53 =	vand.u32 $0xFFFF0000, v39;
	v17 =	vmul.f32 v50, v7;
	v19 =	vmul.f32 v51, v9  }
0x1ef: {  	[tilespmem:s18+$0x1830] =	vst v46;
	v18 =	vand.u32 $0xFFFF0000, v35;
	v55 =	vmul.f32 v20, v7;
	v12 =	vmul.f32 v53, v9  }
0x1f0: {  	v54 =	vand.u32 $0xFFFF0000, v14;
	v56 =	vld [tilespmem:s19+$0x4940];
	v18 =	vmul.f32 v18, v6;
	v57 =	vadd.f32 v19, v17  }
0x1f1: {  	v58 =	vld [tilespmem:s19+$0x8940];
	v13 =	vadd.f32 v48, v47;
	v11 =	vmul.f32 v54, v5;
	v12 =	vadd.f32 v12, v55  }
0x1f2: {  	v59 =	vshll.u32 v49, $0x10;
	v60 =	vshll.u32 v52, $0x10;
	v16 =	vand.u32 $0xFFFF0000, v49;
	[tilespmem:s26+$0x470] =	vst v57  }
0x1f3: {  	v61 =	vand.u32 $0xFFFF0000, v52;
	[tilespmem:s26+$0x1470] =	vst v12;
	v14 =	vmul.f32 v59, v8;
	v15 =	vmul.f32 v60, v10  }
0x1f4: {  	v11 =	vadd.f32 v18, v11;
	v16 =	vmul.f32 v16, v8;
	v12 =	vmul.f32 v61, v10;
	v62 =	vld [tilespmem:s23+$0x4900]  }
0x1f5: {  	[tilespmem:s20+$0x830] =	vst v13;
	v63 =	vld [tilespmem:s23+$0x8900];
	v14 =	vadd.f32 v15, v14  }
0x1f6: {  	v23 =	vshll.u32 v56, $0x10;
	v24 =	vshll.u32 v58, $0x10;
	[tilespmem:s20+$0x1830] =	vst v11;
	v25 =	vadd.f32 v12, v16  }
0x1f7: {  	v26 =	vmul.f32 v23, v4;
	v27 =	vmul.f32 v24, v3;
	[tilespmem:s25+$0x470] =	vst v14  }
0x1f8: {  	v28 =	vand.u32 $0xFFFF0000, v56;
	v29 =	vand.u32 $0xFFFF0000, v58;
	v30 =	vld [tilespmem:s21+$0x4940];
	[tilespmem:s25+$0x1470] =	vst v25  }
0x1f9: {  	v32 =	vmul.f32 v28, v4;
	v33 =	vmul.f32 v29, v3;
	v31 =	vadd.f32 v27, v26;
	v34 =	vld [tilespmem:s24+$0x4900]  }
0x1fa: {  	v37 =	vld [tilespmem:s24+$0x8900];
	v35 =	vshll.u32 v62, $0x10;
	v36 =	vshll.u32 v63, $0x10;
	v18 =	vand.u32 $0xFFFF0000, v62  }
0x1fb: {  	v13 =	vand.u32 $0xFFFF0000, v63;
	v16 =	vmul.f32 v35, v7;
	v19 =	vmul.f32 v36, v9  }
0x1fc: {  	v38 =	vld [tilespmem:s21+$0x8940];
	v12 =	vadd.f32 v33, v32;
	v18 =	vmul.f32 v18, v7;
	v13 =	vmul.f32 v13, v9  }
0x1fd: {  	[tilespmem:s18+$0x840] =	vst v31;
	v39 =	vadd.f32 v19, v16  }
0x1fe: {  	v40 =	vshll.u32 v30, $0x10;
	[tilespmem:s18+$0x1840] =	vst v12;
	v13 =	vadd.f32 v13, v18  }
0x1ff: {  	v41 =	vld [tilespmem:s19+$0x4950];
	v42 =	vshll.u32 v34, $0x10;
	v43 =	vshll.u32 v37, $0x10;
	v15 =	vand.u32 $0xFFFF0000, v34;
	[tilespmem:s26+$0x800] =	vst v39  }
0x200: {  	v44 =	vld [tilespmem:s19+$0x8950];
	v45 =	vand.u32 $0xFFFF0000, v37;
	[tilespmem:s26+$0x1800] =	vst v13;
	v11 =	vmul.f32 v42, v8;
	v18 =	vmul.f32 v43, v10  }
0x201: {  	v46 =	vshll.u32 v38, $0x10;
	v15 =	vmul.f32 v15, v8;
	v13 =	vmul.f32 v45, v10;
	v47 =	vld [tilespmem:s23+$0x4910]  }
0x202: {  	v17 =	vand.u32 $0xFFFF0000, v30;
	v14 =	vand.u32 $0xFFFF0000, v38;
	v48 =	vld [tilespmem:s23+$0x8910];
	v11 =	vadd.f32 v18, v11  }
0x203: {  	v12 =	vmul.f32 v40, v5;
	v49 =	vmul.f32 v46, v6;
	v13 =	vadd.f32 v13, v15  }
0x204: {  	v17 =	vmul.f32 v17, v5;
	v14 =	vmul.f32 v14, v6;
	[tilespmem:s25+$0x800] =	vst v11  }
0x205: {  	v12 =	vadd.f32 v49, v12;
	v16 =	vand.u32 $0xFFFF0000, v41;
	v19 =	vand.u32 $0xFFFF0000, v44;
	[tilespmem:s25+$0x1800] =	vst v13  }
0x206: {  	v52 =	vadd.f32 v14, v17;
	v16 =	vmul.f32 v16, v4;
	v61 =	vmul.f32 v19, v3;
	v53 =	vld [tilespmem:s24+$0x4910]  }
0x207: {  	v57 =	vld [tilespmem:s24+$0x8910];
	v54 =	vshll.u32 v47, $0x10;
	v55 =	vshll.u32 v48, $0x10;
	v56 =	vand.u32 $0xFFFF0000, v47  }
0x208: {  	[tilespmem:s20+$0x840] =	vst v12;
	v58 =	vand.u32 $0xFFFF0000, v48;
	v17 =	vmul.f32 v54, v7;
	v18 =	vmul.f32 v55, v9  }
0x209: {  	[tilespmem:s20+$0x1840] =	vst v52;
	v50 =	vshll.u32 v41, $0x10;
	v59 =	vmul.f32 v56, v7;
	v12 =	vmul.f32 v58, v9  }
0x20a: {  	v51 =	vshll.u32 v44, $0x10;
	v60 =	vld [tilespmem:s21+$0x4950];
	v15 =	vmul.f32 v50, v4;
	v17 =	vadd.f32 v18, v17  }
0x20b: {  	v62 =	vld [tilespmem:s21+$0x8950];
	v16 =	vadd.f32 v61, v16;
	v11 =	vmul.f32 v51, v3;
	v12 =	vadd.f32 v12, v59  }
0x20c: {  	v63 =	vshll.u32 v53, $0x10;
	v20 =	vshll.u32 v57, $0x10;
	v14 =	vand.u32 $0xFFFF0000, v53;
	[tilespmem:s26+$0x810] =	vst v17  }
0x20d: {  	v22 =	vand.u32 $0xFFFF0000, v57;
	[tilespmem:s26+$0x1810] =	vst v12;
	v13 =	vmul.f32 v63, v8;
	v17 =	vmul.f32 v20, v10  }
0x20e: {  	v11 =	vadd.f32 v11, v15;
	v14 =	vmul.f32 v14, v8;
	v12 =	vmul.f32 v22, v10;
	v23 =	vld [tilespmem:s23+$0x4920]  }
0x20f: {  	[tilespmem:s18+$0x1850] =	vst v16;
	v24 =	vld [tilespmem:s23+$0x8920];
	v13 =	vadd.f32 v17, v13  }
0x210: {  	v25 =	vshll.u32 v60, $0x10;
	v26 =	vshll.u32 v62, $0x10;
	[tilespmem:s18+$0x850] =	vst v11;
	v12 =	vadd.f32 v12, v14  }
0x211: {  	v27 =	vmul.f32 v25, v5;
	v28 =	vmul.f32 v26, v6;
	[tilespmem:s25+$0x810] =	vst v13  }
0x212: {  	v30 =	vand.u32 $0xFFFF0000, v62;
	v15 =	vand.u32 $0xFFFF0000, v60;
	v29 =	vld [tilespmem:s19+$0x4960];
	[tilespmem:s25+$0x1810] =	vst v12  }
0x213: {  	v33 =	vmul.f32 v30, v6;
	v31 =	vadd.f32 v28, v27;
	v32 =	vmul.f32 v15, v5;
	v34 =	vld [tilespmem:s24+$0x4920]  }
0x214: {  	v37 =	vld [tilespmem:s24+$0x8920];
	v35 =	vshll.u32 v23, $0x10;
	v36 =	vshll.u32 v24, $0x10;
	v18 =	vand.u32 $0xFFFF0000, v23  }
0x215: {  	v11 =	vand.u32 $0xFFFF0000, v24;
	v17 =	vmul.f32 v35, v7;
	v19 =	vmul.f32 v36, v9  }
0x216: {  	v38 =	vld [tilespmem:s19+$0x8960];
	v14 =	vadd.f32 v33, v32;
	v39 =	vmul.f32 v18, v7;
	v11 =	vmul.f32 v11, v9  }
0x217: {  	[tilespmem:s20+$0x850] =	vst v31;
	v40 =	vadd.f32 v19, v17  }
0x218: {  	v41 =	vshll.u32 v29, $0x10;
	[tilespmem:s20+$0x1850] =	vst v14;
	v11 =	vadd.f32 v11, v39  }
0x219: {  	v14 =	vld [tilespmem:s21+$0x4960];
	v42 =	vshll.u32 v34, $0x10;
	v43 =	vshll.u32 v37, $0x10;
	v16 =	vand.u32 $0xFFFF0000, v34;
	[tilespmem:s26+$0x820] =	vst v40  }
0x21a: {  	v44 =	vld [tilespmem:s21+$0x8960];
	v45 =	vand.u32 $0xFFFF0000, v37;
	[tilespmem:s26+$0x1820] =	vst v11;
	v12 =	vmul.f32 v42, v8;
	v15 =	vmul.f32 v43, v10  }
0x21b: {  	v46 =	vshll.u32 v38, $0x10;
	v16 =	vmul.f32 v16, v8;
	v11 =	vmul.f32 v45, v10;
	v47 =	vld [tilespmem:s23+$0x4930]  }
0x21c: {  	v21 =	vand.u32 $0xFFFF0000, v38;
	v13 =	vand.u32 $0xFFFF0000, v29;
	v48 =	vld [tilespmem:s23+$0x8930];
	v12 =	vadd.f32 v15, v12  }
0x21d: {  	v49 =	vmul.f32 v41, v4;
	v50 =	vmul.f32 v46, v3;
	v11 =	vadd.f32 v11, v16  }
0x21e: {  	v51 =	vmul.f32 v21, v3;
	v13 =	vmul.f32 v13, v4;
	[tilespmem:s25+$0x820] =	vst v12  }
0x21f: {  	v52 =	vadd.f32 v50, v49;
	v53 =	vshll.u32 v14, $0x10;
	v54 =	vshll.u32 v44, $0x10;
	[tilespmem:s25+$0x1820] =	vst v11  }
0x220: {  	v55 =	vadd.f32 v51, v13;
	v56 =	vmul.f32 v53, v5;
	v57 =	vmul.f32 v54, v6;
	v58 =	vld [tilespmem:s24+$0x4930]  }
0x221: {  	v61 =	vld [tilespmem:s24+$0x8930];
	v59 =	vshll.u32 v47, $0x10;
	v60 =	vshll.u32 v48, $0x10;
	v20 =	vand.u32 $0xFFFF0000, v47  }
0x222: {  	[tilespmem:s18+$0x860] =	vst v52;
	v62 =	vand.u32 $0xFFFF0000, v48;
	v17 =	vmul.f32 v59, v7;
	v19 =	vmul.f32 v60, v9  }
0x223: {  	[tilespmem:s18+$0x1860] =	vst v55;
	v18 =	vand.u32 $0xFFFF0000, v44;
	v24 =	vmul.f32 v20, v7;
	v12 =	vmul.f32 v62, v9  }
0x224: {  	v63 =	vand.u32 $0xFFFF0000, v14;
	v25 =	vld [tilespmem:s19+$0x4970];
	v18 =	vmul.f32 v18, v6;
	v26 =	vadd.f32 v19, v17  }
0x225: {  	v27 =	vld [tilespmem:s19+$0x8970];
	v13 =	vadd.f32 v57, v56;
	v11 =	vmul.f32 v63, v5;
	v12 =	vadd.f32 v12, v24  }
0x226: {  	v28 =	vshll.u32 v58, $0x10;
	v29 =	vshll.u32 v61, $0x10;
	v16 =	vand.u32 $0xFFFF0000, v58;
	[tilespmem:s26+$0x830] =	vst v26  }
0x227: {  	v30 =	vand.u32 $0xFFFF0000, v61;
	[tilespmem:s26+$0x1830] =	vst v12;
	v14 =	vmul.f32 v28, v8;
	v15 =	vmul.f32 v29, v10  }
0x228: {  	v11 =	vadd.f32 v18, v11;
	v16 =	vmul.f32 v16, v8;
	v12 =	vmul.f32 v30, v10;
	v31 =	vld [tilespmem:s23+$0x4940]  }
0x229: {  	[tilespmem:s20+$0x860] =	vst v13;
	v32 =	vld [tilespmem:s23+$0x8940];
	v14 =	vadd.f32 v15, v14  }
0x22a: {  	v33 =	vshll.u32 v25, $0x10;
	v34 =	vshll.u32 v27, $0x10;
	[tilespmem:s20+$0x1860] =	vst v11;
	v35 =	vadd.f32 v12, v16  }
0x22b: {  	v36 =	vmul.f32 v33, v4;
	v37 =	vmul.f32 v34, v3;
	[tilespmem:s25+$0x830] =	vst v14  }
0x22c: {  	v38 =	vand.u32 $0xFFFF0000, v25;
	v39 =	vand.u32 $0xFFFF0000, v27;
	v40 =	vld [tilespmem:s21+$0x4970];
	[tilespmem:s25+$0x1830] =	vst v35  }
0x22d: {  	v42 =	vmul.f32 v38, v4;
	v43 =	vmul.f32 v39, v3;
	v41 =	vadd.f32 v37, v36;
	v44 =	vld [tilespmem:s24+$0x4940]  }
0x22e: {  	v47 =	vld [tilespmem:s24+$0x8940];
	v45 =	vshll.u32 v31, $0x10;
	v46 =	vshll.u32 v32, $0x10;
	v18 =	vand.u32 $0xFFFF0000, v31  }
0x22f: {  	v13 =	vand.u32 $0xFFFF0000, v32;
	v16 =	vmul.f32 v45, v7;
	v19 =	vmul.f32 v46, v9  }
0x230: {  	v48 =	vld [tilespmem:s21+$0x8970];
	v12 =	vadd.f32 v43, v42;
	v18 =	vmul.f32 v18, v7;
	v13 =	vmul.f32 v13, v9  }
0x231: {  	[tilespmem:s18+$0x870] =	vst v41;
	v49 =	vadd.f32 v19, v16  }
0x232: {  	v50 =	vshll.u32 v40, $0x10;
	[tilespmem:s18+$0x1870] =	vst v12;
	v13 =	vadd.f32 v13, v18  }
0x233: {  	v51 =	vld [tilespmem:s19+$0x4D00];
	v52 =	vshll.u32 v44, $0x10;
	v53 =	vshll.u32 v47, $0x10;
	v15 =	vand.u32 $0xFFFF0000, v44;
	[tilespmem:s26+$0x840] =	vst v49  }
0x234: {  	v54 =	vld [tilespmem:s19+$0x8D00];
	v55 =	vand.u32 $0xFFFF0000, v47;
	[tilespmem:s26+$0x1840] =	vst v13;
	v11 =	vmul.f32 v52, v8;
	v18 =	vmul.f32 v53, v10  }
0x235: {  	v56 =	vshll.u32 v48, $0x10;
	v15 =	vmul.f32 v15, v8;
	v13 =	vmul.f32 v55, v10;
	v57 =	vld [tilespmem:s23+$0x4950]  }
0x236: {  	v17 =	vand.u32 $0xFFFF0000, v40;
	v14 =	vand.u32 $0xFFFF0000, v48;
	v58 =	vld [tilespmem:s23+$0x8950];
	v11 =	vadd.f32 v18, v11  }
0x237: {  	v12 =	vmul.f32 v50, v5;
	v59 =	vmul.f32 v56, v6;
	v13 =	vadd.f32 v13, v15  }
0x238: {  	v17 =	vmul.f32 v17, v5;
	v14 =	vmul.f32 v14, v6;
	[tilespmem:s25+$0x840] =	vst v11  }
0x239: {  	v12 =	vadd.f32 v59, v12;
	v16 =	vand.u32 $0xFFFF0000, v51;
	v19 =	vand.u32 $0xFFFF0000, v54;
	[tilespmem:s25+$0x1840] =	vst v13  }
0x23a: {  	v62 =	vadd.f32 v14, v17;
	v16 =	vmul.f32 v16, v4;
	v31 =	vmul.f32 v19, v3;
	v63 =	vld [tilespmem:s24+$0x4950]  }
0x23b: {  	v27 =	vld [tilespmem:s24+$0x8950];
	v24 =	vshll.u32 v57, $0x10;
	v25 =	vshll.u32 v58, $0x10;
	v26 =	vand.u32 $0xFFFF0000, v57  }
0x23c: {  	[tilespmem:s20+$0x870] =	vst v12;
	v28 =	vand.u32 $0xFFFF0000, v58;
	v17 =	vmul.f32 v24, v7;
	v18 =	vmul.f32 v25, v9  }
0x23d: {  	[tilespmem:s20+$0x1870] =	vst v62;
	v60 =	vshll.u32 v51, $0x10;
	v29 =	vmul.f32 v26, v7;
	v12 =	vmul.f32 v28, v9  }
0x23e: {  	v61 =	vshll.u32 v54, $0x10;
	v30 =	vld [tilespmem:s21+$0x4D00];
	v15 =	vmul.f32 v60, v4;
	v17 =	vadd.f32 v18, v17  }
0x23f: {  	v32 =	vld [tilespmem:s21+$0x8D00];
	v16 =	vadd.f32 v31, v16;
	v11 =	vmul.f32 v61, v3;
	v12 =	vadd.f32 v12, v29  }
0x240: {  	v33 =	vshll.u32 v63, $0x10;
	v34 =	vshll.u32 v27, $0x10;
	v14 =	vand.u32 $0xFFFF0000, v63;
	[tilespmem:s26+$0x850] =	vst v17  }
0x241: {  	v35 =	vand.u32 $0xFFFF0000, v27;
	[tilespmem:s26+$0x1850] =	vst v12;
	v13 =	vmul.f32 v33, v8;
	v17 =	vmul.f32 v34, v10  }
0x242: {  	v11 =	vadd.f32 v11, v15;
	v14 =	vmul.f32 v14, v8;
	v12 =	vmul.f32 v35, v10;
	v36 =	vld [tilespmem:s23+$0x4960]  }
0x243: {  	[tilespmem:s18+$0x1C00] =	vst v16;
	v37 =	vld [tilespmem:s23+$0x8960];
	v13 =	vadd.f32 v17, v13  }
0x244: {  	v38 =	vshll.u32 v30, $0x10;
	v39 =	vshll.u32 v32, $0x10;
	[tilespmem:s18+$0xC00] =	vst v11;
	v12 =	vadd.f32 v12, v14  }
0x245: {  	v40 =	vmul.f32 v38, v5;
	v41 =	vmul.f32 v39, v6;
	[tilespmem:s25+$0x850] =	vst v13  }
0x246: {  	v43 =	vand.u32 $0xFFFF0000, v32;
	v15 =	vand.u32 $0xFFFF0000, v30;
	v42 =	vld [tilespmem:s19+$0x4D10];
	[tilespmem:s25+$0x1850] =	vst v12  }
0x247: {  	v46 =	vmul.f32 v43, v6;
	v44 =	vadd.f32 v41, v40;
	v45 =	vmul.f32 v15, v5;
	v47 =	vld [tilespmem:s24+$0x4960]  }
0x248: {  	v50 =	vld [tilespmem:s24+$0x8960];
	v48 =	vshll.u32 v36, $0x10;
	v49 =	vshll.u32 v37, $0x10;
	v18 =	vand.u32 $0xFFFF0000, v36  }
0x249: {  	v11 =	vand.u32 $0xFFFF0000, v37;
	v17 =	vmul.f32 v48, v7;
	v19 =	vmul.f32 v49, v9  }
0x24a: {  	v51 =	vld [tilespmem:s19+$0x8D10];
	v14 =	vadd.f32 v46, v45;
	v52 =	vmul.f32 v18, v7;
	v11 =	vmul.f32 v11, v9  }
0x24b: {  	[tilespmem:s20+$0xC00] =	vst v44;
	v53 =	vadd.f32 v19, v17  }
0x24c: {  	v54 =	vshll.u32 v42, $0x10;
	[tilespmem:s20+$0x1C00] =	vst v14;
	v11 =	vadd.f32 v11, v52  }
0x24d: {  	v14 =	vld [tilespmem:s21+$0x4D10];
	v55 =	vshll.u32 v47, $0x10;
	v56 =	vshll.u32 v50, $0x10;
	v16 =	vand.u32 $0xFFFF0000, v47;
	[tilespmem:s26+$0x860] =	vst v53  }
0x24e: {  	v57 =	vld [tilespmem:s21+$0x8D10];
	v58 =	vand.u32 $0xFFFF0000, v50;
	[tilespmem:s26+$0x1860] =	vst v11;
	v12 =	vmul.f32 v55, v8;
	v15 =	vmul.f32 v56, v10  }
0x24f: {  	v59 =	vshll.u32 v51, $0x10;
	v16 =	vmul.f32 v16, v8;
	v11 =	vmul.f32 v58, v10;
	v60 =	vld [tilespmem:s23+$0x4970]  }
0x250: {  	v21 =	vand.u32 $0xFFFF0000, v51;
	v13 =	vand.u32 $0xFFFF0000, v42;
	v61 =	vld [tilespmem:s23+$0x8970];
	v12 =	vadd.f32 v15, v12  }
0x251: {  	v62 =	vmul.f32 v54, v4;
	v63 =	vmul.f32 v59, v3;
	v11 =	vadd.f32 v11, v16  }
0x252: {  	v23 =	vmul.f32 v21, v3;
	v13 =	vmul.f32 v13, v4;
	[tilespmem:s25+$0x860] =	vst v12  }
0x253: {  	v24 =	vadd.f32 v63, v62;
	v25 =	vshll.u32 v14, $0x10;
	v26 =	vshll.u32 v57, $0x10;
	[tilespmem:s25+$0x1860] =	vst v11  }
0x254: {  	v27 =	vadd.f32 v23, v13;
	v28 =	vmul.f32 v25, v5;
	v29 =	vmul.f32 v26, v6;
	v30 =	vld [tilespmem:s24+$0x4970]  }
0x255: {  	v33 =	vld [tilespmem:s24+$0x8970];
	v31 =	vshll.u32 v60, $0x10;
	v32 =	vshll.u32 v61, $0x10;
	v20 =	vand.u32 $0xFFFF0000, v60  }
0x256: {  	[tilespmem:s18+$0xC10] =	vst v24;
	v34 =	vand.u32 $0xFFFF0000, v61;
	v17 =	vmul.f32 v31, v7;
	v19 =	vmul.f32 v32, v9  }
0x257: {  	[tilespmem:s18+$0x1C10] =	vst v27;
	v18 =	vand.u32 $0xFFFF0000, v57;
	v36 =	vmul.f32 v20, v7;
	v12 =	vmul.f32 v34, v9  }
0x258: {  	v35 =	vand.u32 $0xFFFF0000, v14;
	v37 =	vld [tilespmem:s19+$0x4D20];
	v18 =	vmul.f32 v18, v6;
	v38 =	vadd.f32 v19, v17  }
0x259: {  	v39 =	vld [tilespmem:s19+$0x8D20];
	v13 =	vadd.f32 v29, v28;
	v11 =	vmul.f32 v35, v5;
	v12 =	vadd.f32 v12, v36  }
0x25a: {  	v40 =	vshll.u32 v30, $0x10;
	v41 =	vshll.u32 v33, $0x10;
	v16 =	vand.u32 $0xFFFF0000, v30;
	[tilespmem:s26+$0x870] =	vst v38  }
0x25b: {  	v42 =	vand.u32 $0xFFFF0000, v33;
	[tilespmem:s26+$0x1870] =	vst v12;
	v14 =	vmul.f32 v40, v8;
	v15 =	vmul.f32 v41, v10  }
0x25c: {  	v11 =	vadd.f32 v18, v11;
	v16 =	vmul.f32 v16, v8;
	v12 =	vmul.f32 v42, v10;
	v43 =	vld [tilespmem:s23+$0x4D00]  }
0x25d: {  	[tilespmem:s20+$0xC10] =	vst v13;
	v44 =	vld [tilespmem:s23+$0x8D00];
	v14 =	vadd.f32 v15, v14  }
0x25e: {  	v45 =	vshll.u32 v37, $0x10;
	v46 =	vshll.u32 v39, $0x10;
	[tilespmem:s20+$0x1C10] =	vst v11;
	v47 =	vadd.f32 v12, v16  }
0x25f: {  	v48 =	vmul.f32 v45, v4;
	v49 =	vmul.f32 v46, v3;
	[tilespmem:s25+$0x870] =	vst v14  }
0x260: {  	v50 =	vand.u32 $0xFFFF0000, v37;
	v51 =	vand.u32 $0xFFFF0000, v39;
	v52 =	vld [tilespmem:s21+$0x4D20];
	[tilespmem:s25+$0x1870] =	vst v47  }
0x261: {  	v54 =	vmul.f32 v50, v4;
	v55 =	vmul.f32 v51, v3;
	v53 =	vadd.f32 v49, v48;
	v56 =	vld [tilespmem:s24+$0x4D00]  }
0x262: {  	v59 =	vld [tilespmem:s24+$0x8D00];
	v57 =	vshll.u32 v43, $0x10;
	v58 =	vshll.u32 v44, $0x10;
	v18 =	vand.u32 $0xFFFF0000, v43  }
0x263: {  	v13 =	vand.u32 $0xFFFF0000, v44;
	v16 =	vmul.f32 v57, v7;
	v19 =	vmul.f32 v58, v9  }
0x264: {  	v60 =	vld [tilespmem:s21+$0x8D20];
	v12 =	vadd.f32 v55, v54;
	v18 =	vmul.f32 v18, v7;
	v13 =	vmul.f32 v13, v9  }
0x265: {  	[tilespmem:s18+$0xC20] =	vst v53;
	v61 =	vadd.f32 v19, v16  }
0x266: {  	v62 =	vshll.u32 v52, $0x10;
	[tilespmem:s18+$0x1C20] =	vst v12;
	v13 =	vadd.f32 v13, v18  }
0x267: {  	v63 =	vld [tilespmem:s19+$0x4D30];
	v24 =	vshll.u32 v56, $0x10;
	v25 =	vshll.u32 v59, $0x10;
	v15 =	vand.u32 $0xFFFF0000, v56;
	[tilespmem:s26+$0xC00] =	vst v61  }
0x268: {  	v26 =	vld [tilespmem:s19+$0x8D30];
	v27 =	vand.u32 $0xFFFF0000, v59;
	[tilespmem:s26+$0x1C00] =	vst v13;
	v11 =	vmul.f32 v24, v8;
	v18 =	vmul.f32 v25, v10  }
0x269: {  	v28 =	vshll.u32 v60, $0x10;
	v15 =	vmul.f32 v15, v8;
	v13 =	vmul.f32 v27, v10;
	v29 =	vld [tilespmem:s23+$0x4D10]  }
0x26a: {  	v17 =	vand.u32 $0xFFFF0000, v52;
	v14 =	vand.u32 $0xFFFF0000, v60;
	v30 =	vld [tilespmem:s23+$0x8D10];
	v11 =	vadd.f32 v18, v11  }
0x26b: {  	v12 =	vmul.f32 v62, v5;
	v31 =	vmul.f32 v28, v6;
	v13 =	vadd.f32 v13, v15  }
0x26c: {  	v17 =	vmul.f32 v17, v5;
	v14 =	vmul.f32 v14, v6;
	[tilespmem:s25+$0xC00] =	vst v11  }
0x26d: {  	v12 =	vadd.f32 v31, v12;
	v16 =	vand.u32 $0xFFFF0000, v63;
	v19 =	vand.u32 $0xFFFF0000, v26;
	[tilespmem:s25+$0x1C00] =	vst v13  }
0x26e: {  	v34 =	vadd.f32 v14, v17;
	v16 =	vmul.f32 v16, v4;
	v43 =	vmul.f32 v19, v3;
	v35 =	vld [tilespmem:s24+$0x4D10]  }
0x26f: {  	v39 =	vld [tilespmem:s24+$0x8D10];
	v36 =	vshll.u32 v29, $0x10;
	v37 =	vshll.u32 v30, $0x10;
	v38 =	vand.u32 $0xFFFF0000, v29  }
0x270: {  	[tilespmem:s20+$0xC20] =	vst v12;
	v40 =	vand.u32 $0xFFFF0000, v30;
	v17 =	vmul.f32 v36, v7;
	v18 =	vmul.f32 v37, v9  }
0x271: {  	[tilespmem:s20+$0x1C20] =	vst v34;
	v32 =	vshll.u32 v63, $0x10;
	v41 =	vmul.f32 v38, v7;
	v12 =	vmul.f32 v40, v9  }
0x272: {  	v33 =	vshll.u32 v26, $0x10;
	v42 =	vld [tilespmem:s21+$0x4D30];
	v15 =	vmul.f32 v32, v4;
	v17 =	vadd.f32 v18, v17  }
0x273: {  	v44 =	vld [tilespmem:s21+$0x8D30];
	v16 =	vadd.f32 v43, v16;
	v11 =	vmul.f32 v33, v3;
	v12 =	vadd.f32 v12, v41  }
0x274: {  	v45 =	vshll.u32 v35, $0x10;
	v46 =	vshll.u32 v39, $0x10;
	v14 =	vand.u32 $0xFFFF0000, v35;
	[tilespmem:s26+$0xC10] =	vst v17  }
0x275: {  	v47 =	vand.u32 $0xFFFF0000, v39;
	[tilespmem:s26+$0x1C10] =	vst v12;
	v13 =	vmul.f32 v45, v8;
	v17 =	vmul.f32 v46, v10  }
0x276: {  	v11 =	vadd.f32 v11, v15;
	v14 =	vmul.f32 v14, v8;
	v12 =	vmul.f32 v47, v10;
	v48 =	vld [tilespmem:s23+$0x4D20]  }
0x277: {  	[tilespmem:s18+$0x1C30] =	vst v16;
	v49 =	vld [tilespmem:s23+$0x8D20];
	v13 =	vadd.f32 v17, v13  }
0x278: {  	v50 =	vshll.u32 v42, $0x10;
	v51 =	vshll.u32 v44, $0x10;
	[tilespmem:s18+$0xC30] =	vst v11;
	v12 =	vadd.f32 v12, v14  }
0x279: {  	v52 =	vmul.f32 v50, v5;
	v53 =	vmul.f32 v51, v6;
	[tilespmem:s25+$0xC10] =	vst v13  }
0x27a: {  	v55 =	vand.u32 $0xFFFF0000, v44;
	v15 =	vand.u32 $0xFFFF0000, v42;
	v54 =	vld [tilespmem:s19+$0x4D40];
	[tilespmem:s25+$0x1C10] =	vst v12  }
0x27b: {  	v58 =	vmul.f32 v55, v6;
	v56 =	vadd.f32 v53, v52;
	v57 =	vmul.f32 v15, v5;
	v59 =	vld [tilespmem:s24+$0x4D20]  }
0x27c: {  	v62 =	vld [tilespmem:s24+$0x8D20];
	v60 =	vshll.u32 v48, $0x10;
	v61 =	vshll.u32 v49, $0x10;
	v18 =	vand.u32 $0xFFFF0000, v48  }
0x27d: {  	v11 =	vand.u32 $0xFFFF0000, v49;
	v17 =	vmul.f32 v60, v7;
	v19 =	vmul.f32 v61, v9  }
0x27e: {  	v63 =	vld [tilespmem:s19+$0x8D40];
	v14 =	vadd.f32 v58, v57;
	v22 =	vmul.f32 v18, v7;
	v11 =	vmul.f32 v11, v9  }
0x27f: {  	[tilespmem:s20+$0xC30] =	vst v56;
	v23 =	vadd.f32 v19, v17  }
0x280: {  	v24 =	vshll.u32 v54, $0x10;
	[tilespmem:s20+$0x1C30] =	vst v14;
	v11 =	vadd.f32 v11, v22  }
0x281: {  	v14 =	vld [tilespmem:s21+$0x4D40];
	v25 =	vshll.u32 v59, $0x10;
	v26 =	vshll.u32 v62, $0x10;
	v16 =	vand.u32 $0xFFFF0000, v59;
	[tilespmem:s26+$0xC20] =	vst v23  }
0x282: {  	v27 =	vld [tilespmem:s21+$0x8D40];
	v28 =	vand.u32 $0xFFFF0000, v62;
	[tilespmem:s26+$0x1C20] =	vst v11;
	v12 =	vmul.f32 v25, v8;
	v15 =	vmul.f32 v26, v10  }
0x283: {  	v29 =	vshll.u32 v63, $0x10;
	v16 =	vmul.f32 v16, v8;
	v11 =	vmul.f32 v28, v10;
	v30 =	vld [tilespmem:s23+$0x4D30]  }
0x284: {  	v21 =	vand.u32 $0xFFFF0000, v63;
	v13 =	vand.u32 $0xFFFF0000, v54;
	v31 =	vld [tilespmem:s23+$0x8D30];
	v12 =	vadd.f32 v15, v12  }
0x285: {  	v32 =	vmul.f32 v24, v4;
	v33 =	vmul.f32 v29, v3;
	v11 =	vadd.f32 v11, v16  }
0x286: {  	v34 =	vmul.f32 v21, v3;
	v13 =	vmul.f32 v13, v4;
	[tilespmem:s25+$0xC20] =	vst v12  }
0x287: {  	v35 =	vadd.f32 v33, v32;
	v36 =	vshll.u32 v14, $0x10;
	v37 =	vshll.u32 v27, $0x10;
	[tilespmem:s25+$0x1C20] =	vst v11  }
0x288: {  	v38 =	vadd.f32 v34, v13;
	v39 =	vmul.f32 v36, v5;
	v40 =	vmul.f32 v37, v6;
	v41 =	vld [tilespmem:s24+$0x4D30]  }
0x289: {  	v44 =	vld [tilespmem:s24+$0x8D30];
	v42 =	vshll.u32 v30, $0x10;
	v43 =	vshll.u32 v31, $0x10;
	v20 =	vand.u32 $0xFFFF0000, v30  }
0x28a: {  	[tilespmem:s18+$0xC40] =	vst v35;
	v45 =	vand.u32 $0xFFFF0000, v31;
	v17 =	vmul.f32 v42, v7;
	v19 =	vmul.f32 v43, v9  }
0x28b: {  	[tilespmem:s18+$0x1C40] =	vst v38;
	v18 =	vand.u32 $0xFFFF0000, v27;
	v47 =	vmul.f32 v20, v7;
	v12 =	vmul.f32 v45, v9  }
0x28c: {  	v46 =	vand.u32 $0xFFFF0000, v14;
	v48 =	vld [tilespmem:s19+$0x4D50];
	v18 =	vmul.f32 v18, v6;
	v49 =	vadd.f32 v19, v17  }
0x28d: {  	v50 =	vld [tilespmem:s19+$0x8D50];
	v13 =	vadd.f32 v40, v39;
	v11 =	vmul.f32 v46, v5;
	v12 =	vadd.f32 v12, v47  }
0x28e: {  	v51 =	vshll.u32 v41, $0x10;
	v52 =	vshll.u32 v44, $0x10;
	v16 =	vand.u32 $0xFFFF0000, v41;
	[tilespmem:s26+$0xC30] =	vst v49  }
0x28f: {  	v53 =	vand.u32 $0xFFFF0000, v44;
	[tilespmem:s26+$0x1C30] =	vst v12;
	v14 =	vmul.f32 v51, v8;
	v15 =	vmul.f32 v52, v10  }
0x290: {  	v11 =	vadd.f32 v18, v11;
	v16 =	vmul.f32 v16, v8;
	v12 =	vmul.f32 v53, v10;
	v54 =	vld [tilespmem:s23+$0x4D40]  }
0x291: {  	[tilespmem:s20+$0xC40] =	vst v13;
	v55 =	vld [tilespmem:s23+$0x8D40];
	v14 =	vadd.f32 v15, v14  }
0x292: {  	v56 =	vshll.u32 v48, $0x10;
	v57 =	vshll.u32 v50, $0x10;
	[tilespmem:s20+$0x1C40] =	vst v11;
	v58 =	vadd.f32 v12, v16  }
0x293: {  	v59 =	vmul.f32 v56, v4;
	v60 =	vmul.f32 v57, v3;
	[tilespmem:s25+$0xC30] =	vst v14  }
0x294: {  	v61 =	vand.u32 $0xFFFF0000, v48;
	v62 =	vand.u32 $0xFFFF0000, v50;
	v63 =	vld [tilespmem:s21+$0x4D50];
	[tilespmem:s25+$0x1C30] =	vst v58  }
0x295: {  	v25 =	vmul.f32 v61, v4;
	v26 =	vmul.f32 v62, v3;
	v24 =	vadd.f32 v60, v59;
	v27 =	vld [tilespmem:s24+$0x4D40]  }
0x296: {  	v30 =	vld [tilespmem:s24+$0x8D40];
	v28 =	vshll.u32 v54, $0x10;
	v29 =	vshll.u32 v55, $0x10;
	v18 =	vand.u32 $0xFFFF0000, v54  }
0x297: {  	v13 =	vand.u32 $0xFFFF0000, v55;
	v16 =	vmul.f32 v28, v7;
	v19 =	vmul.f32 v29, v9  }
0x298: {  	v31 =	vld [tilespmem:s21+$0x8D50];
	v12 =	vadd.f32 v26, v25;
	v18 =	vmul.f32 v18, v7;
	v13 =	vmul.f32 v13, v9  }
0x299: {  	[tilespmem:s18+$0xC50] =	vst v24;
	v32 =	vadd.f32 v19, v16  }
0x29a: {  	v33 =	vshll.u32 v63, $0x10;
	[tilespmem:s18+$0x1C50] =	vst v12;
	v13 =	vadd.f32 v13, v18  }
0x29b: {  	v34 =	vld [tilespmem:s19+$0x4D60];
	v35 =	vshll.u32 v27, $0x10;
	v36 =	vshll.u32 v30, $0x10;
	v15 =	vand.u32 $0xFFFF0000, v27;
	[tilespmem:s26+$0xC40] =	vst v32  }
0x29c: {  	v37 =	vld [tilespmem:s19+$0x8D60];
	v38 =	vand.u32 $0xFFFF0000, v30;
	[tilespmem:s26+$0x1C40] =	vst v13;
	v11 =	vmul.f32 v35, v8;
	v18 =	vmul.f32 v36, v10  }
0x29d: {  	v39 =	vshll.u32 v31, $0x10;
	v15 =	vmul.f32 v15, v8;
	v13 =	vmul.f32 v38, v10;
	v40 =	vld [tilespmem:s23+$0x4D50]  }
0x29e: {  	v17 =	vand.u32 $0xFFFF0000, v63;
	v14 =	vand.u32 $0xFFFF0000, v31;
	v41 =	vld [tilespmem:s23+$0x8D50];
	v11 =	vadd.f32 v18, v11  }
0x29f: {  	v12 =	vmul.f32 v33, v5;
	v42 =	vmul.f32 v39, v6;
	v13 =	vadd.f32 v13, v15  }
0x2a0: {  	v17 =	vmul.f32 v17, v5;
	v14 =	vmul.f32 v14, v6;
	[tilespmem:s25+$0xC40] =	vst v11  }
0x2a1: {  	v12 =	vadd.f32 v42, v12;
	v43 =	vshll.u32 v34, $0x10;
	v44 =	vshll.u32 v37, $0x10;
	[tilespmem:s25+$0x1C40] =	vst v13  }
0x2a2: {  	v45 =	vadd.f32 v14, v17;
	v15 =	vmul.f32 v43, v4;
	v11 =	vmul.f32 v44, v3;
	v46 =	vld [tilespmem:s24+$0x4D50]  }
0x2a3: {  	v50 =	vld [tilespmem:s24+$0x8D50];
	v47 =	vshll.u32 v40, $0x10;
	v48 =	vshll.u32 v41, $0x10;
	v49 =	vand.u32 $0xFFFF0000, v40  }
0x2a4: {  	v22 =	vand.u32 $0xFFFF0000, v41;
	v17 =	vmul.f32 v47, v7;
	v18 =	vmul.f32 v48, v9  }
0x2a5: {  	[tilespmem:s20+$0xC50] =	vst v12;
	v16 =	vand.u32 $0xFFFF0000, v34;
	v51 =	vmul.f32 v49, v7;
	v52 =	vmul.f32 v22, v9  }
0x2a6: {  	[tilespmem:s20+$0x1C50] =	vst v45;
	v19 =	vand.u32 $0xFFFF0000, v37;
	v54 =	vmul.f32 v16, v4;
	v53 =	vadd.f32 v18, v17  }
0x2a7: {  	v56 =	vld [tilespmem:s21+$0x4D60];
	v55 =	vmul.f32 v19, v3;
	v11 =	vadd.f32 v11, v15;
	v12 =	vadd.f32 v52, v51  }
0x2a8: {  	v57 =	vld [tilespmem:s21+$0x8D60];
	v58 =	vshll.u32 v46, $0x10;
	v59 =	vshll.u32 v50, $0x10;
	v14 =	vand.u32 $0xFFFF0000, v46;
	[tilespmem:s26+$0xC50] =	vst v53  }
0x2a9: {  	v60 =	vand.u32 $0xFFFF0000, v50;
	[tilespmem:s26+$0x1C50] =	vst v12;
	v13 =	vmul.f32 v58, v8;
	v19 =	vmul.f32 v59, v10  }
0x2aa: {  	v15 =	vadd.f32 v55, v54;
	v14 =	vmul.f32 v14, v8;
	v12 =	vmul.f32 v60, v10;
	v61 =	vld [tilespmem:s23+$0x4D60]  }
0x2ab: {  	[tilespmem:s18+$0xC60] =	vst v11;
	v62 =	vld [tilespmem:s23+$0x8D60];
	v13 =	vadd.f32 v19, v13  }
0x2ac: {  	[tilespmem:s18+$0x1C60] =	vst v15;
	v12 =	vadd.f32 v12, v14  }
0x2ad: {  	v23 =	vshll.u32 v57, $0x10;
	v22 =	vshll.u32 v56, $0x10;
	v63 =	vld [tilespmem:s19+$0x4D70];
	v17 =	vand.u32 $0xFFFF0000, v56;
	[tilespmem:s25+$0xC50] =	vst v13  }
0x2ae: {  	v15 =	vmul.f32 v22, v5;
	v24 =	vld [tilespmem:s19+$0x8D70];
	v18 =	vand.u32 $0xFFFF0000, v57;
	v25 =	vmul.f32 v17, v5;
	[tilespmem:s25+$0x1C50] =	vst v12  }
0x2af: {  	v26 =	vmul.f32 v18, v6;
	v19 =	vmul.f32 v23, v6;
	v27 =	vld [tilespmem:s24+$0x4D60]  }
0x2b0: {  	v30 =	vld [tilespmem:s24+$0x8D60];
	v28 =	vshll.u32 v61, $0x10;
	v29 =	vshll.u32 v62, $0x10;
	v16 =	vand.u32 $0xFFFF0000, v61  }
0x2b1: {  	v11 =	vand.u32 $0xFFFF0000, v62;
	v20 =	vmul.f32 v28, v7;
	v21 =	vmul.f32 v29, v9  }
0x2b2: {  	v15 =	vadd.f32 v19, v15;
	v16 =	vmul.f32 v16, v7;
	v11 =	vmul.f32 v11, v9  }
0x2b3: {  	v31 =	vshll.u32 v63, $0x10;
	v32 =	vshll.u32 v24, $0x10;
	v12 =	vadd.f32 v26, v25  }
0x2b4: {  	v14 =	vand.u32 $0xFFFF0000, v63;
	[tilespmem:s20+$0xC60] =	vst v15;
	v33 =	vadd.f32 v21, v20;
	v11 =	vadd.f32 v11, v16  }
0x2b5: {  	[tilespmem:s20+$0x1C60] =	vst v12;
	v34 =	vshll.u32 v27, $0x10;
	v35 =	vshll.u32 v30, $0x10;
	v18 =	vand.u32 $0xFFFF0000, v27  }
0x2b6: {  	v36 =	vld [tilespmem:s21+$0x4D70];
	v37 =	vand.u32 $0xFFFF0000, v30;
	[tilespmem:s26+$0xC60] =	vst v33;
	v12 =	vmul.f32 v34, v8;
	v16 =	vmul.f32 v35, v10  }
0x2b7: {  	v39 =	vand.u32 $0xFFFF0000, v24;
	v38 =	vld [tilespmem:s21+$0x8D70];
	[tilespmem:s26+$0x1C60] =	vst v11;
	v40 =	vmul.f32 v18, v8;
	v15 =	vmul.f32 v37, v10  }
0x2b8: {  	v41 =	vmul.f32 v31, v4;
	v4 =	vmul.f32 v14, v4;
	v42 =	vld [tilespmem:s23+$0x4D70];
	v12 =	vadd.f32 v16, v12  }
0x2b9: {  	v17 =	vmul.f32 v32, v3;
	v3 =	vmul.f32 v39, v3;
	v43 =	vld [tilespmem:s23+$0x8D70];
	v44 =	vadd.f32 v15, v40  }
0x2ba: {  	[tilespmem:s25+$0xC60] =	vst v12  }
0x2bb: {  	v45 =	vadd.f32 v17, v41;
	v3 =	vadd.f32 v3, v4;
	v46 =	vshll.u32 v36, $0x10;
	[tilespmem:s25+$0x1C60] =	vst v44  }
0x2bc: {  	v47 =	vshll.u32 v38, $0x10;
	v48 =	vand.u32 $0xFFFF0000, v36;
	v4 =	vmul.f32 v46, v5;
	v49 =	vld [tilespmem:s24+$0x4D70]  }
0x2bd: {  	v51 =	vand.u32 $0xFFFF0000, v38;
	v11 =	vmul.f32 v47, v6;
	v5 =	vmul.f32 v48, v5;
	v50 =	vld [tilespmem:s24+$0x8D70]  }
0x2be: {  	v6 =	vmul.f32 v51, v6;
	v52 =	vshll.u32 v42, $0x10;
	v53 =	vshll.u32 v43, $0x10  }
0x2bf: {  	v4 =	vadd.f32 v11, v4;
	v54 =	vmul.f32 v52, v7;
	v55 =	vmul.f32 v53, v9  }
0x2c0: {  	v5 =	vadd.f32 v6, v5;
	v56 =	vand.u32 $0xFFFF0000, v42;
	v57 =	vand.u32 $0xFFFF0000, v43  }
0x2c1: {  	[tilespmem:s18+$0xC70] =	vst v45;
	v6 =	vmul.f32 v56, v7;
	v58 =	vmul.f32 v57, v9;
	v11 =	vadd.f32 v55, v54  }
0x2c2: {  	[tilespmem:s18+$0x1C70] =	vst v3;
	v3 =	vshll.u32 v49, $0x10;
	v59 =	vshll.u32 v50, $0x10;
	v60 =	vand.u32 $0xFFFF0000, v49  }
0x2c3: {  	p0 =	slt.u32 s12, $0x1C;
	[tilespmem:s20+$0xC70] =	vst v4;
	v61 =	vand.u32 $0xFFFF0000, v50;
	v3 =	vmul.f32 v3, v8;
	v9 =	vmul.f32 v59, v10  }
.Ltmp0:
0x2c4: {  	[tilespmem:s20+$0x1C70] =	vst v5;
	v62 =	vadd.f32 v58, v6;
	v63 =	vmul.f32 v60, v8;
	v4 =	vmul.f32 v61, v10;
	(pc) =	sbr.rel @p0 .LBB2_2-.Ltmp0, $4  }
0x2c5: {  	[tilespmem:s26+$0xC70] =	vst v11;
	v3 =	vadd.f32 v9, v3  }
0x2c6: {  	[tilespmem:s26+$0x1C70] =	vst v62;
	v4 =	vadd.f32 v4, v63  }
0x2c7: {  	[tilespmem:s25+$0xC70] =	vst v3  }
0x2c8: {  	s17 =	sadd.s32 $0x200, s17;
	s14 =	sadd.s32 $0x200, s14;
	s13 =	sadd.s32 $0x200, s13;
	[tilespmem:s25+$0x1C70] =	vst v4  }
0x2c9: {  	s12 =	simm.s32 $0x0  }
0x2ca: {  	[hbm4b:s9+s12] =	stream.linear.scatter [tilespmem:s31], [sflag:$0x3], $0x8000, $0x38;
	[tilespmem:$0x1C100] =	vst v63  }
0x2cb: {  	_ =	swait.ge [sflag:s0], $0x8000  }
0x2cc: {  	[sflag:s0] =	ssyncset.done $0x0  }
0x2cd: {  	[sflag:s0] =	ssyncadd.s32 $0xFFFF8000  }
0x2ce: {  	_ =	swait.ge [sflag:s15], $0x4000  }
0x2cf: {  	[sflag:s15] =	ssyncset.done $0x0  }
0x2d0: {  	[sflag:s15] =	ssyncadd.s32 $0xFFFFC000  }
0x2d1: {  	_ =	swait.ge [sflag:s16], $0x4000  }
0x2d2: {  	s13 =	simm.s32 $0xFFFFFFFC;
	[sflag:s16] =	ssyncset.done $0x0  }
0x2d3: {  	s14 =	simm.s32 $0x1280;
	s17 =	simm.s32 $0x3280;
	[sflag:s16] =	ssyncadd.s32 $0xFFFFC000  }
.LBB2_4:
0x2d4: {  	s13 =	sadd.s32 $0x4, s13  }
0x2d5: {  	s18 =	sshll.u32 s13, $0x9  }
0x2d6: {  	s24 =	sand.u32 $0x200, s12;
	s22 =	sand.u32 $0xFFFFF000, s18  }
0x2d7: {  	v4 =	vld [tilespmem:s14+$0xFFFFFE80];
	s19 =	sor.u32 s24, s22  }
0x2d8: {  	v5 =	vld [tilespmem:s19+$0xC100]  }
0x2d9: {  	v6 =	vld [tilespmem:s19+$0x10100]  }
0x2da: {  	v3 =	vld [tilespmem:s17+$0xFFFFFE80];
	_ =	sdelay $0x3  }
0x2db: {  	v7 =	vshll.u32 v5, $0x10;
	v8 =	vshll.u32 v6, $0x10;
	v5 =	vand.u32 $0xFFFF0000, v5  }
0x2dc: {  	s25 =	sshll.u32 s13, $0xA;
	v6 =	vand.u32 $0xFFFF0000, v6;
	v7 =	vmul.f32 v7, v4;
	v8 =	vmul.f32 v8, v3  }
0x2dd: {  	s18 =	sand.u32 $0x3FFFE000, s25;
	v5 =	vmul.f32 v5, v4;
	v6 =	vmul.f32 v6, v3  }
0x2de: {  	s25 =	sadd.s32 $0x14100, s18;
	v7 =	vadd.f32 v8, v7  }
0x2df: {  	s18 =	sor.u32 s24, s25;
	v5 =	vadd.f32 v6, v5  }
0x2e0: {  	[tilespmem:s18+$0x0] =	vst v7  }
0x2e1: {  	[tilespmem:s18+$0x1000] =	vst v5  }
0x2e2: {  	v5 =	vld [tilespmem:s19+$0xC110]  }
0x2e3: {  	v23 =	vld [tilespmem:s19+$0x10110];
	_ =	sdelay $0x4  }
0x2e4: {  	v24 =	vshll.u32 v5, $0x10;
	v25 =	vshll.u32 v23, $0x10;
	v5 =	vand.u32 $0xFFFF0000, v5  }
0x2e5: {  	v6 =	vand.u32 $0xFFFF0000, v23;
	v7 =	vmul.f32 v24, v4;
	v8 =	vmul.f32 v25, v3  }
0x2e6: {  	v5 =	vmul.f32 v5, v4;
	v6 =	vmul.f32 v6, v3  }
0x2e7: {  	v7 =	vadd.f32 v8, v7  }
0x2e8: {  	v5 =	vadd.f32 v6, v5  }
0x2e9: {  	[tilespmem:s18+$0x10] =	vst v7  }
0x2ea: {  	[tilespmem:s18+$0x1010] =	vst v5  }
0x2eb: {  	v5 =	vld [tilespmem:s19+$0xC120]  }
0x2ec: {  	v26 =	vld [tilespmem:s19+$0x10120];
	_ =	sdelay $0x4  }
0x2ed: {  	v27 =	vshll.u32 v5, $0x10;
	v28 =	vshll.u32 v26, $0x10;
	v5 =	vand.u32 $0xFFFF0000, v5  }
0x2ee: {  	v6 =	vand.u32 $0xFFFF0000, v26;
	v7 =	vmul.f32 v27, v4;
	v8 =	vmul.f32 v28, v3  }
0x2ef: {  	v5 =	vmul.f32 v5, v4;
	v6 =	vmul.f32 v6, v3  }
0x2f0: {  	v7 =	vadd.f32 v8, v7  }
0x2f1: {  	v5 =	vadd.f32 v6, v5  }
0x2f2: {  	[tilespmem:s18+$0x20] =	vst v7  }
0x2f3: {  	[tilespmem:s18+$0x1020] =	vst v5  }
0x2f4: {  	v5 =	vld [tilespmem:s19+$0xC130]  }
0x2f5: {  	v29 =	vld [tilespmem:s19+$0x10130];
	_ =	sdelay $0x4  }
0x2f6: {  	v30 =	vshll.u32 v5, $0x10;
	v31 =	vshll.u32 v29, $0x10;
	v5 =	vand.u32 $0xFFFF0000, v5  }
0x2f7: {  	v6 =	vand.u32 $0xFFFF0000, v29;
	v7 =	vmul.f32 v30, v4;
	v8 =	vmul.f32 v31, v3  }
0x2f8: {  	v5 =	vmul.f32 v5, v4;
	v6 =	vmul.f32 v6, v3  }
0x2f9: {  	v7 =	vadd.f32 v8, v7  }
0x2fa: {  	v5 =	vadd.f32 v6, v5  }
0x2fb: {  	[tilespmem:s18+$0x30] =	vst v7  }
0x2fc: {  	[tilespmem:s18+$0x1030] =	vst v5  }
0x2fd: {  	v7 =	vld [tilespmem:s19+$0xC140]  }
0x2fe: {  	v32 =	vld [tilespmem:s19+$0x10140];
	_ =	sdelay $0x4  }
0x2ff: {  	v33 =	vshll.u32 v7, $0x10;
	v34 =	vshll.u32 v32, $0x10  }
0x300: {  	v5 =	vmul.f32 v33, v4;
	v6 =	vmul.f32 v34, v3;
	_ =	sdelay $0x1  }
0x301: {  	v5 =	vadd.f32 v6, v5;
	_ =	sdelay $0x1  }
0x302: {  	s20 =	sor.u32 $0x80, s24;
	[tilespmem:s18+$0x40] =	vst v5  }
0x303: {  	s21 =	sor.u32 s22, s20;
	v5 =	vld [tilespmem:s14+$0xFFFFFF00]  }
0x304: {  	v9 =	vld [tilespmem:s21+$0xC100]  }
0x305: {  	v10 =	vld [tilespmem:s21+$0x10100]  }
0x306: {  	v6 =	vld [tilespmem:s17+$0xFFFFFF00];
	_ =	sdelay $0x3  }
0x307: {  	v11 =	vshll.u32 v9, $0x10;
	v12 =	vshll.u32 v10, $0x10;
	v9 =	vand.u32 $0xFFFF0000, v9  }
0x308: {  	v10 =	vand.u32 $0xFFFF0000, v10;
	v11 =	vmul.f32 v11, v5;
	v12 =	vmul.f32 v12, v6  }
0x309: {  	v9 =	vmul.f32 v9, v5;
	v10 =	vmul.f32 v10, v6  }
0x30a: {  	v11 =	vadd.f32 v12, v11  }
0x30b: {  	s20 =	sor.u32 s20, s25;
	v9 =	vadd.f32 v10, v9  }
0x30c: {  	[tilespmem:s20+$0x0] =	vst v11  }
0x30d: {  	[tilespmem:s20+$0x1000] =	vst v9  }
0x30e: {  	v9 =	vld [tilespmem:s21+$0xC110]  }
0x30f: {  	v35 =	vld [tilespmem:s21+$0x10110];
	_ =	sdelay $0x4  }
0x310: {  	v36 =	vshll.u32 v9, $0x10;
	v37 =	vshll.u32 v35, $0x10;
	v9 =	vand.u32 $0xFFFF0000, v9  }
0x311: {  	v10 =	vand.u32 $0xFFFF0000, v35;
	v11 =	vmul.f32 v36, v5;
	v12 =	vmul.f32 v37, v6  }
0x312: {  	v9 =	vmul.f32 v9, v5;
	v10 =	vmul.f32 v10, v6  }
0x313: {  	v11 =	vadd.f32 v12, v11  }
0x314: {  	v9 =	vadd.f32 v10, v9  }
0x315: {  	[tilespmem:s20+$0x10] =	vst v11  }
0x316: {  	[tilespmem:s20+$0x1010] =	vst v9  }
0x317: {  	v9 =	vld [tilespmem:s21+$0xC120]  }
0x318: {  	v38 =	vld [tilespmem:s21+$0x10120];
	_ =	sdelay $0x4  }
0x319: {  	v39 =	vshll.u32 v9, $0x10;
	v40 =	vshll.u32 v38, $0x10;
	v9 =	vand.u32 $0xFFFF0000, v9  }
0x31a: {  	v10 =	vand.u32 $0xFFFF0000, v38;
	v11 =	vmul.f32 v39, v5;
	v12 =	vmul.f32 v40, v6  }
0x31b: {  	v9 =	vmul.f32 v9, v5;
	v10 =	vmul.f32 v10, v6  }
0x31c: {  	v11 =	vadd.f32 v12, v11  }
0x31d: {  	v9 =	vadd.f32 v10, v9  }
0x31e: {  	[tilespmem:s20+$0x20] =	vst v11  }
0x31f: {  	[tilespmem:s20+$0x1020] =	vst v9  }
0x320: {  	v9 =	vld [tilespmem:s21+$0xC130]  }
0x321: {  	v41 =	vld [tilespmem:s21+$0x10130];
	_ =	sdelay $0x4  }
0x322: {  	v42 =	vshll.u32 v9, $0x10;
	v43 =	vshll.u32 v41, $0x10;
	v9 =	vand.u32 $0xFFFF0000, v9  }
0x323: {  	v10 =	vand.u32 $0xFFFF0000, v41;
	v11 =	vmul.f32 v42, v5;
	v12 =	vmul.f32 v43, v6  }
0x324: {  	v9 =	vmul.f32 v9, v5;
	v10 =	vmul.f32 v10, v6  }
0x325: {  	v11 =	vadd.f32 v12, v11  }
0x326: {  	v9 =	vadd.f32 v10, v9  }
0x327: {  	[tilespmem:s20+$0x30] =	vst v11  }
0x328: {  	[tilespmem:s20+$0x1030] =	vst v9  }
0x329: {  	v9 =	vld [tilespmem:s21+$0xC140]  }
0x32a: {  	v7 =	vand.u32 $0xFFFF0000, v7;
	v8 =	vand.u32 $0xFFFF0000, v32;
	v44 =	vld [tilespmem:s21+$0x10140]  }
0x32b: {  	v7 =	vmul.f32 v7, v4;
	v8 =	vmul.f32 v8, v3;
	_ =	sdelay $0x1  }
0x32c: {  	v7 =	vadd.f32 v8, v7;
	_ =	sdelay $0x1  }
0x32d: {  	[tilespmem:s18+$0x1040] =	vst v7;
	v45 =	vshll.u32 v9, $0x10;
	v46 =	vshll.u32 v44, $0x10;
	v9 =	vand.u32 $0xFFFF0000, v9  }
0x32e: {  	v7 =	vld [tilespmem:s19+$0xC150];
	v10 =	vand.u32 $0xFFFF0000, v44;
	v8 =	vmul.f32 v45, v5;
	v11 =	vmul.f32 v46, v6  }
0x32f: {  	v47 =	vld [tilespmem:s19+$0x10150];
	v9 =	vmul.f32 v9, v5;
	v10 =	vmul.f32 v10, v6  }
0x330: {  	v8 =	vadd.f32 v11, v8  }
0x331: {  	v9 =	vadd.f32 v10, v9  }
0x332: {  	[tilespmem:s20+$0x40] =	vst v8  }
0x333: {  	[tilespmem:s20+$0x1040] =	vst v9  }
0x334: {  	v48 =	vshll.u32 v7, $0x10;
	v49 =	vshll.u32 v47, $0x10;
	v7 =	vand.u32 $0xFFFF0000, v7;
	v51 =	vld [tilespmem:s21+$0xC150]  }
0x335: {  	v50 =	vand.u32 $0xFFFF0000, v47;
	v10 =	vmul.f32 v49, v3;
	v8 =	vmul.f32 v48, v4;
	v52 =	vld [tilespmem:s21+$0x10150]  }
0x336: {  	v7 =	vmul.f32 v7, v4;
	v9 =	vmul.f32 v50, v3  }
0x337: {  	v8 =	vadd.f32 v10, v8  }
0x338: {  	v7 =	vadd.f32 v9, v7  }
0x339: {  	[tilespmem:s18+$0x50] =	vst v8  }
0x33a: {  	[tilespmem:s18+$0x1050] =	vst v7;
	v53 =	vshll.u32 v51, $0x10;
	v54 =	vshll.u32 v52, $0x10;
	v55 =	vand.u32 $0xFFFF0000, v51  }
0x33b: {  	v7 =	vld [tilespmem:s19+$0xC160];
	v12 =	vand.u32 $0xFFFF0000, v52;
	v8 =	vmul.f32 v53, v5;
	v9 =	vmul.f32 v54, v6  }
0x33c: {  	v56 =	vld [tilespmem:s19+$0x10160];
	v10 =	vmul.f32 v55, v5;
	v12 =	vmul.f32 v12, v6  }
0x33d: {  	v8 =	vadd.f32 v9, v8  }
0x33e: {  	v57 =	vadd.f32 v12, v10  }
0x33f: {  	[tilespmem:s20+$0x50] =	vst v8  }
0x340: {  	[tilespmem:s20+$0x1050] =	vst v57  }
0x341: {  	v58 =	vshll.u32 v7, $0x10;
	v59 =	vshll.u32 v56, $0x10;
	v7 =	vand.u32 $0xFFFF0000, v7;
	v61 =	vld [tilespmem:s21+$0xC160]  }
0x342: {  	v60 =	vand.u32 $0xFFFF0000, v56;
	v8 =	vmul.f32 v58, v4;
	v10 =	vmul.f32 v59, v3;
	v62 =	vld [tilespmem:s21+$0x10160]  }
0x343: {  	v7 =	vmul.f32 v7, v4;
	v9 =	vmul.f32 v60, v3  }
0x344: {  	v8 =	vadd.f32 v10, v8  }
0x345: {  	v7 =	vadd.f32 v9, v7  }
0x346: {  	[tilespmem:s18+$0x60] =	vst v8  }
0x347: {  	[tilespmem:s18+$0x1060] =	vst v7;
	v63 =	vshll.u32 v61, $0x10;
	v16 =	vshll.u32 v62, $0x10;
	v17 =	vand.u32 $0xFFFF0000, v61  }
0x348: {  	v7 =	vld [tilespmem:s19+$0xC170];
	v12 =	vand.u32 $0xFFFF0000, v62;
	v8 =	vmul.f32 v63, v5;
	v9 =	vmul.f32 v16, v6  }
0x349: {  	v18 =	vld [tilespmem:s19+$0x10170];
	v10 =	vmul.f32 v17, v5;
	v12 =	vmul.f32 v12, v6  }
0x34a: {  	v8 =	vadd.f32 v9, v8  }
0x34b: {  	v19 =	vadd.f32 v12, v10  }
0x34c: {  	[tilespmem:s20+$0x60] =	vst v8  }
0x34d: {  	[tilespmem:s20+$0x1060] =	vst v19  }
0x34e: {  	v20 =	vshll.u32 v7, $0x10;
	v21 =	vshll.u32 v18, $0x10;
	v7 =	vand.u32 $0xFFFF0000, v7;
	v23 =	vld [tilespmem:s21+$0xC170]  }
0x34f: {  	v22 =	vand.u32 $0xFFFF0000, v18;
	v8 =	vmul.f32 v20, v4;
	v10 =	vmul.f32 v21, v3;
	v24 =	vld [tilespmem:s21+$0x10170]  }
0x350: {  	v7 =	vmul.f32 v7, v4;
	v9 =	vmul.f32 v22, v3  }
0x351: {  	s26 =	sor.u32 $0x100, s24;
	v8 =	vadd.f32 v10, v8  }
0x352: {  	s23 =	sor.u32 s22, s26;
	v7 =	vadd.f32 v9, v7  }
0x353: {  	v29 =	vld [tilespmem:s23+$0xC100];
	[tilespmem:s18+$0x70] =	vst v8  }
0x354: {  	v13 =	vld [tilespmem:s23+$0x10100];
	[tilespmem:s18+$0x1070] =	vst v7;
	v25 =	vshll.u32 v23, $0x10;
	v26 =	vshll.u32 v24, $0x10  }
0x355: {  	v8 =	vld [tilespmem:s19+$0xC500];
	v7 =	vmul.f32 v25, v5;
	v9 =	vmul.f32 v26, v6  }
0x356: {  	v28 =	vld [tilespmem:s19+$0x10500]  }
0x357: {  	v27 =	vand.u32 $0xFFFF0000, v23;
	v12 =	vand.u32 $0xFFFF0000, v24;
	v9 =	vadd.f32 v9, v7  }
0x358: {  	s28 =	sor.u32 $0x180, s24;
	v10 =	vmul.f32 v27, v5;
	v12 =	vmul.f32 v12, v6;
	v7 =	vld [tilespmem:s14+$0xFFFFFF80]  }
0x359: {  	s24 =	sor.u32 s22, s28;
	v33 =	vshll.u32 v29, $0x10;
	[tilespmem:s20+$0x70] =	vst v9;
	v9 =	vld [tilespmem:s17+$0xFFFFFF80]  }
0x35a: {  	v17 =	vld [tilespmem:s24+$0xC100];
	v18 =	vshll.u32 v13, $0x10;
	v13 =	vand.u32 $0xFFFF0000, v13;
	v10 =	vadd.f32 v12, v10  }
0x35b: {  	v19 =	vld [tilespmem:s24+$0x10100];
	v14 =	vshll.u32 v8, $0x10;
	v15 =	vshll.u32 v28, $0x10;
	v16 =	vand.u32 $0xFFFF0000, v8  }
0x35c: {  	v11 =	vand.u32 $0xFFFF0000, v28;
	v8 =	vld [tilespmem:s14+$0x0];
	v30 =	vmul.f32 v14, v4;
	v31 =	vmul.f32 v15, v3  }
0x35d: {  	v12 =	vand.u32 $0xFFFF0000, v29;
	[tilespmem:s20+$0x1070] =	vst v10;
	v16 =	vmul.f32 v16, v4;
	v11 =	vmul.f32 v11, v3;
	v10 =	vld [tilespmem:s17+$0x0]  }
0x35e: {  	v32 =	vld [tilespmem:s21+$0xC500];
	v14 =	vadd.f32 v31, v30;
	v20 =	vmul.f32 v33, v7;
	v18 =	vmul.f32 v18, v9  }
0x35f: {  	v34 =	vld [tilespmem:s21+$0x10500];
	v11 =	vadd.f32 v11, v16;
	v12 =	vmul.f32 v12, v7;
	v13 =	vmul.f32 v13, v9  }
0x360: {  	[tilespmem:s18+$0x400] =	vst v14;
	v35 =	vadd.f32 v18, v20  }
0x361: {  	s26 =	sadd.s32 s26, s25;
	v38 =	vshll.u32 v17, $0x10;
	[tilespmem:s18+$0x1400] =	vst v11;
	v12 =	vadd.f32 v13, v12  }
0x362: {  	v17 =	vand.u32 $0xFFFF0000, v17;
	v39 =	vshll.u32 v19, $0x10;
	v14 =	vmul.f32 v38, v8;
	v37 =	vld [tilespmem:s19+$0xC510];
	[tilespmem:s26+$0x0] =	vst v35  }
0x363: {  	v41 =	vand.u32 $0xFFFF0000, v19;
	v17 =	vmul.f32 v17, v8;
	v40 =	vld [tilespmem:s19+$0x10510];
	v18 =	vmul.f32 v39, v10;
	[tilespmem:s26+$0x1000] =	vst v12  }
0x364: {  	v36 =	vshll.u32 v32, $0x10;
	v42 =	vshll.u32 v34, $0x10;
	v12 =	vmul.f32 v41, v10;
	v21 =	vld [tilespmem:s23+$0xC110]  }
0x365: {  	v15 =	vand.u32 $0xFFFF0000, v32;
	v16 =	vand.u32 $0xFFFF0000, v34;
	v14 =	vadd.f32 v18, v14;
	v22 =	vld [tilespmem:s23+$0x10110]  }
0x366: {  	s25 =	sadd.s32 s28, s25;
	v11 =	vmul.f32 v36, v5;
	v43 =	vmul.f32 v42, v6;
	v12 =	vadd.f32 v12, v17  }
0x367: {  	v15 =	vmul.f32 v15, v5;
	v16 =	vmul.f32 v16, v6;
	[tilespmem:s25+$0x0] =	vst v14  }
0x368: {  	v11 =	vadd.f32 v43, v11;
	v44 =	vshll.u32 v37, $0x10;
	v45 =	vshll.u32 v40, $0x10;
	[tilespmem:s25+$0x1000] =	vst v12  }
0x369: {  	v47 =	vadd.f32 v16, v15;
	v17 =	vmul.f32 v44, v4;
	v46 =	vmul.f32 v45, v3;
	v48 =	vld [tilespmem:s24+$0xC110]  }
0x36a: {  	v52 =	vld [tilespmem:s24+$0x10110];
	v49 =	vshll.u32 v21, $0x10;
	v50 =	vshll.u32 v22, $0x10;
	v51 =	vand.u32 $0xFFFF0000, v21  }
0x36b: {  	[tilespmem:s20+$0x400] =	vst v11;
	v53 =	vand.u32 $0xFFFF0000, v22;
	v16 =	vmul.f32 v49, v7;
	v18 =	vmul.f32 v50, v9  }
0x36c: {  	v13 =	vand.u32 $0xFFFF0000, v37;
	[tilespmem:s20+$0x1400] =	vst v47;
	v54 =	vmul.f32 v51, v7;
	v11 =	vmul.f32 v53, v9  }
0x36d: {  	v55 =	vand.u32 $0xFFFF0000, v40;
	v13 =	vmul.f32 v13, v4;
	v56 =	vld [tilespmem:s21+$0xC510];
	v16 =	vadd.f32 v18, v16  }
0x36e: {  	v57 =	vmul.f32 v55, v3;
	v58 =	vld [tilespmem:s21+$0x10510];
	v12 =	vadd.f32 v46, v17;
	v11 =	vadd.f32 v11, v54  }
0x36f: {  	v59 =	vshll.u32 v48, $0x10;
	v60 =	vshll.u32 v52, $0x10;
	v15 =	vand.u32 $0xFFFF0000, v48;
	[tilespmem:s26+$0x10] =	vst v16  }
0x370: {  	v61 =	vand.u32 $0xFFFF0000, v52;
	[tilespmem:s26+$0x1010] =	vst v11;
	v14 =	vmul.f32 v59, v8;
	v16 =	vmul.f32 v60, v10  }
0x371: {  	v13 =	vadd.f32 v57, v13;
	v15 =	vmul.f32 v15, v8;
	v11 =	vmul.f32 v61, v10;
	v62 =	vld [tilespmem:s23+$0xC120]  }
0x372: {  	[tilespmem:s18+$0x410] =	vst v12;
	v63 =	vld [tilespmem:s23+$0x10120];
	v14 =	vadd.f32 v16, v14  }
0x373: {  	[tilespmem:s18+$0x1410] =	vst v13;
	v23 =	vshll.u32 v56, $0x10;
	v24 =	vshll.u32 v58, $0x10;
	v11 =	vadd.f32 v11, v15  }
0x374: {  	v13 =	vmul.f32 v23, v5;
	v25 =	vmul.f32 v24, v6;
	[tilespmem:s25+$0x10] =	vst v14  }
0x375: {  	v26 =	vld [tilespmem:s19+$0xC520];
	v27 =	vand.u32 $0xFFFF0000, v56;
	v28 =	vand.u32 $0xFFFF0000, v58;
	[tilespmem:s25+$0x1010] =	vst v11  }
0x376: {  	v30 =	vmul.f32 v27, v5;
	v31 =	vmul.f32 v28, v6;
	v29 =	vadd.f32 v25, v13;
	v32 =	vld [tilespmem:s24+$0xC120]  }
0x377: {  	v35 =	vld [tilespmem:s24+$0x10120];
	v33 =	vshll.u32 v62, $0x10;
	v34 =	vshll.u32 v63, $0x10;
	v18 =	vand.u32 $0xFFFF0000, v62  }
0x378: {  	v12 =	vand.u32 $0xFFFF0000, v63;
	v17 =	vmul.f32 v33, v7;
	v19 =	vmul.f32 v34, v9  }
0x379: {  	v36 =	vld [tilespmem:s19+$0x10520];
	v13 =	vadd.f32 v31, v30;
	v37 =	vmul.f32 v18, v7;
	v12 =	vmul.f32 v12, v9  }
0x37a: {  	[tilespmem:s20+$0x410] =	vst v29;
	v38 =	vadd.f32 v19, v17  }
0x37b: {  	v39 =	vshll.u32 v26, $0x10;
	[tilespmem:s20+$0x1410] =	vst v13;
	v12 =	vadd.f32 v12, v37  }
0x37c: {  	v13 =	vld [tilespmem:s21+$0xC520];
	v40 =	vshll.u32 v32, $0x10;
	v41 =	vshll.u32 v35, $0x10;
	v16 =	vand.u32 $0xFFFF0000, v32;
	[tilespmem:s26+$0x20] =	vst v38  }
0x37d: {  	v42 =	vld [tilespmem:s21+$0x10520];
	v43 =	vand.u32 $0xFFFF0000, v35;
	[tilespmem:s26+$0x1020] =	vst v12;
	v11 =	vmul.f32 v40, v8;
	v15 =	vmul.f32 v41, v10  }
0x37e: {  	v44 =	vshll.u32 v36, $0x10;
	v16 =	vmul.f32 v16, v8;
	v12 =	vmul.f32 v43, v10;
	v45 =	vld [tilespmem:s23+$0xC130]  }
0x37f: {  	v21 =	vand.u32 $0xFFFF0000, v36;
	v47 =	vmul.f32 v39, v4;
	v46 =	vld [tilespmem:s23+$0x10130];
	v11 =	vadd.f32 v15, v11  }
0x380: {  	v48 =	vmul.f32 v44, v3;
	v14 =	vand.u32 $0xFFFF0000, v26;
	v12 =	vadd.f32 v12, v16  }
0x381: {  	v49 =	vmul.f32 v21, v3;
	v14 =	vmul.f32 v14, v4;
	[tilespmem:s25+$0x20] =	vst v11  }
0x382: {  	v50 =	vadd.f32 v48, v47;
	v51 =	vshll.u32 v13, $0x10;
	v52 =	vshll.u32 v42, $0x10;
	[tilespmem:s25+$0x1020] =	vst v12  }
0x383: {  	v53 =	vadd.f32 v49, v14;
	v54 =	vmul.f32 v51, v5;
	v55 =	vmul.f32 v52, v6;
	v56 =	vld [tilespmem:s24+$0xC130]  }
0x384: {  	v59 =	vld [tilespmem:s24+$0x10130];
	v57 =	vshll.u32 v45, $0x10;
	v58 =	vshll.u32 v46, $0x10;
	v20 =	vand.u32 $0xFFFF0000, v45  }
0x385: {  	[tilespmem:s18+$0x420] =	vst v50;
	v60 =	vand.u32 $0xFFFF0000, v46;
	v17 =	vmul.f32 v57, v7;
	v19 =	vmul.f32 v58, v9  }
0x386: {  	v18 =	vand.u32 $0xFFFF0000, v42;
	[tilespmem:s18+$0x1420] =	vst v53;
	v62 =	vmul.f32 v20, v7;
	v11 =	vmul.f32 v60, v9  }
0x387: {  	v61 =	vand.u32 $0xFFFF0000, v13;
	v18 =	vmul.f32 v18, v6;
	v63 =	vld [tilespmem:s19+$0xC530];
	v23 =	vadd.f32 v19, v17  }
0x388: {  	v24 =	vld [tilespmem:s19+$0x10530];
	v14 =	vadd.f32 v55, v54;
	v12 =	vmul.f32 v61, v5;
	v11 =	vadd.f32 v11, v62  }
0x389: {  	v25 =	vshll.u32 v56, $0x10;
	v26 =	vshll.u32 v59, $0x10;
	v16 =	vand.u32 $0xFFFF0000, v56;
	[tilespmem:s26+$0x30] =	vst v23  }
0x38a: {  	v27 =	vand.u32 $0xFFFF0000, v59;
	[tilespmem:s26+$0x1030] =	vst v11;
	v13 =	vmul.f32 v25, v8;
	v15 =	vmul.f32 v26, v10  }
0x38b: {  	v12 =	vadd.f32 v18, v12;
	v16 =	vmul.f32 v16, v8;
	v11 =	vmul.f32 v27, v10;
	v28 =	vld [tilespmem:s23+$0xC140]  }
0x38c: {  	[tilespmem:s20+$0x420] =	vst v14;
	v29 =	vld [tilespmem:s23+$0x10140];
	v13 =	vadd.f32 v15, v13  }
0x38d: {  	v30 =	vshll.u32 v63, $0x10;
	v31 =	vshll.u32 v24, $0x10;
	[tilespmem:s20+$0x1420] =	vst v12;
	v11 =	vadd.f32 v11, v16  }
0x38e: {  	v32 =	vmul.f32 v30, v4;
	v33 =	vmul.f32 v31, v3;
	[tilespmem:s25+$0x30] =	vst v13  }
0x38f: {  	v34 =	vand.u32 $0xFFFF0000, v63;
	v35 =	vand.u32 $0xFFFF0000, v24;
	v36 =	vld [tilespmem:s21+$0xC530];
	[tilespmem:s25+$0x1030] =	vst v11  }
0x390: {  	v38 =	vmul.f32 v34, v4;
	v39 =	vmul.f32 v35, v3;
	v37 =	vadd.f32 v33, v32;
	v40 =	vld [tilespmem:s24+$0xC140]  }
0x391: {  	v43 =	vld [tilespmem:s24+$0x10140];
	v41 =	vshll.u32 v28, $0x10;
	v42 =	vshll.u32 v29, $0x10;
	v18 =	vand.u32 $0xFFFF0000, v28  }
0x392: {  	v14 =	vand.u32 $0xFFFF0000, v29;
	v16 =	vmul.f32 v41, v7;
	v19 =	vmul.f32 v42, v9  }
0x393: {  	v12 =	vadd.f32 v39, v38;
	v44 =	vld [tilespmem:s21+$0x10530];
	v18 =	vmul.f32 v18, v7;
	v14 =	vmul.f32 v14, v9  }
0x394: {  	[tilespmem:s18+$0x430] =	vst v37;
	v45 =	vadd.f32 v19, v16  }
0x395: {  	[tilespmem:s18+$0x1430] =	vst v12;
	v46 =	vshll.u32 v36, $0x10;
	v14 =	vadd.f32 v14, v18  }
0x396: {  	v47 =	vld [tilespmem:s19+$0xC540];
	v48 =	vshll.u32 v40, $0x10;
	v49 =	vshll.u32 v43, $0x10;
	v15 =	vand.u32 $0xFFFF0000, v40;
	[tilespmem:s26+$0x40] =	vst v45  }
0x397: {  	v50 =	vld [tilespmem:s19+$0x10540];
	v51 =	vand.u32 $0xFFFF0000, v43;
	[tilespmem:s26+$0x1040] =	vst v14;
	v11 =	vmul.f32 v48, v8;
	v18 =	vmul.f32 v49, v10  }
0x398: {  	v52 =	vshll.u32 v44, $0x10;
	v15 =	vmul.f32 v15, v8;
	v14 =	vmul.f32 v51, v10;
	v53 =	vld [tilespmem:s23+$0xC150]  }
0x399: {  	v17 =	vand.u32 $0xFFFF0000, v36;
	v13 =	vand.u32 $0xFFFF0000, v44;
	v54 =	vld [tilespmem:s23+$0x10150];
	v11 =	vadd.f32 v18, v11  }
0x39a: {  	v12 =	vmul.f32 v46, v5;
	v55 =	vmul.f32 v52, v6;
	v14 =	vadd.f32 v14, v15  }
0x39b: {  	v17 =	vmul.f32 v17, v5;
	v13 =	vmul.f32 v13, v6;
	[tilespmem:s25+$0x40] =	vst v11  }
0x39c: {  	v12 =	vadd.f32 v55, v12;
	v16 =	vand.u32 $0xFFFF0000, v47;
	v19 =	vand.u32 $0xFFFF0000, v50;
	[tilespmem:s25+$0x1040] =	vst v14  }
0x39d: {  	v13 =	vadd.f32 v13, v17;
	v16 =	vmul.f32 v16, v4;
	v23 =	vmul.f32 v19, v3;
	v14 =	vld [tilespmem:s24+$0xC150]  }
0x39e: {  	v61 =	vld [tilespmem:s24+$0x10150];
	v58 =	vshll.u32 v53, $0x10;
	v59 =	vshll.u32 v54, $0x10;
	v60 =	vand.u32 $0xFFFF0000, v53  }
0x39f: {  	[tilespmem:s20+$0x430] =	vst v12;
	v62 =	vand.u32 $0xFFFF0000, v54;
	v17 =	vmul.f32 v58, v7;
	v18 =	vmul.f32 v59, v9  }
0x3a0: {  	v56 =	vshll.u32 v47, $0x10;
	[tilespmem:s20+$0x1430] =	vst v13;
	v63 =	vmul.f32 v60, v7;
	v12 =	vmul.f32 v62, v9  }
0x3a1: {  	v57 =	vshll.u32 v50, $0x10;
	v22 =	vld [tilespmem:s21+$0xC540];
	v16 =	vadd.f32 v23, v16;
	v17 =	vadd.f32 v18, v17  }
0x3a2: {  	v24 =	vld [tilespmem:s21+$0x10540];
	v15 =	vmul.f32 v56, v4;
	v11 =	vmul.f32 v57, v3;
	v12 =	vadd.f32 v12, v63  }
0x3a3: {  	v25 =	vshll.u32 v14, $0x10;
	v26 =	vshll.u32 v61, $0x10;
	v14 =	vand.u32 $0xFFFF0000, v14;
	[tilespmem:s26+$0x50] =	vst v17  }
0x3a4: {  	v27 =	vand.u32 $0xFFFF0000, v61;
	[tilespmem:s26+$0x1050] =	vst v12;
	v13 =	vmul.f32 v25, v8;
	v17 =	vmul.f32 v26, v10  }
0x3a5: {  	v11 =	vadd.f32 v11, v15;
	v14 =	vmul.f32 v14, v8;
	v12 =	vmul.f32 v27, v10;
	v28 =	vld [tilespmem:s23+$0xC160]  }
0x3a6: {  	[tilespmem:s18+$0x1440] =	vst v16;
	v29 =	vld [tilespmem:s23+$0x10160];
	v13 =	vadd.f32 v17, v13  }
0x3a7: {  	v30 =	vshll.u32 v22, $0x10;
	v31 =	vshll.u32 v24, $0x10;
	[tilespmem:s18+$0x440] =	vst v11;
	v12 =	vadd.f32 v12, v14  }
0x3a8: {  	v32 =	vmul.f32 v30, v5;
	v33 =	vmul.f32 v31, v6;
	[tilespmem:s25+$0x50] =	vst v13  }
0x3a9: {  	v35 =	vand.u32 $0xFFFF0000, v24;
	v15 =	vand.u32 $0xFFFF0000, v22;
	v34 =	vld [tilespmem:s19+$0xC550];
	[tilespmem:s25+$0x1050] =	vst v12  }
0x3aa: {  	v38 =	vmul.f32 v35, v6;
	v36 =	vadd.f32 v33, v32;
	v37 =	vmul.f32 v15, v5;
	v39 =	vld [tilespmem:s24+$0xC160]  }
0x3ab: {  	v42 =	vld [tilespmem:s24+$0x10160];
	v40 =	vshll.u32 v28, $0x10;
	v41 =	vshll.u32 v29, $0x10;
	v18 =	vand.u32 $0xFFFF0000, v28  }
0x3ac: {  	v11 =	vand.u32 $0xFFFF0000, v29;
	v17 =	vmul.f32 v40, v7;
	v19 =	vmul.f32 v41, v9  }
0x3ad: {  	v43 =	vld [tilespmem:s19+$0x10550];
	v14 =	vadd.f32 v38, v37;
	v44 =	vmul.f32 v18, v7;
	v11 =	vmul.f32 v11, v9  }
0x3ae: {  	[tilespmem:s20+$0x440] =	vst v36;
	v45 =	vadd.f32 v19, v17  }
0x3af: {  	v46 =	vshll.u32 v34, $0x10;
	[tilespmem:s20+$0x1440] =	vst v14;
	v11 =	vadd.f32 v11, v44  }
0x3b0: {  	v14 =	vld [tilespmem:s21+$0xC550];
	v47 =	vshll.u32 v39, $0x10;
	v48 =	vshll.u32 v42, $0x10;
	v16 =	vand.u32 $0xFFFF0000, v39;
	[tilespmem:s26+$0x60] =	vst v45  }
0x3b1: {  	v49 =	vld [tilespmem:s21+$0x10550];
	v50 =	vand.u32 $0xFFFF0000, v42;
	[tilespmem:s26+$0x1060] =	vst v11;
	v12 =	vmul.f32 v47, v8;
	v15 =	vmul.f32 v48, v10  }
0x3b2: {  	v51 =	vshll.u32 v43, $0x10;
	v16 =	vmul.f32 v16, v8;
	v11 =	vmul.f32 v50, v10;
	v52 =	vld [tilespmem:s23+$0xC170]  }
0x3b3: {  	v21 =	vand.u32 $0xFFFF0000, v43;
	v13 =	vand.u32 $0xFFFF0000, v34;
	v53 =	vld [tilespmem:s23+$0x10170];
	v12 =	vadd.f32 v15, v12  }
0x3b4: {  	v54 =	vmul.f32 v46, v4;
	v55 =	vmul.f32 v51, v3;
	v11 =	vadd.f32 v11, v16  }
0x3b5: {  	v56 =	vmul.f32 v21, v3;
	v13 =	vmul.f32 v13, v4;
	[tilespmem:s25+$0x60] =	vst v12  }
0x3b6: {  	v57 =	vadd.f32 v55, v54;
	v58 =	vshll.u32 v14, $0x10;
	v59 =	vshll.u32 v49, $0x10;
	[tilespmem:s25+$0x1060] =	vst v11  }
0x3b7: {  	v60 =	vadd.f32 v56, v13;
	v61 =	vmul.f32 v58, v5;
	v62 =	vmul.f32 v59, v6;
	v63 =	vld [tilespmem:s24+$0xC170]  }
0x3b8: {  	v26 =	vld [tilespmem:s24+$0x10170];
	v24 =	vshll.u32 v52, $0x10;
	v25 =	vshll.u32 v53, $0x10;
	v20 =	vand.u32 $0xFFFF0000, v52  }
0x3b9: {  	[tilespmem:s18+$0x450] =	vst v57;
	v27 =	vand.u32 $0xFFFF0000, v53;
	v17 =	vmul.f32 v24, v7;
	v19 =	vmul.f32 v25, v9  }
0x3ba: {  	[tilespmem:s18+$0x1450] =	vst v60;
	v18 =	vand.u32 $0xFFFF0000, v49;
	v29 =	vmul.f32 v20, v7;
	v12 =	vmul.f32 v27, v9  }
0x3bb: {  	v28 =	vand.u32 $0xFFFF0000, v14;
	v30 =	vld [tilespmem:s19+$0xC560];
	v18 =	vmul.f32 v18, v6;
	v31 =	vadd.f32 v19, v17  }
0x3bc: {  	v32 =	vld [tilespmem:s19+$0x10560];
	v13 =	vadd.f32 v62, v61;
	v11 =	vmul.f32 v28, v5;
	v12 =	vadd.f32 v12, v29  }
0x3bd: {  	v33 =	vshll.u32 v63, $0x10;
	v34 =	vshll.u32 v26, $0x10;
	v16 =	vand.u32 $0xFFFF0000, v63;
	[tilespmem:s26+$0x70] =	vst v31  }
0x3be: {  	v35 =	vand.u32 $0xFFFF0000, v26;
	[tilespmem:s26+$0x1070] =	vst v12;
	v14 =	vmul.f32 v33, v8;
	v15 =	vmul.f32 v34, v10  }
0x3bf: {  	v11 =	vadd.f32 v18, v11;
	v16 =	vmul.f32 v16, v8;
	v12 =	vmul.f32 v35, v10;
	v36 =	vld [tilespmem:s23+$0xC500]  }
0x3c0: {  	[tilespmem:s20+$0x450] =	vst v13;
	v37 =	vld [tilespmem:s23+$0x10500];
	v14 =	vadd.f32 v15, v14  }
0x3c1: {  	v38 =	vshll.u32 v30, $0x10;
	v39 =	vshll.u32 v32, $0x10;
	[tilespmem:s20+$0x1450] =	vst v11;
	v40 =	vadd.f32 v12, v16  }
0x3c2: {  	v41 =	vmul.f32 v38, v4;
	v42 =	vmul.f32 v39, v3;
	[tilespmem:s25+$0x70] =	vst v14  }
0x3c3: {  	v43 =	vand.u32 $0xFFFF0000, v30;
	v44 =	vand.u32 $0xFFFF0000, v32;
	v45 =	vld [tilespmem:s21+$0xC560];
	[tilespmem:s25+$0x1070] =	vst v40  }
0x3c4: {  	v47 =	vmul.f32 v43, v4;
	v48 =	vmul.f32 v44, v3;
	v46 =	vadd.f32 v42, v41;
	v49 =	vld [tilespmem:s24+$0xC500]  }
0x3c5: {  	v52 =	vld [tilespmem:s24+$0x10500];
	v50 =	vshll.u32 v36, $0x10;
	v51 =	vshll.u32 v37, $0x10;
	v18 =	vand.u32 $0xFFFF0000, v36  }
0x3c6: {  	v13 =	vand.u32 $0xFFFF0000, v37;
	v16 =	vmul.f32 v50, v7;
	v19 =	vmul.f32 v51, v9  }
0x3c7: {  	v53 =	vld [tilespmem:s21+$0x10560];
	v12 =	vadd.f32 v48, v47;
	v18 =	vmul.f32 v18, v7;
	v13 =	vmul.f32 v13, v9  }
0x3c8: {  	[tilespmem:s18+$0x460] =	vst v46;
	v54 =	vadd.f32 v19, v16  }
0x3c9: {  	v55 =	vshll.u32 v45, $0x10;
	[tilespmem:s18+$0x1460] =	vst v12;
	v13 =	vadd.f32 v13, v18  }
0x3ca: {  	v56 =	vld [tilespmem:s19+$0xC570];
	v57 =	vshll.u32 v49, $0x10;
	v58 =	vshll.u32 v52, $0x10;
	v15 =	vand.u32 $0xFFFF0000, v49;
	[tilespmem:s26+$0x400] =	vst v54  }
0x3cb: {  	v59 =	vld [tilespmem:s19+$0x10570];
	v60 =	vand.u32 $0xFFFF0000, v52;
	[tilespmem:s26+$0x1400] =	vst v13;
	v11 =	vmul.f32 v57, v8;
	v18 =	vmul.f32 v58, v10  }
0x3cc: {  	v61 =	vshll.u32 v53, $0x10;
	v15 =	vmul.f32 v15, v8;
	v13 =	vmul.f32 v60, v10;
	v62 =	vld [tilespmem:s23+$0xC510]  }
0x3cd: {  	v17 =	vand.u32 $0xFFFF0000, v45;
	v14 =	vand.u32 $0xFFFF0000, v53;
	v63 =	vld [tilespmem:s23+$0x10510];
	v11 =	vadd.f32 v18, v11  }
0x3ce: {  	v12 =	vmul.f32 v55, v5;
	v24 =	vmul.f32 v61, v6;
	v13 =	vadd.f32 v13, v15  }
0x3cf: {  	v17 =	vmul.f32 v17, v5;
	v14 =	vmul.f32 v14, v6;
	[tilespmem:s25+$0x400] =	vst v11  }
0x3d0: {  	v12 =	vadd.f32 v24, v12;
	v16 =	vand.u32 $0xFFFF0000, v56;
	v19 =	vand.u32 $0xFFFF0000, v59;
	[tilespmem:s25+$0x1400] =	vst v13  }
0x3d1: {  	v27 =	vadd.f32 v14, v17;
	v16 =	vmul.f32 v16, v4;
	v36 =	vmul.f32 v19, v3;
	v28 =	vld [tilespmem:s24+$0xC510]  }
0x3d2: {  	v32 =	vld [tilespmem:s24+$0x10510];
	v29 =	vshll.u32 v62, $0x10;
	v30 =	vshll.u32 v63, $0x10;
	v31 =	vand.u32 $0xFFFF0000, v62  }
0x3d3: {  	[tilespmem:s20+$0x460] =	vst v12;
	v33 =	vand.u32 $0xFFFF0000, v63;
	v17 =	vmul.f32 v29, v7;
	v18 =	vmul.f32 v30, v9  }
0x3d4: {  	[tilespmem:s20+$0x1460] =	vst v27;
	v25 =	vshll.u32 v56, $0x10;
	v34 =	vmul.f32 v31, v7;
	v12 =	vmul.f32 v33, v9  }
0x3d5: {  	v26 =	vshll.u32 v59, $0x10;
	v35 =	vld [tilespmem:s21+$0xC570];
	v15 =	vmul.f32 v25, v4;
	v17 =	vadd.f32 v18, v17  }
0x3d6: {  	v37 =	vld [tilespmem:s21+$0x10570];
	v16 =	vadd.f32 v36, v16;
	v11 =	vmul.f32 v26, v3;
	v12 =	vadd.f32 v12, v34  }
0x3d7: {  	v38 =	vshll.u32 v28, $0x10;
	v39 =	vshll.u32 v32, $0x10;
	v14 =	vand.u32 $0xFFFF0000, v28;
	[tilespmem:s26+$0x410] =	vst v17  }
0x3d8: {  	v40 =	vand.u32 $0xFFFF0000, v32;
	[tilespmem:s26+$0x1410] =	vst v12;
	v13 =	vmul.f32 v38, v8;
	v17 =	vmul.f32 v39, v10  }
0x3d9: {  	v11 =	vadd.f32 v11, v15;
	v14 =	vmul.f32 v14, v8;
	v12 =	vmul.f32 v40, v10;
	v41 =	vld [tilespmem:s23+$0xC520]  }
0x3da: {  	[tilespmem:s18+$0x1470] =	vst v16;
	v42 =	vld [tilespmem:s23+$0x10520];
	v13 =	vadd.f32 v17, v13  }
0x3db: {  	v43 =	vshll.u32 v35, $0x10;
	v44 =	vshll.u32 v37, $0x10;
	[tilespmem:s18+$0x470] =	vst v11;
	v12 =	vadd.f32 v12, v14  }
0x3dc: {  	v45 =	vmul.f32 v43, v5;
	v46 =	vmul.f32 v44, v6;
	[tilespmem:s25+$0x410] =	vst v13  }
0x3dd: {  	v48 =	vand.u32 $0xFFFF0000, v37;
	v15 =	vand.u32 $0xFFFF0000, v35;
	v47 =	vld [tilespmem:s19+$0xC900];
	[tilespmem:s25+$0x1410] =	vst v12  }
0x3de: {  	v51 =	vmul.f32 v48, v6;
	v49 =	vadd.f32 v46, v45;
	v50 =	vmul.f32 v15, v5;
	v52 =	vld [tilespmem:s24+$0xC520]  }
0x3df: {  	v55 =	vld [tilespmem:s24+$0x10520];
	v53 =	vshll.u32 v41, $0x10;
	v54 =	vshll.u32 v42, $0x10;
	v18 =	vand.u32 $0xFFFF0000, v41  }
0x3e0: {  	v11 =	vand.u32 $0xFFFF0000, v42;
	v17 =	vmul.f32 v53, v7;
	v19 =	vmul.f32 v54, v9  }
0x3e1: {  	v56 =	vld [tilespmem:s19+$0x10900];
	v14 =	vadd.f32 v51, v50;
	v57 =	vmul.f32 v18, v7;
	v11 =	vmul.f32 v11, v9  }
0x3e2: {  	[tilespmem:s20+$0x470] =	vst v49;
	v58 =	vadd.f32 v19, v17  }
0x3e3: {  	v59 =	vshll.u32 v47, $0x10;
	[tilespmem:s20+$0x1470] =	vst v14;
	v11 =	vadd.f32 v11, v57  }
0x3e4: {  	v14 =	vld [tilespmem:s21+$0xC900];
	v60 =	vshll.u32 v52, $0x10;
	v61 =	vshll.u32 v55, $0x10;
	v16 =	vand.u32 $0xFFFF0000, v52;
	[tilespmem:s26+$0x420] =	vst v58  }
0x3e5: {  	v62 =	vld [tilespmem:s21+$0x10900];
	v63 =	vand.u32 $0xFFFF0000, v55;
	[tilespmem:s26+$0x1420] =	vst v11;
	v12 =	vmul.f32 v60, v8;
	v15 =	vmul.f32 v61, v10  }
0x3e6: {  	v24 =	vshll.u32 v56, $0x10;
	v16 =	vmul.f32 v16, v8;
	v11 =	vmul.f32 v63, v10;
	v25 =	vld [tilespmem:s23+$0xC530]  }
0x3e7: {  	v21 =	vand.u32 $0xFFFF0000, v56;
	v13 =	vand.u32 $0xFFFF0000, v47;
	v26 =	vld [tilespmem:s23+$0x10530];
	v12 =	vadd.f32 v15, v12  }
0x3e8: {  	v27 =	vmul.f32 v59, v4;
	v28 =	vmul.f32 v24, v3;
	v11 =	vadd.f32 v11, v16  }
0x3e9: {  	v29 =	vmul.f32 v21, v3;
	v13 =	vmul.f32 v13, v4;
	[tilespmem:s25+$0x420] =	vst v12  }
0x3ea: {  	v30 =	vadd.f32 v28, v27;
	v31 =	vshll.u32 v14, $0x10;
	v32 =	vshll.u32 v62, $0x10;
	[tilespmem:s25+$0x1420] =	vst v11  }
0x3eb: {  	v33 =	vadd.f32 v29, v13;
	v34 =	vmul.f32 v31, v5;
	v35 =	vmul.f32 v32, v6;
	v36 =	vld [tilespmem:s24+$0xC530]  }
0x3ec: {  	v39 =	vld [tilespmem:s24+$0x10530];
	v37 =	vshll.u32 v25, $0x10;
	v38 =	vshll.u32 v26, $0x10;
	v20 =	vand.u32 $0xFFFF0000, v25  }
0x3ed: {  	[tilespmem:s18+$0x800] =	vst v30;
	v40 =	vand.u32 $0xFFFF0000, v26;
	v17 =	vmul.f32 v37, v7;
	v19 =	vmul.f32 v38, v9  }
0x3ee: {  	[tilespmem:s18+$0x1800] =	vst v33;
	v18 =	vand.u32 $0xFFFF0000, v62;
	v42 =	vmul.f32 v20, v7;
	v12 =	vmul.f32 v40, v9  }
0x3ef: {  	v41 =	vand.u32 $0xFFFF0000, v14;
	v43 =	vld [tilespmem:s19+$0xC910];
	v18 =	vmul.f32 v18, v6;
	v44 =	vadd.f32 v19, v17  }
0x3f0: {  	v45 =	vld [tilespmem:s19+$0x10910];
	v13 =	vadd.f32 v35, v34;
	v11 =	vmul.f32 v41, v5;
	v12 =	vadd.f32 v12, v42  }
0x3f1: {  	v46 =	vshll.u32 v36, $0x10;
	v47 =	vshll.u32 v39, $0x10;
	v16 =	vand.u32 $0xFFFF0000, v36;
	[tilespmem:s26+$0x430] =	vst v44  }
0x3f2: {  	v48 =	vand.u32 $0xFFFF0000, v39;
	[tilespmem:s26+$0x1430] =	vst v12;
	v14 =	vmul.f32 v46, v8;
	v15 =	vmul.f32 v47, v10  }
0x3f3: {  	v11 =	vadd.f32 v18, v11;
	v16 =	vmul.f32 v16, v8;
	v12 =	vmul.f32 v48, v10;
	v49 =	vld [tilespmem:s23+$0xC540]  }
0x3f4: {  	[tilespmem:s20+$0x800] =	vst v13;
	v50 =	vld [tilespmem:s23+$0x10540];
	v14 =	vadd.f32 v15, v14  }
0x3f5: {  	v51 =	vshll.u32 v43, $0x10;
	v52 =	vshll.u32 v45, $0x10;
	[tilespmem:s20+$0x1800] =	vst v11;
	v53 =	vadd.f32 v12, v16  }
0x3f6: {  	v54 =	vmul.f32 v51, v4;
	v55 =	vmul.f32 v52, v3;
	[tilespmem:s25+$0x430] =	vst v14  }
0x3f7: {  	v56 =	vand.u32 $0xFFFF0000, v43;
	v57 =	vand.u32 $0xFFFF0000, v45;
	v58 =	vld [tilespmem:s21+$0xC910];
	[tilespmem:s25+$0x1430] =	vst v53  }
0x3f8: {  	v60 =	vmul.f32 v56, v4;
	v61 =	vmul.f32 v57, v3;
	v59 =	vadd.f32 v55, v54;
	v62 =	vld [tilespmem:s24+$0xC540]  }
0x3f9: {  	v25 =	vld [tilespmem:s24+$0x10540];
	v63 =	vshll.u32 v49, $0x10;
	v24 =	vshll.u32 v50, $0x10;
	v18 =	vand.u32 $0xFFFF0000, v49  }
0x3fa: {  	v13 =	vand.u32 $0xFFFF0000, v50;
	v16 =	vmul.f32 v63, v7;
	v19 =	vmul.f32 v24, v9  }
0x3fb: {  	v26 =	vld [tilespmem:s21+$0x10910];
	v12 =	vadd.f32 v61, v60;
	v18 =	vmul.f32 v18, v7;
	v13 =	vmul.f32 v13, v9  }
0x3fc: {  	[tilespmem:s18+$0x810] =	vst v59;
	v27 =	vadd.f32 v19, v16  }
0x3fd: {  	v28 =	vshll.u32 v58, $0x10;
	[tilespmem:s18+$0x1810] =	vst v12;
	v13 =	vadd.f32 v13, v18  }
0x3fe: {  	v29 =	vld [tilespmem:s19+$0xC920];
	v30 =	vshll.u32 v62, $0x10;
	v31 =	vshll.u32 v25, $0x10;
	v15 =	vand.u32 $0xFFFF0000, v62;
	[tilespmem:s26+$0x440] =	vst v27  }
0x3ff: {  	v32 =	vld [tilespmem:s19+$0x10920];
	v33 =	vand.u32 $0xFFFF0000, v25;
	[tilespmem:s26+$0x1440] =	vst v13;
	v11 =	vmul.f32 v30, v8;
	v18 =	vmul.f32 v31, v10  }
0x400: {  	v34 =	vshll.u32 v26, $0x10;
	v15 =	vmul.f32 v15, v8;
	v13 =	vmul.f32 v33, v10;
	v35 =	vld [tilespmem:s23+$0xC550]  }
0x401: {  	v17 =	vand.u32 $0xFFFF0000, v58;
	v14 =	vand.u32 $0xFFFF0000, v26;
	v36 =	vld [tilespmem:s23+$0x10550];
	v11 =	vadd.f32 v18, v11  }
0x402: {  	v12 =	vmul.f32 v28, v5;
	v37 =	vmul.f32 v34, v6;
	v13 =	vadd.f32 v13, v15  }
0x403: {  	v17 =	vmul.f32 v17, v5;
	v14 =	vmul.f32 v14, v6;
	[tilespmem:s25+$0x440] =	vst v11  }
0x404: {  	v12 =	vadd.f32 v37, v12;
	v16 =	vand.u32 $0xFFFF0000, v29;
	v19 =	vand.u32 $0xFFFF0000, v32;
	[tilespmem:s25+$0x1440] =	vst v13  }
0x405: {  	v40 =	vadd.f32 v14, v17;
	v16 =	vmul.f32 v16, v4;
	v49 =	vmul.f32 v19, v3;
	v41 =	vld [tilespmem:s24+$0xC550]  }
0x406: {  	v45 =	vld [tilespmem:s24+$0x10550];
	v42 =	vshll.u32 v35, $0x10;
	v43 =	vshll.u32 v36, $0x10;
	v44 =	vand.u32 $0xFFFF0000, v35  }
0x407: {  	[tilespmem:s20+$0x810] =	vst v12;
	v46 =	vand.u32 $0xFFFF0000, v36;
	v17 =	vmul.f32 v42, v7;
	v18 =	vmul.f32 v43, v9  }
0x408: {  	[tilespmem:s20+$0x1810] =	vst v40;
	v38 =	vshll.u32 v29, $0x10;
	v47 =	vmul.f32 v44, v7;
	v12 =	vmul.f32 v46, v9  }
0x409: {  	v39 =	vshll.u32 v32, $0x10;
	v48 =	vld [tilespmem:s21+$0xC920];
	v15 =	vmul.f32 v38, v4;
	v17 =	vadd.f32 v18, v17  }
0x40a: {  	v50 =	vld [tilespmem:s21+$0x10920];
	v16 =	vadd.f32 v49, v16;
	v11 =	vmul.f32 v39, v3;
	v12 =	vadd.f32 v12, v47  }
0x40b: {  	v51 =	vshll.u32 v41, $0x10;
	v52 =	vshll.u32 v45, $0x10;
	v14 =	vand.u32 $0xFFFF0000, v41;
	[tilespmem:s26+$0x450] =	vst v17  }
0x40c: {  	v53 =	vand.u32 $0xFFFF0000, v45;
	[tilespmem:s26+$0x1450] =	vst v12;
	v13 =	vmul.f32 v51, v8;
	v17 =	vmul.f32 v52, v10  }
0x40d: {  	v11 =	vadd.f32 v11, v15;
	v14 =	vmul.f32 v14, v8;
	v12 =	vmul.f32 v53, v10;
	v54 =	vld [tilespmem:s23+$0xC560]  }
0x40e: {  	[tilespmem:s18+$0x1820] =	vst v16;
	v55 =	vld [tilespmem:s23+$0x10560];
	v13 =	vadd.f32 v17, v13  }
0x40f: {  	v56 =	vshll.u32 v48, $0x10;
	v57 =	vshll.u32 v50, $0x10;
	[tilespmem:s18+$0x820] =	vst v11;
	v12 =	vadd.f32 v12, v14  }
0x410: {  	v58 =	vmul.f32 v56, v5;
	v59 =	vmul.f32 v57, v6;
	[tilespmem:s25+$0x450] =	vst v13  }
0x411: {  	v61 =	vand.u32 $0xFFFF0000, v50;
	v15 =	vand.u32 $0xFFFF0000, v48;
	v60 =	vld [tilespmem:s19+$0xC930];
	[tilespmem:s25+$0x1450] =	vst v12  }
0x412: {  	v24 =	vmul.f32 v61, v6;
	v62 =	vadd.f32 v59, v58;
	v63 =	vmul.f32 v15, v5;
	v25 =	vld [tilespmem:s24+$0xC560]  }
0x413: {  	v28 =	vld [tilespmem:s24+$0x10560];
	v26 =	vshll.u32 v54, $0x10;
	v27 =	vshll.u32 v55, $0x10;
	v18 =	vand.u32 $0xFFFF0000, v54  }
0x414: {  	v11 =	vand.u32 $0xFFFF0000, v55;
	v17 =	vmul.f32 v26, v7;
	v19 =	vmul.f32 v27, v9  }
0x415: {  	v29 =	vld [tilespmem:s19+$0x10930];
	v14 =	vadd.f32 v24, v63;
	v30 =	vmul.f32 v18, v7;
	v11 =	vmul.f32 v11, v9  }
0x416: {  	[tilespmem:s20+$0x820] =	vst v62;
	v31 =	vadd.f32 v19, v17  }
0x417: {  	v32 =	vshll.u32 v60, $0x10;
	[tilespmem:s20+$0x1820] =	vst v14;
	v11 =	vadd.f32 v11, v30  }
0x418: {  	v14 =	vld [tilespmem:s21+$0xC930];
	v33 =	vshll.u32 v25, $0x10;
	v34 =	vshll.u32 v28, $0x10;
	v16 =	vand.u32 $0xFFFF0000, v25;
	[tilespmem:s26+$0x460] =	vst v31  }
0x419: {  	v35 =	vld [tilespmem:s21+$0x10930];
	v36 =	vand.u32 $0xFFFF0000, v28;
	[tilespmem:s26+$0x1460] =	vst v11;
	v12 =	vmul.f32 v33, v8;
	v15 =	vmul.f32 v34, v10  }
0x41a: {  	v37 =	vshll.u32 v29, $0x10;
	v16 =	vmul.f32 v16, v8;
	v11 =	vmul.f32 v36, v10;
	v38 =	vld [tilespmem:s23+$0xC570]  }
0x41b: {  	v21 =	vand.u32 $0xFFFF0000, v29;
	v13 =	vand.u32 $0xFFFF0000, v60;
	v39 =	vld [tilespmem:s23+$0x10570];
	v12 =	vadd.f32 v15, v12  }
0x41c: {  	v40 =	vmul.f32 v32, v4;
	v41 =	vmul.f32 v37, v3;
	v11 =	vadd.f32 v11, v16  }
0x41d: {  	v42 =	vmul.f32 v21, v3;
	v13 =	vmul.f32 v13, v4;
	[tilespmem:s25+$0x460] =	vst v12  }
0x41e: {  	v43 =	vadd.f32 v41, v40;
	v44 =	vshll.u32 v14, $0x10;
	v45 =	vshll.u32 v35, $0x10;
	[tilespmem:s25+$0x1460] =	vst v11  }
0x41f: {  	v46 =	vadd.f32 v42, v13;
	v47 =	vmul.f32 v44, v5;
	v48 =	vmul.f32 v45, v6;
	v49 =	vld [tilespmem:s24+$0xC570]  }
0x420: {  	v52 =	vld [tilespmem:s24+$0x10570];
	v50 =	vshll.u32 v38, $0x10;
	v51 =	vshll.u32 v39, $0x10;
	v20 =	vand.u32 $0xFFFF0000, v38  }
0x421: {  	[tilespmem:s18+$0x830] =	vst v43;
	v53 =	vand.u32 $0xFFFF0000, v39;
	v17 =	vmul.f32 v50, v7;
	v19 =	vmul.f32 v51, v9  }
0x422: {  	[tilespmem:s18+$0x1830] =	vst v46;
	v18 =	vand.u32 $0xFFFF0000, v35;
	v55 =	vmul.f32 v20, v7;
	v12 =	vmul.f32 v53, v9  }
0x423: {  	v54 =	vand.u32 $0xFFFF0000, v14;
	v56 =	vld [tilespmem:s19+$0xC940];
	v18 =	vmul.f32 v18, v6;
	v57 =	vadd.f32 v19, v17  }
0x424: {  	v58 =	vld [tilespmem:s19+$0x10940];
	v13 =	vadd.f32 v48, v47;
	v11 =	vmul.f32 v54, v5;
	v12 =	vadd.f32 v12, v55  }
0x425: {  	v59 =	vshll.u32 v49, $0x10;
	v60 =	vshll.u32 v52, $0x10;
	v16 =	vand.u32 $0xFFFF0000, v49;
	[tilespmem:s26+$0x470] =	vst v57  }
0x426: {  	v61 =	vand.u32 $0xFFFF0000, v52;
	[tilespmem:s26+$0x1470] =	vst v12;
	v14 =	vmul.f32 v59, v8;
	v15 =	vmul.f32 v60, v10  }
0x427: {  	v11 =	vadd.f32 v18, v11;
	v16 =	vmul.f32 v16, v8;
	v12 =	vmul.f32 v61, v10;
	v62 =	vld [tilespmem:s23+$0xC900]  }
0x428: {  	[tilespmem:s20+$0x830] =	vst v13;
	v63 =	vld [tilespmem:s23+$0x10900];
	v14 =	vadd.f32 v15, v14  }
0x429: {  	v23 =	vshll.u32 v56, $0x10;
	v24 =	vshll.u32 v58, $0x10;
	[tilespmem:s20+$0x1830] =	vst v11;
	v25 =	vadd.f32 v12, v16  }
0x42a: {  	v26 =	vmul.f32 v23, v4;
	v27 =	vmul.f32 v24, v3;
	[tilespmem:s25+$0x470] =	vst v14  }
0x42b: {  	v28 =	vand.u32 $0xFFFF0000, v56;
	v29 =	vand.u32 $0xFFFF0000, v58;
	v30 =	vld [tilespmem:s21+$0xC940];
	[tilespmem:s25+$0x1470] =	vst v25  }
0x42c: {  	v32 =	vmul.f32 v28, v4;
	v33 =	vmul.f32 v29, v3;
	v31 =	vadd.f32 v27, v26;
	v34 =	vld [tilespmem:s24+$0xC900]  }
0x42d: {  	v37 =	vld [tilespmem:s24+$0x10900];
	v35 =	vshll.u32 v62, $0x10;
	v36 =	vshll.u32 v63, $0x10;
	v18 =	vand.u32 $0xFFFF0000, v62  }
0x42e: {  	v13 =	vand.u32 $0xFFFF0000, v63;
	v16 =	vmul.f32 v35, v7;
	v19 =	vmul.f32 v36, v9  }
0x42f: {  	v38 =	vld [tilespmem:s21+$0x10940];
	v12 =	vadd.f32 v33, v32;
	v18 =	vmul.f32 v18, v7;
	v13 =	vmul.f32 v13, v9  }
0x430: {  	[tilespmem:s18+$0x840] =	vst v31;
	v39 =	vadd.f32 v19, v16  }
0x431: {  	v40 =	vshll.u32 v30, $0x10;
	[tilespmem:s18+$0x1840] =	vst v12;
	v13 =	vadd.f32 v13, v18  }
0x432: {  	v41 =	vld [tilespmem:s19+$0xC950];
	v42 =	vshll.u32 v34, $0x10;
	v43 =	vshll.u32 v37, $0x10;
	v15 =	vand.u32 $0xFFFF0000, v34;
	[tilespmem:s26+$0x800] =	vst v39  }
0x433: {  	v44 =	vld [tilespmem:s19+$0x10950];
	v45 =	vand.u32 $0xFFFF0000, v37;
	[tilespmem:s26+$0x1800] =	vst v13;
	v11 =	vmul.f32 v42, v8;
	v18 =	vmul.f32 v43, v10  }
0x434: {  	v46 =	vshll.u32 v38, $0x10;
	v15 =	vmul.f32 v15, v8;
	v13 =	vmul.f32 v45, v10;
	v47 =	vld [tilespmem:s23+$0xC910]  }
0x435: {  	v17 =	vand.u32 $0xFFFF0000, v30;
	v14 =	vand.u32 $0xFFFF0000, v38;
	v48 =	vld [tilespmem:s23+$0x10910];
	v11 =	vadd.f32 v18, v11  }
0x436: {  	v12 =	vmul.f32 v40, v5;
	v49 =	vmul.f32 v46, v6;
	v13 =	vadd.f32 v13, v15  }
0x437: {  	v17 =	vmul.f32 v17, v5;
	v14 =	vmul.f32 v14, v6;
	[tilespmem:s25+$0x800] =	vst v11  }
0x438: {  	v12 =	vadd.f32 v49, v12;
	v16 =	vand.u32 $0xFFFF0000, v41;
	v19 =	vand.u32 $0xFFFF0000, v44;
	[tilespmem:s25+$0x1800] =	vst v13  }
0x439: {  	v52 =	vadd.f32 v14, v17;
	v16 =	vmul.f32 v16, v4;
	v61 =	vmul.f32 v19, v3;
	v53 =	vld [tilespmem:s24+$0xC910]  }
0x43a: {  	v57 =	vld [tilespmem:s24+$0x10910];
	v54 =	vshll.u32 v47, $0x10;
	v55 =	vshll.u32 v48, $0x10;
	v56 =	vand.u32 $0xFFFF0000, v47  }
0x43b: {  	[tilespmem:s20+$0x840] =	vst v12;
	v58 =	vand.u32 $0xFFFF0000, v48;
	v17 =	vmul.f32 v54, v7;
	v18 =	vmul.f32 v55, v9  }
0x43c: {  	[tilespmem:s20+$0x1840] =	vst v52;
	v50 =	vshll.u32 v41, $0x10;
	v59 =	vmul.f32 v56, v7;
	v12 =	vmul.f32 v58, v9  }
0x43d: {  	v51 =	vshll.u32 v44, $0x10;
	v60 =	vld [tilespmem:s21+$0xC950];
	v15 =	vmul.f32 v50, v4;
	v17 =	vadd.f32 v18, v17  }
0x43e: {  	v62 =	vld [tilespmem:s21+$0x10950];
	v16 =	vadd.f32 v61, v16;
	v11 =	vmul.f32 v51, v3;
	v12 =	vadd.f32 v12, v59  }
0x43f: {  	v63 =	vshll.u32 v53, $0x10;
	v20 =	vshll.u32 v57, $0x10;
	v14 =	vand.u32 $0xFFFF0000, v53;
	[tilespmem:s26+$0x810] =	vst v17  }
0x440: {  	v22 =	vand.u32 $0xFFFF0000, v57;
	[tilespmem:s26+$0x1810] =	vst v12;
	v13 =	vmul.f32 v63, v8;
	v17 =	vmul.f32 v20, v10  }
0x441: {  	v11 =	vadd.f32 v11, v15;
	v14 =	vmul.f32 v14, v8;
	v12 =	vmul.f32 v22, v10;
	v23 =	vld [tilespmem:s23+$0xC920]  }
0x442: {  	[tilespmem:s18+$0x1850] =	vst v16;
	v24 =	vld [tilespmem:s23+$0x10920];
	v13 =	vadd.f32 v17, v13  }
0x443: {  	v25 =	vshll.u32 v60, $0x10;
	v26 =	vshll.u32 v62, $0x10;
	[tilespmem:s18+$0x850] =	vst v11;
	v12 =	vadd.f32 v12, v14  }
0x444: {  	v27 =	vmul.f32 v25, v5;
	v28 =	vmul.f32 v26, v6;
	[tilespmem:s25+$0x810] =	vst v13  }
0x445: {  	v30 =	vand.u32 $0xFFFF0000, v62;
	v15 =	vand.u32 $0xFFFF0000, v60;
	v29 =	vld [tilespmem:s19+$0xC960];
	[tilespmem:s25+$0x1810] =	vst v12  }
0x446: {  	v33 =	vmul.f32 v30, v6;
	v31 =	vadd.f32 v28, v27;
	v32 =	vmul.f32 v15, v5;
	v34 =	vld [tilespmem:s24+$0xC920]  }
0x447: {  	v37 =	vld [tilespmem:s24+$0x10920];
	v35 =	vshll.u32 v23, $0x10;
	v36 =	vshll.u32 v24, $0x10;
	v18 =	vand.u32 $0xFFFF0000, v23  }
0x448: {  	v11 =	vand.u32 $0xFFFF0000, v24;
	v17 =	vmul.f32 v35, v7;
	v19 =	vmul.f32 v36, v9  }
0x449: {  	v38 =	vld [tilespmem:s19+$0x10960];
	v14 =	vadd.f32 v33, v32;
	v39 =	vmul.f32 v18, v7;
	v11 =	vmul.f32 v11, v9  }
0x44a: {  	[tilespmem:s20+$0x850] =	vst v31;
	v40 =	vadd.f32 v19, v17  }
0x44b: {  	v41 =	vshll.u32 v29, $0x10;
	[tilespmem:s20+$0x1850] =	vst v14;
	v11 =	vadd.f32 v11, v39  }
0x44c: {  	v14 =	vld [tilespmem:s21+$0xC960];
	v42 =	vshll.u32 v34, $0x10;
	v43 =	vshll.u32 v37, $0x10;
	v16 =	vand.u32 $0xFFFF0000, v34;
	[tilespmem:s26+$0x820] =	vst v40  }
0x44d: {  	v44 =	vld [tilespmem:s21+$0x10960];
	v45 =	vand.u32 $0xFFFF0000, v37;
	[tilespmem:s26+$0x1820] =	vst v11;
	v12 =	vmul.f32 v42, v8;
	v15 =	vmul.f32 v43, v10  }
0x44e: {  	v46 =	vshll.u32 v38, $0x10;
	v16 =	vmul.f32 v16, v8;
	v11 =	vmul.f32 v45, v10;
	v47 =	vld [tilespmem:s23+$0xC930]  }
0x44f: {  	v21 =	vand.u32 $0xFFFF0000, v38;
	v13 =	vand.u32 $0xFFFF0000, v29;
	v48 =	vld [tilespmem:s23+$0x10930];
	v12 =	vadd.f32 v15, v12  }
0x450: {  	v49 =	vmul.f32 v41, v4;
	v50 =	vmul.f32 v46, v3;
	v11 =	vadd.f32 v11, v16  }
0x451: {  	v51 =	vmul.f32 v21, v3;
	v13 =	vmul.f32 v13, v4;
	[tilespmem:s25+$0x820] =	vst v12  }
0x452: {  	v52 =	vadd.f32 v50, v49;
	v53 =	vshll.u32 v14, $0x10;
	v54 =	vshll.u32 v44, $0x10;
	[tilespmem:s25+$0x1820] =	vst v11  }
0x453: {  	v55 =	vadd.f32 v51, v13;
	v56 =	vmul.f32 v53, v5;
	v57 =	vmul.f32 v54, v6;
	v58 =	vld [tilespmem:s24+$0xC930]  }
0x454: {  	v61 =	vld [tilespmem:s24+$0x10930];
	v59 =	vshll.u32 v47, $0x10;
	v60 =	vshll.u32 v48, $0x10;
	v20 =	vand.u32 $0xFFFF0000, v47  }
0x455: {  	[tilespmem:s18+$0x860] =	vst v52;
	v62 =	vand.u32 $0xFFFF0000, v48;
	v17 =	vmul.f32 v59, v7;
	v19 =	vmul.f32 v60, v9  }
0x456: {  	[tilespmem:s18+$0x1860] =	vst v55;
	v18 =	vand.u32 $0xFFFF0000, v44;
	v24 =	vmul.f32 v20, v7;
	v12 =	vmul.f32 v62, v9  }
0x457: {  	v63 =	vand.u32 $0xFFFF0000, v14;
	v25 =	vld [tilespmem:s19+$0xC970];
	v18 =	vmul.f32 v18, v6;
	v26 =	vadd.f32 v19, v17  }
0x458: {  	v27 =	vld [tilespmem:s19+$0x10970];
	v13 =	vadd.f32 v57, v56;
	v11 =	vmul.f32 v63, v5;
	v12 =	vadd.f32 v12, v24  }
0x459: {  	v28 =	vshll.u32 v58, $0x10;
	v29 =	vshll.u32 v61, $0x10;
	v16 =	vand.u32 $0xFFFF0000, v58;
	[tilespmem:s26+$0x830] =	vst v26  }
0x45a: {  	v30 =	vand.u32 $0xFFFF0000, v61;
	[tilespmem:s26+$0x1830] =	vst v12;
	v14 =	vmul.f32 v28, v8;
	v15 =	vmul.f32 v29, v10  }
0x45b: {  	v11 =	vadd.f32 v18, v11;
	v16 =	vmul.f32 v16, v8;
	v12 =	vmul.f32 v30, v10;
	v31 =	vld [tilespmem:s23+$0xC940]  }
0x45c: {  	[tilespmem:s20+$0x860] =	vst v13;
	v32 =	vld [tilespmem:s23+$0x10940];
	v14 =	vadd.f32 v15, v14  }
0x45d: {  	v33 =	vshll.u32 v25, $0x10;
	v34 =	vshll.u32 v27, $0x10;
	[tilespmem:s20+$0x1860] =	vst v11;
	v35 =	vadd.f32 v12, v16  }
0x45e: {  	v36 =	vmul.f32 v33, v4;
	v37 =	vmul.f32 v34, v3;
	[tilespmem:s25+$0x830] =	vst v14  }
0x45f: {  	v38 =	vand.u32 $0xFFFF0000, v25;
	v39 =	vand.u32 $0xFFFF0000, v27;
	v40 =	vld [tilespmem:s21+$0xC970];
	[tilespmem:s25+$0x1830] =	vst v35  }
0x460: {  	v42 =	vmul.f32 v38, v4;
	v43 =	vmul.f32 v39, v3;
	v41 =	vadd.f32 v37, v36;
	v44 =	vld [tilespmem:s24+$0xC940]  }
0x461: {  	v47 =	vld [tilespmem:s24+$0x10940];
	v45 =	vshll.u32 v31, $0x10;
	v46 =	vshll.u32 v32, $0x10;
	v18 =	vand.u32 $0xFFFF0000, v31  }
0x462: {  	v13 =	vand.u32 $0xFFFF0000, v32;
	v16 =	vmul.f32 v45, v7;
	v19 =	vmul.f32 v46, v9  }
0x463: {  	v48 =	vld [tilespmem:s21+$0x10970];
	v12 =	vadd.f32 v43, v42;
	v18 =	vmul.f32 v18, v7;
	v13 =	vmul.f32 v13, v9  }
0x464: {  	[tilespmem:s18+$0x870] =	vst v41;
	v49 =	vadd.f32 v19, v16  }
0x465: {  	v50 =	vshll.u32 v40, $0x10;
	[tilespmem:s18+$0x1870] =	vst v12;
	v13 =	vadd.f32 v13, v18  }
0x466: {  	v51 =	vld [tilespmem:s19+$0xCD00];
	v52 =	vshll.u32 v44, $0x10;
	v53 =	vshll.u32 v47, $0x10;
	v15 =	vand.u32 $0xFFFF0000, v44;
	[tilespmem:s26+$0x840] =	vst v49  }
0x467: {  	v54 =	vld [tilespmem:s19+$0x10D00];
	v55 =	vand.u32 $0xFFFF0000, v47;
	[tilespmem:s26+$0x1840] =	vst v13;
	v11 =	vmul.f32 v52, v8;
	v18 =	vmul.f32 v53, v10  }
0x468: {  	v56 =	vshll.u32 v48, $0x10;
	v15 =	vmul.f32 v15, v8;
	v13 =	vmul.f32 v55, v10;
	v57 =	vld [tilespmem:s23+$0xC950]  }
0x469: {  	v17 =	vand.u32 $0xFFFF0000, v40;
	v14 =	vand.u32 $0xFFFF0000, v48;
	v58 =	vld [tilespmem:s23+$0x10950];
	v11 =	vadd.f32 v18, v11  }
0x46a: {  	v12 =	vmul.f32 v50, v5;
	v59 =	vmul.f32 v56, v6;
	v13 =	vadd.f32 v13, v15  }
0x46b: {  	v17 =	vmul.f32 v17, v5;
	v14 =	vmul.f32 v14, v6;
	[tilespmem:s25+$0x840] =	vst v11  }
0x46c: {  	v12 =	vadd.f32 v59, v12;
	v16 =	vand.u32 $0xFFFF0000, v51;
	v19 =	vand.u32 $0xFFFF0000, v54;
	[tilespmem:s25+$0x1840] =	vst v13  }
0x46d: {  	v62 =	vadd.f32 v14, v17;
	v16 =	vmul.f32 v16, v4;
	v31 =	vmul.f32 v19, v3;
	v63 =	vld [tilespmem:s24+$0xC950]  }
0x46e: {  	v27 =	vld [tilespmem:s24+$0x10950];
	v24 =	vshll.u32 v57, $0x10;
	v25 =	vshll.u32 v58, $0x10;
	v26 =	vand.u32 $0xFFFF0000, v57  }
0x46f: {  	[tilespmem:s20+$0x870] =	vst v12;
	v28 =	vand.u32 $0xFFFF0000, v58;
	v17 =	vmul.f32 v24, v7;
	v18 =	vmul.f32 v25, v9  }
0x470: {  	[tilespmem:s20+$0x1870] =	vst v62;
	v60 =	vshll.u32 v51, $0x10;
	v29 =	vmul.f32 v26, v7;
	v12 =	vmul.f32 v28, v9  }
0x471: {  	v61 =	vshll.u32 v54, $0x10;
	v30 =	vld [tilespmem:s21+$0xCD00];
	v15 =	vmul.f32 v60, v4;
	v17 =	vadd.f32 v18, v17  }
0x472: {  	v32 =	vld [tilespmem:s21+$0x10D00];
	v16 =	vadd.f32 v31, v16;
	v11 =	vmul.f32 v61, v3;
	v12 =	vadd.f32 v12, v29  }
0x473: {  	v33 =	vshll.u32 v63, $0x10;
	v34 =	vshll.u32 v27, $0x10;
	v14 =	vand.u32 $0xFFFF0000, v63;
	[tilespmem:s26+$0x850] =	vst v17  }
0x474: {  	v35 =	vand.u32 $0xFFFF0000, v27;
	[tilespmem:s26+$0x1850] =	vst v12;
	v13 =	vmul.f32 v33, v8;
	v17 =	vmul.f32 v34, v10  }
0x475: {  	v11 =	vadd.f32 v11, v15;
	v14 =	vmul.f32 v14, v8;
	v12 =	vmul.f32 v35, v10;
	v36 =	vld [tilespmem:s23+$0xC960]  }
0x476: {  	[tilespmem:s18+$0x1C00] =	vst v16;
	v37 =	vld [tilespmem:s23+$0x10960];
	v13 =	vadd.f32 v17, v13  }
0x477: {  	v38 =	vshll.u32 v30, $0x10;
	v39 =	vshll.u32 v32, $0x10;
	[tilespmem:s18+$0xC00] =	vst v11;
	v12 =	vadd.f32 v12, v14  }
0x478: {  	v40 =	vmul.f32 v38, v5;
	v41 =	vmul.f32 v39, v6;
	[tilespmem:s25+$0x850] =	vst v13  }
0x479: {  	v43 =	vand.u32 $0xFFFF0000, v32;
	v15 =	vand.u32 $0xFFFF0000, v30;
	v42 =	vld [tilespmem:s19+$0xCD10];
	[tilespmem:s25+$0x1850] =	vst v12  }
0x47a: {  	v46 =	vmul.f32 v43, v6;
	v44 =	vadd.f32 v41, v40;
	v45 =	vmul.f32 v15, v5;
	v47 =	vld [tilespmem:s24+$0xC960]  }
0x47b: {  	v50 =	vld [tilespmem:s24+$0x10960];
	v48 =	vshll.u32 v36, $0x10;
	v49 =	vshll.u32 v37, $0x10;
	v18 =	vand.u32 $0xFFFF0000, v36  }
0x47c: {  	v11 =	vand.u32 $0xFFFF0000, v37;
	v17 =	vmul.f32 v48, v7;
	v19 =	vmul.f32 v49, v9  }
0x47d: {  	v51 =	vld [tilespmem:s19+$0x10D10];
	v14 =	vadd.f32 v46, v45;
	v52 =	vmul.f32 v18, v7;
	v11 =	vmul.f32 v11, v9  }
0x47e: {  	[tilespmem:s20+$0xC00] =	vst v44;
	v53 =	vadd.f32 v19, v17  }
0x47f: {  	v54 =	vshll.u32 v42, $0x10;
	[tilespmem:s20+$0x1C00] =	vst v14;
	v11 =	vadd.f32 v11, v52  }
0x480: {  	v14 =	vld [tilespmem:s21+$0xCD10];
	v55 =	vshll.u32 v47, $0x10;
	v56 =	vshll.u32 v50, $0x10;
	v16 =	vand.u32 $0xFFFF0000, v47;
	[tilespmem:s26+$0x860] =	vst v53  }
0x481: {  	v57 =	vld [tilespmem:s21+$0x10D10];
	v58 =	vand.u32 $0xFFFF0000, v50;
	[tilespmem:s26+$0x1860] =	vst v11;
	v12 =	vmul.f32 v55, v8;
	v15 =	vmul.f32 v56, v10  }
0x482: {  	v59 =	vshll.u32 v51, $0x10;
	v16 =	vmul.f32 v16, v8;
	v11 =	vmul.f32 v58, v10;
	v60 =	vld [tilespmem:s23+$0xC970]  }
0x483: {  	v21 =	vand.u32 $0xFFFF0000, v51;
	v13 =	vand.u32 $0xFFFF0000, v42;
	v61 =	vld [tilespmem:s23+$0x10970];
	v12 =	vadd.f32 v15, v12  }
0x484: {  	v62 =	vmul.f32 v54, v4;
	v63 =	vmul.f32 v59, v3;
	v11 =	vadd.f32 v11, v16  }
0x485: {  	v23 =	vmul.f32 v21, v3;
	v13 =	vmul.f32 v13, v4;
	[tilespmem:s25+$0x860] =	vst v12  }
0x486: {  	v24 =	vadd.f32 v63, v62;
	v25 =	vshll.u32 v14, $0x10;
	v26 =	vshll.u32 v57, $0x10;
	[tilespmem:s25+$0x1860] =	vst v11  }
0x487: {  	v27 =	vadd.f32 v23, v13;
	v28 =	vmul.f32 v25, v5;
	v29 =	vmul.f32 v26, v6;
	v30 =	vld [tilespmem:s24+$0xC970]  }
0x488: {  	v33 =	vld [tilespmem:s24+$0x10970];
	v31 =	vshll.u32 v60, $0x10;
	v32 =	vshll.u32 v61, $0x10;
	v20 =	vand.u32 $0xFFFF0000, v60  }
0x489: {  	[tilespmem:s18+$0xC10] =	vst v24;
	v34 =	vand.u32 $0xFFFF0000, v61;
	v17 =	vmul.f32 v31, v7;
	v19 =	vmul.f32 v32, v9  }
0x48a: {  	[tilespmem:s18+$0x1C10] =	vst v27;
	v18 =	vand.u32 $0xFFFF0000, v57;
	v36 =	vmul.f32 v20, v7;
	v12 =	vmul.f32 v34, v9  }
0x48b: {  	v35 =	vand.u32 $0xFFFF0000, v14;
	v37 =	vld [tilespmem:s19+$0xCD20];
	v18 =	vmul.f32 v18, v6;
	v38 =	vadd.f32 v19, v17  }
0x48c: {  	v39 =	vld [tilespmem:s19+$0x10D20];
	v13 =	vadd.f32 v29, v28;
	v11 =	vmul.f32 v35, v5;
	v12 =	vadd.f32 v12, v36  }
0x48d: {  	v40 =	vshll.u32 v30, $0x10;
	v41 =	vshll.u32 v33, $0x10;
	v16 =	vand.u32 $0xFFFF0000, v30;
	[tilespmem:s26+$0x870] =	vst v38  }
0x48e: {  	v42 =	vand.u32 $0xFFFF0000, v33;
	[tilespmem:s26+$0x1870] =	vst v12;
	v14 =	vmul.f32 v40, v8;
	v15 =	vmul.f32 v41, v10  }
0x48f: {  	v11 =	vadd.f32 v18, v11;
	v16 =	vmul.f32 v16, v8;
	v12 =	vmul.f32 v42, v10;
	v43 =	vld [tilespmem:s23+$0xCD00]  }
0x490: {  	[tilespmem:s20+$0xC10] =	vst v13;
	v44 =	vld [tilespmem:s23+$0x10D00];
	v14 =	vadd.f32 v15, v14  }
0x491: {  	v45 =	vshll.u32 v37, $0x10;
	v46 =	vshll.u32 v39, $0x10;
	[tilespmem:s20+$0x1C10] =	vst v11;
	v47 =	vadd.f32 v12, v16  }
0x492: {  	v48 =	vmul.f32 v45, v4;
	v49 =	vmul.f32 v46, v3;
	[tilespmem:s25+$0x870] =	vst v14  }
0x493: {  	v50 =	vand.u32 $0xFFFF0000, v37;
	v51 =	vand.u32 $0xFFFF0000, v39;
	v52 =	vld [tilespmem:s21+$0xCD20];
	[tilespmem:s25+$0x1870] =	vst v47  }
0x494: {  	v54 =	vmul.f32 v50, v4;
	v55 =	vmul.f32 v51, v3;
	v53 =	vadd.f32 v49, v48;
	v56 =	vld [tilespmem:s24+$0xCD00]  }
0x495: {  	v59 =	vld [tilespmem:s24+$0x10D00];
	v57 =	vshll.u32 v43, $0x10;
	v58 =	vshll.u32 v44, $0x10;
	v18 =	vand.u32 $0xFFFF0000, v43  }
0x496: {  	v13 =	vand.u32 $0xFFFF0000, v44;
	v16 =	vmul.f32 v57, v7;
	v19 =	vmul.f32 v58, v9  }
0x497: {  	v60 =	vld [tilespmem:s21+$0x10D20];
	v12 =	vadd.f32 v55, v54;
	v18 =	vmul.f32 v18, v7;
	v13 =	vmul.f32 v13, v9  }
0x498: {  	[tilespmem:s18+$0xC20] =	vst v53;
	v61 =	vadd.f32 v19, v16  }
0x499: {  	v62 =	vshll.u32 v52, $0x10;
	[tilespmem:s18+$0x1C20] =	vst v12;
	v13 =	vadd.f32 v13, v18  }
0x49a: {  	v63 =	vld [tilespmem:s19+$0xCD30];
	v24 =	vshll.u32 v56, $0x10;
	v25 =	vshll.u32 v59, $0x10;
	v15 =	vand.u32 $0xFFFF0000, v56;
	[tilespmem:s26+$0xC00] =	vst v61  }
0x49b: {  	v26 =	vld [tilespmem:s19+$0x10D30];
	v27 =	vand.u32 $0xFFFF0000, v59;
	[tilespmem:s26+$0x1C00] =	vst v13;
	v11 =	vmul.f32 v24, v8;
	v18 =	vmul.f32 v25, v10  }
0x49c: {  	v28 =	vshll.u32 v60, $0x10;
	v15 =	vmul.f32 v15, v8;
	v13 =	vmul.f32 v27, v10;
	v29 =	vld [tilespmem:s23+$0xCD10]  }
0x49d: {  	v17 =	vand.u32 $0xFFFF0000, v52;
	v14 =	vand.u32 $0xFFFF0000, v60;
	v30 =	vld [tilespmem:s23+$0x10D10];
	v11 =	vadd.f32 v18, v11  }
0x49e: {  	v12 =	vmul.f32 v62, v5;
	v31 =	vmul.f32 v28, v6;
	v13 =	vadd.f32 v13, v15  }
0x49f: {  	v17 =	vmul.f32 v17, v5;
	v14 =	vmul.f32 v14, v6;
	[tilespmem:s25+$0xC00] =	vst v11  }
0x4a0: {  	v12 =	vadd.f32 v31, v12;
	v16 =	vand.u32 $0xFFFF0000, v63;
	v19 =	vand.u32 $0xFFFF0000, v26;
	[tilespmem:s25+$0x1C00] =	vst v13  }
0x4a1: {  	v34 =	vadd.f32 v14, v17;
	v16 =	vmul.f32 v16, v4;
	v43 =	vmul.f32 v19, v3;
	v35 =	vld [tilespmem:s24+$0xCD10]  }
0x4a2: {  	v39 =	vld [tilespmem:s24+$0x10D10];
	v36 =	vshll.u32 v29, $0x10;
	v37 =	vshll.u32 v30, $0x10;
	v38 =	vand.u32 $0xFFFF0000, v29  }
0x4a3: {  	[tilespmem:s20+$0xC20] =	vst v12;
	v40 =	vand.u32 $0xFFFF0000, v30;
	v17 =	vmul.f32 v36, v7;
	v18 =	vmul.f32 v37, v9  }
0x4a4: {  	[tilespmem:s20+$0x1C20] =	vst v34;
	v32 =	vshll.u32 v63, $0x10;
	v41 =	vmul.f32 v38, v7;
	v12 =	vmul.f32 v40, v9  }
0x4a5: {  	v33 =	vshll.u32 v26, $0x10;
	v42 =	vld [tilespmem:s21+$0xCD30];
	v15 =	vmul.f32 v32, v4;
	v17 =	vadd.f32 v18, v17  }
0x4a6: {  	v44 =	vld [tilespmem:s21+$0x10D30];
	v16 =	vadd.f32 v43, v16;
	v11 =	vmul.f32 v33, v3;
	v12 =	vadd.f32 v12, v41  }
0x4a7: {  	v45 =	vshll.u32 v35, $0x10;
	v46 =	vshll.u32 v39, $0x10;
	v14 =	vand.u32 $0xFFFF0000, v35;
	[tilespmem:s26+$0xC10] =	vst v17  }
0x4a8: {  	v47 =	vand.u32 $0xFFFF0000, v39;
	[tilespmem:s26+$0x1C10] =	vst v12;
	v13 =	vmul.f32 v45, v8;
	v17 =	vmul.f32 v46, v10  }
0x4a9: {  	v11 =	vadd.f32 v11, v15;
	v14 =	vmul.f32 v14, v8;
	v12 =	vmul.f32 v47, v10;
	v48 =	vld [tilespmem:s23+$0xCD20]  }
0x4aa: {  	[tilespmem:s18+$0x1C30] =	vst v16;
	v49 =	vld [tilespmem:s23+$0x10D20];
	v13 =	vadd.f32 v17, v13  }
0x4ab: {  	v50 =	vshll.u32 v42, $0x10;
	v51 =	vshll.u32 v44, $0x10;
	[tilespmem:s18+$0xC30] =	vst v11;
	v12 =	vadd.f32 v12, v14  }
0x4ac: {  	v52 =	vmul.f32 v50, v5;
	v53 =	vmul.f32 v51, v6;
	[tilespmem:s25+$0xC10] =	vst v13  }
0x4ad: {  	v55 =	vand.u32 $0xFFFF0000, v44;
	v15 =	vand.u32 $0xFFFF0000, v42;
	v54 =	vld [tilespmem:s19+$0xCD40];
	[tilespmem:s25+$0x1C10] =	vst v12  }
0x4ae: {  	v58 =	vmul.f32 v55, v6;
	v56 =	vadd.f32 v53, v52;
	v57 =	vmul.f32 v15, v5;
	v59 =	vld [tilespmem:s24+$0xCD20]  }
0x4af: {  	v62 =	vld [tilespmem:s24+$0x10D20];
	v60 =	vshll.u32 v48, $0x10;
	v61 =	vshll.u32 v49, $0x10;
	v18 =	vand.u32 $0xFFFF0000, v48  }
0x4b0: {  	v11 =	vand.u32 $0xFFFF0000, v49;
	v17 =	vmul.f32 v60, v7;
	v19 =	vmul.f32 v61, v9  }
0x4b1: {  	v63 =	vld [tilespmem:s19+$0x10D40];
	v14 =	vadd.f32 v58, v57;
	v22 =	vmul.f32 v18, v7;
	v11 =	vmul.f32 v11, v9  }
0x4b2: {  	[tilespmem:s20+$0xC30] =	vst v56;
	v23 =	vadd.f32 v19, v17  }
0x4b3: {  	v24 =	vshll.u32 v54, $0x10;
	[tilespmem:s20+$0x1C30] =	vst v14;
	v11 =	vadd.f32 v11, v22  }
0x4b4: {  	v14 =	vld [tilespmem:s21+$0xCD40];
	v25 =	vshll.u32 v59, $0x10;
	v26 =	vshll.u32 v62, $0x10;
	v16 =	vand.u32 $0xFFFF0000, v59;
	[tilespmem:s26+$0xC20] =	vst v23  }
0x4b5: {  	v27 =	vld [tilespmem:s21+$0x10D40];
	v28 =	vand.u32 $0xFFFF0000, v62;
	[tilespmem:s26+$0x1C20] =	vst v11;
	v12 =	vmul.f32 v25, v8;
	v15 =	vmul.f32 v26, v10  }
0x4b6: {  	v29 =	vshll.u32 v63, $0x10;
	v16 =	vmul.f32 v16, v8;
	v11 =	vmul.f32 v28, v10;
	v30 =	vld [tilespmem:s23+$0xCD30]  }
0x4b7: {  	v21 =	vand.u32 $0xFFFF0000, v63;
	v13 =	vand.u32 $0xFFFF0000, v54;
	v31 =	vld [tilespmem:s23+$0x10D30];
	v12 =	vadd.f32 v15, v12  }
0x4b8: {  	v32 =	vmul.f32 v24, v4;
	v33 =	vmul.f32 v29, v3;
	v11 =	vadd.f32 v11, v16  }
0x4b9: {  	v34 =	vmul.f32 v21, v3;
	v13 =	vmul.f32 v13, v4;
	[tilespmem:s25+$0xC20] =	vst v12  }
0x4ba: {  	v35 =	vadd.f32 v33, v32;
	v36 =	vshll.u32 v14, $0x10;
	v37 =	vshll.u32 v27, $0x10;
	[tilespmem:s25+$0x1C20] =	vst v11  }
0x4bb: {  	v38 =	vadd.f32 v34, v13;
	v39 =	vmul.f32 v36, v5;
	v40 =	vmul.f32 v37, v6;
	v41 =	vld [tilespmem:s24+$0xCD30]  }
0x4bc: {  	v44 =	vld [tilespmem:s24+$0x10D30];
	v42 =	vshll.u32 v30, $0x10;
	v43 =	vshll.u32 v31, $0x10;
	v20 =	vand.u32 $0xFFFF0000, v30  }
0x4bd: {  	[tilespmem:s18+$0xC40] =	vst v35;
	v45 =	vand.u32 $0xFFFF0000, v31;
	v17 =	vmul.f32 v42, v7;
	v19 =	vmul.f32 v43, v9  }
0x4be: {  	[tilespmem:s18+$0x1C40] =	vst v38;
	v18 =	vand.u32 $0xFFFF0000, v27;
	v47 =	vmul.f32 v20, v7;
	v12 =	vmul.f32 v45, v9  }
0x4bf: {  	v46 =	vand.u32 $0xFFFF0000, v14;
	v48 =	vld [tilespmem:s19+$0xCD50];
	v18 =	vmul.f32 v18, v6;
	v49 =	vadd.f32 v19, v17  }
0x4c0: {  	v50 =	vld [tilespmem:s19+$0x10D50];
	v13 =	vadd.f32 v40, v39;
	v11 =	vmul.f32 v46, v5;
	v12 =	vadd.f32 v12, v47  }
0x4c1: {  	v51 =	vshll.u32 v41, $0x10;
	v52 =	vshll.u32 v44, $0x10;
	v16 =	vand.u32 $0xFFFF0000, v41;
	[tilespmem:s26+$0xC30] =	vst v49  }
0x4c2: {  	v53 =	vand.u32 $0xFFFF0000, v44;
	[tilespmem:s26+$0x1C30] =	vst v12;
	v14 =	vmul.f32 v51, v8;
	v15 =	vmul.f32 v52, v10  }
0x4c3: {  	v11 =	vadd.f32 v18, v11;
	v16 =	vmul.f32 v16, v8;
	v12 =	vmul.f32 v53, v10;
	v54 =	vld [tilespmem:s23+$0xCD40]  }
0x4c4: {  	[tilespmem:s20+$0xC40] =	vst v13;
	v55 =	vld [tilespmem:s23+$0x10D40];
	v14 =	vadd.f32 v15, v14  }
0x4c5: {  	v56 =	vshll.u32 v48, $0x10;
	v57 =	vshll.u32 v50, $0x10;
	[tilespmem:s20+$0x1C40] =	vst v11;
	v58 =	vadd.f32 v12, v16  }
0x4c6: {  	v59 =	vmul.f32 v56, v4;
	v60 =	vmul.f32 v57, v3;
	[tilespmem:s25+$0xC30] =	vst v14  }
0x4c7: {  	v61 =	vand.u32 $0xFFFF0000, v48;
	v62 =	vand.u32 $0xFFFF0000, v50;
	v63 =	vld [tilespmem:s21+$0xCD50];
	[tilespmem:s25+$0x1C30] =	vst v58  }
0x4c8: {  	v25 =	vmul.f32 v61, v4;
	v26 =	vmul.f32 v62, v3;
	v24 =	vadd.f32 v60, v59;
	v27 =	vld [tilespmem:s24+$0xCD40]  }
0x4c9: {  	v30 =	vld [tilespmem:s24+$0x10D40];
	v28 =	vshll.u32 v54, $0x10;
	v29 =	vshll.u32 v55, $0x10;
	v18 =	vand.u32 $0xFFFF0000, v54  }
0x4ca: {  	v13 =	vand.u32 $0xFFFF0000, v55;
	v16 =	vmul.f32 v28, v7;
	v19 =	vmul.f32 v29, v9  }
0x4cb: {  	v31 =	vld [tilespmem:s21+$0x10D50];
	v12 =	vadd.f32 v26, v25;
	v18 =	vmul.f32 v18, v7;
	v13 =	vmul.f32 v13, v9  }
0x4cc: {  	[tilespmem:s18+$0xC50] =	vst v24;
	v32 =	vadd.f32 v19, v16  }
0x4cd: {  	v33 =	vshll.u32 v63, $0x10;
	[tilespmem:s18+$0x1C50] =	vst v12;
	v13 =	vadd.f32 v13, v18  }
0x4ce: {  	v34 =	vld [tilespmem:s19+$0xCD60];
	v35 =	vshll.u32 v27, $0x10;
	v36 =	vshll.u32 v30, $0x10;
	v15 =	vand.u32 $0xFFFF0000, v27;
	[tilespmem:s26+$0xC40] =	vst v32  }
0x4cf: {  	v37 =	vld [tilespmem:s19+$0x10D60];
	v38 =	vand.u32 $0xFFFF0000, v30;
	[tilespmem:s26+$0x1C40] =	vst v13;
	v11 =	vmul.f32 v35, v8;
	v18 =	vmul.f32 v36, v10  }
0x4d0: {  	v39 =	vshll.u32 v31, $0x10;
	v15 =	vmul.f32 v15, v8;
	v13 =	vmul.f32 v38, v10;
	v40 =	vld [tilespmem:s23+$0xCD50]  }
0x4d1: {  	v17 =	vand.u32 $0xFFFF0000, v63;
	v14 =	vand.u32 $0xFFFF0000, v31;
	v41 =	vld [tilespmem:s23+$0x10D50];
	v11 =	vadd.f32 v18, v11  }
0x4d2: {  	v12 =	vmul.f32 v33, v5;
	v42 =	vmul.f32 v39, v6;
	v13 =	vadd.f32 v13, v15  }
0x4d3: {  	v17 =	vmul.f32 v17, v5;
	v14 =	vmul.f32 v14, v6;
	[tilespmem:s25+$0xC40] =	vst v11  }
0x4d4: {  	v12 =	vadd.f32 v42, v12;
	v43 =	vshll.u32 v34, $0x10;
	v44 =	vshll.u32 v37, $0x10;
	[tilespmem:s25+$0x1C40] =	vst v13  }
0x4d5: {  	v45 =	vadd.f32 v14, v17;
	v15 =	vmul.f32 v43, v4;
	v11 =	vmul.f32 v44, v3;
	v46 =	vld [tilespmem:s24+$0xCD50]  }
0x4d6: {  	v50 =	vld [tilespmem:s24+$0x10D50];
	v47 =	vshll.u32 v40, $0x10;
	v48 =	vshll.u32 v41, $0x10;
	v49 =	vand.u32 $0xFFFF0000, v40  }
0x4d7: {  	v22 =	vand.u32 $0xFFFF0000, v41;
	v17 =	vmul.f32 v47, v7;
	v18 =	vmul.f32 v48, v9  }
0x4d8: {  	[tilespmem:s20+$0xC50] =	vst v12;
	v16 =	vand.u32 $0xFFFF0000, v34;
	v51 =	vmul.f32 v49, v7;
	v52 =	vmul.f32 v22, v9  }
0x4d9: {  	[tilespmem:s20+$0x1C50] =	vst v45;
	v19 =	vand.u32 $0xFFFF0000, v37;
	v54 =	vmul.f32 v16, v4;
	v53 =	vadd.f32 v18, v17  }
0x4da: {  	v56 =	vld [tilespmem:s21+$0xCD60];
	v55 =	vmul.f32 v19, v3;
	v11 =	vadd.f32 v11, v15;
	v12 =	vadd.f32 v52, v51  }
0x4db: {  	v57 =	vld [tilespmem:s21+$0x10D60];
	v58 =	vshll.u32 v46, $0x10;
	v59 =	vshll.u32 v50, $0x10;
	v14 =	vand.u32 $0xFFFF0000, v46;
	[tilespmem:s26+$0xC50] =	vst v53  }
0x4dc: {  	v60 =	vand.u32 $0xFFFF0000, v50;
	[tilespmem:s26+$0x1C50] =	vst v12;
	v13 =	vmul.f32 v58, v8;
	v19 =	vmul.f32 v59, v10  }
0x4dd: {  	v15 =	vadd.f32 v55, v54;
	v14 =	vmul.f32 v14, v8;
	v12 =	vmul.f32 v60, v10;
	v61 =	vld [tilespmem:s23+$0xCD60]  }
0x4de: {  	[tilespmem:s18+$0xC60] =	vst v11;
	v62 =	vld [tilespmem:s23+$0x10D60];
	v13 =	vadd.f32 v19, v13  }
0x4df: {  	[tilespmem:s18+$0x1C60] =	vst v15;
	v12 =	vadd.f32 v12, v14  }
0x4e0: {  	v23 =	vshll.u32 v57, $0x10;
	v22 =	vshll.u32 v56, $0x10;
	v63 =	vld [tilespmem:s19+$0xCD70];
	v17 =	vand.u32 $0xFFFF0000, v56;
	[tilespmem:s25+$0xC50] =	vst v13  }
0x4e1: {  	v15 =	vmul.f32 v22, v5;
	v24 =	vld [tilespmem:s19+$0x10D70];
	v18 =	vand.u32 $0xFFFF0000, v57;
	v25 =	vmul.f32 v17, v5;
	[tilespmem:s25+$0x1C50] =	vst v12  }
0x4e2: {  	v26 =	vmul.f32 v18, v6;
	v19 =	vmul.f32 v23, v6;
	v27 =	vld [tilespmem:s24+$0xCD60]  }
0x4e3: {  	v30 =	vld [tilespmem:s24+$0x10D60];
	v28 =	vshll.u32 v61, $0x10;
	v29 =	vshll.u32 v62, $0x10;
	v16 =	vand.u32 $0xFFFF0000, v61  }
0x4e4: {  	v11 =	vand.u32 $0xFFFF0000, v62;
	v20 =	vmul.f32 v28, v7;
	v21 =	vmul.f32 v29, v9  }
0x4e5: {  	v15 =	vadd.f32 v19, v15;
	v16 =	vmul.f32 v16, v7;
	v11 =	vmul.f32 v11, v9  }
0x4e6: {  	v31 =	vshll.u32 v63, $0x10;
	v32 =	vshll.u32 v24, $0x10;
	v12 =	vadd.f32 v26, v25  }
0x4e7: {  	v14 =	vand.u32 $0xFFFF0000, v63;
	[tilespmem:s20+$0xC60] =	vst v15;
	v33 =	vadd.f32 v21, v20;
	v11 =	vadd.f32 v11, v16  }
0x4e8: {  	[tilespmem:s20+$0x1C60] =	vst v12;
	v34 =	vshll.u32 v27, $0x10;
	v35 =	vshll.u32 v30, $0x10;
	v18 =	vand.u32 $0xFFFF0000, v27  }
0x4e9: {  	v36 =	vld [tilespmem:s21+$0xCD70];
	v37 =	vand.u32 $0xFFFF0000, v30;
	[tilespmem:s26+$0xC60] =	vst v33;
	v12 =	vmul.f32 v34, v8;
	v16 =	vmul.f32 v35, v10  }
0x4ea: {  	v39 =	vand.u32 $0xFFFF0000, v24;
	v38 =	vld [tilespmem:s21+$0x10D70];
	[tilespmem:s26+$0x1C60] =	vst v11;
	v40 =	vmul.f32 v18, v8;
	v15 =	vmul.f32 v37, v10  }
0x4eb: {  	v41 =	vmul.f32 v31, v4;
	v4 =	vmul.f32 v14, v4;
	v42 =	vld [tilespmem:s23+$0xCD70];
	v12 =	vadd.f32 v16, v12  }
0x4ec: {  	v17 =	vmul.f32 v32, v3;
	v3 =	vmul.f32 v39, v3;
	v43 =	vld [tilespmem:s23+$0x10D70];
	v44 =	vadd.f32 v15, v40  }
0x4ed: {  	[tilespmem:s25+$0xC60] =	vst v12  }
0x4ee: {  	v45 =	vadd.f32 v17, v41;
	v3 =	vadd.f32 v3, v4;
	v46 =	vshll.u32 v36, $0x10;
	[tilespmem:s25+$0x1C60] =	vst v44  }
0x4ef: {  	v47 =	vshll.u32 v38, $0x10;
	v48 =	vand.u32 $0xFFFF0000, v36;
	v4 =	vmul.f32 v46, v5;
	v49 =	vld [tilespmem:s24+$0xCD70]  }
0x4f0: {  	v50 =	vand.u32 $0xFFFF0000, v38;
	v11 =	vmul.f32 v47, v6;
	v5 =	vmul.f32 v48, v5;
	v51 =	vld [tilespmem:s24+$0x10D70]  }
0x4f1: {  	v6 =	vmul.f32 v50, v6;
	v52 =	vshll.u32 v42, $0x10;
	v53 =	vshll.u32 v43, $0x10  }
0x4f2: {  	v4 =	vadd.f32 v11, v4;
	v54 =	vmul.f32 v52, v7;
	v55 =	vmul.f32 v53, v9  }
0x4f3: {  	v5 =	vadd.f32 v6, v5;
	v56 =	vand.u32 $0xFFFF0000, v42;
	v57 =	vand.u32 $0xFFFF0000, v43  }
0x4f4: {  	[tilespmem:s18+$0xC70] =	vst v45;
	v6 =	vmul.f32 v56, v7;
	v58 =	vmul.f32 v57, v9;
	v11 =	vadd.f32 v55, v54  }
0x4f5: {  	[tilespmem:s18+$0x1C70] =	vst v3;
	v3 =	vshll.u32 v49, $0x10;
	v59 =	vshll.u32 v51, $0x10;
	v60 =	vand.u32 $0xFFFF0000, v49  }
0x4f6: {  	p0 =	slt.u32 s13, $0x1C;
	[tilespmem:s20+$0xC70] =	vst v4;
	v61 =	vand.u32 $0xFFFF0000, v51;
	v3 =	vmul.f32 v3, v8;
	v9 =	vmul.f32 v59, v10  }
.Ltmp1:
0x4f7: {  	[tilespmem:s20+$0x1C70] =	vst v5;
	v62 =	vadd.f32 v58, v6;
	v63 =	vmul.f32 v60, v8;
	v4 =	vmul.f32 v61, v10;
	(pc) =	sbr.rel @p0 .LBB2_4-.Ltmp1, $4  }
0x4f8: {  	[tilespmem:s26+$0xC70] =	vst v11;
	v3 =	vadd.f32 v9, v3  }
0x4f9: {  	[tilespmem:s26+$0x1C70] =	vst v62;
	v4 =	vadd.f32 v4, v63  }
0x4fa: {  	[tilespmem:s25+$0xC70] =	vst v3  }
0x4fb: {  	s12 =	sadd.s32 $0x200, s12;
	s14 =	sadd.s32 $0x200, s14;
	s17 =	sadd.s32 $0x200, s17;
	[tilespmem:s25+$0x1C70] =	vst v4  }
0x4fc: {  	s1 =	sadd.s32 $0x1, s1  }
0x4fd: {  	p0 =	sne.s32 s1, s11  }
.Ltmp2:
0x4fe: {  	_ = 	snop;
	(pc) =	sbr.rel @p0 .LBB2_1-.Ltmp2, $4  }
0x4ff: {  	[hbm4b:s10+s2] =	stream.linear.scatter [tilespmem:s31], [sflag:$0x3], $0x8000, $0x38;
	[tilespmem:$0x1C100] =	vst v63  }
0x500: {  	_ =	swait.ge [sflag:s0], $0x8000  }
0x501: {  	[sflag:s0] =	ssyncset.done $0x0  }
0x502: {  	[sflag:s0] =	ssyncadd.s32 $0xFFFF8000  }
0x503: {  	_ =	sfence.sel $0x180000  }
0x504: {  	[bflag:$0x0] =	sbarrier.arrive $0xFFFF  }
0x505: {  	_ =	strace $0x9000004A  }
0x506: {  	s0 =	stileid.u32;
	[bflag:$0x2] =	sbarrier.arrive $0xFFFF  }
0x507: {  	p0 =	sne.s32 s0, $0x0;
	s0 =	rddreg [dreg:$0x2]  }
0x508: {  	s0 =	sadd.s32 @!p0 $0x100000, s0  }
0x509: {  	[sflag:s0] =	ssyncadd.tile.s32 @!p0 $0x1;
	_ =	shalt  }
.Lfunc_end2:
_tile_overlayer_lowered:
.L_overlay_start_2:
0x50a: {  	(tag) =	ssettag $0x2  }
0x50b: {  	s0 =	rddreg [dreg:$0x0];
	s2 =	stileid.u32  }
0x50c: {  	s1 =	rddreg [dreg:$0x1];
	p0 =	sne.s32 s2, $0x0  }
0x50d: {  	s3 =	rddreg [dreg:$0x2];
	[bflag:$0x3] =	sbarrier.arrive $0xFFFF;
	s2 =	simm.s32 @!p0 $0x1C03  }
0x50e: {  	[timem:s3], [sflag:s2] =	dma.local @!p0 [hbm:s0], s1  }
0x50f: {  	s0 =	simm.s32 @!p0 $0x3  }
0x510: {  	_ =	swait.ge @!p0 [sflag:s0], s1  }
0x511: {  	s1 =	ssub.s32 @!p0 $0x0, s1;
	[sflag:s0] =	ssyncset.done @!p0 $0x0  }
0x512: {  	[sflag:s0] =	ssyncadd.s32 @!p0 s1  }
0x513: {  	[bflag:$0x3] =	sbarrier.arrive $0xFFFF  }
0x514: {  	_ =	shalt  }

</sc_bundles>
